<compile_context>
chip_gen: v7x
topology: tpu7x:2x2x1
jax: 0.10.2.dev20260603
libtpu: 0.0.44.dev20260713+nightly
codegen_flags: <defaults>
</compile_context>

<pallas_src>
import functools

import jax
import jax.numpy as jnp
from jax import lax
from jax.experimental import pallas as pl
from jax.experimental.pallas import tpu as pltpu
from jax.experimental.pallas import tpu_sc as plsc

SIGMA_ = 1.0
CP_ = 16

NC_ = 2
NS_ = 16
NW_ = NC_ * NS_
N_ = 131072
D_ = 128
CHUNK_ = 128
NCHUNK_ = 12
NPAIR_ = NCHUNK_ // 2
ROWS_PER_W_ = NCHUNK_ * CHUNK_
N_SC_ = NW_ * ROWS_PER_W_
N_TC_ = N_ - N_SC_
BT_ = 2048


def _sc_stats_body(mu_hbm, lab_hbm, sums_out, sqs_out, cnt_out,
                   idx0, idx1, rows0, rows1, sq0, sq1, tmp, cnt_src, iota16,
                   acc_sums, acc_sqs, acc_cnt,
                   insem0, insem1, scsem0, scsem1, csem):
    cid = lax.axis_index("c")
    sid = lax.axis_index("s")
    wid = cid * NS_ + sid
    base_w = wid * ROWS_PER_W_

    bufs = ((idx0, rows0, sq0, insem0, scsem0),
            (idx1, rows1, sq1, insem1, scsem1))

    def start_in(j, b):
        idx, rows, _, insem, _ = bufs[b]
        base = base_w + j * CHUNK_
        pltpu.async_copy(lab_hbm.at[pl.ds(base, CHUNK_)], idx, insem)
        pltpu.async_copy(mu_hbm.at[pl.ds(base, CHUNK_)], rows, insem)

    def wait_in(b):
        idx, rows, _, insem, _ = bufs[b]
        pltpu.make_async_copy(lab_hbm.at[pl.ds(base_w, CHUNK_)], idx, insem).wait()
        pltpu.make_async_copy(mu_hbm.at[pl.ds(base_w, CHUNK_)], rows, insem).wait()

    def squares(b):
        _, rows, sq, _, _ = bufs[b]

        def row_body(r, _):
            for jj in range(D_ // 16):
                v = rows[r, pl.ds(jj * 16, 16)]
                sq[r, pl.ds(jj * 16, 16)] = v * v
            return 0
        lax.fori_loop(0, CHUNK_, row_body, 0)

    def count_labels(b, cacc):
        idx, _, _, _, _ = bufs[b]
        out = []
        for c in range(10):
            acc_c = cacc[c]
            for v in range(CHUNK_ // 16):
                lv = idx[pl.ds(v * 16, 16)]
                acc_c = acc_c + jnp.where(lv == c, 1, 0)
            out.append(acc_c)
        return tuple(out)

    def start_scatter(b):
        idx, rows, sq, _, scsem = bufs[b]
        pltpu.async_copy(rows, acc_sums.at[idx], scsem, add=True)
        pltpu.async_copy(sq, acc_sqs.at[idx], scsem, add=True)

    def wait_scatter(b):
        idx, rows, sq, _, scsem = bufs[b]
        pltpu.make_async_copy(rows, acc_sums.at[idx], scsem).wait()
        pltpu.make_async_copy(sq, acc_sqs.at[idx], scsem).wait()

    @pl.when(sid == 0)
    def _():
        def z_body(r, _):
            for jj in range(D_ // 16):
                tmp[r, pl.ds(jj * 16, 16)] = jnp.zeros((16,), jnp.float32)
            return 0
        lax.fori_loop(0, CP_, z_body, 0)
        pltpu.sync_copy(tmp, acc_sums)
        pltpu.sync_copy(tmp, acc_sqs)
        pltpu.sync_copy(tmp, acc_cnt)

    plsc.subcore_barrier()

    start_in(0, 0)

    zero16 = jnp.zeros((16,), jnp.int32)
    cinit = (zero16,) * 10

    def pair_body(jo, cacc):
        a = 2 * jo
        wait_in(0)
        squares(0)
        cacc = count_labels(0, cacc)

        @pl.when(jo > 0)
        def _():
            wait_scatter(1)
        start_scatter(0)
        start_in(a + 1, 1)

        wait_in(1)
        squares(1)
        cacc = count_labels(1, cacc)
        start_scatter(1)
        wait_scatter(0)

        @pl.when(jo < NPAIR_ - 1)
        def _():
            start_in(a + 2, 0)
        return cacc
    cacc = lax.fori_loop(0, NPAIR_, pair_body, cinit)

    wait_scatter(1)

    fzero = jnp.zeros((16,), jnp.float32)
    for c in range(10):
        cf = cacc[c].astype(jnp.float32) * 16.0
        for jj in range(D_ // 16):
            cnt_src[c, pl.ds(jj * 16, 16)] = cf
    for r in range(10, CP_):
        for jj in range(D_ // 16):
            cnt_src[r, pl.ds(jj * 16, 16)] = fzero
    iota16[...] = lax.iota(jnp.int32, 16)
    pltpu.async_copy(cnt_src, acc_cnt.at[iota16], csem, add=True)
    pltpu.make_async_copy(cnt_src, acc_cnt.at[iota16], csem).wait()

    plsc.subcore_barrier()

    @pl.when(sid == 0)
    def _():
        pltpu.sync_copy(acc_sums, tmp)
        pltpu.sync_copy(tmp, sums_out.at[cid])
        pltpu.sync_copy(acc_sqs, tmp)
        pltpu.sync_copy(tmp, sqs_out.at[cid])
        pltpu.sync_copy(acc_cnt, tmp)
        pltpu.sync_copy(tmp, cnt_out.at[cid])


_sc_stats = functools.partial(
    pl.kernel,
    cost_estimate=pl.CostEstimate(
        flops=2 * N_SC_ * D_,
        transcendentals=0,
        bytes_accessed=2 * N_SC_ * D_ * 4,
    ),
    out_type=[
        jax.ShapeDtypeStruct((NC_, CP_, D_), jnp.float32),
        jax.ShapeDtypeStruct((NC_, CP_, D_), jnp.float32),
        jax.ShapeDtypeStruct((NC_, CP_, D_), jnp.float32),
    ],
    mesh=plsc.VectorSubcoreMesh(
        core_axis_name="c", subcore_axis_name="s",
        num_cores=NC_, num_subcores=NS_),
    scratch_types=[
        pltpu.VMEM((CHUNK_,), jnp.int32),
        pltpu.VMEM((CHUNK_,), jnp.int32),
        pltpu.VMEM((CHUNK_, D_), jnp.float32),
        pltpu.VMEM((CHUNK_, D_), jnp.float32),
        pltpu.VMEM((CHUNK_, D_), jnp.float32),
        pltpu.VMEM((CHUNK_, D_), jnp.float32),
        pltpu.VMEM((CP_, D_), jnp.float32),
        pltpu.VMEM((CP_, D_), jnp.float32),
        pltpu.VMEM((16,), jnp.int32),
        pltpu.VMEM_SHARED((CP_, D_), jnp.float32),
        pltpu.VMEM_SHARED((CP_, D_), jnp.float32),
        pltpu.VMEM_SHARED((CP_, D_), jnp.float32),
        pltpu.SemaphoreType.DMA,
        pltpu.SemaphoreType.DMA,
        pltpu.SemaphoreType.DMA,
        pltpu.SemaphoreType.DMA,
        pltpu.SemaphoreType.DMA,
    ],
)(_sc_stats_body)


def _tc_stats_body(lab_ref, mu_ref, sums_ref, sqs_ref, cnt_ref):
    i = pl.program_id(0)
    B = mu_ref.shape[0]
    labs = lab_ref[0]
    labs_b = jnp.broadcast_to(labs, (CP_, B))
    cls = lax.broadcasted_iota(jnp.int32, (CP_, B), 0)
    oh = (labs_b == cls).astype(jnp.float32)
    m = mu_ref[...]
    dn = (((1,), (0,)), ((), ()))
    ohb = oh.astype(jnp.bfloat16)
    f32 = jnp.float32

    def split_dot(x):
        hi = x.astype(jnp.bfloat16)
        lo = (x - hi.astype(f32)).astype(jnp.bfloat16)
        a = lax.dot_general(ohb, hi, dn, preferred_element_type=f32)
        b = lax.dot_general(ohb, lo, dn, preferred_element_type=f32)
        return a + b

    s = split_dot(m)
    q = split_dot(m * m)
    cb = jnp.broadcast_to(jnp.sum(oh, axis=1, keepdims=True), (CP_, D_))

    @pl.when(i == 0)
    def _():
        sums_ref[...] = s
        sqs_ref[...] = q
        cnt_ref[...] = cb

    @pl.when(i != 0)
    def _():
        sums_ref[...] += s
        sqs_ref[...] += q
        cnt_ref[...] += cb


def _finalize_body(ssc_ref, qsc_ref, csc_ref, stc_ref, qtc_ref, ctc_ref, out_ref):
    HI = lax.Precision.HIGHEST
    f32 = jnp.float32
    x = ssc_ref[...]
    sums = x[0:CP_] + x[CP_:2 * CP_] + stc_ref[...]
    y = qsc_ref[...]
    sqs = y[0:CP_] + y[CP_:2 * CP_] + qtc_ref[...]
    z = csc_ref[...]
    c2 = z[0:CP_] + z[CP_:2 * CP_] + ctc_ref[...]
    onesr = jnp.ones((1, D_), f32)
    dnT = (((1,), (1,)), ((), ()))
    counts = lax.dot_general(c2, onesr, dnT,
                             preferred_element_type=f32, precision=HI) / float(D_)

    safe = jnp.maximum(counts, 1.0)
    muF = sums / safe
    SigF = sqs / safe - muF * muF + SIGMA_
    SigF = jnp.maximum(SigF, 1e-6)

    logS = jnp.log(SigF)
    R2 = 1.0 / SigF
    ld_i = lax.dot_general(logS, onesr, dnT, preferred_element_type=f32, precision=HI)
    ld_j = lax.dot_general(onesr, logS, dnT, preferred_element_type=f32, precision=HI)
    A = lax.dot_general(SigF, R2, dnT, preferred_element_type=f32, precision=HI)
    m2 = muF * muF
    B1 = lax.dot_general(m2, R2, dnT, preferred_element_type=f32, precision=HI)
    B2 = lax.dot_general(muF, muF * R2, dnT, preferred_element_type=f32, precision=HI)
    t_j = lax.dot_general(onesr, m2 * R2, dnT, preferred_element_type=f32, precision=HI)

    D = float(D_)
    kl = 0.5 * (ld_j - ld_i + A + B1 - 2.0 * B2 + t_j - D)

    pres_i = (counts > 0.0).astype(f32)
    ones11 = jnp.ones((1, 1), f32)
    pres_j = lax.dot_general(ones11, pres_i, dnT, preferred_element_type=f32, precision=HI)
    ri = lax.broadcasted_iota(jnp.int32, (CP_, CP_), 0)
    ci = lax.broadcasted_iota(jnp.int32, (CP_, CP_), 1)
    off_diag = (ri != ci).astype(f32)
    mask = pres_i * pres_j * off_diag
    key_num = jnp.sum(pres_i)
    denom = jnp.maximum(key_num * (key_num - 1.0), 1.0)
    loss = jnp.sum(kl * mask) / denom
    out_ref[...] = jnp.broadcast_to(loss, (1, 1))


def kernel(mu, private_label):
    labels = private_label.astype(jnp.int32)

    sums_sc, sqs_sc, cnt_sc = _sc_stats(mu, labels)

    GT = N_TC_ // BT_
    OFF = N_SC_ // BT_
    sums_tc, sqs_tc, cnt_tc = pl.pallas_call(
        _tc_stats_body,
        grid=(GT,),
        in_specs=[
            pl.BlockSpec((1, 1, BT_), lambda i: (i + OFF, 0, 0)),
            pl.BlockSpec((BT_, D_), lambda i: (i + OFF, 0)),
        ],
        out_specs=[
            pl.BlockSpec((CP_, D_), lambda i: (0, 0)),
            pl.BlockSpec((CP_, D_), lambda i: (0, 0)),
            pl.BlockSpec((CP_, D_), lambda i: (0, 0)),
        ],
        out_shape=[
            jax.ShapeDtypeStruct((CP_, D_), jnp.float32),
            jax.ShapeDtypeStruct((CP_, D_), jnp.float32),
            jax.ShapeDtypeStruct((CP_, D_), jnp.float32),
        ],
    )(labels.reshape(N_ // BT_, 1, BT_), mu)

    loss = pl.pallas_call(
        _finalize_body,
        out_shape=jax.ShapeDtypeStruct((1, 1), jnp.float32),
    )(sums_sc.reshape(NC_ * CP_, D_),
      sqs_sc.reshape(NC_ * CP_, D_),
      cnt_sc.reshape(NC_ * CP_, D_),
      sums_tc, sqs_tc, cnt_tc)
    return loss[0, 0]

# --- scband reference (transcript-rebuilt; emitter-appended) ---
"""Pipeline reference for scband-gmmloss-fast-73547019977335 (READ-ONLY COPY).

The authoritative reference and input builder live on the scoring server;
editing this copy changes nothing except your own understanding.
"""

import jax, jax.numpy as jnp
import numpy as np

SIGMA = 1.0
NUM_CLASSES = 10


def setup_inputs(seed: int = 0) -> dict:
    key = jax.random.key(seed)
    k1, k2 = jax.random.split(key)
    mu = jax.random.normal(k1, (131072, 128), dtype=jnp.float32)
    private_label = jax.random.randint(k2, (131072,), 0, NUM_CLASSES, dtype=jnp.int64)
    return {"mu": mu, "private_label": private_label}


def reference(mu, private_label):
    # GMMLoss_fast: model each private-label group as a diagonal Gaussian
    # fitted from the per-sample means mu (each sample is N(mu_i, sigma*I)),
    # then penalize pairwise KL divergence between the group Gaussians so the
    # representation distribution becomes indistinguishable across private labels.
    C = NUM_CLASSES
    labels = private_label.astype(jnp.int32)
    counts = jnp.bincount(labels, length=C).astype(mu.dtype)  # key_counts (torch.unique return_counts)
    sums = jax.ops.segment_sum(mu, labels, num_segments=C)
    sqs = jax.ops.segment_sum(mu * mu, labels, num_segments=C)
    safe = jnp.maximum(counts, 1.0)[:, None]
    mu_F = sums / safe                                  # group means mu_Fs
    Sigma_F = sqs / safe - mu_F * mu_F + SIGMA          # group diag covariances Sigma_Fs
    Sigma_F = jnp.maximum(Sigma_F, 1e-6)
    # pairwise KL( N(m1,S1) || N(m2,S2) ) for diagonal Gaussians
    m1 = mu_F[:, None, :]
    m2 = mu_F[None, :, :]
    S1 = Sigma_F[:, None, :]
    S2 = Sigma_F[None, :, :]
    kl = 0.5 * jnp.sum(jnp.log(S2 / S1) + (S1 + (m1 - m2) ** 2) / S2 - 1.0, axis=-1)  # [C, C]
    present = (counts > 0).astype(mu.dtype)
    mask = present[:, None] * present[None, :] * (1.0 - jnp.eye(C, dtype=mu.dtype))
    key_num = jnp.sum(present)
    denom = jnp.maximum(key_num * (key_num - 1.0), 1.0)
    loss = jnp.sum(kl * mask) / denom
    return loss

if __name__ == "__main__":
    import jax
    _d = setup_inputs()
    print(jax.jit(kernel)(*tuple(_d.values())))

</pallas_src>

<mosaic_0001>
#map = affine_map<(d0, d1) -> (0, 0)>
#map1 = affine_map<(d0, d1) -> (0)>
#map2 = affine_map<(d0, d1) -> (0, 0, 0)>
module attributes {stable_mosaic.version = 14 : i64} {
  func.func @_sc_stats_body(%arg0: i32, %arg1: i32, %arg2: memref<131072x128xf32, #tpu.memory_space<hbm>>, %arg3: memref<131072xi32, #tpu.memory_space<hbm>>, %arg4: memref<2x16x128xf32, #tpu.memory_space<hbm>>, %arg5: memref<2x16x128xf32, #tpu.memory_space<hbm>>, %arg6: memref<2x16x128xf32, #tpu.memory_space<hbm>>, %arg7: memref<128xi32, #tpu.memory_space<vmem>>, %arg8: memref<128xi32, #tpu.memory_space<vmem>>, %arg9: memref<128x128xf32, #tpu.memory_space<vmem>>, %arg10: memref<128x128xf32, #tpu.memory_space<vmem>>, %arg11: memref<128x128xf32, #tpu.memory_space<vmem>>, %arg12: memref<128x128xf32, #tpu.memory_space<vmem>>, %arg13: memref<16x128xf32, #tpu.memory_space<vmem>>, %arg14: memref<16x128xf32, #tpu.memory_space<vmem>>, %arg15: memref<16xi32, #tpu.memory_space<vmem>>, %arg16: memref<16x128xf32, #tpu.memory_space<vmem_shared>>, %arg17: memref<16x128xf32, #tpu.memory_space<vmem_shared>>, %arg18: memref<16x128xf32, #tpu.memory_space<vmem_shared>>, %arg19: memref<!tpu.dma_semaphore, #tpu.memory_space<semaphore_mem>>, %arg20: memref<!tpu.dma_semaphore, #tpu.memory_space<semaphore_mem>>, %arg21: memref<!tpu.dma_semaphore, #tpu.memory_space<semaphore_mem>>, %arg22: memref<!tpu.dma_semaphore, #tpu.memory_space<semaphore_mem>>, %arg23: memref<!tpu.dma_semaphore, #tpu.memory_space<semaphore_mem>>) attributes {dimension_semantics = [#tpu.dimension_semantics<core_parallel>, #tpu.dimension_semantics<subcore_parallel>], iteration_bounds = array<i64: 2, 16>, scalar_prefetch = 0 : i64, scratch_operands = 17 : i64, tpu.core_type = #tpu.core_type<sc_vector_subcore>, window_params = [{transform_indices = #map}, {transform_indices = #map1}, {transform_indices = #map2}, {transform_indices = #map2}, {transform_indices = #map2}]} {
    %mul3A = arith.constant 16 : i32
    %mul3A_0 = arith.muli %arg0, %mul3A : i32
    %add3A = arith.addi %mul3A_0, %arg1 : i32
    %mul3A_1 = arith.constant 1536 : i32
    %mul3A_2 = arith.muli %add3A, %mul3A_1 : i32
    %eq3A = arith.constant 0 : i32
    %eq3A_3 = arith.cmpi eq, %arg1, %eq3A : i32
    %convert_element_type3A = arith.extui %eq3A_3 : i1 to i32
    %cond3A = arith.constant 0 : i32
    %cond3A_4 = arith.cmpi ne, %convert_element_type3A, %cond3A : i32
    scf.if %cond3A_4 {
      %scan3A_848 = arith.constant 0 : i32
      %scan3A_849 = arith.constant 0 : i32
      %scan3A_850 = arith.constant 16 : i32
      %scan3A_851 = arith.addi %scan3A_849, %scan3A_850 : i32
      %scan3A_852 = arith.constant 1 : i32
      %scan3A_853 = scf.for %scan3A_855 = %scan3A_849 to %scan3A_851 step %scan3A_852 iter_args(%scan3A_856 = %scan3A_848) -> (i32)  : i32 {
        %broadcast_in_dim3A_857 = arith.constant 0.000000e+00 : f32
        %broadcast_in_dim3A_858 = vector.broadcast %broadcast_in_dim3A_857 : f32 to vector<16xf32>
        %swap3A_859 = arith.index_cast %scan3A_855 : i32 to index
        %swap3A_860 = arith.constant 0 : index
        %swap3A_861 = tpu.vector_load %arg13[%swap3A_859, %swap3A_860] {strides = array<i32>} : memref<16x128xf32, #tpu.memory_space<vmem>>, vector<1x16xf32>,
        %swap3A_862 = vector.shape_cast %swap3A_861 : vector<1x16xf32> to vector<16xf32>
        %swap3A_863 = vector.shape_cast %broadcast_in_dim3A_858 : vector<16xf32> to vector<1x16xf32>
        tpu.vector_store %arg13[%swap3A_859, %swap3A_860], %swap3A_863 {strides = array<i32>} : memref<16x128xf32, #tpu.memory_space<vmem>>, vector<1x16xf32>,
        %broadcast_in_dim3A_864 = arith.constant 0.000000e+00 : f32
        %broadcast_in_dim3A_865 = vector.broadcast %broadcast_in_dim3A_864 : f32 to vector<16xf32>
        %swap3A_866 = arith.index_cast %scan3A_855 : i32 to index
        %swap3A_867 = arith.constant 16 : index
        %swap3A_868 = tpu.vector_load %arg13[%swap3A_866, %swap3A_867] {strides = array<i32>} : memref<16x128xf32, #tpu.memory_space<vmem>>, vector<1x16xf32>,
        %swap3A_869 = vector.shape_cast %swap3A_868 : vector<1x16xf32> to vector<16xf32>
        %swap3A_870 = vector.shape_cast %broadcast_in_dim3A_865 : vector<16xf32> to vector<1x16xf32>
        tpu.vector_store %arg13[%swap3A_866, %swap3A_867], %swap3A_870 {strides = array<i32>} : memref<16x128xf32, #tpu.memory_space<vmem>>, vector<1x16xf32>,
        %broadcast_in_dim3A_871 = arith.constant 0.000000e+00 : f32
        %broadcast_in_dim3A_872 = vector.broadcast %broadcast_in_dim3A_871 : f32 to vector<16xf32>
        %swap3A_873 = arith.index_cast %scan3A_855 : i32 to index
        %swap3A_874 = arith.constant 32 : index
        %swap3A_875 = tpu.vector_load %arg13[%swap3A_873, %swap3A_874] {strides = array<i32>} : memref<16x128xf32, #tpu.memory_space<vmem>>, vector<1x16xf32>,
        %swap3A_876 = vector.shape_cast %swap3A_875 : vector<1x16xf32> to vector<16xf32>
        %swap3A_877 = vector.shape_cast %broadcast_in_dim3A_872 : vector<16xf32> to vector<1x16xf32>
        tpu.vector_store %arg13[%swap3A_873, %swap3A_874], %swap3A_877 {strides = array<i32>} : memref<16x128xf32, #tpu.memory_space<vmem>>, vector<1x16xf32>,
        %broadcast_in_dim3A_878 = arith.constant 0.000000e+00 : f32
        %broadcast_in_dim3A_879 = vector.broadcast %broadcast_in_dim3A_878 : f32 to vector<16xf32>
        %swap3A_880 = arith.index_cast %scan3A_855 : i32 to index
        %swap3A_881 = arith.constant 48 : index
        %swap3A_882 = tpu.vector_load %arg13[%swap3A_880, %swap3A_881] {strides = array<i32>} : memref<16x128xf32, #tpu.memory_space<vmem>>, vector<1x16xf32>,
        %swap3A_883 = vector.shape_cast %swap3A_882 : vector<1x16xf32> to vector<16xf32>
        %swap3A_884 = vector.shape_cast %broadcast_in_dim3A_879 : vector<16xf32> to vector<1x16xf32>
        tpu.vector_store %arg13[%swap3A_880, %swap3A_881], %swap3A_884 {strides = array<i32>} : memref<16x128xf32, #tpu.memory_space<vmem>>, vector<1x16xf32>,
        %broadcast_in_dim3A_885 = arith.constant 0.000000e+00 : f32
        %broadcast_in_dim3A_886 = vector.broadcast %broadcast_in_dim3A_885 : f32 to vector<16xf32>
        %swap3A_887 = arith.index_cast %scan3A_855 : i32 to index
        %swap3A_888 = arith.constant 64 : index
        %swap3A_889 = tpu.vector_load %arg13[%swap3A_887, %swap3A_888] {strides = array<i32>} : memref<16x128xf32, #tpu.memory_space<vmem>>, vector<1x16xf32>,
        %swap3A_890 = vector.shape_cast %swap3A_889 : vector<1x16xf32> to vector<16xf32>
        %swap3A_891 = vector.shape_cast %broadcast_in_dim3A_886 : vector<16xf32> to vector<1x16xf32>
        tpu.vector_store %arg13[%swap3A_887, %swap3A_888], %swap3A_891 {strides = array<i32>} : memref<16x128xf32, #tpu.memory_space<vmem>>, vector<1x16xf32>,
        %broadcast_in_dim3A_892 = arith.constant 0.000000e+00 : f32
        %broadcast_in_dim3A_893 = vector.broadcast %broadcast_in_dim3A_892 : f32 to vector<16xf32>
        %swap3A_894 = arith.index_cast %scan3A_855 : i32 to index
        %swap3A_895 = arith.constant 80 : index
        %swap3A_896 = tpu.vector_load %arg13[%swap3A_894, %swap3A_895] {strides = array<i32>} : memref<16x128xf32, #tpu.memory_space<vmem>>, vector<1x16xf32>,
        %swap3A_897 = vector.shape_cast %swap3A_896 : vector<1x16xf32> to vector<16xf32>
        %swap3A_898 = vector.shape_cast %broadcast_in_dim3A_893 : vector<16xf32> to vector<1x16xf32>
        tpu.vector_store %arg13[%swap3A_894, %swap3A_895], %swap3A_898 {strides = array<i32>} : memref<16x128xf32, #tpu.memory_space<vmem>>, vector<1x16xf32>,
        %broadcast_in_dim3A_899 = arith.constant 0.000000e+00 : f32
        %broadcast_in_dim3A_900 = vector.broadcast %broadcast_in_dim3A_899 : f32 to vector<16xf32>
        %swap3A_901 = arith.index_cast %scan3A_855 : i32 to index
        %swap3A_902 = arith.constant 96 : index
        %swap3A_903 = tpu.vector_load %arg13[%swap3A_901, %swap3A_902] {strides = array<i32>} : memref<16x128xf32, #tpu.memory_space<vmem>>, vector<1x16xf32>,
        %swap3A_904 = vector.shape_cast %swap3A_903 : vector<1x16xf32> to vector<16xf32>
        %swap3A_905 = vector.shape_cast %broadcast_in_dim3A_900 : vector<16xf32> to vector<1x16xf32>
        tpu.vector_store %arg13[%swap3A_901, %swap3A_902], %swap3A_905 {strides = array<i32>} : memref<16x128xf32, #tpu.memory_space<vmem>>, vector<1x16xf32>,
        %broadcast_in_dim3A_906 = arith.constant 0.000000e+00 : f32
        %broadcast_in_dim3A_907 = vector.broadcast %broadcast_in_dim3A_906 : f32 to vector<16xf32>
        %swap3A_908 = arith.index_cast %scan3A_855 : i32 to index
        %swap3A_909 = arith.constant 112 : index
        %swap3A_910 = tpu.vector_load %arg13[%swap3A_908, %swap3A_909] {strides = array<i32>} : memref<16x128xf32, #tpu.memory_space<vmem>>, vector<1x16xf32>,
        %swap3A_911 = vector.shape_cast %swap3A_910 : vector<1x16xf32> to vector<16xf32>
        %swap3A_912 = vector.shape_cast %broadcast_in_dim3A_907 : vector<16xf32> to vector<1x16xf32>
        tpu.vector_store %arg13[%swap3A_908, %swap3A_909], %swap3A_912 {strides = array<i32>} : memref<16x128xf32, #tpu.memory_space<vmem>>, vector<1x16xf32>,
        %scan3A_913 = arith.constant 0 : i32
        scf.yield %scan3A_913 : i32
      }
      %scan3A_854 = arith.constant 16 : i32
      "tpu.region"() ({
        %run_scoped3A = tpu.sem_alloc : memref<!tpu.dma_semaphore, #tpu.memory_space<semaphore_mem>>
        tpu.enqueue_dma source(%arg13 : memref<16x128xf32, #tpu.memory_space<vmem>>) target(%arg16 : memref<16x128xf32, #tpu.memory_space<vmem_shared>>) target_semaphore(%run_scoped3A : memref<!tpu.dma_semaphore, #tpu.memory_space<semaphore_mem>>)
        tpu.wait_dma2 semaphore(%run_scoped3A : memref<!tpu.dma_semaphore, #tpu.memory_space<semaphore_mem>>) src(%arg13 : memref<16x128xf32, #tpu.memory_space<vmem>>) dst(%arg16 : memref<16x128xf32, #tpu.memory_space<vmem_shared>>)
        tpu.yield
      }) : () -> ()
      "tpu.region"() ({
        %run_scoped3A = tpu.sem_alloc : memref<!tpu.dma_semaphore, #tpu.memory_space<semaphore_mem>>
        tpu.enqueue_dma source(%arg13 : memref<16x128xf32, #tpu.memory_space<vmem>>) target(%arg17 : memref<16x128xf32, #tpu.memory_space<vmem_shared>>) target_semaphore(%run_scoped3A : memref<!tpu.dma_semaphore, #tpu.memory_space<semaphore_mem>>)
        tpu.wait_dma2 semaphore(%run_scoped3A : memref<!tpu.dma_semaphore, #tpu.memory_space<semaphore_mem>>) src(%arg13 : memref<16x128xf32, #tpu.memory_space<vmem>>) dst(%arg17 : memref<16x128xf32, #tpu.memory_space<vmem_shared>>)
        tpu.yield
      }) : () -> ()
      "tpu.region"() ({
        %run_scoped3A = tpu.sem_alloc : memref<!tpu.dma_semaphore, #tpu.memory_space<semaphore_mem>>
        tpu.enqueue_dma source(%arg13 : memref<16x128xf32, #tpu.memory_space<vmem>>) target(%arg18 : memref<16x128xf32, #tpu.memory_space<vmem_shared>>) target_semaphore(%run_scoped3A : memref<!tpu.dma_semaphore, #tpu.memory_space<semaphore_mem>>)
        tpu.wait_dma2 semaphore(%run_scoped3A : memref<!tpu.dma_semaphore, #tpu.memory_space<semaphore_mem>>) src(%arg13 : memref<16x128xf32, #tpu.memory_space<vmem>>) dst(%arg18 : memref<16x128xf32, #tpu.memory_space<vmem_shared>>)
        tpu.yield
      }) : () -> ()
    } else {
    }
    %barrier3A = arith.constant 0 : index
    tpu.barrier barrier_id(%barrier3A)
    %add3A_5 = arith.constant 0 : i32
    %add3A_6 = arith.addi %mul3A_2, %add3A_5 : i32
    %dma_start3A = tpu.memref_slice %arg3[%add3A_6] : memref<131072xi32, #tpu.memory_space<hbm>> -> memref<128xi32, #tpu.memory_space<hbm>>
    %dma_start3A_7 = tpu.memref_slice %arg3[%add3A_6] : memref<131072xi32, #tpu.memory_space<hbm>> -> memref<128xi32, #tpu.memory_space<hbm>>
    tpu.enqueue_dma source(%dma_start3A_7 : memref<128xi32, #tpu.memory_space<hbm>>) target(%arg7 : memref<128xi32, #tpu.memory_space<vmem>>) target_semaphore(%arg19 : memref<!tpu.dma_semaphore, #tpu.memory_space<semaphore_mem>>)
    %dma_start3A_8 = arith.constant 0 : i32
    %dma_start3A_9 = tpu.memref_slice %arg2[%add3A_6, %dma_start3A_8] : memref<131072x128xf32, #tpu.memory_space<hbm>> -> memref<128x128xf32, #tpu.memory_space<hbm>>
    %dma_start3A_10 = arith.constant 0 : i32
    %dma_start3A_11 = tpu.memref_slice %arg2[%add3A_6, %dma_start3A_10] : memref<131072x128xf32, #tpu.memory_space<hbm>> -> memref<128x128xf32, #tpu.memory_space<hbm>>
    tpu.enqueue_dma source(%dma_start3A_11 : memref<128x128xf32, #tpu.memory_space<hbm>>) target(%arg9 : memref<128x128xf32, #tpu.memory_space<vmem>>) target_semaphore(%arg19 : memref<!tpu.dma_semaphore, #tpu.memory_space<semaphore_mem>>)
    %broadcast_in_dim3A = arith.constant 0 : i32
    %broadcast_in_dim3A_12 = vector.broadcast %broadcast_in_dim3A : i32 to vector<16xi32>
    %scan3A = arith.constant 0 : i32
    %scan3A_13 = arith.constant 6 : i32
    %scan3A_14 = arith.addi %scan3A, %scan3A_13 : i32
    %scan3A_15 = arith.constant 1 : i32
    %scan3A_16:10 = scf.for %scan3A_848 = %scan3A to %scan3A_14 step %scan3A_15 iter_args(%scan3A_849 = %broadcast_in_dim3A_12, %scan3A_850 = %broadcast_in_dim3A_12, %scan3A_851 = %broadcast_in_dim3A_12, %scan3A_852 = %broadcast_in_dim3A_12, %scan3A_853 = %broadcast_in_dim3A_12, %scan3A_854 = %broadcast_in_dim3A_12, %scan3A_855 = %broadcast_in_dim3A_12, %scan3A_856 = %broadcast_in_dim3A_12, %scan3A_857 = %broadcast_in_dim3A_12, %scan3A_858 = %broadcast_in_dim3A_12) -> (vector<16xi32>, vector<16xi32>, vector<16xi32>, vector<16xi32>, vector<16xi32>, vector<16xi32>, vector<16xi32>, vector<16xi32>, vector<16xi32>, vector<16xi32>)  : i32 {
      %mul3A_859 = arith.constant 2 : i32
      %mul3A_860 = arith.muli %mul3A_859, %scan3A_848 : i32
      %dma_wait3A_861 = tpu.memref_slice %arg3[%mul3A_2] : memref<131072xi32, #tpu.memory_space<hbm>> -> memref<128xi32, #tpu.memory_space<hbm>>
      %dma_wait3A_862 = tpu.memref_slice %arg3[%mul3A_2] : memref<131072xi32, #tpu.memory_space<hbm>> -> memref<128xi32, #tpu.memory_space<hbm>>
      tpu.wait_dma2 semaphore(%arg19 : memref<!tpu.dma_semaphore, #tpu.memory_space<semaphore_mem>>) src(%dma_wait3A_862 : memref<128xi32, #tpu.memory_space<hbm>>) dst(%arg7 : memref<128xi32, #tpu.memory_space<vmem>>)
      %dma_wait3A_863 = arith.constant 0 : i32
      %dma_wait3A_864 = tpu.memref_slice %arg2[%mul3A_2, %dma_wait3A_863] : memref<131072x128xf32, #tpu.memory_space<hbm>> -> memref<128x128xf32, #tpu.memory_space<hbm>>
      %dma_wait3A_865 = arith.constant 0 : i32
      %dma_wait3A_866 = tpu.memref_slice %arg2[%mul3A_2, %dma_wait3A_865] : memref<131072x128xf32, #tpu.memory_space<hbm>> -> memref<128x128xf32, #tpu.memory_space<hbm>>
      tpu.wait_dma2 semaphore(%arg19 : memref<!tpu.dma_semaphore, #tpu.memory_space<semaphore_mem>>) src(%dma_wait3A_866 : memref<128x128xf32, #tpu.memory_space<hbm>>) dst(%arg9 : memref<128x128xf32, #tpu.memory_space<vmem>>)
      %scan3A_867 = arith.constant 0 : i32
      %scan3A_868 = arith.constant 0 : i32
      %scan3A_869 = arith.constant 128 : i32
      %scan3A_870 = arith.addi %scan3A_868, %scan3A_869 : i32
      %scan3A_871 = arith.constant 1 : i32
      %scan3A_872 = scf.for %scan3A_2841 = %scan3A_868 to %scan3A_870 step %scan3A_871 iter_args(%scan3A_2842 = %scan3A_867) -> (i32)  : i32 {
        %get3A_2843 = arith.index_cast %scan3A_2841 : i32 to index
        %get3A_2844 = arith.constant 0 : index
        %get3A_2845 = tpu.vector_load %arg9[%get3A_2843, %get3A_2844] {strides = array<i32>} : memref<128x128xf32, #tpu.memory_space<vmem>>, vector<1x16xf32>,
        %get3A_2846 = vector.shape_cast %get3A_2845 : vector<1x16xf32> to vector<16xf32>
        %mul3A_2847 = arith.mulf %get3A_2846, %get3A_2846 : vector<16xf32>
        %swap3A_2848 = arith.index_cast %scan3A_2841 : i32 to index
        %swap3A_2849 = arith.constant 0 : index
        %swap3A_2850 = tpu.vector_load %arg11[%swap3A_2848, %swap3A_2849] {strides = array<i32>} : memref<128x128xf32, #tpu.memory_space<vmem>>, vector<1x16xf32>,
        %swap3A_2851 = vector.shape_cast %swap3A_2850 : vector<1x16xf32> to vector<16xf32>
        %swap3A_2852 = vector.shape_cast %mul3A_2847 : vector<16xf32> to vector<1x16xf32>
        tpu.vector_store %arg11[%swap3A_2848, %swap3A_2849], %swap3A_2852 {strides = array<i32>} : memref<128x128xf32, #tpu.memory_space<vmem>>, vector<1x16xf32>,
        %get3A_2853 = arith.index_cast %scan3A_2841 : i32 to index
        %get3A_2854 = arith.constant 16 : index
        %get3A_2855 = tpu.vector_load %arg9[%get3A_2853, %get3A_2854] {strides = array<i32>} : memref<128x128xf32, #tpu.memory_space<vmem>>, vector<1x16xf32>,
        %get3A_2856 = vector.shape_cast %get3A_2855 : vector<1x16xf32> to vector<16xf32>
        %mul3A_2857 = arith.mulf %get3A_2856, %get3A_2856 : vector<16xf32>
        %swap3A_2858 = arith.index_cast %scan3A_2841 : i32 to index
        %swap3A_2859 = arith.constant 16 : index
        %swap3A_2860 = tpu.vector_load %arg11[%swap3A_2858, %swap3A_2859] {strides = array<i32>} : memref<128x128xf32, #tpu.memory_space<vmem>>, vector<1x16xf32>,
        %swap3A_2861 = vector.shape_cast %swap3A_2860 : vector<1x16xf32> to vector<16xf32>
        %swap3A_2862 = vector.shape_cast %mul3A_2857 : vector<16xf32> to vector<1x16xf32>
        tpu.vector_store %arg11[%swap3A_2858, %swap3A_2859], %swap3A_2862 {strides = array<i32>} : memref<128x128xf32, #tpu.memory_space<vmem>>, vector<1x16xf32>,
        %get3A_2863 = arith.index_cast %scan3A_2841 : i32 to index
        %get3A_2864 = arith.constant 32 : index
        %get3A_2865 = tpu.vector_load %arg9[%get3A_2863, %get3A_2864] {strides = array<i32>} : memref<128x128xf32, #tpu.memory_space<vmem>>, vector<1x16xf32>,
        %get3A_2866 = vector.shape_cast %get3A_2865 : vector<1x16xf32> to vector<16xf32>
        %mul3A_2867 = arith.mulf %get3A_2866, %get3A_2866 : vector<16xf32>
        %swap3A_2868 = arith.index_cast %scan3A_2841 : i32 to index
        %swap3A_2869 = arith.constant 32 : index
        %swap3A_2870 = tpu.vector_load %arg11[%swap3A_2868, %swap3A_2869] {strides = array<i32>} : memref<128x128xf32, #tpu.memory_space<vmem>>, vector<1x16xf32>,
        %swap3A_2871 = vector.shape_cast %swap3A_2870 : vector<1x16xf32> to vector<16xf32>
        %swap3A_2872 = vector.shape_cast %mul3A_2867 : vector<16xf32> to vector<1x16xf32>
        tpu.vector_store %arg11[%swap3A_2868, %swap3A_2869], %swap3A_2872 {strides = array<i32>} : memref<128x128xf32, #tpu.memory_space<vmem>>, vector<1x16xf32>,
        %get3A_2873 = arith.index_cast %scan3A_2841 : i32 to index
        %get3A_2874 = arith.constant 48 : index
        %get3A_2875 = tpu.vector_load %arg9[%get3A_2873, %get3A_2874] {strides = array<i32>} : memref<128x128xf32, #tpu.memory_space<vmem>>, vector<1x16xf32>,
        %get3A_2876 = vector.shape_cast %get3A_2875 : vector<1x16xf32> to vector<16xf32>
        %mul3A_2877 = arith.mulf %get3A_2876, %get3A_2876 : vector<16xf32>
        %swap3A_2878 = arith.index_cast %scan3A_2841 : i32 to index
        %swap3A_2879 = arith.constant 48 : index
        %swap3A_2880 = tpu.vector_load %arg11[%swap3A_2878, %swap3A_2879] {strides = array<i32>} : memref<128x128xf32, #tpu.memory_space<vmem>>, vector<1x16xf32>,
        %swap3A_2881 = vector.shape_cast %swap3A_2880 : vector<1x16xf32> to vector<16xf32>
        %swap3A_2882 = vector.shape_cast %mul3A_2877 : vector<16xf32> to vector<1x16xf32>
        tpu.vector_store %arg11[%swap3A_2878, %swap3A_2879], %swap3A_2882 {strides = array<i32>} : memref<128x128xf32, #tpu.memory_space<vmem>>, vector<1x16xf32>,
        %get3A_2883 = arith.index_cast %scan3A_2841 : i32 to index
        %get3A_2884 = arith.constant 64 : index
        %get3A_2885 = tpu.vector_load %arg9[%get3A_2883, %get3A_2884] {strides = array<i32>} : memref<128x128xf32, #tpu.memory_space<vmem>>, vector<1x16xf32>,
        %get3A_2886 = vector.shape_cast %get3A_2885 : vector<1x16xf32> to vector<16xf32>
        %mul3A_2887 = arith.mulf %get3A_2886, %get3A_2886 : vector<16xf32>
        %swap3A_2888 = arith.index_cast %scan3A_2841 : i32 to index
        %swap3A_2889 = arith.constant 64 : index
        %swap3A_2890 = tpu.vector_load %arg11[%swap3A_2888, %swap3A_2889] {strides = array<i32>} : memref<128x128xf32, #tpu.memory_space<vmem>>, vector<1x16xf32>,
        %swap3A_2891 = vector.shape_cast %swap3A_2890 : vector<1x16xf32> to vector<16xf32>
        %swap3A_2892 = vector.shape_cast %mul3A_2887 : vector<16xf32> to vector<1x16xf32>
        tpu.vector_store %arg11[%swap3A_2888, %swap3A_2889], %swap3A_2892 {strides = array<i32>} : memref<128x128xf32, #tpu.memory_space<vmem>>, vector<1x16xf32>,
        %get3A_2893 = arith.index_cast %scan3A_2841 : i32 to index
        %get3A_2894 = arith.constant 80 : index
        %get3A_2895 = tpu.vector_load %arg9[%get3A_2893, %get3A_2894] {strides = array<i32>} : memref<128x128xf32, #tpu.memory_space<vmem>>, vector<1x16xf32>,
        %get3A_2896 = vector.shape_cast %get3A_2895 : vector<1x16xf32> to vector<16xf32>
        %mul3A_2897 = arith.mulf %get3A_2896, %get3A_2896 : vector<16xf32>
        %swap3A_2898 = arith.index_cast %scan3A_2841 : i32 to index
        %swap3A_2899 = arith.constant 80 : index
        %swap3A_2900 = tpu.vector_load %arg11[%swap3A_2898, %swap3A_2899] {strides = array<i32>} : memref<128x128xf32, #tpu.memory_space<vmem>>, vector<1x16xf32>,
        %swap3A_2901 = vector.shape_cast %swap3A_2900 : vector<1x16xf32> to vector<16xf32>
        %swap3A_2902 = vector.shape_cast %mul3A_2897 : vector<16xf32> to vector<1x16xf32>
        tpu.vector_store %arg11[%swap3A_2898, %swap3A_2899], %swap3A_2902 {strides = array<i32>} : memref<128x128xf32, #tpu.memory_space<vmem>>, vector<1x16xf32>,
        %get3A_2903 = arith.index_cast %scan3A_2841 : i32 to index
        %get3A_2904 = arith.constant 96 : index
        %get3A_2905 = tpu.vector_load %arg9[%get3A_2903, %get3A_2904] {strides = array<i32>} : memref<128x128xf32, #tpu.memory_space<vmem>>, vector<1x16xf32>,
        %get3A_2906 = vector.shape_cast %get3A_2905 : vector<1x16xf32> to vector<16xf32>
        %mul3A_2907 = arith.mulf %get3A_2906, %get3A_2906 : vector<16xf32>
        %swap3A_2908 = arith.index_cast %scan3A_2841 : i32 to index
        %swap3A_2909 = arith.constant 96 : index
        %swap3A_2910 = tpu.vector_load %arg11[%swap3A_2908, %swap3A_2909] {strides = array<i32>} : memref<128x128xf32, #tpu.memory_space<vmem>>, vector<1x16xf32>,
        %swap3A_2911 = vector.shape_cast %swap3A_2910 : vector<1x16xf32> to vector<16xf32>
        %swap3A_2912 = vector.shape_cast %mul3A_2907 : vector<16xf32> to vector<1x16xf32>
        tpu.vector_store %arg11[%swap3A_2908, %swap3A_2909], %swap3A_2912 {strides = array<i32>} : memref<128x128xf32, #tpu.memory_space<vmem>>, vector<1x16xf32>,
        %get3A_2913 = arith.index_cast %scan3A_2841 : i32 to index
        %get3A_2914 = arith.constant 112 : index
        %get3A_2915 = tpu.vector_load %arg9[%get3A_2913, %get3A_2914] {strides = array<i32>} : memref<128x128xf32, #tpu.memory_space<vmem>>, vector<1x16xf32>,
        %get3A_2916 = vector.shape_cast %get3A_2915 : vector<1x16xf32> to vector<16xf32>
        %mul3A_2917 = arith.mulf %get3A_2916, %get3A_2916 : vector<16xf32>
        %swap3A_2918 = arith.index_cast %scan3A_2841 : i32 to index
        %swap3A_2919 = arith.constant 112 : index
        %swap3A_2920 = tpu.vector_load %arg11[%swap3A_2918, %swap3A_2919] {strides = array<i32>} : memref<128x128xf32, #tpu.memory_space<vmem>>, vector<1x16xf32>,
        %swap3A_2921 = vector.shape_cast %swap3A_2920 : vector<1x16xf32> to vector<16xf32>
        %swap3A_2922 = vector.shape_cast %mul3A_2917 : vector<16xf32> to vector<1x16xf32>
        tpu.vector_store %arg11[%swap3A_2918, %swap3A_2919], %swap3A_2922 {strides = array<i32>} : memref<128x128xf32, #tpu.memory_space<vmem>>, vector<1x16xf32>,
        %scan3A_2923 = arith.constant 0 : i32
        scf.yield %scan3A_2923 : i32
      }
      %scan3A_873 = arith.constant 128 : i32
      %get3A = arith.constant 0 : index
      %get3A_874 = tpu.vector_load %arg7[%get3A] {strides = array<i32>} : memref<128xi32, #tpu.memory_space<vmem>>, vector<16xi32>,
      %get3A_875 = vector.shape_cast %get3A_874 : vector<16xi32> to vector<16xi32>
      %eq3A_876 = arith.constant 0 : i32
      %eq3A_877 = vector.broadcast %eq3A_876 : i32 to vector<16xi32>
      %eq3A_878 = arith.cmpi eq, %get3A_875, %eq3A_877 : vector<16xi32>
      %jit3A = arith.constant 1 : i32
      %jit3A_879 = arith.constant 0 : i32
      %broadcast_in_dim3A_880 = vector.broadcast %jit3A : i32 to vector<16xi32>
      %broadcast_in_dim3A_881 = vector.broadcast %jit3A_879 : i32 to vector<16xi32>
      %select_n3A = arith.select %eq3A_878, %broadcast_in_dim3A_880, %broadcast_in_dim3A_881 : vector<16xi1>, vector<16xi32>
      %add3A_882 = arith.addi %scan3A_849, %select_n3A : vector<16xi32>
      %get3A_883 = arith.constant 16 : index
      %get3A_884 = tpu.vector_load %arg7[%get3A_883] {strides = array<i32>} : memref<128xi32, #tpu.memory_space<vmem>>, vector<16xi32>,
      %get3A_885 = vector.shape_cast %get3A_884 : vector<16xi32> to vector<16xi32>
      %eq3A_886 = arith.constant 0 : i32
      %eq3A_887 = vector.broadcast %eq3A_886 : i32 to vector<16xi32>
      %eq3A_888 = arith.cmpi eq, %get3A_885, %eq3A_887 : vector<16xi32>
      %jit3A_889 = arith.constant 1 : i32
      %jit3A_890 = arith.constant 0 : i32
      %broadcast_in_dim3A_891 = vector.broadcast %jit3A_889 : i32 to vector<16xi32>
      %broadcast_in_dim3A_892 = vector.broadcast %jit3A_890 : i32 to vector<16xi32>
      %select_n3A_893 = arith.select %eq3A_888, %broadcast_in_dim3A_891, %broadcast_in_dim3A_892 : vector<16xi1>, vector<16xi32>
      %add3A_894 = arith.addi %add3A_882, %select_n3A_893 : vector<16xi32>
      %get3A_895 = arith.constant 32 : index
      %get3A_896 = tpu.vector_load %arg7[%get3A_895] {strides = array<i32>} : memref<128xi32, #tpu.memory_space<vmem>>, vector<16xi32>,
      %get3A_897 = vector.shape_cast %get3A_896 : vector<16xi32> to vector<16xi32>
      %eq3A_898 = arith.constant 0 : i32
      %eq3A_899 = vector.broadcast %eq3A_898 : i32 to vector<16xi32>
      %eq3A_900 = arith.cmpi eq, %get3A_897, %eq3A_899 : vector<16xi32>
      %jit3A_901 = arith.constant 1 : i32
      %jit3A_902 = arith.constant 0 : i32
      %broadcast_in_dim3A_903 = vector.broadcast %jit3A_901 : i32 to vector<16xi32>
      %broadcast_in_dim3A_904 = vector.broadcast %jit3A_902 : i32 to vector<16xi32>
      %select_n3A_905 = arith.select %eq3A_900, %broadcast_in_dim3A_903, %broadcast_in_dim3A_904 : vector<16xi1>, vector<16xi32>
      %add3A_906 = arith.addi %add3A_894, %select_n3A_905 : vector<16xi32>
      %get3A_907 = arith.constant 48 : index
      %get3A_908 = tpu.vector_load %arg7[%get3A_907] {strides = array<i32>} : memref<128xi32, #tpu.memory_space<vmem>>, vector<16xi32>,
      %get3A_909 = vector.shape_cast %get3A_908 : vector<16xi32> to vector<16xi32>
      %eq3A_910 = arith.constant 0 : i32
      %eq3A_911 = vector.broadcast %eq3A_910 : i32 to vector<16xi32>
      %eq3A_912 = arith.cmpi eq, %get3A_909, %eq3A_911 : vector<16xi32>
      %jit3A_913 = arith.constant 1 : i32
      %jit3A_914 = arith.constant 0 : i32
      %broadcast_in_dim3A_915 = vector.broadcast %jit3A_913 : i32 to vector<16xi32>
      %broadcast_in_dim3A_916 = vector.broadcast %jit3A_914 : i32 to vector<16xi32>
      %select_n3A_917 = arith.select %eq3A_912, %broadcast_in_dim3A_915, %broadcast_in_dim3A_916 : vector<16xi1>, vector<16xi32>
      %add3A_918 = arith.addi %add3A_906, %select_n3A_917 : vector<16xi32>
      %get3A_919 = arith.constant 64 : index
      %get3A_920 = tpu.vector_load %arg7[%get3A_919] {strides = array<i32>} : memref<128xi32, #tpu.memory_space<vmem>>, vector<16xi32>,
      %get3A_921 = vector.shape_cast %get3A_920 : vector<16xi32> to vector<16xi32>
      %eq3A_922 = arith.constant 0 : i32
      %eq3A_923 = vector.broadcast %eq3A_922 : i32 to vector<16xi32>
      %eq3A_924 = arith.cmpi eq, %get3A_921, %eq3A_923 : vector<16xi32>
      %jit3A_925 = arith.constant 1 : i32
      %jit3A_926 = arith.constant 0 : i32
      %broadcast_in_dim3A_927 = vector.broadcast %jit3A_925 : i32 to vector<16xi32>
      %broadcast_in_dim3A_928 = vector.broadcast %jit3A_926 : i32 to vector<16xi32>
      %select_n3A_929 = arith.select %eq3A_924, %broadcast_in_dim3A_927, %broadcast_in_dim3A_928 : vector<16xi1>, vector<16xi32>
      %add3A_930 = arith.addi %add3A_918, %select_n3A_929 : vector<16xi32>
      %get3A_931 = arith.constant 80 : index
      %get3A_932 = tpu.vector_load %arg7[%get3A_931] {strides = array<i32>} : memref<128xi32, #tpu.memory_space<vmem>>, vector<16xi32>,
      %get3A_933 = vector.shape_cast %get3A_932 : vector<16xi32> to vector<16xi32>
      %eq3A_934 = arith.constant 0 : i32
      %eq3A_935 = vector.broadcast %eq3A_934 : i32 to vector<16xi32>
      %eq3A_936 = arith.cmpi eq, %get3A_933, %eq3A_935 : vector<16xi32>
      %jit3A_937 = arith.constant 1 : i32
      %jit3A_938 = arith.constant 0 : i32
      %broadcast_in_dim3A_939 = vector.broadcast %jit3A_937 : i32 to vector<16xi32>
      %broadcast_in_dim3A_940 = vector.broadcast %jit3A_938 : i32 to vector<16xi32>
      %select_n3A_941 = arith.select %eq3A_936, %broadcast_in_dim3A_939, %broadcast_in_dim3A_940 : vector<16xi1>, vector<16xi32>
      %add3A_942 = arith.addi %add3A_930, %select_n3A_941 : vector<16xi32>
      %get3A_943 = arith.constant 96 : index
      %get3A_944 = tpu.vector_load %arg7[%get3A_943] {strides = array<i32>} : memref<128xi32, #tpu.memory_space<vmem>>, vector<16xi32>,
      %get3A_945 = vector.shape_cast %get3A_944 : vector<16xi32> to vector<16xi32>
      %eq3A_946 = arith.constant 0 : i32
      %eq3A_947 = vector.broadcast %eq3A_946 : i32 to vector<16xi32>
      %eq3A_948 = arith.cmpi eq, %get3A_945, %eq3A_947 : vector<16xi32>
      %jit3A_949 = arith.constant 1 : i32
      %jit3A_950 = arith.constant 0 : i32
      %broadcast_in_dim3A_951 = vector.broadcast %jit3A_949 : i32 to vector<16xi32>
      %broadcast_in_dim3A_952 = vector.broadcast %jit3A_950 : i32 to vector<16xi32>
      %select_n3A_953 = arith.select %eq3A_948, %broadcast_in_dim3A_951, %broadcast_in_dim3A_952 : vector<16xi1>, vector<16xi32>
      %add3A_954 = arith.addi %add3A_942, %select_n3A_953 : vector<16xi32>
      %get3A_955 = arith.constant 112 : index
      %get3A_956 = tpu.vector_load %arg7[%get3A_955] {strides = array<i32>} : memref<128xi32, #tpu.memory_space<vmem>>, vector<16xi32>,
      %get3A_957 = vector.shape_cast %get3A_956 : vector<16xi32> to vector<16xi32>
      %eq3A_958 = arith.constant 0 : i32
      %eq3A_959 = vector.broadcast %eq3A_958 : i32 to vector<16xi32>
      %eq3A_960 = arith.cmpi eq, %get3A_957, %eq3A_959 : vector<16xi32>
      %jit3A_961 = arith.constant 1 : i32
      %jit3A_962 = arith.constant 0 : i32
      %broadcast_in_dim3A_963 = vector.broadcast %jit3A_961 : i32 to vector<16xi32>
      %broadcast_in_dim3A_964 = vector.broadcast %jit3A_962 : i32 to vector<16xi32>
      %select_n3A_965 = arith.select %eq3A_960, %broadcast_in_dim3A_963, %broadcast_in_dim3A_964 : vector<16xi1>, vector<16xi32>
      %add3A_966 = arith.addi %add3A_954, %select_n3A_965 : vector<16xi32>
      %get3A_967 = arith.constant 0 : index
      %get3A_968 = tpu.vector_load %arg7[%get3A_967] {strides = array<i32>} : memref<128xi32, #tpu.memory_space<vmem>>, vector<16xi32>,
      %get3A_969 = vector.shape_cast %get3A_968 : vector<16xi32> to vector<16xi32>
      %eq3A_970 = arith.constant 1 : i32
      %eq3A_971 = vector.broadcast %eq3A_970 : i32 to vector<16xi32>
      %eq3A_972 = arith.cmpi eq, %get3A_969, %eq3A_971 : vector<16xi32>
      %jit3A_973 = arith.constant 1 : i32
      %jit3A_974 = arith.constant 0 : i32
      %broadcast_in_dim3A_975 = vector.broadcast %jit3A_973 : i32 to vector<16xi32>
      %broadcast_in_dim3A_976 = vector.broadcast %jit3A_974 : i32 to vector<16xi32>
      %select_n3A_977 = arith.select %eq3A_972, %broadcast_in_dim3A_975, %broadcast_in_dim3A_976 : vector<16xi1>, vector<16xi32>
      %add3A_978 = arith.addi %scan3A_850, %select_n3A_977 : vector<16xi32>
      %get3A_979 = arith.constant 16 : index
      %get3A_980 = tpu.vector_load %arg7[%get3A_979] {strides = array<i32>} : memref<128xi32, #tpu.memory_space<vmem>>, vector<16xi32>,
      %get3A_981 = vector.shape_cast %get3A_980 : vector<16xi32> to vector<16xi32>
      %eq3A_982 = arith.constant 1 : i32
      %eq3A_983 = vector.broadcast %eq3A_982 : i32 to vector<16xi32>
      %eq3A_984 = arith.cmpi eq, %get3A_981, %eq3A_983 : vector<16xi32>
      %jit3A_985 = arith.constant 1 : i32
      %jit3A_986 = arith.constant 0 : i32
      %broadcast_in_dim3A_987 = vector.broadcast %jit3A_985 : i32 to vector<16xi32>
      %broadcast_in_dim3A_988 = vector.broadcast %jit3A_986 : i32 to vector<16xi32>
      %select_n3A_989 = arith.select %eq3A_984, %broadcast_in_dim3A_987, %broadcast_in_dim3A_988 : vector<16xi1>, vector<16xi32>
      %add3A_990 = arith.addi %add3A_978, %select_n3A_989 : vector<16xi32>
      %get3A_991 = arith.constant 32 : index
      %get3A_992 = tpu.vector_load %arg7[%get3A_991] {strides = array<i32>} : memref<128xi32, #tpu.memory_space<vmem>>, vector<16xi32>,
      %get3A_993 = vector.shape_cast %get3A_992 : vector<16xi32> to vector<16xi32>
      %eq3A_994 = arith.constant 1 : i32
      %eq3A_995 = vector.broadcast %eq3A_994 : i32 to vector<16xi32>
      %eq3A_996 = arith.cmpi eq, %get3A_993, %eq3A_995 : vector<16xi32>
      %jit3A_997 = arith.constant 1 : i32
      %jit3A_998 = arith.constant 0 : i32
      %broadcast_in_dim3A_999 = vector.broadcast %jit3A_997 : i32 to vector<16xi32>
      %broadcast_in_dim3A_1000 = vector.broadcast %jit3A_998 : i32 to vector<16xi32>
      %select_n3A_1001 = arith.select %eq3A_996, %broadcast_in_dim3A_999, %broadcast_in_dim3A_1000 : vector<16xi1>, vector<16xi32>
      %add3A_1002 = arith.addi %add3A_990, %select_n3A_1001 : vector<16xi32>
      %get3A_1003 = arith.constant 48 : index
      %get3A_1004 = tpu.vector_load %arg7[%get3A_1003] {strides = array<i32>} : memref<128xi32, #tpu.memory_space<vmem>>, vector<16xi32>,
      %get3A_1005 = vector.shape_cast %get3A_1004 : vector<16xi32> to vector<16xi32>
      %eq3A_1006 = arith.constant 1 : i32
      %eq3A_1007 = vector.broadcast %eq3A_1006 : i32 to vector<16xi32>
      %eq3A_1008 = arith.cmpi eq, %get3A_1005, %eq3A_1007 : vector<16xi32>
      %jit3A_1009 = arith.constant 1 : i32
      %jit3A_1010 = arith.constant 0 : i32
      %broadcast_in_dim3A_1011 = vector.broadcast %jit3A_1009 : i32 to vector<16xi32>
      %broadcast_in_dim3A_1012 = vector.broadcast %jit3A_1010 : i32 to vector<16xi32>
      %select_n3A_1013 = arith.select %eq3A_1008, %broadcast_in_dim3A_1011, %broadcast_in_dim3A_1012 : vector<16xi1>, vector<16xi32>
      %add3A_1014 = arith.addi %add3A_1002, %select_n3A_1013 : vector<16xi32>
      %get3A_1015 = arith.constant 64 : index
      %get3A_1016 = tpu.vector_load %arg7[%get3A_1015] {strides = array<i32>} : memref<128xi32, #tpu.memory_space<vmem>>, vector<16xi32>,
      %get3A_1017 = vector.shape_cast %get3A_1016 : vector<16xi32> to vector<16xi32>
      %eq3A_1018 = arith.constant 1 : i32
      %eq3A_1019 = vector.broadcast %eq3A_1018 : i32 to vector<16xi32>
      %eq3A_1020 = arith.cmpi eq, %get3A_1017, %eq3A_1019 : vector<16xi32>
      %jit3A_1021 = arith.constant 1 : i32
      %jit3A_1022 = arith.constant 0 : i32
      %broadcast_in_dim3A_1023 = vector.broadcast %jit3A_1021 : i32 to vector<16xi32>
      %broadcast_in_dim3A_1024 = vector.broadcast %jit3A_1022 : i32 to vector<16xi32>
      %select_n3A_1025 = arith.select %eq3A_1020, %broadcast_in_dim3A_1023, %broadcast_in_dim3A_1024 : vector<16xi1>, vector<16xi32>
      %add3A_1026 = arith.addi %add3A_1014, %select_n3A_1025 : vector<16xi32>
      %get3A_1027 = arith.constant 80 : index
      %get3A_1028 = tpu.vector_load %arg7[%get3A_1027] {strides = array<i32>} : memref<128xi32, #tpu.memory_space<vmem>>, vector<16xi32>,
      %get3A_1029 = vector.shape_cast %get3A_1028 : vector<16xi32> to vector<16xi32>
      %eq3A_1030 = arith.constant 1 : i32
      %eq3A_1031 = vector.broadcast %eq3A_1030 : i32 to vector<16xi32>
      %eq3A_1032 = arith.cmpi eq, %get3A_1029, %eq3A_1031 : vector<16xi32>
      %jit3A_1033 = arith.constant 1 : i32
      %jit3A_1034 = arith.constant 0 : i32
      %broadcast_in_dim3A_1035 = vector.broadcast %jit3A_1033 : i32 to vector<16xi32>
      %broadcast_in_dim3A_1036 = vector.broadcast %jit3A_1034 : i32 to vector<16xi32>
      %select_n3A_1037 = arith.select %eq3A_1032, %broadcast_in_dim3A_1035, %broadcast_in_dim3A_1036 : vector<16xi1>, vector<16xi32>
      %add3A_1038 = arith.addi %add3A_1026, %select_n3A_1037 : vector<16xi32>
      %get3A_1039 = arith.constant 96 : index
      %get3A_1040 = tpu.vector_load %arg7[%get3A_1039] {strides = array<i32>} : memref<128xi32, #tpu.memory_space<vmem>>, vector<16xi32>,
      %get3A_1041 = vector.shape_cast %get3A_1040 : vector<16xi32> to vector<16xi32>
      %eq3A_1042 = arith.constant 1 : i32
      %eq3A_1043 = vector.broadcast %eq3A_1042 : i32 to vector<16xi32>
      %eq3A_1044 = arith.cmpi eq, %get3A_1041, %eq3A_1043 : vector<16xi32>
      %jit3A_1045 = arith.constant 1 : i32
      %jit3A_1046 = arith.constant 0 : i32
      %broadcast_in_dim3A_1047 = vector.broadcast %jit3A_1045 : i32 to vector<16xi32>
      %broadcast_in_dim3A_1048 = vector.broadcast %jit3A_1046 : i32 to vector<16xi32>
      %select_n3A_1049 = arith.select %eq3A_1044, %broadcast_in_dim3A_1047, %broadcast_in_dim3A_1048 : vector<16xi1>, vector<16xi32>
      %add3A_1050 = arith.addi %add3A_1038, %select_n3A_1049 : vector<16xi32>
      %get3A_1051 = arith.constant 112 : index
      %get3A_1052 = tpu.vector_load %arg7[%get3A_1051] {strides = array<i32>} : memref<128xi32, #tpu.memory_space<vmem>>, vector<16xi32>,
      %get3A_1053 = vector.shape_cast %get3A_1052 : vector<16xi32> to vector<16xi32>
      %eq3A_1054 = arith.constant 1 : i32
      %eq3A_1055 = vector.broadcast %eq3A_1054 : i32 to vector<16xi32>
      %eq3A_1056 = arith.cmpi eq, %get3A_1053, %eq3A_1055 : vector<16xi32>
      %jit3A_1057 = arith.constant 1 : i32
      %jit3A_1058 = arith.constant 0 : i32
      %broadcast_in_dim3A_1059 = vector.broadcast %jit3A_1057 : i32 to vector<16xi32>
      %broadcast_in_dim3A_1060 = vector.broadcast %jit3A_1058 : i32 to vector<16xi32>
      %select_n3A_1061 = arith.select %eq3A_1056, %broadcast_in_dim3A_1059, %broadcast_in_dim3A_1060 : vector<16xi1>, vector<16xi32>
      %add3A_1062 = arith.addi %add3A_1050, %select_n3A_1061 : vector<16xi32>
      %get3A_1063 = arith.constant 0 : index
      %get3A_1064 = tpu.vector_load %arg7[%get3A_1063] {strides = array<i32>} : memref<128xi32, #tpu.memory_space<vmem>>, vector<16xi32>,
      %get3A_1065 = vector.shape_cast %get3A_1064 : vector<16xi32> to vector<16xi32>
      %eq3A_1066 = arith.constant 2 : i32
      %eq3A_1067 = vector.broadcast %eq3A_1066 : i32 to vector<16xi32>
      %eq3A_1068 = arith.cmpi eq, %get3A_1065, %eq3A_1067 : vector<16xi32>
      %jit3A_1069 = arith.constant 1 : i32
      %jit3A_1070 = arith.constant 0 : i32
      %broadcast_in_dim3A_1071 = vector.broadcast %jit3A_1069 : i32 to vector<16xi32>
      %broadcast_in_dim3A_1072 = vector.broadcast %jit3A_1070 : i32 to vector<16xi32>
      %select_n3A_1073 = arith.select %eq3A_1068, %broadcast_in_dim3A_1071, %broadcast_in_dim3A_1072 : vector<16xi1>, vector<16xi32>
      %add3A_1074 = arith.addi %scan3A_851, %select_n3A_1073 : vector<16xi32>
      %get3A_1075 = arith.constant 16 : index
      %get3A_1076 = tpu.vector_load %arg7[%get3A_1075] {strides = array<i32>} : memref<128xi32, #tpu.memory_space<vmem>>, vector<16xi32>,
      %get3A_1077 = vector.shape_cast %get3A_1076 : vector<16xi32> to vector<16xi32>
      %eq3A_1078 = arith.constant 2 : i32
      %eq3A_1079 = vector.broadcast %eq3A_1078 : i32 to vector<16xi32>
      %eq3A_1080 = arith.cmpi eq, %get3A_1077, %eq3A_1079 : vector<16xi32>
      %jit3A_1081 = arith.constant 1 : i32
      %jit3A_1082 = arith.constant 0 : i32
      %broadcast_in_dim3A_1083 = vector.broadcast %jit3A_1081 : i32 to vector<16xi32>
      %broadcast_in_dim3A_1084 = vector.broadcast %jit3A_1082 : i32 to vector<16xi32>
      %select_n3A_1085 = arith.select %eq3A_1080, %broadcast_in_dim3A_1083, %broadcast_in_dim3A_1084 : vector<16xi1>, vector<16xi32>
      %add3A_1086 = arith.addi %add3A_1074, %select_n3A_1085 : vector<16xi32>
      %get3A_1087 = arith.constant 32 : index
      %get3A_1088 = tpu.vector_load %arg7[%get3A_1087] {strides = array<i32>} : memref<128xi32, #tpu.memory_space<vmem>>, vector<16xi32>,
      %get3A_1089 = vector.shape_cast %get3A_1088 : vector<16xi32> to vector<16xi32>
      %eq3A_1090 = arith.constant 2 : i32
      %eq3A_1091 = vector.broadcast %eq3A_1090 : i32 to vector<16xi32>
      %eq3A_1092 = arith.cmpi eq, %get3A_1089, %eq3A_1091 : vector<16xi32>
      %jit3A_1093 = arith.constant 1 : i32
      %jit3A_1094 = arith.constant 0 : i32
      %broadcast_in_dim3A_1095 = vector.broadcast %jit3A_1093 : i32 to vector<16xi32>
      %broadcast_in_dim3A_1096 = vector.broadcast %jit3A_1094 : i32 to vector<16xi32>
      %select_n3A_1097 = arith.select %eq3A_1092, %broadcast_in_dim3A_1095, %broadcast_in_dim3A_1096 : vector<16xi1>, vector<16xi32>
      %add3A_1098 = arith.addi %add3A_1086, %select_n3A_1097 : vector<16xi32>
      %get3A_1099 = arith.constant 48 : index
      %get3A_1100 = tpu.vector_load %arg7[%get3A_1099] {strides = array<i32>} : memref<128xi32, #tpu.memory_space<vmem>>, vector<16xi32>,
      %get3A_1101 = vector.shape_cast %get3A_1100 : vector<16xi32> to vector<16xi32>
      %eq3A_1102 = arith.constant 2 : i32
      %eq3A_1103 = vector.broadcast %eq3A_1102 : i32 to vector<16xi32>
      %eq3A_1104 = arith.cmpi eq, %get3A_1101, %eq3A_1103 : vector<16xi32>
      %jit3A_1105 = arith.constant 1 : i32
      %jit3A_1106 = arith.constant 0 : i32
      %broadcast_in_dim3A_1107 = vector.broadcast %jit3A_1105 : i32 to vector<16xi32>
      %broadcast_in_dim3A_1108 = vector.broadcast %jit3A_1106 : i32 to vector<16xi32>
      %select_n3A_1109 = arith.select %eq3A_1104, %broadcast_in_dim3A_1107, %broadcast_in_dim3A_1108 : vector<16xi1>, vector<16xi32>
      %add3A_1110 = arith.addi %add3A_1098, %select_n3A_1109 : vector<16xi32>
      %get3A_1111 = arith.constant 64 : index
      %get3A_1112 = tpu.vector_load %arg7[%get3A_1111] {strides = array<i32>} : memref<128xi32, #tpu.memory_space<vmem>>, vector<16xi32>,
      %get3A_1113 = vector.shape_cast %get3A_1112 : vector<16xi32> to vector<16xi32>
      %eq3A_1114 = arith.constant 2 : i32
      %eq3A_1115 = vector.broadcast %eq3A_1114 : i32 to vector<16xi32>
      %eq3A_1116 = arith.cmpi eq, %get3A_1113, %eq3A_1115 : vector<16xi32>
      %jit3A_1117 = arith.constant 1 : i32
      %jit3A_1118 = arith.constant 0 : i32
      %broadcast_in_dim3A_1119 = vector.broadcast %jit3A_1117 : i32 to vector<16xi32>
      %broadcast_in_dim3A_1120 = vector.broadcast %jit3A_1118 : i32 to vector<16xi32>
      %select_n3A_1121 = arith.select %eq3A_1116, %broadcast_in_dim3A_1119, %broadcast_in_dim3A_1120 : vector<16xi1>, vector<16xi32>
      %add3A_1122 = arith.addi %add3A_1110, %select_n3A_1121 : vector<16xi32>
      %get3A_1123 = arith.constant 80 : index
      %get3A_1124 = tpu.vector_load %arg7[%get3A_1123] {strides = array<i32>} : memref<128xi32, #tpu.memory_space<vmem>>, vector<16xi32>,
      %get3A_1125 = vector.shape_cast %get3A_1124 : vector<16xi32> to vector<16xi32>
      %eq3A_1126 = arith.constant 2 : i32
      %eq3A_1127 = vector.broadcast %eq3A_1126 : i32 to vector<16xi32>
      %eq3A_1128 = arith.cmpi eq, %get3A_1125, %eq3A_1127 : vector<16xi32>
      %jit3A_1129 = arith.constant 1 : i32
      %jit3A_1130 = arith.constant 0 : i32
      %broadcast_in_dim3A_1131 = vector.broadcast %jit3A_1129 : i32 to vector<16xi32>
      %broadcast_in_dim3A_1132 = vector.broadcast %jit3A_1130 : i32 to vector<16xi32>
      %select_n3A_1133 = arith.select %eq3A_1128, %broadcast_in_dim3A_1131, %broadcast_in_dim3A_1132 : vector<16xi1>, vector<16xi32>
      %add3A_1134 = arith.addi %add3A_1122, %select_n3A_1133 : vector<16xi32>
      %get3A_1135 = arith.constant 96 : index
      %get3A_1136 = tpu.vector_load %arg7[%get3A_1135] {strides = array<i32>} : memref<128xi32, #tpu.memory_space<vmem>>, vector<16xi32>,
      %get3A_1137 = vector.shape_cast %get3A_1136 : vector<16xi32> to vector<16xi32>
      %eq3A_1138 = arith.constant 2 : i32
      %eq3A_1139 = vector.broadcast %eq3A_1138 : i32 to vector<16xi32>
      %eq3A_1140 = arith.cmpi eq, %get3A_1137, %eq3A_1139 : vector<16xi32>
      %jit3A_1141 = arith.constant 1 : i32
      %jit3A_1142 = arith.constant 0 : i32
      %broadcast_in_dim3A_1143 = vector.broadcast %jit3A_1141 : i32 to vector<16xi32>
      %broadcast_in_dim3A_1144 = vector.broadcast %jit3A_1142 : i32 to vector<16xi32>
      %select_n3A_1145 = arith.select %eq3A_1140, %broadcast_in_dim3A_1143, %broadcast_in_dim3A_1144 : vector<16xi1>, vector<16xi32>
      %add3A_1146 = arith.addi %add3A_1134, %select_n3A_1145 : vector<16xi32>
      %get3A_1147 = arith.constant 112 : index
      %get3A_1148 = tpu.vector_load %arg7[%get3A_1147] {strides = array<i32>} : memref<128xi32, #tpu.memory_space<vmem>>, vector<16xi32>,
      %get3A_1149 = vector.shape_cast %get3A_1148 : vector<16xi32> to vector<16xi32>
      %eq3A_1150 = arith.constant 2 : i32
      %eq3A_1151 = vector.broadcast %eq3A_1150 : i32 to vector<16xi32>
      %eq3A_1152 = arith.cmpi eq, %get3A_1149, %eq3A_1151 : vector<16xi32>
      %jit3A_1153 = arith.constant 1 : i32
      %jit3A_1154 = arith.constant 0 : i32
      %broadcast_in_dim3A_1155 = vector.broadcast %jit3A_1153 : i32 to vector<16xi32>
      %broadcast_in_dim3A_1156 = vector.broadcast %jit3A_1154 : i32 to vector<16xi32>
      %select_n3A_1157 = arith.select %eq3A_1152, %broadcast_in_dim3A_1155, %broadcast_in_dim3A_1156 : vector<16xi1>, vector<16xi32>
      %add3A_1158 = arith.addi %add3A_1146, %select_n3A_1157 : vector<16xi32>
      %get3A_1159 = arith.constant 0 : index
      %get3A_1160 = tpu.vector_load %arg7[%get3A_1159] {strides = array<i32>} : memref<128xi32, #tpu.memory_space<vmem>>, vector<16xi32>,
      %get3A_1161 = vector.shape_cast %get3A_1160 : vector<16xi32> to vector<16xi32>
      %eq3A_1162 = arith.constant 3 : i32
      %eq3A_1163 = vector.broadcast %eq3A_1162 : i32 to vector<16xi32>
      %eq3A_1164 = arith.cmpi eq, %get3A_1161, %eq3A_1163 : vector<16xi32>
      %jit3A_1165 = arith.constant 1 : i32
      %jit3A_1166 = arith.constant 0 : i32
      %broadcast_in_dim3A_1167 = vector.broadcast %jit3A_1165 : i32 to vector<16xi32>
      %broadcast_in_dim3A_1168 = vector.broadcast %jit3A_1166 : i32 to vector<16xi32>
      %select_n3A_1169 = arith.select %eq3A_1164, %broadcast_in_dim3A_1167, %broadcast_in_dim3A_1168 : vector<16xi1>, vector<16xi32>
      %add3A_1170 = arith.addi %scan3A_852, %select_n3A_1169 : vector<16xi32>
      %get3A_1171 = arith.constant 16 : index
      %get3A_1172 = tpu.vector_load %arg7[%get3A_1171] {strides = array<i32>} : memref<128xi32, #tpu.memory_space<vmem>>, vector<16xi32>,
      %get3A_1173 = vector.shape_cast %get3A_1172 : vector<16xi32> to vector<16xi32>
      %eq3A_1174 = arith.constant 3 : i32
      %eq3A_1175 = vector.broadcast %eq3A_1174 : i32 to vector<16xi32>
      %eq3A_1176 = arith.cmpi eq, %get3A_1173, %eq3A_1175 : vector<16xi32>
      %jit3A_1177 = arith.constant 1 : i32
      %jit3A_1178 = arith.constant 0 : i32
      %broadcast_in_dim3A_1179 = vector.broadcast %jit3A_1177 : i32 to vector<16xi32>
      %broadcast_in_dim3A_1180 = vector.broadcast %jit3A_1178 : i32 to vector<16xi32>
      %select_n3A_1181 = arith.select %eq3A_1176, %broadcast_in_dim3A_1179, %broadcast_in_dim3A_1180 : vector<16xi1>, vector<16xi32>
      %add3A_1182 = arith.addi %add3A_1170, %select_n3A_1181 : vector<16xi32>
      %get3A_1183 = arith.constant 32 : index
      %get3A_1184 = tpu.vector_load %arg7[%get3A_1183] {strides = array<i32>} : memref<128xi32, #tpu.memory_space<vmem>>, vector<16xi32>,
      %get3A_1185 = vector.shape_cast %get3A_1184 : vector<16xi32> to vector<16xi32>
      %eq3A_1186 = arith.constant 3 : i32
      %eq3A_1187 = vector.broadcast %eq3A_1186 : i32 to vector<16xi32>
      %eq3A_1188 = arith.cmpi eq, %get3A_1185, %eq3A_1187 : vector<16xi32>
      %jit3A_1189 = arith.constant 1 : i32
      %jit3A_1190 = arith.constant 0 : i32
      %broadcast_in_dim3A_1191 = vector.broadcast %jit3A_1189 : i32 to vector<16xi32>
      %broadcast_in_dim3A_1192 = vector.broadcast %jit3A_1190 : i32 to vector<16xi32>
      %select_n3A_1193 = arith.select %eq3A_1188, %broadcast_in_dim3A_1191, %broadcast_in_dim3A_1192 : vector<16xi1>, vector<16xi32>
      %add3A_1194 = arith.addi %add3A_1182, %select_n3A_1193 : vector<16xi32>
      %get3A_1195 = arith.constant 48 : index
      %get3A_1196 = tpu.vector_load %arg7[%get3A_1195] {strides = array<i32>} : memref<128xi32, #tpu.memory_space<vmem>>, vector<16xi32>,
      %get3A_1197 = vector.shape_cast %get3A_1196 : vector<16xi32> to vector<16xi32>
      %eq3A_1198 = arith.constant 3 : i32
      %eq3A_1199 = vector.broadcast %eq3A_1198 : i32 to vector<16xi32>
      %eq3A_1200 = arith.cmpi eq, %get3A_1197, %eq3A_1199 : vector<16xi32>
      %jit3A_1201 = arith.constant 1 : i32
      %jit3A_1202 = arith.constant 0 : i32
      %broadcast_in_dim3A_1203 = vector.broadcast %jit3A_1201 : i32 to vector<16xi32>
      %broadcast_in_dim3A_1204 = vector.broadcast %jit3A_1202 : i32 to vector<16xi32>
      %select_n3A_1205 = arith.select %eq3A_1200, %broadcast_in_dim3A_1203, %broadcast_in_dim3A_1204 : vector<16xi1>, vector<16xi32>
      %add3A_1206 = arith.addi %add3A_1194, %select_n3A_1205 : vector<16xi32>
      %get3A_1207 = arith.constant 64 : index
      %get3A_1208 = tpu.vector_load %arg7[%get3A_1207] {strides = array<i32>} : memref<128xi32, #tpu.memory_space<vmem>>, vector<16xi32>,
      %get3A_1209 = vector.shape_cast %get3A_1208 : vector<16xi32> to vector<16xi32>
      %eq3A_1210 = arith.constant 3 : i32
      %eq3A_1211 = vector.broadcast %eq3A_1210 : i32 to vector<16xi32>
      %eq3A_1212 = arith.cmpi eq, %get3A_1209, %eq3A_1211 : vector<16xi32>
      %jit3A_1213 = arith.constant 1 : i32
      %jit3A_1214 = arith.constant 0 : i32
      %broadcast_in_dim3A_1215 = vector.broadcast %jit3A_1213 : i32 to vector<16xi32>
      %broadcast_in_dim3A_1216 = vector.broadcast %jit3A_1214 : i32 to vector<16xi32>
      %select_n3A_1217 = arith.select %eq3A_1212, %broadcast_in_dim3A_1215, %broadcast_in_dim3A_1216 : vector<16xi1>, vector<16xi32>
      %add3A_1218 = arith.addi %add3A_1206, %select_n3A_1217 : vector<16xi32>
      %get3A_1219 = arith.constant 80 : index
      %get3A_1220 = tpu.vector_load %arg7[%get3A_1219] {strides = array<i32>} : memref<128xi32, #tpu.memory_space<vmem>>, vector<16xi32>,
      %get3A_1221 = vector.shape_cast %get3A_1220 : vector<16xi32> to vector<16xi32>
      %eq3A_1222 = arith.constant 3 : i32
      %eq3A_1223 = vector.broadcast %eq3A_1222 : i32 to vector<16xi32>
      %eq3A_1224 = arith.cmpi eq, %get3A_1221, %eq3A_1223 : vector<16xi32>
      %jit3A_1225 = arith.constant 1 : i32
      %jit3A_1226 = arith.constant 0 : i32
      %broadcast_in_dim3A_1227 = vector.broadcast %jit3A_1225 : i32 to vector<16xi32>
      %broadcast_in_dim3A_1228 = vector.broadcast %jit3A_1226 : i32 to vector<16xi32>
      %select_n3A_1229 = arith.select %eq3A_1224, %broadcast_in_dim3A_1227, %broadcast_in_dim3A_1228 : vector<16xi1>, vector<16xi32>
      %add3A_1230 = arith.addi %add3A_1218, %select_n3A_1229 : vector<16xi32>
      %get3A_1231 = arith.constant 96 : index
      %get3A_1232 = tpu.vector_load %arg7[%get3A_1231] {strides = array<i32>} : memref<128xi32, #tpu.memory_space<vmem>>, vector<16xi32>,
      %get3A_1233 = vector.shape_cast %get3A_1232 : vector<16xi32> to vector<16xi32>
      %eq3A_1234 = arith.constant 3 : i32
      %eq3A_1235 = vector.broadcast %eq3A_1234 : i32 to vector<16xi32>
      %eq3A_1236 = arith.cmpi eq, %get3A_1233, %eq3A_1235 : vector<16xi32>
      %jit3A_1237 = arith.constant 1 : i32
      %jit3A_1238 = arith.constant 0 : i32
      %broadcast_in_dim3A_1239 = vector.broadcast %jit3A_1237 : i32 to vector<16xi32>
      %broadcast_in_dim3A_1240 = vector.broadcast %jit3A_1238 : i32 to vector<16xi32>
      %select_n3A_1241 = arith.select %eq3A_1236, %broadcast_in_dim3A_1239, %broadcast_in_dim3A_1240 : vector<16xi1>, vector<16xi32>
      %add3A_1242 = arith.addi %add3A_1230, %select_n3A_1241 : vector<16xi32>
      %get3A_1243 = arith.constant 112 : index
      %get3A_1244 = tpu.vector_load %arg7[%get3A_1243] {strides = array<i32>} : memref<128xi32, #tpu.memory_space<vmem>>, vector<16xi32>,
      %get3A_1245 = vector.shape_cast %get3A_1244 : vector<16xi32> to vector<16xi32>
      %eq3A_1246 = arith.constant 3 : i32
      %eq3A_1247 = vector.broadcast %eq3A_1246 : i32 to vector<16xi32>
      %eq3A_1248 = arith.cmpi eq, %get3A_1245, %eq3A_1247 : vector<16xi32>
      %jit3A_1249 = arith.constant 1 : i32
      %jit3A_1250 = arith.constant 0 : i32
      %broadcast_in_dim3A_1251 = vector.broadcast %jit3A_1249 : i32 to vector<16xi32>
      %broadcast_in_dim3A_1252 = vector.broadcast %jit3A_1250 : i32 to vector<16xi32>
      %select_n3A_1253 = arith.select %eq3A_1248, %broadcast_in_dim3A_1251, %broadcast_in_dim3A_1252 : vector<16xi1>, vector<16xi32>
      %add3A_1254 = arith.addi %add3A_1242, %select_n3A_1253 : vector<16xi32>
      %get3A_1255 = arith.constant 0 : index
      %get3A_1256 = tpu.vector_load %arg7[%get3A_1255] {strides = array<i32>} : memref<128xi32, #tpu.memory_space<vmem>>, vector<16xi32>,
      %get3A_1257 = vector.shape_cast %get3A_1256 : vector<16xi32> to vector<16xi32>
      %eq3A_1258 = arith.constant 4 : i32
      %eq3A_1259 = vector.broadcast %eq3A_1258 : i32 to vector<16xi32>
      %eq3A_1260 = arith.cmpi eq, %get3A_1257, %eq3A_1259 : vector<16xi32>
      %jit3A_1261 = arith.constant 1 : i32
      %jit3A_1262 = arith.constant 0 : i32
      %broadcast_in_dim3A_1263 = vector.broadcast %jit3A_1261 : i32 to vector<16xi32>
      %broadcast_in_dim3A_1264 = vector.broadcast %jit3A_1262 : i32 to vector<16xi32>
      %select_n3A_1265 = arith.select %eq3A_1260, %broadcast_in_dim3A_1263, %broadcast_in_dim3A_1264 : vector<16xi1>, vector<16xi32>
      %add3A_1266 = arith.addi %scan3A_853, %select_n3A_1265 : vector<16xi32>
      %get3A_1267 = arith.constant 16 : index
      %get3A_1268 = tpu.vector_load %arg7[%get3A_1267] {strides = array<i32>} : memref<128xi32, #tpu.memory_space<vmem>>, vector<16xi32>,
      %get3A_1269 = vector.shape_cast %get3A_1268 : vector<16xi32> to vector<16xi32>
      %eq3A_1270 = arith.constant 4 : i32
      %eq3A_1271 = vector.broadcast %eq3A_1270 : i32 to vector<16xi32>
      %eq3A_1272 = arith.cmpi eq, %get3A_1269, %eq3A_1271 : vector<16xi32>
      %jit3A_1273 = arith.constant 1 : i32
      %jit3A_1274 = arith.constant 0 : i32
      %broadcast_in_dim3A_1275 = vector.broadcast %jit3A_1273 : i32 to vector<16xi32>
      %broadcast_in_dim3A_1276 = vector.broadcast %jit3A_1274 : i32 to vector<16xi32>
      %select_n3A_1277 = arith.select %eq3A_1272, %broadcast_in_dim3A_1275, %broadcast_in_dim3A_1276 : vector<16xi1>, vector<16xi32>
      %add3A_1278 = arith.addi %add3A_1266, %select_n3A_1277 : vector<16xi32>
      %get3A_1279 = arith.constant 32 : index
      %get3A_1280 = tpu.vector_load %arg7[%get3A_1279] {strides = array<i32>} : memref<128xi32, #tpu.memory_space<vmem>>, vector<16xi32>,
      %get3A_1281 = vector.shape_cast %get3A_1280 : vector<16xi32> to vector<16xi32>
      %eq3A_1282 = arith.constant 4 : i32
      %eq3A_1283 = vector.broadcast %eq3A_1282 : i32 to vector<16xi32>
      %eq3A_1284 = arith.cmpi eq, %get3A_1281, %eq3A_1283 : vector<16xi32>
      %jit3A_1285 = arith.constant 1 : i32
      %jit3A_1286 = arith.constant 0 : i32
      %broadcast_in_dim3A_1287 = vector.broadcast %jit3A_1285 : i32 to vector<16xi32>
      %broadcast_in_dim3A_1288 = vector.broadcast %jit3A_1286 : i32 to vector<16xi32>
      %select_n3A_1289 = arith.select %eq3A_1284, %broadcast_in_dim3A_1287, %broadcast_in_dim3A_1288 : vector<16xi1>, vector<16xi32>
      %add3A_1290 = arith.addi %add3A_1278, %select_n3A_1289 : vector<16xi32>
      %get3A_1291 = arith.constant 48 : index
      %get3A_1292 = tpu.vector_load %arg7[%get3A_1291] {strides = array<i32>} : memref<128xi32, #tpu.memory_space<vmem>>, vector<16xi32>,
      %get3A_1293 = vector.shape_cast %get3A_1292 : vector<16xi32> to vector<16xi32>
      %eq3A_1294 = arith.constant 4 : i32
      %eq3A_1295 = vector.broadcast %eq3A_1294 : i32 to vector<16xi32>
      %eq3A_1296 = arith.cmpi eq, %get3A_1293, %eq3A_1295 : vector<16xi32>
      %jit3A_1297 = arith.constant 1 : i32
      %jit3A_1298 = arith.constant 0 : i32
      %broadcast_in_dim3A_1299 = vector.broadcast %jit3A_1297 : i32 to vector<16xi32>
      %broadcast_in_dim3A_1300 = vector.broadcast %jit3A_1298 : i32 to vector<16xi32>
      %select_n3A_1301 = arith.select %eq3A_1296, %broadcast_in_dim3A_1299, %broadcast_in_dim3A_1300 : vector<16xi1>, vector<16xi32>
      %add3A_1302 = arith.addi %add3A_1290, %select_n3A_1301 : vector<16xi32>
      %get3A_1303 = arith.constant 64 : index
      %get3A_1304 = tpu.vector_load %arg7[%get3A_1303] {strides = array<i32>} : memref<128xi32, #tpu.memory_space<vmem>>, vector<16xi32>,
      %get3A_1305 = vector.shape_cast %get3A_1304 : vector<16xi32> to vector<16xi32>
      %eq3A_1306 = arith.constant 4 : i32
      %eq3A_1307 = vector.broadcast %eq3A_1306 : i32 to vector<16xi32>
      %eq3A_1308 = arith.cmpi eq, %get3A_1305, %eq3A_1307 : vector<16xi32>
      %jit3A_1309 = arith.constant 1 : i32
      %jit3A_1310 = arith.constant 0 : i32
      %broadcast_in_dim3A_1311 = vector.broadcast %jit3A_1309 : i32 to vector<16xi32>
      %broadcast_in_dim3A_1312 = vector.broadcast %jit3A_1310 : i32 to vector<16xi32>
      %select_n3A_1313 = arith.select %eq3A_1308, %broadcast_in_dim3A_1311, %broadcast_in_dim3A_1312 : vector<16xi1>, vector<16xi32>
      %add3A_1314 = arith.addi %add3A_1302, %select_n3A_1313 : vector<16xi32>
      %get3A_1315 = arith.constant 80 : index
      %get3A_1316 = tpu.vector_load %arg7[%get3A_1315] {strides = array<i32>} : memref<128xi32, #tpu.memory_space<vmem>>, vector<16xi32>,
      %get3A_1317 = vector.shape_cast %get3A_1316 : vector<16xi32> to vector<16xi32>
      %eq3A_1318 = arith.constant 4 : i32
      %eq3A_1319 = vector.broadcast %eq3A_1318 : i32 to vector<16xi32>
      %eq3A_1320 = arith.cmpi eq, %get3A_1317, %eq3A_1319 : vector<16xi32>
      %jit3A_1321 = arith.constant 1 : i32
      %jit3A_1322 = arith.constant 0 : i32
      %broadcast_in_dim3A_1323 = vector.broadcast %jit3A_1321 : i32 to vector<16xi32>
      %broadcast_in_dim3A_1324 = vector.broadcast %jit3A_1322 : i32 to vector<16xi32>
      %select_n3A_1325 = arith.select %eq3A_1320, %broadcast_in_dim3A_1323, %broadcast_in_dim3A_1324 : vector<16xi1>, vector<16xi32>
      %add3A_1326 = arith.addi %add3A_1314, %select_n3A_1325 : vector<16xi32>
      %get3A_1327 = arith.constant 96 : index
      %get3A_1328 = tpu.vector_load %arg7[%get3A_1327] {strides = array<i32>} : memref<128xi32, #tpu.memory_space<vmem>>, vector<16xi32>,
      %get3A_1329 = vector.shape_cast %get3A_1328 : vector<16xi32> to vector<16xi32>
      %eq3A_1330 = arith.constant 4 : i32
      %eq3A_1331 = vector.broadcast %eq3A_1330 : i32 to vector<16xi32>
      %eq3A_1332 = arith.cmpi eq, %get3A_1329, %eq3A_1331 : vector<16xi32>
      %jit3A_1333 = arith.constant 1 : i32
      %jit3A_1334 = arith.constant 0 : i32
      %broadcast_in_dim3A_1335 = vector.broadcast %jit3A_1333 : i32 to vector<16xi32>
      %broadcast_in_dim3A_1336 = vector.broadcast %jit3A_1334 : i32 to vector<16xi32>
      %select_n3A_1337 = arith.select %eq3A_1332, %broadcast_in_dim3A_1335, %broadcast_in_dim3A_1336 : vector<16xi1>, vector<16xi32>
      %add3A_1338 = arith.addi %add3A_1326, %select_n3A_1337 : vector<16xi32>
      %get3A_1339 = arith.constant 112 : index
      %get3A_1340 = tpu.vector_load %arg7[%get3A_1339] {strides = array<i32>} : memref<128xi32, #tpu.memory_space<vmem>>, vector<16xi32>,
      %get3A_1341 = vector.shape_cast %get3A_1340 : vector<16xi32> to vector<16xi32>
      %eq3A_1342 = arith.constant 4 : i32
      %eq3A_1343 = vector.broadcast %eq3A_1342 : i32 to vector<16xi32>
      %eq3A_1344 = arith.cmpi eq, %get3A_1341, %eq3A_1343 : vector<16xi32>
      %jit3A_1345 = arith.constant 1 : i32
      %jit3A_1346 = arith.constant 0 : i32
      %broadcast_in_dim3A_1347 = vector.broadcast %jit3A_1345 : i32 to vector<16xi32>
      %broadcast_in_dim3A_1348 = vector.broadcast %jit3A_1346 : i32 to vector<16xi32>
      %select_n3A_1349 = arith.select %eq3A_1344, %broadcast_in_dim3A_1347, %broadcast_in_dim3A_1348 : vector<16xi1>, vector<16xi32>
      %add3A_1350 = arith.addi %add3A_1338, %select_n3A_1349 : vector<16xi32>
      %get3A_1351 = arith.constant 0 : index
      %get3A_1352 = tpu.vector_load %arg7[%get3A_1351] {strides = array<i32>} : memref<128xi32, #tpu.memory_space<vmem>>, vector<16xi32>,
      %get3A_1353 = vector.shape_cast %get3A_1352 : vector<16xi32> to vector<16xi32>
      %eq3A_1354 = arith.constant 5 : i32
      %eq3A_1355 = vector.broadcast %eq3A_1354 : i32 to vector<16xi32>
      %eq3A_1356 = arith.cmpi eq, %get3A_1353, %eq3A_1355 : vector<16xi32>
      %jit3A_1357 = arith.constant 1 : i32
      %jit3A_1358 = arith.constant 0 : i32
      %broadcast_in_dim3A_1359 = vector.broadcast %jit3A_1357 : i32 to vector<16xi32>
      %broadcast_in_dim3A_1360 = vector.broadcast %jit3A_1358 : i32 to vector<16xi32>
      %select_n3A_1361 = arith.select %eq3A_1356, %broadcast_in_dim3A_1359, %broadcast_in_dim3A_1360 : vector<16xi1>, vector<16xi32>
      %add3A_1362 = arith.addi %scan3A_854, %select_n3A_1361 : vector<16xi32>
      %get3A_1363 = arith.constant 16 : index
      %get3A_1364 = tpu.vector_load %arg7[%get3A_1363] {strides = array<i32>} : memref<128xi32, #tpu.memory_space<vmem>>, vector<16xi32>,
      %get3A_1365 = vector.shape_cast %get3A_1364 : vector<16xi32> to vector<16xi32>
      %eq3A_1366 = arith.constant 5 : i32
      %eq3A_1367 = vector.broadcast %eq3A_1366 : i32 to vector<16xi32>
      %eq3A_1368 = arith.cmpi eq, %get3A_1365, %eq3A_1367 : vector<16xi32>
      %jit3A_1369 = arith.constant 1 : i32
      %jit3A_1370 = arith.constant 0 : i32
      %broadcast_in_dim3A_1371 = vector.broadcast %jit3A_1369 : i32 to vector<16xi32>
      %broadcast_in_dim3A_1372 = vector.broadcast %jit3A_1370 : i32 to vector<16xi32>
      %select_n3A_1373 = arith.select %eq3A_1368, %broadcast_in_dim3A_1371, %broadcast_in_dim3A_1372 : vector<16xi1>, vector<16xi32>
      %add3A_1374 = arith.addi %add3A_1362, %select_n3A_1373 : vector<16xi32>
      %get3A_1375 = arith.constant 32 : index
      %get3A_1376 = tpu.vector_load %arg7[%get3A_1375] {strides = array<i32>} : memref<128xi32, #tpu.memory_space<vmem>>, vector<16xi32>,
      %get3A_1377 = vector.shape_cast %get3A_1376 : vector<16xi32> to vector<16xi32>
      %eq3A_1378 = arith.constant 5 : i32
      %eq3A_1379 = vector.broadcast %eq3A_1378 : i32 to vector<16xi32>
      %eq3A_1380 = arith.cmpi eq, %get3A_1377, %eq3A_1379 : vector<16xi32>
      %jit3A_1381 = arith.constant 1 : i32
      %jit3A_1382 = arith.constant 0 : i32
      %broadcast_in_dim3A_1383 = vector.broadcast %jit3A_1381 : i32 to vector<16xi32>
      %broadcast_in_dim3A_1384 = vector.broadcast %jit3A_1382 : i32 to vector<16xi32>
      %select_n3A_1385 = arith.select %eq3A_1380, %broadcast_in_dim3A_1383, %broadcast_in_dim3A_1384 : vector<16xi1>, vector<16xi32>
      %add3A_1386 = arith.addi %add3A_1374, %select_n3A_1385 : vector<16xi32>
      %get3A_1387 = arith.constant 48 : index
      %get3A_1388 = tpu.vector_load %arg7[%get3A_1387] {strides = array<i32>} : memref<128xi32, #tpu.memory_space<vmem>>, vector<16xi32>,
      %get3A_1389 = vector.shape_cast %get3A_1388 : vector<16xi32> to vector<16xi32>
      %eq3A_1390 = arith.constant 5 : i32
      %eq3A_1391 = vector.broadcast %eq3A_1390 : i32 to vector<16xi32>
      %eq3A_1392 = arith.cmpi eq, %get3A_1389, %eq3A_1391 : vector<16xi32>
      %jit3A_1393 = arith.constant 1 : i32
      %jit3A_1394 = arith.constant 0 : i32
      %broadcast_in_dim3A_1395 = vector.broadcast %jit3A_1393 : i32 to vector<16xi32>
      %broadcast_in_dim3A_1396 = vector.broadcast %jit3A_1394 : i32 to vector<16xi32>
      %select_n3A_1397 = arith.select %eq3A_1392, %broadcast_in_dim3A_1395, %broadcast_in_dim3A_1396 : vector<16xi1>, vector<16xi32>
      %add3A_1398 = arith.addi %add3A_1386, %select_n3A_1397 : vector<16xi32>
      %get3A_1399 = arith.constant 64 : index
      %get3A_1400 = tpu.vector_load %arg7[%get3A_1399] {strides = array<i32>} : memref<128xi32, #tpu.memory_space<vmem>>, vector<16xi32>,
      %get3A_1401 = vector.shape_cast %get3A_1400 : vector<16xi32> to vector<16xi32>
      %eq3A_1402 = arith.constant 5 : i32
      %eq3A_1403 = vector.broadcast %eq3A_1402 : i32 to vector<16xi32>
      %eq3A_1404 = arith.cmpi eq, %get3A_1401, %eq3A_1403 : vector<16xi32>
      %jit3A_1405 = arith.constant 1 : i32
      %jit3A_1406 = arith.constant 0 : i32
      %broadcast_in_dim3A_1407 = vector.broadcast %jit3A_1405 : i32 to vector<16xi32>
      %broadcast_in_dim3A_1408 = vector.broadcast %jit3A_1406 : i32 to vector<16xi32>
      %select_n3A_1409 = arith.select %eq3A_1404, %broadcast_in_dim3A_1407, %broadcast_in_dim3A_1408 : vector<16xi1>, vector<16xi32>
      %add3A_1410 = arith.addi %add3A_1398, %select_n3A_1409 : vector<16xi32>
      %get3A_1411 = arith.constant 80 : index
      %get3A_1412 = tpu.vector_load %arg7[%get3A_1411] {strides = array<i32>} : memref<128xi32, #tpu.memory_space<vmem>>, vector<16xi32>,
      %get3A_1413 = vector.shape_cast %get3A_1412 : vector<16xi32> to vector<16xi32>
      %eq3A_1414 = arith.constant 5 : i32
      %eq3A_1415 = vector.broadcast %eq3A_1414 : i32 to vector<16xi32>
      %eq3A_1416 = arith.cmpi eq, %get3A_1413, %eq3A_1415 : vector<16xi32>
      %jit3A_1417 = arith.constant 1 : i32
      %jit3A_1418 = arith.constant 0 : i32
      %broadcast_in_dim3A_1419 = vector.broadcast %jit3A_1417 : i32 to vector<16xi32>
      %broadcast_in_dim3A_1420 = vector.broadcast %jit3A_1418 : i32 to vector<16xi32>
      %select_n3A_1421 = arith.select %eq3A_1416, %broadcast_in_dim3A_1419, %broadcast_in_dim3A_1420 : vector<16xi1>, vector<16xi32>
      %add3A_1422 = arith.addi %add3A_1410, %select_n3A_1421 : vector<16xi32>
      %get3A_1423 = arith.constant 96 : index
      %get3A_1424 = tpu.vector_load %arg7[%get3A_1423] {strides = array<i32>} : memref<128xi32, #tpu.memory_space<vmem>>, vector<16xi32>,
      %get3A_1425 = vector.shape_cast %get3A_1424 : vector<16xi32> to vector<16xi32>
      %eq3A_1426 = arith.constant 5 : i32
      %eq3A_1427 = vector.broadcast %eq3A_1426 : i32 to vector<16xi32>
      %eq3A_1428 = arith.cmpi eq, %get3A_1425, %eq3A_1427 : vector<16xi32>
      %jit3A_1429 = arith.constant 1 : i32
      %jit3A_1430 = arith.constant 0 : i32
      %broadcast_in_dim3A_1431 = vector.broadcast %jit3A_1429 : i32 to vector<16xi32>
      %broadcast_in_dim3A_1432 = vector.broadcast %jit3A_1430 : i32 to vector<16xi32>
      %select_n3A_1433 = arith.select %eq3A_1428, %broadcast_in_dim3A_1431, %broadcast_in_dim3A_1432 : vector<16xi1>, vector<16xi32>
      %add3A_1434 = arith.addi %add3A_1422, %select_n3A_1433 : vector<16xi32>
      %get3A_1435 = arith.constant 112 : index
      %get3A_1436 = tpu.vector_load %arg7[%get3A_1435] {strides = array<i32>} : memref<128xi32, #tpu.memory_space<vmem>>, vector<16xi32>,
      %get3A_1437 = vector.shape_cast %get3A_1436 : vector<16xi32> to vector<16xi32>
      %eq3A_1438 = arith.constant 5 : i32
      %eq3A_1439 = vector.broadcast %eq3A_1438 : i32 to vector<16xi32>
      %eq3A_1440 = arith.cmpi eq, %get3A_1437, %eq3A_1439 : vector<16xi32>
      %jit3A_1441 = arith.constant 1 : i32
      %jit3A_1442 = arith.constant 0 : i32
      %broadcast_in_dim3A_1443 = vector.broadcast %jit3A_1441 : i32 to vector<16xi32>
      %broadcast_in_dim3A_1444 = vector.broadcast %jit3A_1442 : i32 to vector<16xi32>
      %select_n3A_1445 = arith.select %eq3A_1440, %broadcast_in_dim3A_1443, %broadcast_in_dim3A_1444 : vector<16xi1>, vector<16xi32>
      %add3A_1446 = arith.addi %add3A_1434, %select_n3A_1445 : vector<16xi32>
      %get3A_1447 = arith.constant 0 : index
      %get3A_1448 = tpu.vector_load %arg7[%get3A_1447] {strides = array<i32>} : memref<128xi32, #tpu.memory_space<vmem>>, vector<16xi32>,
      %get3A_1449 = vector.shape_cast %get3A_1448 : vector<16xi32> to vector<16xi32>
      %eq3A_1450 = arith.constant 6 : i32
      %eq3A_1451 = vector.broadcast %eq3A_1450 : i32 to vector<16xi32>
      %eq3A_1452 = arith.cmpi eq, %get3A_1449, %eq3A_1451 : vector<16xi32>
      %jit3A_1453 = arith.constant 1 : i32
      %jit3A_1454 = arith.constant 0 : i32
      %broadcast_in_dim3A_1455 = vector.broadcast %jit3A_1453 : i32 to vector<16xi32>
      %broadcast_in_dim3A_1456 = vector.broadcast %jit3A_1454 : i32 to vector<16xi32>
      %select_n3A_1457 = arith.select %eq3A_1452, %broadcast_in_dim3A_1455, %broadcast_in_dim3A_1456 : vector<16xi1>, vector<16xi32>
      %add3A_1458 = arith.addi %scan3A_855, %select_n3A_1457 : vector<16xi32>
      %get3A_1459 = arith.constant 16 : index
      %get3A_1460 = tpu.vector_load %arg7[%get3A_1459] {strides = array<i32>} : memref<128xi32, #tpu.memory_space<vmem>>, vector<16xi32>,
      %get3A_1461 = vector.shape_cast %get3A_1460 : vector<16xi32> to vector<16xi32>
      %eq3A_1462 = arith.constant 6 : i32
      %eq3A_1463 = vector.broadcast %eq3A_1462 : i32 to vector<16xi32>
      %eq3A_1464 = arith.cmpi eq, %get3A_1461, %eq3A_1463 : vector<16xi32>
      %jit3A_1465 = arith.constant 1 : i32
      %jit3A_1466 = arith.constant 0 : i32
      %broadcast_in_dim3A_1467 = vector.broadcast %jit3A_1465 : i32 to vector<16xi32>
      %broadcast_in_dim3A_1468 = vector.broadcast %jit3A_1466 : i32 to vector<16xi32>
      %select_n3A_1469 = arith.select %eq3A_1464, %broadcast_in_dim3A_1467, %broadcast_in_dim3A_1468 : vector<16xi1>, vector<16xi32>
      %add3A_1470 = arith.addi %add3A_1458, %select_n3A_1469 : vector<16xi32>
      %get3A_1471 = arith.constant 32 : index
      %get3A_1472 = tpu.vector_load %arg7[%get3A_1471] {strides = array<i32>} : memref<128xi32, #tpu.memory_space<vmem>>, vector<16xi32>,
      %get3A_1473 = vector.shape_cast %get3A_1472 : vector<16xi32> to vector<16xi32>
      %eq3A_1474 = arith.constant 6 : i32
      %eq3A_1475 = vector.broadcast %eq3A_1474 : i32 to vector<16xi32>
      %eq3A_1476 = arith.cmpi eq, %get3A_1473, %eq3A_1475 : vector<16xi32>
      %jit3A_1477 = arith.constant 1 : i32
      %jit3A_1478 = arith.constant 0 : i32
      %broadcast_in_dim3A_1479 = vector.broadcast %jit3A_1477 : i32 to vector<16xi32>
      %broadcast_in_dim3A_1480 = vector.broadcast %jit3A_1478 : i32 to vector<16xi32>
      %select_n3A_1481 = arith.select %eq3A_1476, %broadcast_in_dim3A_1479, %broadcast_in_dim3A_1480 : vector<16xi1>, vector<16xi32>
      %add3A_1482 = arith.addi %add3A_1470, %select_n3A_1481 : vector<16xi32>
      %get3A_1483 = arith.constant 48 : index
      %get3A_1484 = tpu.vector_load %arg7[%get3A_1483] {strides = array<i32>} : memref<128xi32, #tpu.memory_space<vmem>>, vector<16xi32>,
      %get3A_1485 = vector.shape_cast %get3A_1484 : vector<16xi32> to vector<16xi32>
      %eq3A_1486 = arith.constant 6 : i32
      %eq3A_1487 = vector.broadcast %eq3A_1486 : i32 to vector<16xi32>
      %eq3A_1488 = arith.cmpi eq, %get3A_1485, %eq3A_1487 : vector<16xi32>
      %jit3A_1489 = arith.constant 1 : i32
      %jit3A_1490 = arith.constant 0 : i32
      %broadcast_in_dim3A_1491 = vector.broadcast %jit3A_1489 : i32 to vector<16xi32>
      %broadcast_in_dim3A_1492 = vector.broadcast %jit3A_1490 : i32 to vector<16xi32>
      %select_n3A_1493 = arith.select %eq3A_1488, %broadcast_in_dim3A_1491, %broadcast_in_dim3A_1492 : vector<16xi1>, vector<16xi32>
      %add3A_1494 = arith.addi %add3A_1482, %select_n3A_1493 : vector<16xi32>
      %get3A_1495 = arith.constant 64 : index
      %get3A_1496 = tpu.vector_load %arg7[%get3A_1495] {strides = array<i32>} : memref<128xi32, #tpu.memory_space<vmem>>, vector<16xi32>,
      %get3A_1497 = vector.shape_cast %get3A_1496 : vector<16xi32> to vector<16xi32>
      %eq3A_1498 = arith.constant 6 : i32
      %eq3A_1499 = vector.broadcast %eq3A_1498 : i32 to vector<16xi32>
      %eq3A_1500 = arith.cmpi eq, %get3A_1497, %eq3A_1499 : vector<16xi32>
      %jit3A_1501 = arith.constant 1 : i32
      %jit3A_1502 = arith.constant 0 : i32
      %broadcast_in_dim3A_1503 = vector.broadcast %jit3A_1501 : i32 to vector<16xi32>
      %broadcast_in_dim3A_1504 = vector.broadcast %jit3A_1502 : i32 to vector<16xi32>
      %select_n3A_1505 = arith.select %eq3A_1500, %broadcast_in_dim3A_1503, %broadcast_in_dim3A_1504 : vector<16xi1>, vector<16xi32>
      %add3A_1506 = arith.addi %add3A_1494, %select_n3A_1505 : vector<16xi32>
      %get3A_1507 = arith.constant 80 : index
      %get3A_1508 = tpu.vector_load %arg7[%get3A_1507] {strides = array<i32>} : memref<128xi32, #tpu.memory_space<vmem>>, vector<16xi32>,
      %get3A_1509 = vector.shape_cast %get3A_1508 : vector<16xi32> to vector<16xi32>
      %eq3A_1510 = arith.constant 6 : i32
      %eq3A_1511 = vector.broadcast %eq3A_1510 : i32 to vector<16xi32>
      %eq3A_1512 = arith.cmpi eq, %get3A_1509, %eq3A_1511 : vector<16xi32>
      %jit3A_1513 = arith.constant 1 : i32
      %jit3A_1514 = arith.constant 0 : i32
      %broadcast_in_dim3A_1515 = vector.broadcast %jit3A_1513 : i32 to vector<16xi32>
      %broadcast_in_dim3A_1516 = vector.broadcast %jit3A_1514 : i32 to vector<16xi32>
      %select_n3A_1517 = arith.select %eq3A_1512, %broadcast_in_dim3A_1515, %broadcast_in_dim3A_1516 : vector<16xi1>, vector<16xi32>
      %add3A_1518 = arith.addi %add3A_1506, %select_n3A_1517 : vector<16xi32>
      %get3A_1519 = arith.constant 96 : index
      %get3A_1520 = tpu.vector_load %arg7[%get3A_1519] {strides = array<i32>} : memref<128xi32, #tpu.memory_space<vmem>>, vector<16xi32>,
      %get3A_1521 = vector.shape_cast %get3A_1520 : vector<16xi32> to vector<16xi32>
      %eq3A_1522 = arith.constant 6 : i32
      %eq3A_1523 = vector.broadcast %eq3A_1522 : i32 to vector<16xi32>
      %eq3A_1524 = arith.cmpi eq, %get3A_1521, %eq3A_1523 : vector<16xi32>
      %jit3A_1525 = arith.constant 1 : i32
      %jit3A_1526 = arith.constant 0 : i32
      %broadcast_in_dim3A_1527 = vector.broadcast %jit3A_1525 : i32 to vector<16xi32>
      %broadcast_in_dim3A_1528 = vector.broadcast %jit3A_1526 : i32 to vector<16xi32>
      %select_n3A_1529 = arith.select %eq3A_1524, %broadcast_in_dim3A_1527, %broadcast_in_dim3A_1528 : vector<16xi1>, vector<16xi32>
      %add3A_1530 = arith.addi %add3A_1518, %select_n3A_1529 : vector<16xi32>
      %get3A_1531 = arith.constant 112 : index
      %get3A_1532 = tpu.vector_load %arg7[%get3A_1531] {strides = array<i32>} : memref<128xi32, #tpu.memory_space<vmem>>, vector<16xi32>,
      %get3A_1533 = vector.shape_cast %get3A_1532 : vector<16xi32> to vector<16xi32>
      %eq3A_1534 = arith.constant 6 : i32
      %eq3A_1535 = vector.broadcast %eq3A_1534 : i32 to vector<16xi32>
      %eq3A_1536 = arith.cmpi eq, %get3A_1533, %eq3A_1535 : vector<16xi32>
      %jit3A_1537 = arith.constant 1 : i32
      %jit3A_1538 = arith.constant 0 : i32
      %broadcast_in_dim3A_1539 = vector.broadcast %jit3A_1537 : i32 to vector<16xi32>
      %broadcast_in_dim3A_1540 = vector.broadcast %jit3A_1538 : i32 to vector<16xi32>
      %select_n3A_1541 = arith.select %eq3A_1536, %broadcast_in_dim3A_1539, %broadcast_in_dim3A_1540 : vector<16xi1>, vector<16xi32>
      %add3A_1542 = arith.addi %add3A_1530, %select_n3A_1541 : vector<16xi32>
      %get3A_1543 = arith.constant 0 : index
      %get3A_1544 = tpu.vector_load %arg7[%get3A_1543] {strides = array<i32>} : memref<128xi32, #tpu.memory_space<vmem>>, vector<16xi32>,
      %get3A_1545 = vector.shape_cast %get3A_1544 : vector<16xi32> to vector<16xi32>
      %eq3A_1546 = arith.constant 7 : i32
      %eq3A_1547 = vector.broadcast %eq3A_1546 : i32 to vector<16xi32>
      %eq3A_1548 = arith.cmpi eq, %get3A_1545, %eq3A_1547 : vector<16xi32>
      %jit3A_1549 = arith.constant 1 : i32
      %jit3A_1550 = arith.constant 0 : i32
      %broadcast_in_dim3A_1551 = vector.broadcast %jit3A_1549 : i32 to vector<16xi32>
      %broadcast_in_dim3A_1552 = vector.broadcast %jit3A_1550 : i32 to vector<16xi32>
      %select_n3A_1553 = arith.select %eq3A_1548, %broadcast_in_dim3A_1551, %broadcast_in_dim3A_1552 : vector<16xi1>, vector<16xi32>
      %add3A_1554 = arith.addi %scan3A_856, %select_n3A_1553 : vector<16xi32>
      %get3A_1555 = arith.constant 16 : index
      %get3A_1556 = tpu.vector_load %arg7[%get3A_1555] {strides = array<i32>} : memref<128xi32, #tpu.memory_space<vmem>>, vector<16xi32>,
      %get3A_1557 = vector.shape_cast %get3A_1556 : vector<16xi32> to vector<16xi32>
      %eq3A_1558 = arith.constant 7 : i32
      %eq3A_1559 = vector.broadcast %eq3A_1558 : i32 to vector<16xi32>
      %eq3A_1560 = arith.cmpi eq, %get3A_1557, %eq3A_1559 : vector<16xi32>
      %jit3A_1561 = arith.constant 1 : i32
      %jit3A_1562 = arith.constant 0 : i32
      %broadcast_in_dim3A_1563 = vector.broadcast %jit3A_1561 : i32 to vector<16xi32>
      %broadcast_in_dim3A_1564 = vector.broadcast %jit3A_1562 : i32 to vector<16xi32>
      %select_n3A_1565 = arith.select %eq3A_1560, %broadcast_in_dim3A_1563, %broadcast_in_dim3A_1564 : vector<16xi1>, vector<16xi32>
      %add3A_1566 = arith.addi %add3A_1554, %select_n3A_1565 : vector<16xi32>
      %get3A_1567 = arith.constant 32 : index
      %get3A_1568 = tpu.vector_load %arg7[%get3A_1567] {strides = array<i32>} : memref<128xi32, #tpu.memory_space<vmem>>, vector<16xi32>,
      %get3A_1569 = vector.shape_cast %get3A_1568 : vector<16xi32> to vector<16xi32>
      %eq3A_1570 = arith.constant 7 : i32
      %eq3A_1571 = vector.broadcast %eq3A_1570 : i32 to vector<16xi32>
      %eq3A_1572 = arith.cmpi eq, %get3A_1569, %eq3A_1571 : vector<16xi32>
      %jit3A_1573 = arith.constant 1 : i32
      %jit3A_1574 = arith.constant 0 : i32
      %broadcast_in_dim3A_1575 = vector.broadcast %jit3A_1573 : i32 to vector<16xi32>
      %broadcast_in_dim3A_1576 = vector.broadcast %jit3A_1574 : i32 to vector<16xi32>
      %select_n3A_1577 = arith.select %eq3A_1572, %broadcast_in_dim3A_1575, %broadcast_in_dim3A_1576 : vector<16xi1>, vector<16xi32>
      %add3A_1578 = arith.addi %add3A_1566, %select_n3A_1577 : vector<16xi32>
      %get3A_1579 = arith.constant 48 : index
      %get3A_1580 = tpu.vector_load %arg7[%get3A_1579] {strides = array<i32>} : memref<128xi32, #tpu.memory_space<vmem>>, vector<16xi32>,
      %get3A_1581 = vector.shape_cast %get3A_1580 : vector<16xi32> to vector<16xi32>
      %eq3A_1582 = arith.constant 7 : i32
      %eq3A_1583 = vector.broadcast %eq3A_1582 : i32 to vector<16xi32>
      %eq3A_1584 = arith.cmpi eq, %get3A_1581, %eq3A_1583 : vector<16xi32>
      %jit3A_1585 = arith.constant 1 : i32
      %jit3A_1586 = arith.constant 0 : i32
      %broadcast_in_dim3A_1587 = vector.broadcast %jit3A_1585 : i32 to vector<16xi32>
      %broadcast_in_dim3A_1588 = vector.broadcast %jit3A_1586 : i32 to vector<16xi32>
      %select_n3A_1589 = arith.select %eq3A_1584, %broadcast_in_dim3A_1587, %broadcast_in_dim3A_1588 : vector<16xi1>, vector<16xi32>
      %add3A_1590 = arith.addi %add3A_1578, %select_n3A_1589 : vector<16xi32>
      %get3A_1591 = arith.constant 64 : index
      %get3A_1592 = tpu.vector_load %arg7[%get3A_1591] {strides = array<i32>} : memref<128xi32, #tpu.memory_space<vmem>>, vector<16xi32>,
      %get3A_1593 = vector.shape_cast %get3A_1592 : vector<16xi32> to vector<16xi32>
      %eq3A_1594 = arith.constant 7 : i32
      %eq3A_1595 = vector.broadcast %eq3A_1594 : i32 to vector<16xi32>
      %eq3A_1596 = arith.cmpi eq, %get3A_1593, %eq3A_1595 : vector<16xi32>
      %jit3A_1597 = arith.constant 1 : i32
      %jit3A_1598 = arith.constant 0 : i32
      %broadcast_in_dim3A_1599 = vector.broadcast %jit3A_1597 : i32 to vector<16xi32>
      %broadcast_in_dim3A_1600 = vector.broadcast %jit3A_1598 : i32 to vector<16xi32>
      %select_n3A_1601 = arith.select %eq3A_1596, %broadcast_in_dim3A_1599, %broadcast_in_dim3A_1600 : vector<16xi1>, vector<16xi32>
      %add3A_1602 = arith.addi %add3A_1590, %select_n3A_1601 : vector<16xi32>
      %get3A_1603 = arith.constant 80 : index
      %get3A_1604 = tpu.vector_load %arg7[%get3A_1603] {strides = array<i32>} : memref<128xi32, #tpu.memory_space<vmem>>, vector<16xi32>,
      %get3A_1605 = vector.shape_cast %get3A_1604 : vector<16xi32> to vector<16xi32>
      %eq3A_1606 = arith.constant 7 : i32
      %eq3A_1607 = vector.broadcast %eq3A_1606 : i32 to vector<16xi32>
      %eq3A_1608 = arith.cmpi eq, %get3A_1605, %eq3A_1607 : vector<16xi32>
      %jit3A_1609 = arith.constant 1 : i32
      %jit3A_1610 = arith.constant 0 : i32
      %broadcast_in_dim3A_1611 = vector.broadcast %jit3A_1609 : i32 to vector<16xi32>
      %broadcast_in_dim3A_1612 = vector.broadcast %jit3A_1610 : i32 to vector<16xi32>
      %select_n3A_1613 = arith.select %eq3A_1608, %broadcast_in_dim3A_1611, %broadcast_in_dim3A_1612 : vector<16xi1>, vector<16xi32>
      %add3A_1614 = arith.addi %add3A_1602, %select_n3A_1613 : vector<16xi32>
      %get3A_1615 = arith.constant 96 : index
      %get3A_1616 = tpu.vector_load %arg7[%get3A_1615] {strides = array<i32>} : memref<128xi32, #tpu.memory_space<vmem>>, vector<16xi32>,
      %get3A_1617 = vector.shape_cast %get3A_1616 : vector<16xi32> to vector<16xi32>
      %eq3A_1618 = arith.constant 7 : i32
      %eq3A_1619 = vector.broadcast %eq3A_1618 : i32 to vector<16xi32>
      %eq3A_1620 = arith.cmpi eq, %get3A_1617, %eq3A_1619 : vector<16xi32>
      %jit3A_1621 = arith.constant 1 : i32
      %jit3A_1622 = arith.constant 0 : i32
      %broadcast_in_dim3A_1623 = vector.broadcast %jit3A_1621 : i32 to vector<16xi32>
      %broadcast_in_dim3A_1624 = vector.broadcast %jit3A_1622 : i32 to vector<16xi32>
      %select_n3A_1625 = arith.select %eq3A_1620, %broadcast_in_dim3A_1623, %broadcast_in_dim3A_1624 : vector<16xi1>, vector<16xi32>
      %add3A_1626 = arith.addi %add3A_1614, %select_n3A_1625 : vector<16xi32>
      %get3A_1627 = arith.constant 112 : index
      %get3A_1628 = tpu.vector_load %arg7[%get3A_1627] {strides = array<i32>} : memref<128xi32, #tpu.memory_space<vmem>>, vector<16xi32>,
      %get3A_1629 = vector.shape_cast %get3A_1628 : vector<16xi32> to vector<16xi32>
      %eq3A_1630 = arith.constant 7 : i32
      %eq3A_1631 = vector.broadcast %eq3A_1630 : i32 to vector<16xi32>
      %eq3A_1632 = arith.cmpi eq, %get3A_1629, %eq3A_1631 : vector<16xi32>
      %jit3A_1633 = arith.constant 1 : i32
      %jit3A_1634 = arith.constant 0 : i32
      %broadcast_in_dim3A_1635 = vector.broadcast %jit3A_1633 : i32 to vector<16xi32>
      %broadcast_in_dim3A_1636 = vector.broadcast %jit3A_1634 : i32 to vector<16xi32>
      %select_n3A_1637 = arith.select %eq3A_1632, %broadcast_in_dim3A_1635, %broadcast_in_dim3A_1636 : vector<16xi1>, vector<16xi32>
      %add3A_1638 = arith.addi %add3A_1626, %select_n3A_1637 : vector<16xi32>
      %get3A_1639 = arith.constant 0 : index
      %get3A_1640 = tpu.vector_load %arg7[%get3A_1639] {strides = array<i32>} : memref<128xi32, #tpu.memory_space<vmem>>, vector<16xi32>,
      %get3A_1641 = vector.shape_cast %get3A_1640 : vector<16xi32> to vector<16xi32>
      %eq3A_1642 = arith.constant 8 : i32
      %eq3A_1643 = vector.broadcast %eq3A_1642 : i32 to vector<16xi32>
      %eq3A_1644 = arith.cmpi eq, %get3A_1641, %eq3A_1643 : vector<16xi32>
      %jit3A_1645 = arith.constant 1 : i32
      %jit3A_1646 = arith.constant 0 : i32
      %broadcast_in_dim3A_1647 = vector.broadcast %jit3A_1645 : i32 to vector<16xi32>
      %broadcast_in_dim3A_1648 = vector.broadcast %jit3A_1646 : i32 to vector<16xi32>
      %select_n3A_1649 = arith.select %eq3A_1644, %broadcast_in_dim3A_1647, %broadcast_in_dim3A_1648 : vector<16xi1>, vector<16xi32>
      %add3A_1650 = arith.addi %scan3A_857, %select_n3A_1649 : vector<16xi32>
      %get3A_1651 = arith.constant 16 : index
      %get3A_1652 = tpu.vector_load %arg7[%get3A_1651] {strides = array<i32>} : memref<128xi32, #tpu.memory_space<vmem>>, vector<16xi32>,
      %get3A_1653 = vector.shape_cast %get3A_1652 : vector<16xi32> to vector<16xi32>
      %eq3A_1654 = arith.constant 8 : i32
      %eq3A_1655 = vector.broadcast %eq3A_1654 : i32 to vector<16xi32>
      %eq3A_1656 = arith.cmpi eq, %get3A_1653, %eq3A_1655 : vector<16xi32>
      %jit3A_1657 = arith.constant 1 : i32
      %jit3A_1658 = arith.constant 0 : i32
      %broadcast_in_dim3A_1659 = vector.broadcast %jit3A_1657 : i32 to vector<16xi32>
      %broadcast_in_dim3A_1660 = vector.broadcast %jit3A_1658 : i32 to vector<16xi32>
      %select_n3A_1661 = arith.select %eq3A_1656, %broadcast_in_dim3A_1659, %broadcast_in_dim3A_1660 : vector<16xi1>, vector<16xi32>
      %add3A_1662 = arith.addi %add3A_1650, %select_n3A_1661 : vector<16xi32>
      %get3A_1663 = arith.constant 32 : index
      %get3A_1664 = tpu.vector_load %arg7[%get3A_1663] {strides = array<i32>} : memref<128xi32, #tpu.memory_space<vmem>>, vector<16xi32>,
      %get3A_1665 = vector.shape_cast %get3A_1664 : vector<16xi32> to vector<16xi32>
      %eq3A_1666 = arith.constant 8 : i32
      %eq3A_1667 = vector.broadcast %eq3A_1666 : i32 to vector<16xi32>
      %eq3A_1668 = arith.cmpi eq, %get3A_1665, %eq3A_1667 : vector<16xi32>
      %jit3A_1669 = arith.constant 1 : i32
      %jit3A_1670 = arith.constant 0 : i32
      %broadcast_in_dim3A_1671 = vector.broadcast %jit3A_1669 : i32 to vector<16xi32>
      %broadcast_in_dim3A_1672 = vector.broadcast %jit3A_1670 : i32 to vector<16xi32>
      %select_n3A_1673 = arith.select %eq3A_1668, %broadcast_in_dim3A_1671, %broadcast_in_dim3A_1672 : vector<16xi1>, vector<16xi32>
      %add3A_1674 = arith.addi %add3A_1662, %select_n3A_1673 : vector<16xi32>
      %get3A_1675 = arith.constant 48 : index
      %get3A_1676 = tpu.vector_load %arg7[%get3A_1675] {strides = array<i32>} : memref<128xi32, #tpu.memory_space<vmem>>, vector<16xi32>,
      %get3A_1677 = vector.shape_cast %get3A_1676 : vector<16xi32> to vector<16xi32>
      %eq3A_1678 = arith.constant 8 : i32
      %eq3A_1679 = vector.broadcast %eq3A_1678 : i32 to vector<16xi32>
      %eq3A_1680 = arith.cmpi eq, %get3A_1677, %eq3A_1679 : vector<16xi32>
      %jit3A_1681 = arith.constant 1 : i32
      %jit3A_1682 = arith.constant 0 : i32
      %broadcast_in_dim3A_1683 = vector.broadcast %jit3A_1681 : i32 to vector<16xi32>
      %broadcast_in_dim3A_1684 = vector.broadcast %jit3A_1682 : i32 to vector<16xi32>
      %select_n3A_1685 = arith.select %eq3A_1680, %broadcast_in_dim3A_1683, %broadcast_in_dim3A_1684 : vector<16xi1>, vector<16xi32>
      %add3A_1686 = arith.addi %add3A_1674, %select_n3A_1685 : vector<16xi32>
      %get3A_1687 = arith.constant 64 : index
      %get3A_1688 = tpu.vector_load %arg7[%get3A_1687] {strides = array<i32>} : memref<128xi32, #tpu.memory_space<vmem>>, vector<16xi32>,
      %get3A_1689 = vector.shape_cast %get3A_1688 : vector<16xi32> to vector<16xi32>
      %eq3A_1690 = arith.constant 8 : i32
      %eq3A_1691 = vector.broadcast %eq3A_1690 : i32 to vector<16xi32>
      %eq3A_1692 = arith.cmpi eq, %get3A_1689, %eq3A_1691 : vector<16xi32>
      %jit3A_1693 = arith.constant 1 : i32
      %jit3A_1694 = arith.constant 0 : i32
      %broadcast_in_dim3A_1695 = vector.broadcast %jit3A_1693 : i32 to vector<16xi32>
      %broadcast_in_dim3A_1696 = vector.broadcast %jit3A_1694 : i32 to vector<16xi32>
      %select_n3A_1697 = arith.select %eq3A_1692, %broadcast_in_dim3A_1695, %broadcast_in_dim3A_1696 : vector<16xi1>, vector<16xi32>
      %add3A_1698 = arith.addi %add3A_1686, %select_n3A_1697 : vector<16xi32>
      %get3A_1699 = arith.constant 80 : index
      %get3A_1700 = tpu.vector_load %arg7[%get3A_1699] {strides = array<i32>} : memref<128xi32, #tpu.memory_space<vmem>>, vector<16xi32>,
      %get3A_1701 = vector.shape_cast %get3A_1700 : vector<16xi32> to vector<16xi32>
      %eq3A_1702 = arith.constant 8 : i32
      %eq3A_1703 = vector.broadcast %eq3A_1702 : i32 to vector<16xi32>
      %eq3A_1704 = arith.cmpi eq, %get3A_1701, %eq3A_1703 : vector<16xi32>
      %jit3A_1705 = arith.constant 1 : i32
      %jit3A_1706 = arith.constant 0 : i32
      %broadcast_in_dim3A_1707 = vector.broadcast %jit3A_1705 : i32 to vector<16xi32>
      %broadcast_in_dim3A_1708 = vector.broadcast %jit3A_1706 : i32 to vector<16xi32>
      %select_n3A_1709 = arith.select %eq3A_1704, %broadcast_in_dim3A_1707, %broadcast_in_dim3A_1708 : vector<16xi1>, vector<16xi32>
      %add3A_1710 = arith.addi %add3A_1698, %select_n3A_1709 : vector<16xi32>
      %get3A_1711 = arith.constant 96 : index
      %get3A_1712 = tpu.vector_load %arg7[%get3A_1711] {strides = array<i32>} : memref<128xi32, #tpu.memory_space<vmem>>, vector<16xi32>,
      %get3A_1713 = vector.shape_cast %get3A_1712 : vector<16xi32> to vector<16xi32>
      %eq3A_1714 = arith.constant 8 : i32
      %eq3A_1715 = vector.broadcast %eq3A_1714 : i32 to vector<16xi32>
      %eq3A_1716 = arith.cmpi eq, %get3A_1713, %eq3A_1715 : vector<16xi32>
      %jit3A_1717 = arith.constant 1 : i32
      %jit3A_1718 = arith.constant 0 : i32
      %broadcast_in_dim3A_1719 = vector.broadcast %jit3A_1717 : i32 to vector<16xi32>
      %broadcast_in_dim3A_1720 = vector.broadcast %jit3A_1718 : i32 to vector<16xi32>
      %select_n3A_1721 = arith.select %eq3A_1716, %broadcast_in_dim3A_1719, %broadcast_in_dim3A_1720 : vector<16xi1>, vector<16xi32>
      %add3A_1722 = arith.addi %add3A_1710, %select_n3A_1721 : vector<16xi32>
      %get3A_1723 = arith.constant 112 : index
      %get3A_1724 = tpu.vector_load %arg7[%get3A_1723] {strides = array<i32>} : memref<128xi32, #tpu.memory_space<vmem>>, vector<16xi32>,
      %get3A_1725 = vector.shape_cast %get3A_1724 : vector<16xi32> to vector<16xi32>
      %eq3A_1726 = arith.constant 8 : i32
      %eq3A_1727 = vector.broadcast %eq3A_1726 : i32 to vector<16xi32>
      %eq3A_1728 = arith.cmpi eq, %get3A_1725, %eq3A_1727 : vector<16xi32>
      %jit3A_1729 = arith.constant 1 : i32
      %jit3A_1730 = arith.constant 0 : i32
      %broadcast_in_dim3A_1731 = vector.broadcast %jit3A_1729 : i32 to vector<16xi32>
      %broadcast_in_dim3A_1732 = vector.broadcast %jit3A_1730 : i32 to vector<16xi32>
      %select_n3A_1733 = arith.select %eq3A_1728, %broadcast_in_dim3A_1731, %broadcast_in_dim3A_1732 : vector<16xi1>, vector<16xi32>
      %add3A_1734 = arith.addi %add3A_1722, %select_n3A_1733 : vector<16xi32>
      %get3A_1735 = arith.constant 0 : index
      %get3A_1736 = tpu.vector_load %arg7[%get3A_1735] {strides = array<i32>} : memref<128xi32, #tpu.memory_space<vmem>>, vector<16xi32>,
      %get3A_1737 = vector.shape_cast %get3A_1736 : vector<16xi32> to vector<16xi32>
      %eq3A_1738 = arith.constant 9 : i32
      %eq3A_1739 = vector.broadcast %eq3A_1738 : i32 to vector<16xi32>
      %eq3A_1740 = arith.cmpi eq, %get3A_1737, %eq3A_1739 : vector<16xi32>
      %jit3A_1741 = arith.constant 1 : i32
      %jit3A_1742 = arith.constant 0 : i32
      %broadcast_in_dim3A_1743 = vector.broadcast %jit3A_1741 : i32 to vector<16xi32>
      %broadcast_in_dim3A_1744 = vector.broadcast %jit3A_1742 : i32 to vector<16xi32>
      %select_n3A_1745 = arith.select %eq3A_1740, %broadcast_in_dim3A_1743, %broadcast_in_dim3A_1744 : vector<16xi1>, vector<16xi32>
      %add3A_1746 = arith.addi %scan3A_858, %select_n3A_1745 : vector<16xi32>
      %get3A_1747 = arith.constant 16 : index
      %get3A_1748 = tpu.vector_load %arg7[%get3A_1747] {strides = array<i32>} : memref<128xi32, #tpu.memory_space<vmem>>, vector<16xi32>,
      %get3A_1749 = vector.shape_cast %get3A_1748 : vector<16xi32> to vector<16xi32>
      %eq3A_1750 = arith.constant 9 : i32
      %eq3A_1751 = vector.broadcast %eq3A_1750 : i32 to vector<16xi32>
      %eq3A_1752 = arith.cmpi eq, %get3A_1749, %eq3A_1751 : vector<16xi32>
      %jit3A_1753 = arith.constant 1 : i32
      %jit3A_1754 = arith.constant 0 : i32
      %broadcast_in_dim3A_1755 = vector.broadcast %jit3A_1753 : i32 to vector<16xi32>
      %broadcast_in_dim3A_1756 = vector.broadcast %jit3A_1754 : i32 to vector<16xi32>
      %select_n3A_1757 = arith.select %eq3A_1752, %broadcast_in_dim3A_1755, %broadcast_in_dim3A_1756 : vector<16xi1>, vector<16xi32>
      %add3A_1758 = arith.addi %add3A_1746, %select_n3A_1757 : vector<16xi32>
      %get3A_1759 = arith.constant 32 : index
      %get3A_1760 = tpu.vector_load %arg7[%get3A_1759] {strides = array<i32>} : memref<128xi32, #tpu.memory_space<vmem>>, vector<16xi32>,
      %get3A_1761 = vector.shape_cast %get3A_1760 : vector<16xi32> to vector<16xi32>
      %eq3A_1762 = arith.constant 9 : i32
      %eq3A_1763 = vector.broadcast %eq3A_1762 : i32 to vector<16xi32>
      %eq3A_1764 = arith.cmpi eq, %get3A_1761, %eq3A_1763 : vector<16xi32>
      %jit3A_1765 = arith.constant 1 : i32
      %jit3A_1766 = arith.constant 0 : i32
      %broadcast_in_dim3A_1767 = vector.broadcast %jit3A_1765 : i32 to vector<16xi32>
      %broadcast_in_dim3A_1768 = vector.broadcast %jit3A_1766 : i32 to vector<16xi32>
      %select_n3A_1769 = arith.select %eq3A_1764, %broadcast_in_dim3A_1767, %broadcast_in_dim3A_1768 : vector<16xi1>, vector<16xi32>
      %add3A_1770 = arith.addi %add3A_1758, %select_n3A_1769 : vector<16xi32>
      %get3A_1771 = arith.constant 48 : index
      %get3A_1772 = tpu.vector_load %arg7[%get3A_1771] {strides = array<i32>} : memref<128xi32, #tpu.memory_space<vmem>>, vector<16xi32>,
      %get3A_1773 = vector.shape_cast %get3A_1772 : vector<16xi32> to vector<16xi32>
      %eq3A_1774 = arith.constant 9 : i32
      %eq3A_1775 = vector.broadcast %eq3A_1774 : i32 to vector<16xi32>
      %eq3A_1776 = arith.cmpi eq, %get3A_1773, %eq3A_1775 : vector<16xi32>
      %jit3A_1777 = arith.constant 1 : i32
      %jit3A_1778 = arith.constant 0 : i32
      %broadcast_in_dim3A_1779 = vector.broadcast %jit3A_1777 : i32 to vector<16xi32>
      %broadcast_in_dim3A_1780 = vector.broadcast %jit3A_1778 : i32 to vector<16xi32>
      %select_n3A_1781 = arith.select %eq3A_1776, %broadcast_in_dim3A_1779, %broadcast_in_dim3A_1780 : vector<16xi1>, vector<16xi32>
      %add3A_1782 = arith.addi %add3A_1770, %select_n3A_1781 : vector<16xi32>
      %get3A_1783 = arith.constant 64 : index
      %get3A_1784 = tpu.vector_load %arg7[%get3A_1783] {strides = array<i32>} : memref<128xi32, #tpu.memory_space<vmem>>, vector<16xi32>,
      %get3A_1785 = vector.shape_cast %get3A_1784 : vector<16xi32> to vector<16xi32>
      %eq3A_1786 = arith.constant 9 : i32
      %eq3A_1787 = vector.broadcast %eq3A_1786 : i32 to vector<16xi32>
      %eq3A_1788 = arith.cmpi eq, %get3A_1785, %eq3A_1787 : vector<16xi32>
      %jit3A_1789 = arith.constant 1 : i32
      %jit3A_1790 = arith.constant 0 : i32
      %broadcast_in_dim3A_1791 = vector.broadcast %jit3A_1789 : i32 to vector<16xi32>
      %broadcast_in_dim3A_1792 = vector.broadcast %jit3A_1790 : i32 to vector<16xi32>
      %select_n3A_1793 = arith.select %eq3A_1788, %broadcast_in_dim3A_1791, %broadcast_in_dim3A_1792 : vector<16xi1>, vector<16xi32>
      %add3A_1794 = arith.addi %add3A_1782, %select_n3A_1793 : vector<16xi32>
      %get3A_1795 = arith.constant 80 : index
      %get3A_1796 = tpu.vector_load %arg7[%get3A_1795] {strides = array<i32>} : memref<128xi32, #tpu.memory_space<vmem>>, vector<16xi32>,
      %get3A_1797 = vector.shape_cast %get3A_1796 : vector<16xi32> to vector<16xi32>
      %eq3A_1798 = arith.constant 9 : i32
      %eq3A_1799 = vector.broadcast %eq3A_1798 : i32 to vector<16xi32>
      %eq3A_1800 = arith.cmpi eq, %get3A_1797, %eq3A_1799 : vector<16xi32>
      %jit3A_1801 = arith.constant 1 : i32
      %jit3A_1802 = arith.constant 0 : i32
      %broadcast_in_dim3A_1803 = vector.broadcast %jit3A_1801 : i32 to vector<16xi32>
      %broadcast_in_dim3A_1804 = vector.broadcast %jit3A_1802 : i32 to vector<16xi32>
      %select_n3A_1805 = arith.select %eq3A_1800, %broadcast_in_dim3A_1803, %broadcast_in_dim3A_1804 : vector<16xi1>, vector<16xi32>
      %add3A_1806 = arith.addi %add3A_1794, %select_n3A_1805 : vector<16xi32>
      %get3A_1807 = arith.constant 96 : index
      %get3A_1808 = tpu.vector_load %arg7[%get3A_1807] {strides = array<i32>} : memref<128xi32, #tpu.memory_space<vmem>>, vector<16xi32>,
      %get3A_1809 = vector.shape_cast %get3A_1808 : vector<16xi32> to vector<16xi32>
      %eq3A_1810 = arith.constant 9 : i32
      %eq3A_1811 = vector.broadcast %eq3A_1810 : i32 to vector<16xi32>
      %eq3A_1812 = arith.cmpi eq, %get3A_1809, %eq3A_1811 : vector<16xi32>
      %jit3A_1813 = arith.constant 1 : i32
      %jit3A_1814 = arith.constant 0 : i32
      %broadcast_in_dim3A_1815 = vector.broadcast %jit3A_1813 : i32 to vector<16xi32>
      %broadcast_in_dim3A_1816 = vector.broadcast %jit3A_1814 : i32 to vector<16xi32>
      %select_n3A_1817 = arith.select %eq3A_1812, %broadcast_in_dim3A_1815, %broadcast_in_dim3A_1816 : vector<16xi1>, vector<16xi32>
      %add3A_1818 = arith.addi %add3A_1806, %select_n3A_1817 : vector<16xi32>
      %get3A_1819 = arith.constant 112 : index
      %get3A_1820 = tpu.vector_load %arg7[%get3A_1819] {strides = array<i32>} : memref<128xi32, #tpu.memory_space<vmem>>, vector<16xi32>,
      %get3A_1821 = vector.shape_cast %get3A_1820 : vector<16xi32> to vector<16xi32>
      %eq3A_1822 = arith.constant 9 : i32
      %eq3A_1823 = vector.broadcast %eq3A_1822 : i32 to vector<16xi32>
      %eq3A_1824 = arith.cmpi eq, %get3A_1821, %eq3A_1823 : vector<16xi32>
      %jit3A_1825 = arith.constant 1 : i32
      %jit3A_1826 = arith.constant 0 : i32
      %broadcast_in_dim3A_1827 = vector.broadcast %jit3A_1825 : i32 to vector<16xi32>
      %broadcast_in_dim3A_1828 = vector.broadcast %jit3A_1826 : i32 to vector<16xi32>
      %select_n3A_1829 = arith.select %eq3A_1824, %broadcast_in_dim3A_1827, %broadcast_in_dim3A_1828 : vector<16xi1>, vector<16xi32>
      %add3A_1830 = arith.addi %add3A_1818, %select_n3A_1829 : vector<16xi32>
      %gt3A = arith.constant 0 : i32
      %gt3A_1831 = arith.cmpi sgt, %scan3A_848, %gt3A : i32
      %convert_element_type3A_1832 = arith.extui %gt3A_1831 : i1 to i32
      %cond3A_1833 = arith.constant 0 : i32
      %cond3A_1834 = arith.cmpi ne, %convert_element_type3A_1832, %cond3A_1833 : i32
      scf.if %cond3A_1834 {
        %dma_wait3A_2841 = arith.constant 0 : i32
        %dma_wait3A_2842 = arith.constant 0 : i32
        %dma_wait3A_2843 = tpu.memref_slice %arg16[%dma_wait3A_2841, %dma_wait3A_2842] : memref<16x128xf32, #tpu.memory_space<vmem_shared>> -> memref<16x128xf32, #tpu.memory_space<vmem_shared>>
        tpu.wait_indirect_dma semaphore(%arg22 : memref<!tpu.dma_semaphore, #tpu.memory_space<semaphore_mem>>) src(%arg10 : memref<128x128xf32, #tpu.memory_space<vmem>>) dst(%dma_wait3A_2843 : memref<16x128xf32, #tpu.memory_space<vmem_shared>>)
        %dma_wait3A_2844 = arith.constant 0 : i32
        %dma_wait3A_2845 = arith.constant 0 : i32
        %dma_wait3A_2846 = tpu.memref_slice %arg17[%dma_wait3A_2844, %dma_wait3A_2845] : memref<16x128xf32, #tpu.memory_space<vmem_shared>> -> memref<16x128xf32, #tpu.memory_space<vmem_shared>>
        tpu.wait_indirect_dma semaphore(%arg22 : memref<!tpu.dma_semaphore, #tpu.memory_space<semaphore_mem>>) src(%arg12 : memref<128x128xf32, #tpu.memory_space<vmem>>) dst(%dma_wait3A_2846 : memref<16x128xf32, #tpu.memory_space<vmem_shared>>)
      } else {
      }
      %dma_start3A_1835 = arith.constant 0 : i32
      %dma_start3A_1836 = arith.constant 0 : i32
      %dma_start3A_1837 = tpu.memref_slice %arg16[%dma_start3A_1835, %dma_start3A_1836] : memref<16x128xf32, #tpu.memory_space<vmem_shared>> -> memref<16x128xf32, #tpu.memory_space<vmem_shared>>
      tpu.enqueue_indirect_dma source(%arg9 : memref<128x128xf32, #tpu.memory_space<vmem>>) target(%dma_start3A_1837 : memref<16x128xf32, #tpu.memory_space<vmem_shared>>) offsets(%arg7 : memref<128xi32, #tpu.memory_space<vmem>>) semaphore(%arg21 : memref<!tpu.dma_semaphore, #tpu.memory_space<semaphore_mem>>) {add = true}
      %dma_start3A_1838 = arith.constant 0 : i32
      %dma_start3A_1839 = arith.constant 0 : i32
      %dma_start3A_1840 = tpu.memref_slice %arg17[%dma_start3A_1838, %dma_start3A_1839] : memref<16x128xf32, #tpu.memory_space<vmem_shared>> -> memref<16x128xf32, #tpu.memory_space<vmem_shared>>
      tpu.enqueue_indirect_dma source(%arg11 : memref<128x128xf32, #tpu.memory_space<vmem>>) target(%dma_start3A_1840 : memref<16x128xf32, #tpu.memory_space<vmem_shared>>) offsets(%arg7 : memref<128xi32, #tpu.memory_space<vmem>>) semaphore(%arg21 : memref<!tpu.dma_semaphore, #tpu.memory_space<semaphore_mem>>) {add = true}
      %add3A_1841 = arith.constant 1 : i32
      %add3A_1842 = arith.addi %mul3A_860, %add3A_1841 : i32
      %mul3A_1843 = arith.constant 128 : i32
      %mul3A_1844 = arith.muli %add3A_1842, %mul3A_1843 : i32
      %add3A_1845 = arith.addi %mul3A_2, %mul3A_1844 : i32
      %dma_start3A_1846 = tpu.memref_slice %arg3[%add3A_1845] : memref<131072xi32, #tpu.memory_space<hbm>> -> memref<128xi32, #tpu.memory_space<hbm>>
      %dma_start3A_1847 = tpu.memref_slice %arg3[%add3A_1845] : memref<131072xi32, #tpu.memory_space<hbm>> -> memref<128xi32, #tpu.memory_space<hbm>>
      tpu.enqueue_dma source(%dma_start3A_1847 : memref<128xi32, #tpu.memory_space<hbm>>) target(%arg8 : memref<128xi32, #tpu.memory_space<vmem>>) target_semaphore(%arg20 : memref<!tpu.dma_semaphore, #tpu.memory_space<semaphore_mem>>)
      %dma_start3A_1848 = arith.constant 0 : i32
      %dma_start3A_1849 = tpu.memref_slice %arg2[%add3A_1845, %dma_start3A_1848] : memref<131072x128xf32, #tpu.memory_space<hbm>> -> memref<128x128xf32, #tpu.memory_space<hbm>>
      %dma_start3A_1850 = arith.constant 0 : i32
      %dma_start3A_1851 = tpu.memref_slice %arg2[%add3A_1845, %dma_start3A_1850] : memref<131072x128xf32, #tpu.memory_space<hbm>> -> memref<128x128xf32, #tpu.memory_space<hbm>>
      tpu.enqueue_dma source(%dma_start3A_1851 : memref<128x128xf32, #tpu.memory_space<hbm>>) target(%arg10 : memref<128x128xf32, #tpu.memory_space<vmem>>) target_semaphore(%arg20 : memref<!tpu.dma_semaphore, #tpu.memory_space<semaphore_mem>>)
      %dma_wait3A_1852 = tpu.memref_slice %arg3[%mul3A_2] : memref<131072xi32, #tpu.memory_space<hbm>> -> memref<128xi32, #tpu.memory_space<hbm>>
      %dma_wait3A_1853 = tpu.memref_slice %arg3[%mul3A_2] : memref<131072xi32, #tpu.memory_space<hbm>> -> memref<128xi32, #tpu.memory_space<hbm>>
      tpu.wait_dma2 semaphore(%arg20 : memref<!tpu.dma_semaphore, #tpu.memory_space<semaphore_mem>>) src(%dma_wait3A_1853 : memref<128xi32, #tpu.memory_space<hbm>>) dst(%arg8 : memref<128xi32, #tpu.memory_space<vmem>>)
      %dma_wait3A_1854 = arith.constant 0 : i32
      %dma_wait3A_1855 = tpu.memref_slice %arg2[%mul3A_2, %dma_wait3A_1854] : memref<131072x128xf32, #tpu.memory_space<hbm>> -> memref<128x128xf32, #tpu.memory_space<hbm>>
      %dma_wait3A_1856 = arith.constant 0 : i32
      %dma_wait3A_1857 = tpu.memref_slice %arg2[%mul3A_2, %dma_wait3A_1856] : memref<131072x128xf32, #tpu.memory_space<hbm>> -> memref<128x128xf32, #tpu.memory_space<hbm>>
      tpu.wait_dma2 semaphore(%arg20 : memref<!tpu.dma_semaphore, #tpu.memory_space<semaphore_mem>>) src(%dma_wait3A_1857 : memref<128x128xf32, #tpu.memory_space<hbm>>) dst(%arg10 : memref<128x128xf32, #tpu.memory_space<vmem>>)
      %scan3A_1858 = arith.constant 0 : i32
      %scan3A_1859 = arith.constant 0 : i32
      %scan3A_1860 = arith.constant 128 : i32
      %scan3A_1861 = arith.addi %scan3A_1859, %scan3A_1860 : i32
      %scan3A_1862 = arith.constant 1 : i32
      %scan3A_1863 = scf.for %scan3A_2841 = %scan3A_1859 to %scan3A_1861 step %scan3A_1862 iter_args(%scan3A_2842 = %scan3A_1858) -> (i32)  : i32 {
        %get3A_2843 = arith.index_cast %scan3A_2841 : i32 to index
        %get3A_2844 = arith.constant 0 : index
        %get3A_2845 = tpu.vector_load %arg10[%get3A_2843, %get3A_2844] {strides = array<i32>} : memref<128x128xf32, #tpu.memory_space<vmem>>, vector<1x16xf32>,
        %get3A_2846 = vector.shape_cast %get3A_2845 : vector<1x16xf32> to vector<16xf32>
        %mul3A_2847 = arith.mulf %get3A_2846, %get3A_2846 : vector<16xf32>
        %swap3A_2848 = arith.index_cast %scan3A_2841 : i32 to index
        %swap3A_2849 = arith.constant 0 : index
        %swap3A_2850 = tpu.vector_load %arg12[%swap3A_2848, %swap3A_2849] {strides = array<i32>} : memref<128x128xf32, #tpu.memory_space<vmem>>, vector<1x16xf32>,
        %swap3A_2851 = vector.shape_cast %swap3A_2850 : vector<1x16xf32> to vector<16xf32>
        %swap3A_2852 = vector.shape_cast %mul3A_2847 : vector<16xf32> to vector<1x16xf32>
        tpu.vector_store %arg12[%swap3A_2848, %swap3A_2849], %swap3A_2852 {strides = array<i32>} : memref<128x128xf32, #tpu.memory_space<vmem>>, vector<1x16xf32>,
        %get3A_2853 = arith.index_cast %scan3A_2841 : i32 to index
        %get3A_2854 = arith.constant 16 : index
        %get3A_2855 = tpu.vector_load %arg10[%get3A_2853, %get3A_2854] {strides = array<i32>} : memref<128x128xf32, #tpu.memory_space<vmem>>, vector<1x16xf32>,
        %get3A_2856 = vector.shape_cast %get3A_2855 : vector<1x16xf32> to vector<16xf32>
        %mul3A_2857 = arith.mulf %get3A_2856, %get3A_2856 : vector<16xf32>
        %swap3A_2858 = arith.index_cast %scan3A_2841 : i32 to index
        %swap3A_2859 = arith.constant 16 : index
        %swap3A_2860 = tpu.vector_load %arg12[%swap3A_2858, %swap3A_2859] {strides = array<i32>} : memref<128x128xf32, #tpu.memory_space<vmem>>, vector<1x16xf32>,
        %swap3A_2861 = vector.shape_cast %swap3A_2860 : vector<1x16xf32> to vector<16xf32>
        %swap3A_2862 = vector.shape_cast %mul3A_2857 : vector<16xf32> to vector<1x16xf32>
        tpu.vector_store %arg12[%swap3A_2858, %swap3A_2859], %swap3A_2862 {strides = array<i32>} : memref<128x128xf32, #tpu.memory_space<vmem>>, vector<1x16xf32>,
        %get3A_2863 = arith.index_cast %scan3A_2841 : i32 to index
        %get3A_2864 = arith.constant 32 : index
        %get3A_2865 = tpu.vector_load %arg10[%get3A_2863, %get3A_2864] {strides = array<i32>} : memref<128x128xf32, #tpu.memory_space<vmem>>, vector<1x16xf32>,
        %get3A_2866 = vector.shape_cast %get3A_2865 : vector<1x16xf32> to vector<16xf32>
        %mul3A_2867 = arith.mulf %get3A_2866, %get3A_2866 : vector<16xf32>
        %swap3A_2868 = arith.index_cast %scan3A_2841 : i32 to index
        %swap3A_2869 = arith.constant 32 : index
        %swap3A_2870 = tpu.vector_load %arg12[%swap3A_2868, %swap3A_2869] {strides = array<i32>} : memref<128x128xf32, #tpu.memory_space<vmem>>, vector<1x16xf32>,
        %swap3A_2871 = vector.shape_cast %swap3A_2870 : vector<1x16xf32> to vector<16xf32>
        %swap3A_2872 = vector.shape_cast %mul3A_2867 : vector<16xf32> to vector<1x16xf32>
        tpu.vector_store %arg12[%swap3A_2868, %swap3A_2869], %swap3A_2872 {strides = array<i32>} : memref<128x128xf32, #tpu.memory_space<vmem>>, vector<1x16xf32>,
        %get3A_2873 = arith.index_cast %scan3A_2841 : i32 to index
        %get3A_2874 = arith.constant 48 : index
        %get3A_2875 = tpu.vector_load %arg10[%get3A_2873, %get3A_2874] {strides = array<i32>} : memref<128x128xf32, #tpu.memory_space<vmem>>, vector<1x16xf32>,
        %get3A_2876 = vector.shape_cast %get3A_2875 : vector<1x16xf32> to vector<16xf32>
        %mul3A_2877 = arith.mulf %get3A_2876, %get3A_2876 : vector<16xf32>
        %swap3A_2878 = arith.index_cast %scan3A_2841 : i32 to index
        %swap3A_2879 = arith.constant 48 : index
        %swap3A_2880 = tpu.vector_load %arg12[%swap3A_2878, %swap3A_2879] {strides = array<i32>} : memref<128x128xf32, #tpu.memory_space<vmem>>, vector<1x16xf32>,
        %swap3A_2881 = vector.shape_cast %swap3A_2880 : vector<1x16xf32> to vector<16xf32>
        %swap3A_2882 = vector.shape_cast %mul3A_2877 : vector<16xf32> to vector<1x16xf32>
        tpu.vector_store %arg12[%swap3A_2878, %swap3A_2879], %swap3A_2882 {strides = array<i32>} : memref<128x128xf32, #tpu.memory_space<vmem>>, vector<1x16xf32>,
        %get3A_2883 = arith.index_cast %scan3A_2841 : i32 to index
        %get3A_2884 = arith.constant 64 : index
        %get3A_2885 = tpu.vector_load %arg10[%get3A_2883, %get3A_2884] {strides = array<i32>} : memref<128x128xf32, #tpu.memory_space<vmem>>, vector<1x16xf32>,
        %get3A_2886 = vector.shape_cast %get3A_2885 : vector<1x16xf32> to vector<16xf32>
        %mul3A_2887 = arith.mulf %get3A_2886, %get3A_2886 : vector<16xf32>
        %swap3A_2888 = arith.index_cast %scan3A_2841 : i32 to index
        %swap3A_2889 = arith.constant 64 : index
        %swap3A_2890 = tpu.vector_load %arg12[%swap3A_2888, %swap3A_2889] {strides = array<i32>} : memref<128x128xf32, #tpu.memory_space<vmem>>, vector<1x16xf32>,
        %swap3A_2891 = vector.shape_cast %swap3A_2890 : vector<1x16xf32> to vector<16xf32>
        %swap3A_2892 = vector.shape_cast %mul3A_2887 : vector<16xf32> to vector<1x16xf32>
        tpu.vector_store %arg12[%swap3A_2888, %swap3A_2889], %swap3A_2892 {strides = array<i32>} : memref<128x128xf32, #tpu.memory_space<vmem>>, vector<1x16xf32>,
        %get3A_2893 = arith.index_cast %scan3A_2841 : i32 to index
        %get3A_2894 = arith.constant 80 : index
        %get3A_2895 = tpu.vector_load %arg10[%get3A_2893, %get3A_2894] {strides = array<i32>} : memref<128x128xf32, #tpu.memory_space<vmem>>, vector<1x16xf32>,
        %get3A_2896 = vector.shape_cast %get3A_2895 : vector<1x16xf32> to vector<16xf32>
        %mul3A_2897 = arith.mulf %get3A_2896, %get3A_2896 : vector<16xf32>
        %swap3A_2898 = arith.index_cast %scan3A_2841 : i32 to index
        %swap3A_2899 = arith.constant 80 : index
        %swap3A_2900 = tpu.vector_load %arg12[%swap3A_2898, %swap3A_2899] {strides = array<i32>} : memref<128x128xf32, #tpu.memory_space<vmem>>, vector<1x16xf32>,
        %swap3A_2901 = vector.shape_cast %swap3A_2900 : vector<1x16xf32> to vector<16xf32>
        %swap3A_2902 = vector.shape_cast %mul3A_2897 : vector<16xf32> to vector<1x16xf32>
        tpu.vector_store %arg12[%swap3A_2898, %swap3A_2899], %swap3A_2902 {strides = array<i32>} : memref<128x128xf32, #tpu.memory_space<vmem>>, vector<1x16xf32>,
        %get3A_2903 = arith.index_cast %scan3A_2841 : i32 to index
        %get3A_2904 = arith.constant 96 : index
        %get3A_2905 = tpu.vector_load %arg10[%get3A_2903, %get3A_2904] {strides = array<i32>} : memref<128x128xf32, #tpu.memory_space<vmem>>, vector<1x16xf32>,
        %get3A_2906 = vector.shape_cast %get3A_2905 : vector<1x16xf32> to vector<16xf32>
        %mul3A_2907 = arith.mulf %get3A_2906, %get3A_2906 : vector<16xf32>
        %swap3A_2908 = arith.index_cast %scan3A_2841 : i32 to index
        %swap3A_2909 = arith.constant 96 : index
        %swap3A_2910 = tpu.vector_load %arg12[%swap3A_2908, %swap3A_2909] {strides = array<i32>} : memref<128x128xf32, #tpu.memory_space<vmem>>, vector<1x16xf32>,
        %swap3A_2911 = vector.shape_cast %swap3A_2910 : vector<1x16xf32> to vector<16xf32>
        %swap3A_2912 = vector.shape_cast %mul3A_2907 : vector<16xf32> to vector<1x16xf32>
        tpu.vector_store %arg12[%swap3A_2908, %swap3A_2909], %swap3A_2912 {strides = array<i32>} : memref<128x128xf32, #tpu.memory_space<vmem>>, vector<1x16xf32>,
        %get3A_2913 = arith.index_cast %scan3A_2841 : i32 to index
        %get3A_2914 = arith.constant 112 : index
        %get3A_2915 = tpu.vector_load %arg10[%get3A_2913, %get3A_2914] {strides = array<i32>} : memref<128x128xf32, #tpu.memory_space<vmem>>, vector<1x16xf32>,
        %get3A_2916 = vector.shape_cast %get3A_2915 : vector<1x16xf32> to vector<16xf32>
        %mul3A_2917 = arith.mulf %get3A_2916, %get3A_2916 : vector<16xf32>
        %swap3A_2918 = arith.index_cast %scan3A_2841 : i32 to index
        %swap3A_2919 = arith.constant 112 : index
        %swap3A_2920 = tpu.vector_load %arg12[%swap3A_2918, %swap3A_2919] {strides = array<i32>} : memref<128x128xf32, #tpu.memory_space<vmem>>, vector<1x16xf32>,
        %swap3A_2921 = vector.shape_cast %swap3A_2920 : vector<1x16xf32> to vector<16xf32>
        %swap3A_2922 = vector.shape_cast %mul3A_2917 : vector<16xf32> to vector<1x16xf32>
        tpu.vector_store %arg12[%swap3A_2918, %swap3A_2919], %swap3A_2922 {strides = array<i32>} : memref<128x128xf32, #tpu.memory_space<vmem>>, vector<1x16xf32>,
        %scan3A_2923 = arith.constant 0 : i32
        scf.yield %scan3A_2923 : i32
      }
      %scan3A_1864 = arith.constant 128 : i32
      %get3A_1865 = arith.constant 0 : index
      %get3A_1866 = tpu.vector_load %arg8[%get3A_1865] {strides = array<i32>} : memref<128xi32, #tpu.memory_space<vmem>>, vector<16xi32>,
      %get3A_1867 = vector.shape_cast %get3A_1866 : vector<16xi32> to vector<16xi32>
      %eq3A_1868 = arith.constant 0 : i32
      %eq3A_1869 = vector.broadcast %eq3A_1868 : i32 to vector<16xi32>
      %eq3A_1870 = arith.cmpi eq, %get3A_1867, %eq3A_1869 : vector<16xi32>
      %jit3A_1871 = arith.constant 1 : i32
      %jit3A_1872 = arith.constant 0 : i32
      %broadcast_in_dim3A_1873 = vector.broadcast %jit3A_1871 : i32 to vector<16xi32>
      %broadcast_in_dim3A_1874 = vector.broadcast %jit3A_1872 : i32 to vector<16xi32>
      %select_n3A_1875 = arith.select %eq3A_1870, %broadcast_in_dim3A_1873, %broadcast_in_dim3A_1874 : vector<16xi1>, vector<16xi32>
      %add3A_1876 = arith.addi %add3A_966, %select_n3A_1875 : vector<16xi32>
      %get3A_1877 = arith.constant 16 : index
      %get3A_1878 = tpu.vector_load %arg8[%get3A_1877] {strides = array<i32>} : memref<128xi32, #tpu.memory_space<vmem>>, vector<16xi32>,
      %get3A_1879 = vector.shape_cast %get3A_1878 : vector<16xi32> to vector<16xi32>
      %eq3A_1880 = arith.constant 0 : i32
      %eq3A_1881 = vector.broadcast %eq3A_1880 : i32 to vector<16xi32>
      %eq3A_1882 = arith.cmpi eq, %get3A_1879, %eq3A_1881 : vector<16xi32>
      %jit3A_1883 = arith.constant 1 : i32
      %jit3A_1884 = arith.constant 0 : i32
      %broadcast_in_dim3A_1885 = vector.broadcast %jit3A_1883 : i32 to vector<16xi32>
      %broadcast_in_dim3A_1886 = vector.broadcast %jit3A_1884 : i32 to vector<16xi32>
      %select_n3A_1887 = arith.select %eq3A_1882, %broadcast_in_dim3A_1885, %broadcast_in_dim3A_1886 : vector<16xi1>, vector<16xi32>
      %add3A_1888 = arith.addi %add3A_1876, %select_n3A_1887 : vector<16xi32>
      %get3A_1889 = arith.constant 32 : index
      %get3A_1890 = tpu.vector_load %arg8[%get3A_1889] {strides = array<i32>} : memref<128xi32, #tpu.memory_space<vmem>>, vector<16xi32>,
      %get3A_1891 = vector.shape_cast %get3A_1890 : vector<16xi32> to vector<16xi32>
      %eq3A_1892 = arith.constant 0 : i32
      %eq3A_1893 = vector.broadcast %eq3A_1892 : i32 to vector<16xi32>
      %eq3A_1894 = arith.cmpi eq, %get3A_1891, %eq3A_1893 : vector<16xi32>
      %jit3A_1895 = arith.constant 1 : i32
      %jit3A_1896 = arith.constant 0 : i32
      %broadcast_in_dim3A_1897 = vector.broadcast %jit3A_1895 : i32 to vector<16xi32>
      %broadcast_in_dim3A_1898 = vector.broadcast %jit3A_1896 : i32 to vector<16xi32>
      %select_n3A_1899 = arith.select %eq3A_1894, %broadcast_in_dim3A_1897, %broadcast_in_dim3A_1898 : vector<16xi1>, vector<16xi32>
      %add3A_1900 = arith.addi %add3A_1888, %select_n3A_1899 : vector<16xi32>
      %get3A_1901 = arith.constant 48 : index
      %get3A_1902 = tpu.vector_load %arg8[%get3A_1901] {strides = array<i32>} : memref<128xi32, #tpu.memory_space<vmem>>, vector<16xi32>,
      %get3A_1903 = vector.shape_cast %get3A_1902 : vector<16xi32> to vector<16xi32>
      %eq3A_1904 = arith.constant 0 : i32
      %eq3A_1905 = vector.broadcast %eq3A_1904 : i32 to vector<16xi32>
      %eq3A_1906 = arith.cmpi eq, %get3A_1903, %eq3A_1905 : vector<16xi32>
      %jit3A_1907 = arith.constant 1 : i32
      %jit3A_1908 = arith.constant 0 : i32
      %broadcast_in_dim3A_1909 = vector.broadcast %jit3A_1907 : i32 to vector<16xi32>
      %broadcast_in_dim3A_1910 = vector.broadcast %jit3A_1908 : i32 to vector<16xi32>
      %select_n3A_1911 = arith.select %eq3A_1906, %broadcast_in_dim3A_1909, %broadcast_in_dim3A_1910 : vector<16xi1>, vector<16xi32>
      %add3A_1912 = arith.addi %add3A_1900, %select_n3A_1911 : vector<16xi32>
      %get3A_1913 = arith.constant 64 : index
      %get3A_1914 = tpu.vector_load %arg8[%get3A_1913] {strides = array<i32>} : memref<128xi32, #tpu.memory_space<vmem>>, vector<16xi32>,
      %get3A_1915 = vector.shape_cast %get3A_1914 : vector<16xi32> to vector<16xi32>
      %eq3A_1916 = arith.constant 0 : i32
      %eq3A_1917 = vector.broadcast %eq3A_1916 : i32 to vector<16xi32>
      %eq3A_1918 = arith.cmpi eq, %get3A_1915, %eq3A_1917 : vector<16xi32>
      %jit3A_1919 = arith.constant 1 : i32
      %jit3A_1920 = arith.constant 0 : i32
      %broadcast_in_dim3A_1921 = vector.broadcast %jit3A_1919 : i32 to vector<16xi32>
      %broadcast_in_dim3A_1922 = vector.broadcast %jit3A_1920 : i32 to vector<16xi32>
      %select_n3A_1923 = arith.select %eq3A_1918, %broadcast_in_dim3A_1921, %broadcast_in_dim3A_1922 : vector<16xi1>, vector<16xi32>
      %add3A_1924 = arith.addi %add3A_1912, %select_n3A_1923 : vector<16xi32>
      %get3A_1925 = arith.constant 80 : index
      %get3A_1926 = tpu.vector_load %arg8[%get3A_1925] {strides = array<i32>} : memref<128xi32, #tpu.memory_space<vmem>>, vector<16xi32>,
      %get3A_1927 = vector.shape_cast %get3A_1926 : vector<16xi32> to vector<16xi32>
      %eq3A_1928 = arith.constant 0 : i32
      %eq3A_1929 = vector.broadcast %eq3A_1928 : i32 to vector<16xi32>
      %eq3A_1930 = arith.cmpi eq, %get3A_1927, %eq3A_1929 : vector<16xi32>
      %jit3A_1931 = arith.constant 1 : i32
      %jit3A_1932 = arith.constant 0 : i32
      %broadcast_in_dim3A_1933 = vector.broadcast %jit3A_1931 : i32 to vector<16xi32>
      %broadcast_in_dim3A_1934 = vector.broadcast %jit3A_1932 : i32 to vector<16xi32>
      %select_n3A_1935 = arith.select %eq3A_1930, %broadcast_in_dim3A_1933, %broadcast_in_dim3A_1934 : vector<16xi1>, vector<16xi32>
      %add3A_1936 = arith.addi %add3A_1924, %select_n3A_1935 : vector<16xi32>
      %get3A_1937 = arith.constant 96 : index
      %get3A_1938 = tpu.vector_load %arg8[%get3A_1937] {strides = array<i32>} : memref<128xi32, #tpu.memory_space<vmem>>, vector<16xi32>,
      %get3A_1939 = vector.shape_cast %get3A_1938 : vector<16xi32> to vector<16xi32>
      %eq3A_1940 = arith.constant 0 : i32
      %eq3A_1941 = vector.broadcast %eq3A_1940 : i32 to vector<16xi32>
      %eq3A_1942 = arith.cmpi eq, %get3A_1939, %eq3A_1941 : vector<16xi32>
      %jit3A_1943 = arith.constant 1 : i32
      %jit3A_1944 = arith.constant 0 : i32
      %broadcast_in_dim3A_1945 = vector.broadcast %jit3A_1943 : i32 to vector<16xi32>
      %broadcast_in_dim3A_1946 = vector.broadcast %jit3A_1944 : i32 to vector<16xi32>
      %select_n3A_1947 = arith.select %eq3A_1942, %broadcast_in_dim3A_1945, %broadcast_in_dim3A_1946 : vector<16xi1>, vector<16xi32>
      %add3A_1948 = arith.addi %add3A_1936, %select_n3A_1947 : vector<16xi32>
      %get3A_1949 = arith.constant 112 : index
      %get3A_1950 = tpu.vector_load %arg8[%get3A_1949] {strides = array<i32>} : memref<128xi32, #tpu.memory_space<vmem>>, vector<16xi32>,
      %get3A_1951 = vector.shape_cast %get3A_1950 : vector<16xi32> to vector<16xi32>
      %eq3A_1952 = arith.constant 0 : i32
      %eq3A_1953 = vector.broadcast %eq3A_1952 : i32 to vector<16xi32>
      %eq3A_1954 = arith.cmpi eq, %get3A_1951, %eq3A_1953 : vector<16xi32>
      %jit3A_1955 = arith.constant 1 : i32
      %jit3A_1956 = arith.constant 0 : i32
      %broadcast_in_dim3A_1957 = vector.broadcast %jit3A_1955 : i32 to vector<16xi32>
      %broadcast_in_dim3A_1958 = vector.broadcast %jit3A_1956 : i32 to vector<16xi32>
      %select_n3A_1959 = arith.select %eq3A_1954, %broadcast_in_dim3A_1957, %broadcast_in_dim3A_1958 : vector<16xi1>, vector<16xi32>
      %add3A_1960 = arith.addi %add3A_1948, %select_n3A_1959 : vector<16xi32>
      %get3A_1961 = arith.constant 0 : index
      %get3A_1962 = tpu.vector_load %arg8[%get3A_1961] {strides = array<i32>} : memref<128xi32, #tpu.memory_space<vmem>>, vector<16xi32>,
      %get3A_1963 = vector.shape_cast %get3A_1962 : vector<16xi32> to vector<16xi32>
      %eq3A_1964 = arith.constant 1 : i32
      %eq3A_1965 = vector.broadcast %eq3A_1964 : i32 to vector<16xi32>
      %eq3A_1966 = arith.cmpi eq, %get3A_1963, %eq3A_1965 : vector<16xi32>
      %jit3A_1967 = arith.constant 1 : i32
      %jit3A_1968 = arith.constant 0 : i32
      %broadcast_in_dim3A_1969 = vector.broadcast %jit3A_1967 : i32 to vector<16xi32>
      %broadcast_in_dim3A_1970 = vector.broadcast %jit3A_1968 : i32 to vector<16xi32>
      %select_n3A_1971 = arith.select %eq3A_1966, %broadcast_in_dim3A_1969, %broadcast_in_dim3A_1970 : vector<16xi1>, vector<16xi32>
      %add3A_1972 = arith.addi %add3A_1062, %select_n3A_1971 : vector<16xi32>
      %get3A_1973 = arith.constant 16 : index
      %get3A_1974 = tpu.vector_load %arg8[%get3A_1973] {strides = array<i32>} : memref<128xi32, #tpu.memory_space<vmem>>, vector<16xi32>,
      %get3A_1975 = vector.shape_cast %get3A_1974 : vector<16xi32> to vector<16xi32>
      %eq3A_1976 = arith.constant 1 : i32
      %eq3A_1977 = vector.broadcast %eq3A_1976 : i32 to vector<16xi32>
      %eq3A_1978 = arith.cmpi eq, %get3A_1975, %eq3A_1977 : vector<16xi32>
      %jit3A_1979 = arith.constant 1 : i32
      %jit3A_1980 = arith.constant 0 : i32
      %broadcast_in_dim3A_1981 = vector.broadcast %jit3A_1979 : i32 to vector<16xi32>
      %broadcast_in_dim3A_1982 = vector.broadcast %jit3A_1980 : i32 to vector<16xi32>
      %select_n3A_1983 = arith.select %eq3A_1978, %broadcast_in_dim3A_1981, %broadcast_in_dim3A_1982 : vector<16xi1>, vector<16xi32>
      %add3A_1984 = arith.addi %add3A_1972, %select_n3A_1983 : vector<16xi32>
      %get3A_1985 = arith.constant 32 : index
      %get3A_1986 = tpu.vector_load %arg8[%get3A_1985] {strides = array<i32>} : memref<128xi32, #tpu.memory_space<vmem>>, vector<16xi32>,
      %get3A_1987 = vector.shape_cast %get3A_1986 : vector<16xi32> to vector<16xi32>
      %eq3A_1988 = arith.constant 1 : i32
      %eq3A_1989 = vector.broadcast %eq3A_1988 : i32 to vector<16xi32>
      %eq3A_1990 = arith.cmpi eq, %get3A_1987, %eq3A_1989 : vector<16xi32>
      %jit3A_1991 = arith.constant 1 : i32
      %jit3A_1992 = arith.constant 0 : i32
      %broadcast_in_dim3A_1993 = vector.broadcast %jit3A_1991 : i32 to vector<16xi32>
      %broadcast_in_dim3A_1994 = vector.broadcast %jit3A_1992 : i32 to vector<16xi32>
      %select_n3A_1995 = arith.select %eq3A_1990, %broadcast_in_dim3A_1993, %broadcast_in_dim3A_1994 : vector<16xi1>, vector<16xi32>
      %add3A_1996 = arith.addi %add3A_1984, %select_n3A_1995 : vector<16xi32>
      %get3A_1997 = arith.constant 48 : index
      %get3A_1998 = tpu.vector_load %arg8[%get3A_1997] {strides = array<i32>} : memref<128xi32, #tpu.memory_space<vmem>>, vector<16xi32>,
      %get3A_1999 = vector.shape_cast %get3A_1998 : vector<16xi32> to vector<16xi32>
      %eq3A_2000 = arith.constant 1 : i32
      %eq3A_2001 = vector.broadcast %eq3A_2000 : i32 to vector<16xi32>
      %eq3A_2002 = arith.cmpi eq, %get3A_1999, %eq3A_2001 : vector<16xi32>
      %jit3A_2003 = arith.constant 1 : i32
      %jit3A_2004 = arith.constant 0 : i32
      %broadcast_in_dim3A_2005 = vector.broadcast %jit3A_2003 : i32 to vector<16xi32>
      %broadcast_in_dim3A_2006 = vector.broadcast %jit3A_2004 : i32 to vector<16xi32>
      %select_n3A_2007 = arith.select %eq3A_2002, %broadcast_in_dim3A_2005, %broadcast_in_dim3A_2006 : vector<16xi1>, vector<16xi32>
      %add3A_2008 = arith.addi %add3A_1996, %select_n3A_2007 : vector<16xi32>
      %get3A_2009 = arith.constant 64 : index
      %get3A_2010 = tpu.vector_load %arg8[%get3A_2009] {strides = array<i32>} : memref<128xi32, #tpu.memory_space<vmem>>, vector<16xi32>,
      %get3A_2011 = vector.shape_cast %get3A_2010 : vector<16xi32> to vector<16xi32>
      %eq3A_2012 = arith.constant 1 : i32
      %eq3A_2013 = vector.broadcast %eq3A_2012 : i32 to vector<16xi32>
      %eq3A_2014 = arith.cmpi eq, %get3A_2011, %eq3A_2013 : vector<16xi32>
      %jit3A_2015 = arith.constant 1 : i32
      %jit3A_2016 = arith.constant 0 : i32
      %broadcast_in_dim3A_2017 = vector.broadcast %jit3A_2015 : i32 to vector<16xi32>
      %broadcast_in_dim3A_2018 = vector.broadcast %jit3A_2016 : i32 to vector<16xi32>
      %select_n3A_2019 = arith.select %eq3A_2014, %broadcast_in_dim3A_2017, %broadcast_in_dim3A_2018 : vector<16xi1>, vector<16xi32>
      %add3A_2020 = arith.addi %add3A_2008, %select_n3A_2019 : vector<16xi32>
      %get3A_2021 = arith.constant 80 : index
      %get3A_2022 = tpu.vector_load %arg8[%get3A_2021] {strides = array<i32>} : memref<128xi32, #tpu.memory_space<vmem>>, vector<16xi32>,
      %get3A_2023 = vector.shape_cast %get3A_2022 : vector<16xi32> to vector<16xi32>
      %eq3A_2024 = arith.constant 1 : i32
      %eq3A_2025 = vector.broadcast %eq3A_2024 : i32 to vector<16xi32>
      %eq3A_2026 = arith.cmpi eq, %get3A_2023, %eq3A_2025 : vector<16xi32>
      %jit3A_2027 = arith.constant 1 : i32
      %jit3A_2028 = arith.constant 0 : i32
      %broadcast_in_dim3A_2029 = vector.broadcast %jit3A_2027 : i32 to vector<16xi32>
      %broadcast_in_dim3A_2030 = vector.broadcast %jit3A_2028 : i32 to vector<16xi32>
      %select_n3A_2031 = arith.select %eq3A_2026, %broadcast_in_dim3A_2029, %broadcast_in_dim3A_2030 : vector<16xi1>, vector<16xi32>
      %add3A_2032 = arith.addi %add3A_2020, %select_n3A_2031 : vector<16xi32>
      %get3A_2033 = arith.constant 96 : index
      %get3A_2034 = tpu.vector_load %arg8[%get3A_2033] {strides = array<i32>} : memref<128xi32, #tpu.memory_space<vmem>>, vector<16xi32>,
      %get3A_2035 = vector.shape_cast %get3A_2034 : vector<16xi32> to vector<16xi32>
      %eq3A_2036 = arith.constant 1 : i32
      %eq3A_2037 = vector.broadcast %eq3A_2036 : i32 to vector<16xi32>
      %eq3A_2038 = arith.cmpi eq, %get3A_2035, %eq3A_2037 : vector<16xi32>
      %jit3A_2039 = arith.constant 1 : i32
      %jit3A_2040 = arith.constant 0 : i32
      %broadcast_in_dim3A_2041 = vector.broadcast %jit3A_2039 : i32 to vector<16xi32>
      %broadcast_in_dim3A_2042 = vector.broadcast %jit3A_2040 : i32 to vector<16xi32>
      %select_n3A_2043 = arith.select %eq3A_2038, %broadcast_in_dim3A_2041, %broadcast_in_dim3A_2042 : vector<16xi1>, vector<16xi32>
      %add3A_2044 = arith.addi %add3A_2032, %select_n3A_2043 : vector<16xi32>
      %get3A_2045 = arith.constant 112 : index
      %get3A_2046 = tpu.vector_load %arg8[%get3A_2045] {strides = array<i32>} : memref<128xi32, #tpu.memory_space<vmem>>, vector<16xi32>,
      %get3A_2047 = vector.shape_cast %get3A_2046 : vector<16xi32> to vector<16xi32>
      %eq3A_2048 = arith.constant 1 : i32
      %eq3A_2049 = vector.broadcast %eq3A_2048 : i32 to vector<16xi32>
      %eq3A_2050 = arith.cmpi eq, %get3A_2047, %eq3A_2049 : vector<16xi32>
      %jit3A_2051 = arith.constant 1 : i32
      %jit3A_2052 = arith.constant 0 : i32
      %broadcast_in_dim3A_2053 = vector.broadcast %jit3A_2051 : i32 to vector<16xi32>
      %broadcast_in_dim3A_2054 = vector.broadcast %jit3A_2052 : i32 to vector<16xi32>
      %select_n3A_2055 = arith.select %eq3A_2050, %broadcast_in_dim3A_2053, %broadcast_in_dim3A_2054 : vector<16xi1>, vector<16xi32>
      %add3A_2056 = arith.addi %add3A_2044, %select_n3A_2055 : vector<16xi32>
      %get3A_2057 = arith.constant 0 : index
      %get3A_2058 = tpu.vector_load %arg8[%get3A_2057] {strides = array<i32>} : memref<128xi32, #tpu.memory_space<vmem>>, vector<16xi32>,
      %get3A_2059 = vector.shape_cast %get3A_2058 : vector<16xi32> to vector<16xi32>
      %eq3A_2060 = arith.constant 2 : i32
      %eq3A_2061 = vector.broadcast %eq3A_2060 : i32 to vector<16xi32>
      %eq3A_2062 = arith.cmpi eq, %get3A_2059, %eq3A_2061 : vector<16xi32>
      %jit3A_2063 = arith.constant 1 : i32
      %jit3A_2064 = arith.constant 0 : i32
      %broadcast_in_dim3A_2065 = vector.broadcast %jit3A_2063 : i32 to vector<16xi32>
      %broadcast_in_dim3A_2066 = vector.broadcast %jit3A_2064 : i32 to vector<16xi32>
      %select_n3A_2067 = arith.select %eq3A_2062, %broadcast_in_dim3A_2065, %broadcast_in_dim3A_2066 : vector<16xi1>, vector<16xi32>
      %add3A_2068 = arith.addi %add3A_1158, %select_n3A_2067 : vector<16xi32>
      %get3A_2069 = arith.constant 16 : index
      %get3A_2070 = tpu.vector_load %arg8[%get3A_2069] {strides = array<i32>} : memref<128xi32, #tpu.memory_space<vmem>>, vector<16xi32>,
      %get3A_2071 = vector.shape_cast %get3A_2070 : vector<16xi32> to vector<16xi32>
      %eq3A_2072 = arith.constant 2 : i32
      %eq3A_2073 = vector.broadcast %eq3A_2072 : i32 to vector<16xi32>
      %eq3A_2074 = arith.cmpi eq, %get3A_2071, %eq3A_2073 : vector<16xi32>
      %jit3A_2075 = arith.constant 1 : i32
      %jit3A_2076 = arith.constant 0 : i32
      %broadcast_in_dim3A_2077 = vector.broadcast %jit3A_2075 : i32 to vector<16xi32>
      %broadcast_in_dim3A_2078 = vector.broadcast %jit3A_2076 : i32 to vector<16xi32>
      %select_n3A_2079 = arith.select %eq3A_2074, %broadcast_in_dim3A_2077, %broadcast_in_dim3A_2078 : vector<16xi1>, vector<16xi32>
      %add3A_2080 = arith.addi %add3A_2068, %select_n3A_2079 : vector<16xi32>
      %get3A_2081 = arith.constant 32 : index
      %get3A_2082 = tpu.vector_load %arg8[%get3A_2081] {strides = array<i32>} : memref<128xi32, #tpu.memory_space<vmem>>, vector<16xi32>,
      %get3A_2083 = vector.shape_cast %get3A_2082 : vector<16xi32> to vector<16xi32>
      %eq3A_2084 = arith.constant 2 : i32
      %eq3A_2085 = vector.broadcast %eq3A_2084 : i32 to vector<16xi32>
      %eq3A_2086 = arith.cmpi eq, %get3A_2083, %eq3A_2085 : vector<16xi32>
      %jit3A_2087 = arith.constant 1 : i32
      %jit3A_2088 = arith.constant 0 : i32
      %broadcast_in_dim3A_2089 = vector.broadcast %jit3A_2087 : i32 to vector<16xi32>
      %broadcast_in_dim3A_2090 = vector.broadcast %jit3A_2088 : i32 to vector<16xi32>
      %select_n3A_2091 = arith.select %eq3A_2086, %broadcast_in_dim3A_2089, %broadcast_in_dim3A_2090 : vector<16xi1>, vector<16xi32>
      %add3A_2092 = arith.addi %add3A_2080, %select_n3A_2091 : vector<16xi32>
      %get3A_2093 = arith.constant 48 : index
      %get3A_2094 = tpu.vector_load %arg8[%get3A_2093] {strides = array<i32>} : memref<128xi32, #tpu.memory_space<vmem>>, vector<16xi32>,
      %get3A_2095 = vector.shape_cast %get3A_2094 : vector<16xi32> to vector<16xi32>
      %eq3A_2096 = arith.constant 2 : i32
      %eq3A_2097 = vector.broadcast %eq3A_2096 : i32 to vector<16xi32>
      %eq3A_2098 = arith.cmpi eq, %get3A_2095, %eq3A_2097 : vector<16xi32>
      %jit3A_2099 = arith.constant 1 : i32
      %jit3A_2100 = arith.constant 0 : i32
      %broadcast_in_dim3A_2101 = vector.broadcast %jit3A_2099 : i32 to vector<16xi32>
      %broadcast_in_dim3A_2102 = vector.broadcast %jit3A_2100 : i32 to vector<16xi32>
      %select_n3A_2103 = arith.select %eq3A_2098, %broadcast_in_dim3A_2101, %broadcast_in_dim3A_2102 : vector<16xi1>, vector<16xi32>
      %add3A_2104 = arith.addi %add3A_2092, %select_n3A_2103 : vector<16xi32>
      %get3A_2105 = arith.constant 64 : index
      %get3A_2106 = tpu.vector_load %arg8[%get3A_2105] {strides = array<i32>} : memref<128xi32, #tpu.memory_space<vmem>>, vector<16xi32>,
      %get3A_2107 = vector.shape_cast %get3A_2106 : vector<16xi32> to vector<16xi32>
      %eq3A_2108 = arith.constant 2 : i32
      %eq3A_2109 = vector.broadcast %eq3A_2108 : i32 to vector<16xi32>
      %eq3A_2110 = arith.cmpi eq, %get3A_2107, %eq3A_2109 : vector<16xi32>
      %jit3A_2111 = arith.constant 1 : i32
      %jit3A_2112 = arith.constant 0 : i32
      %broadcast_in_dim3A_2113 = vector.broadcast %jit3A_2111 : i32 to vector<16xi32>
      %broadcast_in_dim3A_2114 = vector.broadcast %jit3A_2112 : i32 to vector<16xi32>
      %select_n3A_2115 = arith.select %eq3A_2110, %broadcast_in_dim3A_2113, %broadcast_in_dim3A_2114 : vector<16xi1>, vector<16xi32>
      %add3A_2116 = arith.addi %add3A_2104, %select_n3A_2115 : vector<16xi32>
      %get3A_2117 = arith.constant 80 : index
      %get3A_2118 = tpu.vector_load %arg8[%get3A_2117] {strides = array<i32>} : memref<128xi32, #tpu.memory_space<vmem>>, vector<16xi32>,
      %get3A_2119 = vector.shape_cast %get3A_2118 : vector<16xi32> to vector<16xi32>
      %eq3A_2120 = arith.constant 2 : i32
      %eq3A_2121 = vector.broadcast %eq3A_2120 : i32 to vector<16xi32>
      %eq3A_2122 = arith.cmpi eq, %get3A_2119, %eq3A_2121 : vector<16xi32>
      %jit3A_2123 = arith.constant 1 : i32
      %jit3A_2124 = arith.constant 0 : i32
      %broadcast_in_dim3A_2125 = vector.broadcast %jit3A_2123 : i32 to vector<16xi32>
      %broadcast_in_dim3A_2126 = vector.broadcast %jit3A_2124 : i32 to vector<16xi32>
      %select_n3A_2127 = arith.select %eq3A_2122, %broadcast_in_dim3A_2125, %broadcast_in_dim3A_2126 : vector<16xi1>, vector<16xi32>
      %add3A_2128 = arith.addi %add3A_2116, %select_n3A_2127 : vector<16xi32>
      %get3A_2129 = arith.constant 96 : index
      %get3A_2130 = tpu.vector_load %arg8[%get3A_2129] {strides = array<i32>} : memref<128xi32, #tpu.memory_space<vmem>>, vector<16xi32>,
      %get3A_2131 = vector.shape_cast %get3A_2130 : vector<16xi32> to vector<16xi32>
      %eq3A_2132 = arith.constant 2 : i32
      %eq3A_2133 = vector.broadcast %eq3A_2132 : i32 to vector<16xi32>
      %eq3A_2134 = arith.cmpi eq, %get3A_2131, %eq3A_2133 : vector<16xi32>
      %jit3A_2135 = arith.constant 1 : i32
      %jit3A_2136 = arith.constant 0 : i32
      %broadcast_in_dim3A_2137 = vector.broadcast %jit3A_2135 : i32 to vector<16xi32>
      %broadcast_in_dim3A_2138 = vector.broadcast %jit3A_2136 : i32 to vector<16xi32>
      %select_n3A_2139 = arith.select %eq3A_2134, %broadcast_in_dim3A_2137, %broadcast_in_dim3A_2138 : vector<16xi1>, vector<16xi32>
      %add3A_2140 = arith.addi %add3A_2128, %select_n3A_2139 : vector<16xi32>
      %get3A_2141 = arith.constant 112 : index
      %get3A_2142 = tpu.vector_load %arg8[%get3A_2141] {strides = array<i32>} : memref<128xi32, #tpu.memory_space<vmem>>, vector<16xi32>,
      %get3A_2143 = vector.shape_cast %get3A_2142 : vector<16xi32> to vector<16xi32>
      %eq3A_2144 = arith.constant 2 : i32
      %eq3A_2145 = vector.broadcast %eq3A_2144 : i32 to vector<16xi32>
      %eq3A_2146 = arith.cmpi eq, %get3A_2143, %eq3A_2145 : vector<16xi32>
      %jit3A_2147 = arith.constant 1 : i32
      %jit3A_2148 = arith.constant 0 : i32
      %broadcast_in_dim3A_2149 = vector.broadcast %jit3A_2147 : i32 to vector<16xi32>
      %broadcast_in_dim3A_2150 = vector.broadcast %jit3A_2148 : i32 to vector<16xi32>
      %select_n3A_2151 = arith.select %eq3A_2146, %broadcast_in_dim3A_2149, %broadcast_in_dim3A_2150 : vector<16xi1>, vector<16xi32>
      %add3A_2152 = arith.addi %add3A_2140, %select_n3A_2151 : vector<16xi32>
      %get3A_2153 = arith.constant 0 : index
      %get3A_2154 = tpu.vector_load %arg8[%get3A_2153] {strides = array<i32>} : memref<128xi32, #tpu.memory_space<vmem>>, vector<16xi32>,
      %get3A_2155 = vector.shape_cast %get3A_2154 : vector<16xi32> to vector<16xi32>
      %eq3A_2156 = arith.constant 3 : i32
      %eq3A_2157 = vector.broadcast %eq3A_2156 : i32 to vector<16xi32>
      %eq3A_2158 = arith.cmpi eq, %get3A_2155, %eq3A_2157 : vector<16xi32>
      %jit3A_2159 = arith.constant 1 : i32
      %jit3A_2160 = arith.constant 0 : i32
      %broadcast_in_dim3A_2161 = vector.broadcast %jit3A_2159 : i32 to vector<16xi32>
      %broadcast_in_dim3A_2162 = vector.broadcast %jit3A_2160 : i32 to vector<16xi32>
      %select_n3A_2163 = arith.select %eq3A_2158, %broadcast_in_dim3A_2161, %broadcast_in_dim3A_2162 : vector<16xi1>, vector<16xi32>
      %add3A_2164 = arith.addi %add3A_1254, %select_n3A_2163 : vector<16xi32>
      %get3A_2165 = arith.constant 16 : index
      %get3A_2166 = tpu.vector_load %arg8[%get3A_2165] {strides = array<i32>} : memref<128xi32, #tpu.memory_space<vmem>>, vector<16xi32>,
      %get3A_2167 = vector.shape_cast %get3A_2166 : vector<16xi32> to vector<16xi32>
      %eq3A_2168 = arith.constant 3 : i32
      %eq3A_2169 = vector.broadcast %eq3A_2168 : i32 to vector<16xi32>
      %eq3A_2170 = arith.cmpi eq, %get3A_2167, %eq3A_2169 : vector<16xi32>
      %jit3A_2171 = arith.constant 1 : i32
      %jit3A_2172 = arith.constant 0 : i32
      %broadcast_in_dim3A_2173 = vector.broadcast %jit3A_2171 : i32 to vector<16xi32>
      %broadcast_in_dim3A_2174 = vector.broadcast %jit3A_2172 : i32 to vector<16xi32>
      %select_n3A_2175 = arith.select %eq3A_2170, %broadcast_in_dim3A_2173, %broadcast_in_dim3A_2174 : vector<16xi1>, vector<16xi32>
      %add3A_2176 = arith.addi %add3A_2164, %select_n3A_2175 : vector<16xi32>
      %get3A_2177 = arith.constant 32 : index
      %get3A_2178 = tpu.vector_load %arg8[%get3A_2177] {strides = array<i32>} : memref<128xi32, #tpu.memory_space<vmem>>, vector<16xi32>,
      %get3A_2179 = vector.shape_cast %get3A_2178 : vector<16xi32> to vector<16xi32>
      %eq3A_2180 = arith.constant 3 : i32
      %eq3A_2181 = vector.broadcast %eq3A_2180 : i32 to vector<16xi32>
      %eq3A_2182 = arith.cmpi eq, %get3A_2179, %eq3A_2181 : vector<16xi32>
      %jit3A_2183 = arith.constant 1 : i32
      %jit3A_2184 = arith.constant 0 : i32
      %broadcast_in_dim3A_2185 = vector.broadcast %jit3A_2183 : i32 to vector<16xi32>
      %broadcast_in_dim3A_2186 = vector.broadcast %jit3A_2184 : i32 to vector<16xi32>
      %select_n3A_2187 = arith.select %eq3A_2182, %broadcast_in_dim3A_2185, %broadcast_in_dim3A_2186 : vector<16xi1>, vector<16xi32>
      %add3A_2188 = arith.addi %add3A_2176, %select_n3A_2187 : vector<16xi32>
      %get3A_2189 = arith.constant 48 : index
      %get3A_2190 = tpu.vector_load %arg8[%get3A_2189] {strides = array<i32>} : memref<128xi32, #tpu.memory_space<vmem>>, vector<16xi32>,
      %get3A_2191 = vector.shape_cast %get3A_2190 : vector<16xi32> to vector<16xi32>
      %eq3A_2192 = arith.constant 3 : i32
      %eq3A_2193 = vector.broadcast %eq3A_2192 : i32 to vector<16xi32>
      %eq3A_2194 = arith.cmpi eq, %get3A_2191, %eq3A_2193 : vector<16xi32>
      %jit3A_2195 = arith.constant 1 : i32
      %jit3A_2196 = arith.constant 0 : i32
      %broadcast_in_dim3A_2197 = vector.broadcast %jit3A_2195 : i32 to vector<16xi32>
      %broadcast_in_dim3A_2198 = vector.broadcast %jit3A_2196 : i32 to vector<16xi32>
      %select_n3A_2199 = arith.select %eq3A_2194, %broadcast_in_dim3A_2197, %broadcast_in_dim3A_2198 : vector<16xi1>, vector<16xi32>
      %add3A_2200 = arith.addi %add3A_2188, %select_n3A_2199 : vector<16xi32>
      %get3A_2201 = arith.constant 64 : index
      %get3A_2202 = tpu.vector_load %arg8[%get3A_2201] {strides = array<i32>} : memref<128xi32, #tpu.memory_space<vmem>>, vector<16xi32>,
      %get3A_2203 = vector.shape_cast %get3A_2202 : vector<16xi32> to vector<16xi32>
      %eq3A_2204 = arith.constant 3 : i32
      %eq3A_2205 = vector.broadcast %eq3A_2204 : i32 to vector<16xi32>
      %eq3A_2206 = arith.cmpi eq, %get3A_2203, %eq3A_2205 : vector<16xi32>
      %jit3A_2207 = arith.constant 1 : i32
      %jit3A_2208 = arith.constant 0 : i32
      %broadcast_in_dim3A_2209 = vector.broadcast %jit3A_2207 : i32 to vector<16xi32>
      %broadcast_in_dim3A_2210 = vector.broadcast %jit3A_2208 : i32 to vector<16xi32>
      %select_n3A_2211 = arith.select %eq3A_2206, %broadcast_in_dim3A_2209, %broadcast_in_dim3A_2210 : vector<16xi1>, vector<16xi32>
      %add3A_2212 = arith.addi %add3A_2200, %select_n3A_2211 : vector<16xi32>
      %get3A_2213 = arith.constant 80 : index
      %get3A_2214 = tpu.vector_load %arg8[%get3A_2213] {strides = array<i32>} : memref<128xi32, #tpu.memory_space<vmem>>, vector<16xi32>,
      %get3A_2215 = vector.shape_cast %get3A_2214 : vector<16xi32> to vector<16xi32>
      %eq3A_2216 = arith.constant 3 : i32
      %eq3A_2217 = vector.broadcast %eq3A_2216 : i32 to vector<16xi32>
      %eq3A_2218 = arith.cmpi eq, %get3A_2215, %eq3A_2217 : vector<16xi32>
      %jit3A_2219 = arith.constant 1 : i32
      %jit3A_2220 = arith.constant 0 : i32
      %broadcast_in_dim3A_2221 = vector.broadcast %jit3A_2219 : i32 to vector<16xi32>
      %broadcast_in_dim3A_2222 = vector.broadcast %jit3A_2220 : i32 to vector<16xi32>
      %select_n3A_2223 = arith.select %eq3A_2218, %broadcast_in_dim3A_2221, %broadcast_in_dim3A_2222 : vector<16xi1>, vector<16xi32>
      %add3A_2224 = arith.addi %add3A_2212, %select_n3A_2223 : vector<16xi32>
      %get3A_2225 = arith.constant 96 : index
      %get3A_2226 = tpu.vector_load %arg8[%get3A_2225] {strides = array<i32>} : memref<128xi32, #tpu.memory_space<vmem>>, vector<16xi32>,
      %get3A_2227 = vector.shape_cast %get3A_2226 : vector<16xi32> to vector<16xi32>
      %eq3A_2228 = arith.constant 3 : i32
      %eq3A_2229 = vector.broadcast %eq3A_2228 : i32 to vector<16xi32>
      %eq3A_2230 = arith.cmpi eq, %get3A_2227, %eq3A_2229 : vector<16xi32>
      %jit3A_2231 = arith.constant 1 : i32
      %jit3A_2232 = arith.constant 0 : i32
      %broadcast_in_dim3A_2233 = vector.broadcast %jit3A_2231 : i32 to vector<16xi32>
      %broadcast_in_dim3A_2234 = vector.broadcast %jit3A_2232 : i32 to vector<16xi32>
      %select_n3A_2235 = arith.select %eq3A_2230, %broadcast_in_dim3A_2233, %broadcast_in_dim3A_2234 : vector<16xi1>, vector<16xi32>
      %add3A_2236 = arith.addi %add3A_2224, %select_n3A_2235 : vector<16xi32>
      %get3A_2237 = arith.constant 112 : index
      %get3A_2238 = tpu.vector_load %arg8[%get3A_2237] {strides = array<i32>} : memref<128xi32, #tpu.memory_space<vmem>>, vector<16xi32>,
      %get3A_2239 = vector.shape_cast %get3A_2238 : vector<16xi32> to vector<16xi32>
      %eq3A_2240 = arith.constant 3 : i32
      %eq3A_2241 = vector.broadcast %eq3A_2240 : i32 to vector<16xi32>
      %eq3A_2242 = arith.cmpi eq, %get3A_2239, %eq3A_2241 : vector<16xi32>
      %jit3A_2243 = arith.constant 1 : i32
      %jit3A_2244 = arith.constant 0 : i32
      %broadcast_in_dim3A_2245 = vector.broadcast %jit3A_2243 : i32 to vector<16xi32>
      %broadcast_in_dim3A_2246 = vector.broadcast %jit3A_2244 : i32 to vector<16xi32>
      %select_n3A_2247 = arith.select %eq3A_2242, %broadcast_in_dim3A_2245, %broadcast_in_dim3A_2246 : vector<16xi1>, vector<16xi32>
      %add3A_2248 = arith.addi %add3A_2236, %select_n3A_2247 : vector<16xi32>
      %get3A_2249 = arith.constant 0 : index
      %get3A_2250 = tpu.vector_load %arg8[%get3A_2249] {strides = array<i32>} : memref<128xi32, #tpu.memory_space<vmem>>, vector<16xi32>,
      %get3A_2251 = vector.shape_cast %get3A_2250 : vector<16xi32> to vector<16xi32>
      %eq3A_2252 = arith.constant 4 : i32
      %eq3A_2253 = vector.broadcast %eq3A_2252 : i32 to vector<16xi32>
      %eq3A_2254 = arith.cmpi eq, %get3A_2251, %eq3A_2253 : vector<16xi32>
      %jit3A_2255 = arith.constant 1 : i32
      %jit3A_2256 = arith.constant 0 : i32
      %broadcast_in_dim3A_2257 = vector.broadcast %jit3A_2255 : i32 to vector<16xi32>
      %broadcast_in_dim3A_2258 = vector.broadcast %jit3A_2256 : i32 to vector<16xi32>
      %select_n3A_2259 = arith.select %eq3A_2254, %broadcast_in_dim3A_2257, %broadcast_in_dim3A_2258 : vector<16xi1>, vector<16xi32>
      %add3A_2260 = arith.addi %add3A_1350, %select_n3A_2259 : vector<16xi32>
      %get3A_2261 = arith.constant 16 : index
      %get3A_2262 = tpu.vector_load %arg8[%get3A_2261] {strides = array<i32>} : memref<128xi32, #tpu.memory_space<vmem>>, vector<16xi32>,
      %get3A_2263 = vector.shape_cast %get3A_2262 : vector<16xi32> to vector<16xi32>
      %eq3A_2264 = arith.constant 4 : i32
      %eq3A_2265 = vector.broadcast %eq3A_2264 : i32 to vector<16xi32>
      %eq3A_2266 = arith.cmpi eq, %get3A_2263, %eq3A_2265 : vector<16xi32>
      %jit3A_2267 = arith.constant 1 : i32
      %jit3A_2268 = arith.constant 0 : i32
      %broadcast_in_dim3A_2269 = vector.broadcast %jit3A_2267 : i32 to vector<16xi32>
      %broadcast_in_dim3A_2270 = vector.broadcast %jit3A_2268 : i32 to vector<16xi32>
      %select_n3A_2271 = arith.select %eq3A_2266, %broadcast_in_dim3A_2269, %broadcast_in_dim3A_2270 : vector<16xi1>, vector<16xi32>
      %add3A_2272 = arith.addi %add3A_2260, %select_n3A_2271 : vector<16xi32>
      %get3A_2273 = arith.constant 32 : index
      %get3A_2274 = tpu.vector_load %arg8[%get3A_2273] {strides = array<i32>} : memref<128xi32, #tpu.memory_space<vmem>>, vector<16xi32>,
      %get3A_2275 = vector.shape_cast %get3A_2274 : vector<16xi32> to vector<16xi32>
      %eq3A_2276 = arith.constant 4 : i32
      %eq3A_2277 = vector.broadcast %eq3A_2276 : i32 to vector<16xi32>
      %eq3A_2278 = arith.cmpi eq, %get3A_2275, %eq3A_2277 : vector<16xi32>
      %jit3A_2279 = arith.constant 1 : i32
      %jit3A_2280 = arith.constant 0 : i32
      %broadcast_in_dim3A_2281 = vector.broadcast %jit3A_2279 : i32 to vector<16xi32>
      %broadcast_in_dim3A_2282 = vector.broadcast %jit3A_2280 : i32 to vector<16xi32>
      %select_n3A_2283 = arith.select %eq3A_2278, %broadcast_in_dim3A_2281, %broadcast_in_dim3A_2282 : vector<16xi1>, vector<16xi32>
      %add3A_2284 = arith.addi %add3A_2272, %select_n3A_2283 : vector<16xi32>
      %get3A_2285 = arith.constant 48 : index
      %get3A_2286 = tpu.vector_load %arg8[%get3A_2285] {strides = array<i32>} : memref<128xi32, #tpu.memory_space<vmem>>, vector<16xi32>,
      %get3A_2287 = vector.shape_cast %get3A_2286 : vector<16xi32> to vector<16xi32>
      %eq3A_2288 = arith.constant 4 : i32
      %eq3A_2289 = vector.broadcast %eq3A_2288 : i32 to vector<16xi32>
      %eq3A_2290 = arith.cmpi eq, %get3A_2287, %eq3A_2289 : vector<16xi32>
      %jit3A_2291 = arith.constant 1 : i32
      %jit3A_2292 = arith.constant 0 : i32
      %broadcast_in_dim3A_2293 = vector.broadcast %jit3A_2291 : i32 to vector<16xi32>
      %broadcast_in_dim3A_2294 = vector.broadcast %jit3A_2292 : i32 to vector<16xi32>
      %select_n3A_2295 = arith.select %eq3A_2290, %broadcast_in_dim3A_2293, %broadcast_in_dim3A_2294 : vector<16xi1>, vector<16xi32>
      %add3A_2296 = arith.addi %add3A_2284, %select_n3A_2295 : vector<16xi32>
      %get3A_2297 = arith.constant 64 : index
      %get3A_2298 = tpu.vector_load %arg8[%get3A_2297] {strides = array<i32>} : memref<128xi32, #tpu.memory_space<vmem>>, vector<16xi32>,
      %get3A_2299 = vector.shape_cast %get3A_2298 : vector<16xi32> to vector<16xi32>
      %eq3A_2300 = arith.constant 4 : i32
      %eq3A_2301 = vector.broadcast %eq3A_2300 : i32 to vector<16xi32>
      %eq3A_2302 = arith.cmpi eq, %get3A_2299, %eq3A_2301 : vector<16xi32>
      %jit3A_2303 = arith.constant 1 : i32
      %jit3A_2304 = arith.constant 0 : i32
      %broadcast_in_dim3A_2305 = vector.broadcast %jit3A_2303 : i32 to vector<16xi32>
      %broadcast_in_dim3A_2306 = vector.broadcast %jit3A_2304 : i32 to vector<16xi32>
      %select_n3A_2307 = arith.select %eq3A_2302, %broadcast_in_dim3A_2305, %broadcast_in_dim3A_2306 : vector<16xi1>, vector<16xi32>
      %add3A_2308 = arith.addi %add3A_2296, %select_n3A_2307 : vector<16xi32>
      %get3A_2309 = arith.constant 80 : index
      %get3A_2310 = tpu.vector_load %arg8[%get3A_2309] {strides = array<i32>} : memref<128xi32, #tpu.memory_space<vmem>>, vector<16xi32>,
      %get3A_2311 = vector.shape_cast %get3A_2310 : vector<16xi32> to vector<16xi32>
      %eq3A_2312 = arith.constant 4 : i32
      %eq3A_2313 = vector.broadcast %eq3A_2312 : i32 to vector<16xi32>
      %eq3A_2314 = arith.cmpi eq, %get3A_2311, %eq3A_2313 : vector<16xi32>
      %jit3A_2315 = arith.constant 1 : i32
      %jit3A_2316 = arith.constant 0 : i32
      %broadcast_in_dim3A_2317 = vector.broadcast %jit3A_2315 : i32 to vector<16xi32>
      %broadcast_in_dim3A_2318 = vector.broadcast %jit3A_2316 : i32 to vector<16xi32>
      %select_n3A_2319 = arith.select %eq3A_2314, %broadcast_in_dim3A_2317, %broadcast_in_dim3A_2318 : vector<16xi1>, vector<16xi32>
      %add3A_2320 = arith.addi %add3A_2308, %select_n3A_2319 : vector<16xi32>
      %get3A_2321 = arith.constant 96 : index
      %get3A_2322 = tpu.vector_load %arg8[%get3A_2321] {strides = array<i32>} : memref<128xi32, #tpu.memory_space<vmem>>, vector<16xi32>,
      %get3A_2323 = vector.shape_cast %get3A_2322 : vector<16xi32> to vector<16xi32>
      %eq3A_2324 = arith.constant 4 : i32
      %eq3A_2325 = vector.broadcast %eq3A_2324 : i32 to vector<16xi32>
      %eq3A_2326 = arith.cmpi eq, %get3A_2323, %eq3A_2325 : vector<16xi32>
      %jit3A_2327 = arith.constant 1 : i32
      %jit3A_2328 = arith.constant 0 : i32
      %broadcast_in_dim3A_2329 = vector.broadcast %jit3A_2327 : i32 to vector<16xi32>
      %broadcast_in_dim3A_2330 = vector.broadcast %jit3A_2328 : i32 to vector<16xi32>
      %select_n3A_2331 = arith.select %eq3A_2326, %broadcast_in_dim3A_2329, %broadcast_in_dim3A_2330 : vector<16xi1>, vector<16xi32>
      %add3A_2332 = arith.addi %add3A_2320, %select_n3A_2331 : vector<16xi32>
      %get3A_2333 = arith.constant 112 : index
      %get3A_2334 = tpu.vector_load %arg8[%get3A_2333] {strides = array<i32>} : memref<128xi32, #tpu.memory_space<vmem>>, vector<16xi32>,
      %get3A_2335 = vector.shape_cast %get3A_2334 : vector<16xi32> to vector<16xi32>
      %eq3A_2336 = arith.constant 4 : i32
      %eq3A_2337 = vector.broadcast %eq3A_2336 : i32 to vector<16xi32>
      %eq3A_2338 = arith.cmpi eq, %get3A_2335, %eq3A_2337 : vector<16xi32>
      %jit3A_2339 = arith.constant 1 : i32
      %jit3A_2340 = arith.constant 0 : i32
      %broadcast_in_dim3A_2341 = vector.broadcast %jit3A_2339 : i32 to vector<16xi32>
      %broadcast_in_dim3A_2342 = vector.broadcast %jit3A_2340 : i32 to vector<16xi32>
      %select_n3A_2343 = arith.select %eq3A_2338, %broadcast_in_dim3A_2341, %broadcast_in_dim3A_2342 : vector<16xi1>, vector<16xi32>
      %add3A_2344 = arith.addi %add3A_2332, %select_n3A_2343 : vector<16xi32>
      %get3A_2345 = arith.constant 0 : index
      %get3A_2346 = tpu.vector_load %arg8[%get3A_2345] {strides = array<i32>} : memref<128xi32, #tpu.memory_space<vmem>>, vector<16xi32>,
      %get3A_2347 = vector.shape_cast %get3A_2346 : vector<16xi32> to vector<16xi32>
      %eq3A_2348 = arith.constant 5 : i32
      %eq3A_2349 = vector.broadcast %eq3A_2348 : i32 to vector<16xi32>
      %eq3A_2350 = arith.cmpi eq, %get3A_2347, %eq3A_2349 : vector<16xi32>
      %jit3A_2351 = arith.constant 1 : i32
      %jit3A_2352 = arith.constant 0 : i32
      %broadcast_in_dim3A_2353 = vector.broadcast %jit3A_2351 : i32 to vector<16xi32>
      %broadcast_in_dim3A_2354 = vector.broadcast %jit3A_2352 : i32 to vector<16xi32>
      %select_n3A_2355 = arith.select %eq3A_2350, %broadcast_in_dim3A_2353, %broadcast_in_dim3A_2354 : vector<16xi1>, vector<16xi32>
      %add3A_2356 = arith.addi %add3A_1446, %select_n3A_2355 : vector<16xi32>
      %get3A_2357 = arith.constant 16 : index
      %get3A_2358 = tpu.vector_load %arg8[%get3A_2357] {strides = array<i32>} : memref<128xi32, #tpu.memory_space<vmem>>, vector<16xi32>,
      %get3A_2359 = vector.shape_cast %get3A_2358 : vector<16xi32> to vector<16xi32>
      %eq3A_2360 = arith.constant 5 : i32
      %eq3A_2361 = vector.broadcast %eq3A_2360 : i32 to vector<16xi32>
      %eq3A_2362 = arith.cmpi eq, %get3A_2359, %eq3A_2361 : vector<16xi32>
      %jit3A_2363 = arith.constant 1 : i32
      %jit3A_2364 = arith.constant 0 : i32
      %broadcast_in_dim3A_2365 = vector.broadcast %jit3A_2363 : i32 to vector<16xi32>
      %broadcast_in_dim3A_2366 = vector.broadcast %jit3A_2364 : i32 to vector<16xi32>
      %select_n3A_2367 = arith.select %eq3A_2362, %broadcast_in_dim3A_2365, %broadcast_in_dim3A_2366 : vector<16xi1>, vector<16xi32>
      %add3A_2368 = arith.addi %add3A_2356, %select_n3A_2367 : vector<16xi32>
      %get3A_2369 = arith.constant 32 : index
      %get3A_2370 = tpu.vector_load %arg8[%get3A_2369] {strides = array<i32>} : memref<128xi32, #tpu.memory_space<vmem>>, vector<16xi32>,
      %get3A_2371 = vector.shape_cast %get3A_2370 : vector<16xi32> to vector<16xi32>
      %eq3A_2372 = arith.constant 5 : i32
      %eq3A_2373 = vector.broadcast %eq3A_2372 : i32 to vector<16xi32>
      %eq3A_2374 = arith.cmpi eq, %get3A_2371, %eq3A_2373 : vector<16xi32>
      %jit3A_2375 = arith.constant 1 : i32
      %jit3A_2376 = arith.constant 0 : i32
      %broadcast_in_dim3A_2377 = vector.broadcast %jit3A_2375 : i32 to vector<16xi32>
      %broadcast_in_dim3A_2378 = vector.broadcast %jit3A_2376 : i32 to vector<16xi32>
      %select_n3A_2379 = arith.select %eq3A_2374, %broadcast_in_dim3A_2377, %broadcast_in_dim3A_2378 : vector<16xi1>, vector<16xi32>
      %add3A_2380 = arith.addi %add3A_2368, %select_n3A_2379 : vector<16xi32>
      %get3A_2381 = arith.constant 48 : index
      %get3A_2382 = tpu.vector_load %arg8[%get3A_2381] {strides = array<i32>} : memref<128xi32, #tpu.memory_space<vmem>>, vector<16xi32>,
      %get3A_2383 = vector.shape_cast %get3A_2382 : vector<16xi32> to vector<16xi32>
      %eq3A_2384 = arith.constant 5 : i32
      %eq3A_2385 = vector.broadcast %eq3A_2384 : i32 to vector<16xi32>
      %eq3A_2386 = arith.cmpi eq, %get3A_2383, %eq3A_2385 : vector<16xi32>
      %jit3A_2387 = arith.constant 1 : i32
      %jit3A_2388 = arith.constant 0 : i32
      %broadcast_in_dim3A_2389 = vector.broadcast %jit3A_2387 : i32 to vector<16xi32>
      %broadcast_in_dim3A_2390 = vector.broadcast %jit3A_2388 : i32 to vector<16xi32>
      %select_n3A_2391 = arith.select %eq3A_2386, %broadcast_in_dim3A_2389, %broadcast_in_dim3A_2390 : vector<16xi1>, vector<16xi32>
      %add3A_2392 = arith.addi %add3A_2380, %select_n3A_2391 : vector<16xi32>
      %get3A_2393 = arith.constant 64 : index
      %get3A_2394 = tpu.vector_load %arg8[%get3A_2393] {strides = array<i32>} : memref<128xi32, #tpu.memory_space<vmem>>, vector<16xi32>,
      %get3A_2395 = vector.shape_cast %get3A_2394 : vector<16xi32> to vector<16xi32>
      %eq3A_2396 = arith.constant 5 : i32
      %eq3A_2397 = vector.broadcast %eq3A_2396 : i32 to vector<16xi32>
      %eq3A_2398 = arith.cmpi eq, %get3A_2395, %eq3A_2397 : vector<16xi32>
      %jit3A_2399 = arith.constant 1 : i32
      %jit3A_2400 = arith.constant 0 : i32
      %broadcast_in_dim3A_2401 = vector.broadcast %jit3A_2399 : i32 to vector<16xi32>
      %broadcast_in_dim3A_2402 = vector.broadcast %jit3A_2400 : i32 to vector<16xi32>
      %select_n3A_2403 = arith.select %eq3A_2398, %broadcast_in_dim3A_2401, %broadcast_in_dim3A_2402 : vector<16xi1>, vector<16xi32>
      %add3A_2404 = arith.addi %add3A_2392, %select_n3A_2403 : vector<16xi32>
      %get3A_2405 = arith.constant 80 : index
      %get3A_2406 = tpu.vector_load %arg8[%get3A_2405] {strides = array<i32>} : memref<128xi32, #tpu.memory_space<vmem>>, vector<16xi32>,
      %get3A_2407 = vector.shape_cast %get3A_2406 : vector<16xi32> to vector<16xi32>
      %eq3A_2408 = arith.constant 5 : i32
      %eq3A_2409 = vector.broadcast %eq3A_2408 : i32 to vector<16xi32>
      %eq3A_2410 = arith.cmpi eq, %get3A_2407, %eq3A_2409 : vector<16xi32>
      %jit3A_2411 = arith.constant 1 : i32
      %jit3A_2412 = arith.constant 0 : i32
      %broadcast_in_dim3A_2413 = vector.broadcast %jit3A_2411 : i32 to vector<16xi32>
      %broadcast_in_dim3A_2414 = vector.broadcast %jit3A_2412 : i32 to vector<16xi32>
      %select_n3A_2415 = arith.select %eq3A_2410, %broadcast_in_dim3A_2413, %broadcast_in_dim3A_2414 : vector<16xi1>, vector<16xi32>
      %add3A_2416 = arith.addi %add3A_2404, %select_n3A_2415 : vector<16xi32>
      %get3A_2417 = arith.constant 96 : index
      %get3A_2418 = tpu.vector_load %arg8[%get3A_2417] {strides = array<i32>} : memref<128xi32, #tpu.memory_space<vmem>>, vector<16xi32>,
      %get3A_2419 = vector.shape_cast %get3A_2418 : vector<16xi32> to vector<16xi32>
      %eq3A_2420 = arith.constant 5 : i32
      %eq3A_2421 = vector.broadcast %eq3A_2420 : i32 to vector<16xi32>
      %eq3A_2422 = arith.cmpi eq, %get3A_2419, %eq3A_2421 : vector<16xi32>
      %jit3A_2423 = arith.constant 1 : i32
      %jit3A_2424 = arith.constant 0 : i32
      %broadcast_in_dim3A_2425 = vector.broadcast %jit3A_2423 : i32 to vector<16xi32>
      %broadcast_in_dim3A_2426 = vector.broadcast %jit3A_2424 : i32 to vector<16xi32>
      %select_n3A_2427 = arith.select %eq3A_2422, %broadcast_in_dim3A_2425, %broadcast_in_dim3A_2426 : vector<16xi1>, vector<16xi32>
      %add3A_2428 = arith.addi %add3A_2416, %select_n3A_2427 : vector<16xi32>
      %get3A_2429 = arith.constant 112 : index
      %get3A_2430 = tpu.vector_load %arg8[%get3A_2429] {strides = array<i32>} : memref<128xi32, #tpu.memory_space<vmem>>, vector<16xi32>,
      %get3A_2431 = vector.shape_cast %get3A_2430 : vector<16xi32> to vector<16xi32>
      %eq3A_2432 = arith.constant 5 : i32
      %eq3A_2433 = vector.broadcast %eq3A_2432 : i32 to vector<16xi32>
      %eq3A_2434 = arith.cmpi eq, %get3A_2431, %eq3A_2433 : vector<16xi32>
      %jit3A_2435 = arith.constant 1 : i32
      %jit3A_2436 = arith.constant 0 : i32
      %broadcast_in_dim3A_2437 = vector.broadcast %jit3A_2435 : i32 to vector<16xi32>
      %broadcast_in_dim3A_2438 = vector.broadcast %jit3A_2436 : i32 to vector<16xi32>
      %select_n3A_2439 = arith.select %eq3A_2434, %broadcast_in_dim3A_2437, %broadcast_in_dim3A_2438 : vector<16xi1>, vector<16xi32>
      %add3A_2440 = arith.addi %add3A_2428, %select_n3A_2439 : vector<16xi32>
      %get3A_2441 = arith.constant 0 : index
      %get3A_2442 = tpu.vector_load %arg8[%get3A_2441] {strides = array<i32>} : memref<128xi32, #tpu.memory_space<vmem>>, vector<16xi32>,
      %get3A_2443 = vector.shape_cast %get3A_2442 : vector<16xi32> to vector<16xi32>
      %eq3A_2444 = arith.constant 6 : i32
      %eq3A_2445 = vector.broadcast %eq3A_2444 : i32 to vector<16xi32>
      %eq3A_2446 = arith.cmpi eq, %get3A_2443, %eq3A_2445 : vector<16xi32>
      %jit3A_2447 = arith.constant 1 : i32
      %jit3A_2448 = arith.constant 0 : i32
      %broadcast_in_dim3A_2449 = vector.broadcast %jit3A_2447 : i32 to vector<16xi32>
      %broadcast_in_dim3A_2450 = vector.broadcast %jit3A_2448 : i32 to vector<16xi32>
      %select_n3A_2451 = arith.select %eq3A_2446, %broadcast_in_dim3A_2449, %broadcast_in_dim3A_2450 : vector<16xi1>, vector<16xi32>
      %add3A_2452 = arith.addi %add3A_1542, %select_n3A_2451 : vector<16xi32>
      %get3A_2453 = arith.constant 16 : index
      %get3A_2454 = tpu.vector_load %arg8[%get3A_2453] {strides = array<i32>} : memref<128xi32, #tpu.memory_space<vmem>>, vector<16xi32>,
      %get3A_2455 = vector.shape_cast %get3A_2454 : vector<16xi32> to vector<16xi32>
      %eq3A_2456 = arith.constant 6 : i32
      %eq3A_2457 = vector.broadcast %eq3A_2456 : i32 to vector<16xi32>
      %eq3A_2458 = arith.cmpi eq, %get3A_2455, %eq3A_2457 : vector<16xi32>
      %jit3A_2459 = arith.constant 1 : i32
      %jit3A_2460 = arith.constant 0 : i32
      %broadcast_in_dim3A_2461 = vector.broadcast %jit3A_2459 : i32 to vector<16xi32>
      %broadcast_in_dim3A_2462 = vector.broadcast %jit3A_2460 : i32 to vector<16xi32>
      %select_n3A_2463 = arith.select %eq3A_2458, %broadcast_in_dim3A_2461, %broadcast_in_dim3A_2462 : vector<16xi1>, vector<16xi32>
      %add3A_2464 = arith.addi %add3A_2452, %select_n3A_2463 : vector<16xi32>
      %get3A_2465 = arith.constant 32 : index
      %get3A_2466 = tpu.vector_load %arg8[%get3A_2465] {strides = array<i32>} : memref<128xi32, #tpu.memory_space<vmem>>, vector<16xi32>,
      %get3A_2467 = vector.shape_cast %get3A_2466 : vector<16xi32> to vector<16xi32>
      %eq3A_2468 = arith.constant 6 : i32
      %eq3A_2469 = vector.broadcast %eq3A_2468 : i32 to vector<16xi32>
      %eq3A_2470 = arith.cmpi eq, %get3A_2467, %eq3A_2469 : vector<16xi32>
      %jit3A_2471 = arith.constant 1 : i32
      %jit3A_2472 = arith.constant 0 : i32
      %broadcast_in_dim3A_2473 = vector.broadcast %jit3A_2471 : i32 to vector<16xi32>
      %broadcast_in_dim3A_2474 = vector.broadcast %jit3A_2472 : i32 to vector<16xi32>
      %select_n3A_2475 = arith.select %eq3A_2470, %broadcast_in_dim3A_2473, %broadcast_in_dim3A_2474 : vector<16xi1>, vector<16xi32>
      %add3A_2476 = arith.addi %add3A_2464, %select_n3A_2475 : vector<16xi32>
      %get3A_2477 = arith.constant 48 : index
      %get3A_2478 = tpu.vector_load %arg8[%get3A_2477] {strides = array<i32>} : memref<128xi32, #tpu.memory_space<vmem>>, vector<16xi32>,
      %get3A_2479 = vector.shape_cast %get3A_2478 : vector<16xi32> to vector<16xi32>
      %eq3A_2480 = arith.constant 6 : i32
      %eq3A_2481 = vector.broadcast %eq3A_2480 : i32 to vector<16xi32>
      %eq3A_2482 = arith.cmpi eq, %get3A_2479, %eq3A_2481 : vector<16xi32>
      %jit3A_2483 = arith.constant 1 : i32
      %jit3A_2484 = arith.constant 0 : i32
      %broadcast_in_dim3A_2485 = vector.broadcast %jit3A_2483 : i32 to vector<16xi32>
      %broadcast_in_dim3A_2486 = vector.broadcast %jit3A_2484 : i32 to vector<16xi32>
      %select_n3A_2487 = arith.select %eq3A_2482, %broadcast_in_dim3A_2485, %broadcast_in_dim3A_2486 : vector<16xi1>, vector<16xi32>
      %add3A_2488 = arith.addi %add3A_2476, %select_n3A_2487 : vector<16xi32>
      %get3A_2489 = arith.constant 64 : index
      %get3A_2490 = tpu.vector_load %arg8[%get3A_2489] {strides = array<i32>} : memref<128xi32, #tpu.memory_space<vmem>>, vector<16xi32>,
      %get3A_2491 = vector.shape_cast %get3A_2490 : vector<16xi32> to vector<16xi32>
      %eq3A_2492 = arith.constant 6 : i32
      %eq3A_2493 = vector.broadcast %eq3A_2492 : i32 to vector<16xi32>
      %eq3A_2494 = arith.cmpi eq, %get3A_2491, %eq3A_2493 : vector<16xi32>
      %jit3A_2495 = arith.constant 1 : i32
      %jit3A_2496 = arith.constant 0 : i32
      %broadcast_in_dim3A_2497 = vector.broadcast %jit3A_2495 : i32 to vector<16xi32>
      %broadcast_in_dim3A_2498 = vector.broadcast %jit3A_2496 : i32 to vector<16xi32>
      %select_n3A_2499 = arith.select %eq3A_2494, %broadcast_in_dim3A_2497, %broadcast_in_dim3A_2498 : vector<16xi1>, vector<16xi32>
      %add3A_2500 = arith.addi %add3A_2488, %select_n3A_2499 : vector<16xi32>
      %get3A_2501 = arith.constant 80 : index
      %get3A_2502 = tpu.vector_load %arg8[%get3A_2501] {strides = array<i32>} : memref<128xi32, #tpu.memory_space<vmem>>, vector<16xi32>,
      %get3A_2503 = vector.shape_cast %get3A_2502 : vector<16xi32> to vector<16xi32>
      %eq3A_2504 = arith.constant 6 : i32
      %eq3A_2505 = vector.broadcast %eq3A_2504 : i32 to vector<16xi32>
      %eq3A_2506 = arith.cmpi eq, %get3A_2503, %eq3A_2505 : vector<16xi32>
      %jit3A_2507 = arith.constant 1 : i32
      %jit3A_2508 = arith.constant 0 : i32
      %broadcast_in_dim3A_2509 = vector.broadcast %jit3A_2507 : i32 to vector<16xi32>
      %broadcast_in_dim3A_2510 = vector.broadcast %jit3A_2508 : i32 to vector<16xi32>
      %select_n3A_2511 = arith.select %eq3A_2506, %broadcast_in_dim3A_2509, %broadcast_in_dim3A_2510 : vector<16xi1>, vector<16xi32>
      %add3A_2512 = arith.addi %add3A_2500, %select_n3A_2511 : vector<16xi32>
      %get3A_2513 = arith.constant 96 : index
      %get3A_2514 = tpu.vector_load %arg8[%get3A_2513] {strides = array<i32>} : memref<128xi32, #tpu.memory_space<vmem>>, vector<16xi32>,
      %get3A_2515 = vector.shape_cast %get3A_2514 : vector<16xi32> to vector<16xi32>
      %eq3A_2516 = arith.constant 6 : i32
      %eq3A_2517 = vector.broadcast %eq3A_2516 : i32 to vector<16xi32>
      %eq3A_2518 = arith.cmpi eq, %get3A_2515, %eq3A_2517 : vector<16xi32>
      %jit3A_2519 = arith.constant 1 : i32
      %jit3A_2520 = arith.constant 0 : i32
      %broadcast_in_dim3A_2521 = vector.broadcast %jit3A_2519 : i32 to vector<16xi32>
      %broadcast_in_dim3A_2522 = vector.broadcast %jit3A_2520 : i32 to vector<16xi32>
      %select_n3A_2523 = arith.select %eq3A_2518, %broadcast_in_dim3A_2521, %broadcast_in_dim3A_2522 : vector<16xi1>, vector<16xi32>
      %add3A_2524 = arith.addi %add3A_2512, %select_n3A_2523 : vector<16xi32>
      %get3A_2525 = arith.constant 112 : index
      %get3A_2526 = tpu.vector_load %arg8[%get3A_2525] {strides = array<i32>} : memref<128xi32, #tpu.memory_space<vmem>>, vector<16xi32>,
      %get3A_2527 = vector.shape_cast %get3A_2526 : vector<16xi32> to vector<16xi32>
      %eq3A_2528 = arith.constant 6 : i32
      %eq3A_2529 = vector.broadcast %eq3A_2528 : i32 to vector<16xi32>
      %eq3A_2530 = arith.cmpi eq, %get3A_2527, %eq3A_2529 : vector<16xi32>
      %jit3A_2531 = arith.constant 1 : i32
      %jit3A_2532 = arith.constant 0 : i32
      %broadcast_in_dim3A_2533 = vector.broadcast %jit3A_2531 : i32 to vector<16xi32>
      %broadcast_in_dim3A_2534 = vector.broadcast %jit3A_2532 : i32 to vector<16xi32>
      %select_n3A_2535 = arith.select %eq3A_2530, %broadcast_in_dim3A_2533, %broadcast_in_dim3A_2534 : vector<16xi1>, vector<16xi32>
      %add3A_2536 = arith.addi %add3A_2524, %select_n3A_2535 : vector<16xi32>
      %get3A_2537 = arith.constant 0 : index
      %get3A_2538 = tpu.vector_load %arg8[%get3A_2537] {strides = array<i32>} : memref<128xi32, #tpu.memory_space<vmem>>, vector<16xi32>,
      %get3A_2539 = vector.shape_cast %get3A_2538 : vector<16xi32> to vector<16xi32>
      %eq3A_2540 = arith.constant 7 : i32
      %eq3A_2541 = vector.broadcast %eq3A_2540 : i32 to vector<16xi32>
      %eq3A_2542 = arith.cmpi eq, %get3A_2539, %eq3A_2541 : vector<16xi32>
      %jit3A_2543 = arith.constant 1 : i32
      %jit3A_2544 = arith.constant 0 : i32
      %broadcast_in_dim3A_2545 = vector.broadcast %jit3A_2543 : i32 to vector<16xi32>
      %broadcast_in_dim3A_2546 = vector.broadcast %jit3A_2544 : i32 to vector<16xi32>
      %select_n3A_2547 = arith.select %eq3A_2542, %broadcast_in_dim3A_2545, %broadcast_in_dim3A_2546 : vector<16xi1>, vector<16xi32>
      %add3A_2548 = arith.addi %add3A_1638, %select_n3A_2547 : vector<16xi32>
      %get3A_2549 = arith.constant 16 : index
      %get3A_2550 = tpu.vector_load %arg8[%get3A_2549] {strides = array<i32>} : memref<128xi32, #tpu.memory_space<vmem>>, vector<16xi32>,
      %get3A_2551 = vector.shape_cast %get3A_2550 : vector<16xi32> to vector<16xi32>
      %eq3A_2552 = arith.constant 7 : i32
      %eq3A_2553 = vector.broadcast %eq3A_2552 : i32 to vector<16xi32>
      %eq3A_2554 = arith.cmpi eq, %get3A_2551, %eq3A_2553 : vector<16xi32>
      %jit3A_2555 = arith.constant 1 : i32
      %jit3A_2556 = arith.constant 0 : i32
      %broadcast_in_dim3A_2557 = vector.broadcast %jit3A_2555 : i32 to vector<16xi32>
      %broadcast_in_dim3A_2558 = vector.broadcast %jit3A_2556 : i32 to vector<16xi32>
      %select_n3A_2559 = arith.select %eq3A_2554, %broadcast_in_dim3A_2557, %broadcast_in_dim3A_2558 : vector<16xi1>, vector<16xi32>
      %add3A_2560 = arith.addi %add3A_2548, %select_n3A_2559 : vector<16xi32>
      %get3A_2561 = arith.constant 32 : index
      %get3A_2562 = tpu.vector_load %arg8[%get3A_2561] {strides = array<i32>} : memref<128xi32, #tpu.memory_space<vmem>>, vector<16xi32>,
      %get3A_2563 = vector.shape_cast %get3A_2562 : vector<16xi32> to vector<16xi32>
      %eq3A_2564 = arith.constant 7 : i32
      %eq3A_2565 = vector.broadcast %eq3A_2564 : i32 to vector<16xi32>
      %eq3A_2566 = arith.cmpi eq, %get3A_2563, %eq3A_2565 : vector<16xi32>
      %jit3A_2567 = arith.constant 1 : i32
      %jit3A_2568 = arith.constant 0 : i32
      %broadcast_in_dim3A_2569 = vector.broadcast %jit3A_2567 : i32 to vector<16xi32>
      %broadcast_in_dim3A_2570 = vector.broadcast %jit3A_2568 : i32 to vector<16xi32>
      %select_n3A_2571 = arith.select %eq3A_2566, %broadcast_in_dim3A_2569, %broadcast_in_dim3A_2570 : vector<16xi1>, vector<16xi32>
      %add3A_2572 = arith.addi %add3A_2560, %select_n3A_2571 : vector<16xi32>
      %get3A_2573 = arith.constant 48 : index
      %get3A_2574 = tpu.vector_load %arg8[%get3A_2573] {strides = array<i32>} : memref<128xi32, #tpu.memory_space<vmem>>, vector<16xi32>,
      %get3A_2575 = vector.shape_cast %get3A_2574 : vector<16xi32> to vector<16xi32>
      %eq3A_2576 = arith.constant 7 : i32
      %eq3A_2577 = vector.broadcast %eq3A_2576 : i32 to vector<16xi32>
      %eq3A_2578 = arith.cmpi eq, %get3A_2575, %eq3A_2577 : vector<16xi32>
      %jit3A_2579 = arith.constant 1 : i32
      %jit3A_2580 = arith.constant 0 : i32
      %broadcast_in_dim3A_2581 = vector.broadcast %jit3A_2579 : i32 to vector<16xi32>
      %broadcast_in_dim3A_2582 = vector.broadcast %jit3A_2580 : i32 to vector<16xi32>
      %select_n3A_2583 = arith.select %eq3A_2578, %broadcast_in_dim3A_2581, %broadcast_in_dim3A_2582 : vector<16xi1>, vector<16xi32>
      %add3A_2584 = arith.addi %add3A_2572, %select_n3A_2583 : vector<16xi32>
      %get3A_2585 = arith.constant 64 : index
      %get3A_2586 = tpu.vector_load %arg8[%get3A_2585] {strides = array<i32>} : memref<128xi32, #tpu.memory_space<vmem>>, vector<16xi32>,
      %get3A_2587 = vector.shape_cast %get3A_2586 : vector<16xi32> to vector<16xi32>
      %eq3A_2588 = arith.constant 7 : i32
      %eq3A_2589 = vector.broadcast %eq3A_2588 : i32 to vector<16xi32>
      %eq3A_2590 = arith.cmpi eq, %get3A_2587, %eq3A_2589 : vector<16xi32>
      %jit3A_2591 = arith.constant 1 : i32
      %jit3A_2592 = arith.constant 0 : i32
      %broadcast_in_dim3A_2593 = vector.broadcast %jit3A_2591 : i32 to vector<16xi32>
      %broadcast_in_dim3A_2594 = vector.broadcast %jit3A_2592 : i32 to vector<16xi32>
      %select_n3A_2595 = arith.select %eq3A_2590, %broadcast_in_dim3A_2593, %broadcast_in_dim3A_2594 : vector<16xi1>, vector<16xi32>
      %add3A_2596 = arith.addi %add3A_2584, %select_n3A_2595 : vector<16xi32>
      %get3A_2597 = arith.constant 80 : index
      %get3A_2598 = tpu.vector_load %arg8[%get3A_2597] {strides = array<i32>} : memref<128xi32, #tpu.memory_space<vmem>>, vector<16xi32>,
      %get3A_2599 = vector.shape_cast %get3A_2598 : vector<16xi32> to vector<16xi32>
      %eq3A_2600 = arith.constant 7 : i32
      %eq3A_2601 = vector.broadcast %eq3A_2600 : i32 to vector<16xi32>
      %eq3A_2602 = arith.cmpi eq, %get3A_2599, %eq3A_2601 : vector<16xi32>
      %jit3A_2603 = arith.constant 1 : i32
      %jit3A_2604 = arith.constant 0 : i32
      %broadcast_in_dim3A_2605 = vector.broadcast %jit3A_2603 : i32 to vector<16xi32>
      %broadcast_in_dim3A_2606 = vector.broadcast %jit3A_2604 : i32 to vector<16xi32>
      %select_n3A_2607 = arith.select %eq3A_2602, %broadcast_in_dim3A_2605, %broadcast_in_dim3A_2606 : vector<16xi1>, vector<16xi32>
      %add3A_2608 = arith.addi %add3A_2596, %select_n3A_2607 : vector<16xi32>
      %get3A_2609 = arith.constant 96 : index
      %get3A_2610 = tpu.vector_load %arg8[%get3A_2609] {strides = array<i32>} : memref<128xi32, #tpu.memory_space<vmem>>, vector<16xi32>,
      %get3A_2611 = vector.shape_cast %get3A_2610 : vector<16xi32> to vector<16xi32>
      %eq3A_2612 = arith.constant 7 : i32
      %eq3A_2613 = vector.broadcast %eq3A_2612 : i32 to vector<16xi32>
      %eq3A_2614 = arith.cmpi eq, %get3A_2611, %eq3A_2613 : vector<16xi32>
      %jit3A_2615 = arith.constant 1 : i32
      %jit3A_2616 = arith.constant 0 : i32
      %broadcast_in_dim3A_2617 = vector.broadcast %jit3A_2615 : i32 to vector<16xi32>
      %broadcast_in_dim3A_2618 = vector.broadcast %jit3A_2616 : i32 to vector<16xi32>
      %select_n3A_2619 = arith.select %eq3A_2614, %broadcast_in_dim3A_2617, %broadcast_in_dim3A_2618 : vector<16xi1>, vector<16xi32>
      %add3A_2620 = arith.addi %add3A_2608, %select_n3A_2619 : vector<16xi32>
      %get3A_2621 = arith.constant 112 : index
      %get3A_2622 = tpu.vector_load %arg8[%get3A_2621] {strides = array<i32>} : memref<128xi32, #tpu.memory_space<vmem>>, vector<16xi32>,
      %get3A_2623 = vector.shape_cast %get3A_2622 : vector<16xi32> to vector<16xi32>
      %eq3A_2624 = arith.constant 7 : i32
      %eq3A_2625 = vector.broadcast %eq3A_2624 : i32 to vector<16xi32>
      %eq3A_2626 = arith.cmpi eq, %get3A_2623, %eq3A_2625 : vector<16xi32>
      %jit3A_2627 = arith.constant 1 : i32
      %jit3A_2628 = arith.constant 0 : i32
      %broadcast_in_dim3A_2629 = vector.broadcast %jit3A_2627 : i32 to vector<16xi32>
      %broadcast_in_dim3A_2630 = vector.broadcast %jit3A_2628 : i32 to vector<16xi32>
      %select_n3A_2631 = arith.select %eq3A_2626, %broadcast_in_dim3A_2629, %broadcast_in_dim3A_2630 : vector<16xi1>, vector<16xi32>
      %add3A_2632 = arith.addi %add3A_2620, %select_n3A_2631 : vector<16xi32>
      %get3A_2633 = arith.constant 0 : index
      %get3A_2634 = tpu.vector_load %arg8[%get3A_2633] {strides = array<i32>} : memref<128xi32, #tpu.memory_space<vmem>>, vector<16xi32>,
      %get3A_2635 = vector.shape_cast %get3A_2634 : vector<16xi32> to vector<16xi32>
      %eq3A_2636 = arith.constant 8 : i32
      %eq3A_2637 = vector.broadcast %eq3A_2636 : i32 to vector<16xi32>
      %eq3A_2638 = arith.cmpi eq, %get3A_2635, %eq3A_2637 : vector<16xi32>
      %jit3A_2639 = arith.constant 1 : i32
      %jit3A_2640 = arith.constant 0 : i32
      %broadcast_in_dim3A_2641 = vector.broadcast %jit3A_2639 : i32 to vector<16xi32>
      %broadcast_in_dim3A_2642 = vector.broadcast %jit3A_2640 : i32 to vector<16xi32>
      %select_n3A_2643 = arith.select %eq3A_2638, %broadcast_in_dim3A_2641, %broadcast_in_dim3A_2642 : vector<16xi1>, vector<16xi32>
      %add3A_2644 = arith.addi %add3A_1734, %select_n3A_2643 : vector<16xi32>
      %get3A_2645 = arith.constant 16 : index
      %get3A_2646 = tpu.vector_load %arg8[%get3A_2645] {strides = array<i32>} : memref<128xi32, #tpu.memory_space<vmem>>, vector<16xi32>,
      %get3A_2647 = vector.shape_cast %get3A_2646 : vector<16xi32> to vector<16xi32>
      %eq3A_2648 = arith.constant 8 : i32
      %eq3A_2649 = vector.broadcast %eq3A_2648 : i32 to vector<16xi32>
      %eq3A_2650 = arith.cmpi eq, %get3A_2647, %eq3A_2649 : vector<16xi32>
      %jit3A_2651 = arith.constant 1 : i32
      %jit3A_2652 = arith.constant 0 : i32
      %broadcast_in_dim3A_2653 = vector.broadcast %jit3A_2651 : i32 to vector<16xi32>
      %broadcast_in_dim3A_2654 = vector.broadcast %jit3A_2652 : i32 to vector<16xi32>
      %select_n3A_2655 = arith.select %eq3A_2650, %broadcast_in_dim3A_2653, %broadcast_in_dim3A_2654 : vector<16xi1>, vector<16xi32>
      %add3A_2656 = arith.addi %add3A_2644, %select_n3A_2655 : vector<16xi32>
      %get3A_2657 = arith.constant 32 : index
      %get3A_2658 = tpu.vector_load %arg8[%get3A_2657] {strides = array<i32>} : memref<128xi32, #tpu.memory_space<vmem>>, vector<16xi32>,
      %get3A_2659 = vector.shape_cast %get3A_2658 : vector<16xi32> to vector<16xi32>
      %eq3A_2660 = arith.constant 8 : i32
      %eq3A_2661 = vector.broadcast %eq3A_2660 : i32 to vector<16xi32>
      %eq3A_2662 = arith.cmpi eq, %get3A_2659, %eq3A_2661 : vector<16xi32>
      %jit3A_2663 = arith.constant 1 : i32
      %jit3A_2664 = arith.constant 0 : i32
      %broadcast_in_dim3A_2665 = vector.broadcast %jit3A_2663 : i32 to vector<16xi32>
      %broadcast_in_dim3A_2666 = vector.broadcast %jit3A_2664 : i32 to vector<16xi32>
      %select_n3A_2667 = arith.select %eq3A_2662, %broadcast_in_dim3A_2665, %broadcast_in_dim3A_2666 : vector<16xi1>, vector<16xi32>
      %add3A_2668 = arith.addi %add3A_2656, %select_n3A_2667 : vector<16xi32>
      %get3A_2669 = arith.constant 48 : index
      %get3A_2670 = tpu.vector_load %arg8[%get3A_2669] {strides = array<i32>} : memref<128xi32, #tpu.memory_space<vmem>>, vector<16xi32>,
      %get3A_2671 = vector.shape_cast %get3A_2670 : vector<16xi32> to vector<16xi32>
      %eq3A_2672 = arith.constant 8 : i32
      %eq3A_2673 = vector.broadcast %eq3A_2672 : i32 to vector<16xi32>
      %eq3A_2674 = arith.cmpi eq, %get3A_2671, %eq3A_2673 : vector<16xi32>
      %jit3A_2675 = arith.constant 1 : i32
      %jit3A_2676 = arith.constant 0 : i32
      %broadcast_in_dim3A_2677 = vector.broadcast %jit3A_2675 : i32 to vector<16xi32>
      %broadcast_in_dim3A_2678 = vector.broadcast %jit3A_2676 : i32 to vector<16xi32>
      %select_n3A_2679 = arith.select %eq3A_2674, %broadcast_in_dim3A_2677, %broadcast_in_dim3A_2678 : vector<16xi1>, vector<16xi32>
      %add3A_2680 = arith.addi %add3A_2668, %select_n3A_2679 : vector<16xi32>
      %get3A_2681 = arith.constant 64 : index
      %get3A_2682 = tpu.vector_load %arg8[%get3A_2681] {strides = array<i32>} : memref<128xi32, #tpu.memory_space<vmem>>, vector<16xi32>,
      %get3A_2683 = vector.shape_cast %get3A_2682 : vector<16xi32> to vector<16xi32>
      %eq3A_2684 = arith.constant 8 : i32
      %eq3A_2685 = vector.broadcast %eq3A_2684 : i32 to vector<16xi32>
      %eq3A_2686 = arith.cmpi eq, %get3A_2683, %eq3A_2685 : vector<16xi32>
      %jit3A_2687 = arith.constant 1 : i32
      %jit3A_2688 = arith.constant 0 : i32
      %broadcast_in_dim3A_2689 = vector.broadcast %jit3A_2687 : i32 to vector<16xi32>
      %broadcast_in_dim3A_2690 = vector.broadcast %jit3A_2688 : i32 to vector<16xi32>
      %select_n3A_2691 = arith.select %eq3A_2686, %broadcast_in_dim3A_2689, %broadcast_in_dim3A_2690 : vector<16xi1>, vector<16xi32>
      %add3A_2692 = arith.addi %add3A_2680, %select_n3A_2691 : vector<16xi32>
      %get3A_2693 = arith.constant 80 : index
      %get3A_2694 = tpu.vector_load %arg8[%get3A_2693] {strides = array<i32>} : memref<128xi32, #tpu.memory_space<vmem>>, vector<16xi32>,
      %get3A_2695 = vector.shape_cast %get3A_2694 : vector<16xi32> to vector<16xi32>
      %eq3A_2696 = arith.constant 8 : i32
      %eq3A_2697 = vector.broadcast %eq3A_2696 : i32 to vector<16xi32>
      %eq3A_2698 = arith.cmpi eq, %get3A_2695, %eq3A_2697 : vector<16xi32>
      %jit3A_2699 = arith.constant 1 : i32
      %jit3A_2700 = arith.constant 0 : i32
      %broadcast_in_dim3A_2701 = vector.broadcast %jit3A_2699 : i32 to vector<16xi32>
      %broadcast_in_dim3A_2702 = vector.broadcast %jit3A_2700 : i32 to vector<16xi32>
      %select_n3A_2703 = arith.select %eq3A_2698, %broadcast_in_dim3A_2701, %broadcast_in_dim3A_2702 : vector<16xi1>, vector<16xi32>
      %add3A_2704 = arith.addi %add3A_2692, %select_n3A_2703 : vector<16xi32>
      %get3A_2705 = arith.constant 96 : index
      %get3A_2706 = tpu.vector_load %arg8[%get3A_2705] {strides = array<i32>} : memref<128xi32, #tpu.memory_space<vmem>>, vector<16xi32>,
      %get3A_2707 = vector.shape_cast %get3A_2706 : vector<16xi32> to vector<16xi32>
      %eq3A_2708 = arith.constant 8 : i32
      %eq3A_2709 = vector.broadcast %eq3A_2708 : i32 to vector<16xi32>
      %eq3A_2710 = arith.cmpi eq, %get3A_2707, %eq3A_2709 : vector<16xi32>
      %jit3A_2711 = arith.constant 1 : i32
      %jit3A_2712 = arith.constant 0 : i32
      %broadcast_in_dim3A_2713 = vector.broadcast %jit3A_2711 : i32 to vector<16xi32>
      %broadcast_in_dim3A_2714 = vector.broadcast %jit3A_2712 : i32 to vector<16xi32>
      %select_n3A_2715 = arith.select %eq3A_2710, %broadcast_in_dim3A_2713, %broadcast_in_dim3A_2714 : vector<16xi1>, vector<16xi32>
      %add3A_2716 = arith.addi %add3A_2704, %select_n3A_2715 : vector<16xi32>
      %get3A_2717 = arith.constant 112 : index
      %get3A_2718 = tpu.vector_load %arg8[%get3A_2717] {strides = array<i32>} : memref<128xi32, #tpu.memory_space<vmem>>, vector<16xi32>,
      %get3A_2719 = vector.shape_cast %get3A_2718 : vector<16xi32> to vector<16xi32>
      %eq3A_2720 = arith.constant 8 : i32
      %eq3A_2721 = vector.broadcast %eq3A_2720 : i32 to vector<16xi32>
      %eq3A_2722 = arith.cmpi eq, %get3A_2719, %eq3A_2721 : vector<16xi32>
      %jit3A_2723 = arith.constant 1 : i32
      %jit3A_2724 = arith.constant 0 : i32
      %broadcast_in_dim3A_2725 = vector.broadcast %jit3A_2723 : i32 to vector<16xi32>
      %broadcast_in_dim3A_2726 = vector.broadcast %jit3A_2724 : i32 to vector<16xi32>
      %select_n3A_2727 = arith.select %eq3A_2722, %broadcast_in_dim3A_2725, %broadcast_in_dim3A_2726 : vector<16xi1>, vector<16xi32>
      %add3A_2728 = arith.addi %add3A_2716, %select_n3A_2727 : vector<16xi32>
      %get3A_2729 = arith.constant 0 : index
      %get3A_2730 = tpu.vector_load %arg8[%get3A_2729] {strides = array<i32>} : memref<128xi32, #tpu.memory_space<vmem>>, vector<16xi32>,
      %get3A_2731 = vector.shape_cast %get3A_2730 : vector<16xi32> to vector<16xi32>
      %eq3A_2732 = arith.constant 9 : i32
      %eq3A_2733 = vector.broadcast %eq3A_2732 : i32 to vector<16xi32>
      %eq3A_2734 = arith.cmpi eq, %get3A_2731, %eq3A_2733 : vector<16xi32>
      %jit3A_2735 = arith.constant 1 : i32
      %jit3A_2736 = arith.constant 0 : i32
      %broadcast_in_dim3A_2737 = vector.broadcast %jit3A_2735 : i32 to vector<16xi32>
      %broadcast_in_dim3A_2738 = vector.broadcast %jit3A_2736 : i32 to vector<16xi32>
      %select_n3A_2739 = arith.select %eq3A_2734, %broadcast_in_dim3A_2737, %broadcast_in_dim3A_2738 : vector<16xi1>, vector<16xi32>
      %add3A_2740 = arith.addi %add3A_1830, %select_n3A_2739 : vector<16xi32>
      %get3A_2741 = arith.constant 16 : index
      %get3A_2742 = tpu.vector_load %arg8[%get3A_2741] {strides = array<i32>} : memref<128xi32, #tpu.memory_space<vmem>>, vector<16xi32>,
      %get3A_2743 = vector.shape_cast %get3A_2742 : vector<16xi32> to vector<16xi32>
      %eq3A_2744 = arith.constant 9 : i32
      %eq3A_2745 = vector.broadcast %eq3A_2744 : i32 to vector<16xi32>
      %eq3A_2746 = arith.cmpi eq, %get3A_2743, %eq3A_2745 : vector<16xi32>
      %jit3A_2747 = arith.constant 1 : i32
      %jit3A_2748 = arith.constant 0 : i32
      %broadcast_in_dim3A_2749 = vector.broadcast %jit3A_2747 : i32 to vector<16xi32>
      %broadcast_in_dim3A_2750 = vector.broadcast %jit3A_2748 : i32 to vector<16xi32>
      %select_n3A_2751 = arith.select %eq3A_2746, %broadcast_in_dim3A_2749, %broadcast_in_dim3A_2750 : vector<16xi1>, vector<16xi32>
      %add3A_2752 = arith.addi %add3A_2740, %select_n3A_2751 : vector<16xi32>
      %get3A_2753 = arith.constant 32 : index
      %get3A_2754 = tpu.vector_load %arg8[%get3A_2753] {strides = array<i32>} : memref<128xi32, #tpu.memory_space<vmem>>, vector<16xi32>,
      %get3A_2755 = vector.shape_cast %get3A_2754 : vector<16xi32> to vector<16xi32>
      %eq3A_2756 = arith.constant 9 : i32
      %eq3A_2757 = vector.broadcast %eq3A_2756 : i32 to vector<16xi32>
      %eq3A_2758 = arith.cmpi eq, %get3A_2755, %eq3A_2757 : vector<16xi32>
      %jit3A_2759 = arith.constant 1 : i32
      %jit3A_2760 = arith.constant 0 : i32
      %broadcast_in_dim3A_2761 = vector.broadcast %jit3A_2759 : i32 to vector<16xi32>
      %broadcast_in_dim3A_2762 = vector.broadcast %jit3A_2760 : i32 to vector<16xi32>
      %select_n3A_2763 = arith.select %eq3A_2758, %broadcast_in_dim3A_2761, %broadcast_in_dim3A_2762 : vector<16xi1>, vector<16xi32>
      %add3A_2764 = arith.addi %add3A_2752, %select_n3A_2763 : vector<16xi32>
      %get3A_2765 = arith.constant 48 : index
      %get3A_2766 = tpu.vector_load %arg8[%get3A_2765] {strides = array<i32>} : memref<128xi32, #tpu.memory_space<vmem>>, vector<16xi32>,
      %get3A_2767 = vector.shape_cast %get3A_2766 : vector<16xi32> to vector<16xi32>
      %eq3A_2768 = arith.constant 9 : i32
      %eq3A_2769 = vector.broadcast %eq3A_2768 : i32 to vector<16xi32>
      %eq3A_2770 = arith.cmpi eq, %get3A_2767, %eq3A_2769 : vector<16xi32>
      %jit3A_2771 = arith.constant 1 : i32
      %jit3A_2772 = arith.constant 0 : i32
      %broadcast_in_dim3A_2773 = vector.broadcast %jit3A_2771 : i32 to vector<16xi32>
      %broadcast_in_dim3A_2774 = vector.broadcast %jit3A_2772 : i32 to vector<16xi32>
      %select_n3A_2775 = arith.select %eq3A_2770, %broadcast_in_dim3A_2773, %broadcast_in_dim3A_2774 : vector<16xi1>, vector<16xi32>
      %add3A_2776 = arith.addi %add3A_2764, %select_n3A_2775 : vector<16xi32>
      %get3A_2777 = arith.constant 64 : index
      %get3A_2778 = tpu.vector_load %arg8[%get3A_2777] {strides = array<i32>} : memref<128xi32, #tpu.memory_space<vmem>>, vector<16xi32>,
      %get3A_2779 = vector.shape_cast %get3A_2778 : vector<16xi32> to vector<16xi32>
      %eq3A_2780 = arith.constant 9 : i32
      %eq3A_2781 = vector.broadcast %eq3A_2780 : i32 to vector<16xi32>
      %eq3A_2782 = arith.cmpi eq, %get3A_2779, %eq3A_2781 : vector<16xi32>
      %jit3A_2783 = arith.constant 1 : i32
      %jit3A_2784 = arith.constant 0 : i32
      %broadcast_in_dim3A_2785 = vector.broadcast %jit3A_2783 : i32 to vector<16xi32>
      %broadcast_in_dim3A_2786 = vector.broadcast %jit3A_2784 : i32 to vector<16xi32>
      %select_n3A_2787 = arith.select %eq3A_2782, %broadcast_in_dim3A_2785, %broadcast_in_dim3A_2786 : vector<16xi1>, vector<16xi32>
      %add3A_2788 = arith.addi %add3A_2776, %select_n3A_2787 : vector<16xi32>
      %get3A_2789 = arith.constant 80 : index
      %get3A_2790 = tpu.vector_load %arg8[%get3A_2789] {strides = array<i32>} : memref<128xi32, #tpu.memory_space<vmem>>, vector<16xi32>,
      %get3A_2791 = vector.shape_cast %get3A_2790 : vector<16xi32> to vector<16xi32>
      %eq3A_2792 = arith.constant 9 : i32
      %eq3A_2793 = vector.broadcast %eq3A_2792 : i32 to vector<16xi32>
      %eq3A_2794 = arith.cmpi eq, %get3A_2791, %eq3A_2793 : vector<16xi32>
      %jit3A_2795 = arith.constant 1 : i32
      %jit3A_2796 = arith.constant 0 : i32
      %broadcast_in_dim3A_2797 = vector.broadcast %jit3A_2795 : i32 to vector<16xi32>
      %broadcast_in_dim3A_2798 = vector.broadcast %jit3A_2796 : i32 to vector<16xi32>
      %select_n3A_2799 = arith.select %eq3A_2794, %broadcast_in_dim3A_2797, %broadcast_in_dim3A_2798 : vector<16xi1>, vector<16xi32>
      %add3A_2800 = arith.addi %add3A_2788, %select_n3A_2799 : vector<16xi32>
      %get3A_2801 = arith.constant 96 : index
      %get3A_2802 = tpu.vector_load %arg8[%get3A_2801] {strides = array<i32>} : memref<128xi32, #tpu.memory_space<vmem>>, vector<16xi32>,
      %get3A_2803 = vector.shape_cast %get3A_2802 : vector<16xi32> to vector<16xi32>
      %eq3A_2804 = arith.constant 9 : i32
      %eq3A_2805 = vector.broadcast %eq3A_2804 : i32 to vector<16xi32>
      %eq3A_2806 = arith.cmpi eq, %get3A_2803, %eq3A_2805 : vector<16xi32>
      %jit3A_2807 = arith.constant 1 : i32
      %jit3A_2808 = arith.constant 0 : i32
      %broadcast_in_dim3A_2809 = vector.broadcast %jit3A_2807 : i32 to vector<16xi32>
      %broadcast_in_dim3A_2810 = vector.broadcast %jit3A_2808 : i32 to vector<16xi32>
      %select_n3A_2811 = arith.select %eq3A_2806, %broadcast_in_dim3A_2809, %broadcast_in_dim3A_2810 : vector<16xi1>, vector<16xi32>
      %add3A_2812 = arith.addi %add3A_2800, %select_n3A_2811 : vector<16xi32>
      %get3A_2813 = arith.constant 112 : index
      %get3A_2814 = tpu.vector_load %arg8[%get3A_2813] {strides = array<i32>} : memref<128xi32, #tpu.memory_space<vmem>>, vector<16xi32>,
      %get3A_2815 = vector.shape_cast %get3A_2814 : vector<16xi32> to vector<16xi32>
      %eq3A_2816 = arith.constant 9 : i32
      %eq3A_2817 = vector.broadcast %eq3A_2816 : i32 to vector<16xi32>
      %eq3A_2818 = arith.cmpi eq, %get3A_2815, %eq3A_2817 : vector<16xi32>
      %jit3A_2819 = arith.constant 1 : i32
      %jit3A_2820 = arith.constant 0 : i32
      %broadcast_in_dim3A_2821 = vector.broadcast %jit3A_2819 : i32 to vector<16xi32>
      %broadcast_in_dim3A_2822 = vector.broadcast %jit3A_2820 : i32 to vector<16xi32>
      %select_n3A_2823 = arith.select %eq3A_2818, %broadcast_in_dim3A_2821, %broadcast_in_dim3A_2822 : vector<16xi1>, vector<16xi32>
      %add3A_2824 = arith.addi %add3A_2812, %select_n3A_2823 : vector<16xi32>
      %dma_start3A_2825 = arith.constant 0 : i32
      %dma_start3A_2826 = arith.constant 0 : i32
      %dma_start3A_2827 = tpu.memref_slice %arg16[%dma_start3A_2825, %dma_start3A_2826] : memref<16x128xf32, #tpu.memory_space<vmem_shared>> -> memref<16x128xf32, #tpu.memory_space<vmem_shared>>
      tpu.enqueue_indirect_dma source(%arg10 : memref<128x128xf32, #tpu.memory_space<vmem>>) target(%dma_start3A_2827 : memref<16x128xf32, #tpu.memory_space<vmem_shared>>) offsets(%arg8 : memref<128xi32, #tpu.memory_space<vmem>>) semaphore(%arg22 : memref<!tpu.dma_semaphore, #tpu.memory_space<semaphore_mem>>) {add = true}
      %dma_start3A_2828 = arith.constant 0 : i32
      %dma_start3A_2829 = arith.constant 0 : i32
      %dma_start3A_2830 = tpu.memref_slice %arg17[%dma_start3A_2828, %dma_start3A_2829] : memref<16x128xf32, #tpu.memory_space<vmem_shared>> -> memref<16x128xf32, #tpu.memory_space<vmem_shared>>
      tpu.enqueue_indirect_dma source(%arg12 : memref<128x128xf32, #tpu.memory_space<vmem>>) target(%dma_start3A_2830 : memref<16x128xf32, #tpu.memory_space<vmem_shared>>) offsets(%arg8 : memref<128xi32, #tpu.memory_space<vmem>>) semaphore(%arg22 : memref<!tpu.dma_semaphore, #tpu.memory_space<semaphore_mem>>) {add = true}
      %dma_wait3A_2831 = arith.constant 0 : i32
      %dma_wait3A_2832 = arith.constant 0 : i32
      %dma_wait3A_2833 = tpu.memref_slice %arg16[%dma_wait3A_2831, %dma_wait3A_2832] : memref<16x128xf32, #tpu.memory_space<vmem_shared>> -> memref<16x128xf32, #tpu.memory_space<vmem_shared>>
      tpu.wait_indirect_dma semaphore(%arg21 : memref<!tpu.dma_semaphore, #tpu.memory_space<semaphore_mem>>) src(%arg9 : memref<128x128xf32, #tpu.memory_space<vmem>>) dst(%dma_wait3A_2833 : memref<16x128xf32, #tpu.memory_space<vmem_shared>>)
      %dma_wait3A_2834 = arith.constant 0 : i32
      %dma_wait3A_2835 = arith.constant 0 : i32
      %dma_wait3A_2836 = tpu.memref_slice %arg17[%dma_wait3A_2834, %dma_wait3A_2835] : memref<16x128xf32, #tpu.memory_space<vmem_shared>> -> memref<16x128xf32, #tpu.memory_space<vmem_shared>>
      tpu.wait_indirect_dma semaphore(%arg21 : memref<!tpu.dma_semaphore, #tpu.memory_space<semaphore_mem>>) src(%arg11 : memref<128x128xf32, #tpu.memory_space<vmem>>) dst(%dma_wait3A_2836 : memref<16x128xf32, #tpu.memory_space<vmem_shared>>)
      %lt3A = arith.constant 5 : i32
      %lt3A_2837 = arith.cmpi slt, %scan3A_848, %lt3A : i32
      %convert_element_type3A_2838 = arith.extui %lt3A_2837 : i1 to i32
      %cond3A_2839 = arith.constant 0 : i32
      %cond3A_2840 = arith.cmpi ne, %convert_element_type3A_2838, %cond3A_2839 : i32
      scf.if %cond3A_2840 {
        %add3A_2841 = arith.constant 2 : i32
        %add3A_2842 = arith.addi %mul3A_860, %add3A_2841 : i32
        %mul3A_2843 = arith.constant 128 : i32
        %mul3A_2844 = arith.muli %add3A_2842, %mul3A_2843 : i32
        %add3A_2845 = arith.addi %mul3A_2, %mul3A_2844 : i32
        %dma_start3A_2846 = tpu.memref_slice %arg3[%add3A_2845] : memref<131072xi32, #tpu.memory_space<hbm>> -> memref<128xi32, #tpu.memory_space<hbm>>
        %dma_start3A_2847 = tpu.memref_slice %arg3[%add3A_2845] : memref<131072xi32, #tpu.memory_space<hbm>> -> memref<128xi32, #tpu.memory_space<hbm>>
        tpu.enqueue_dma source(%dma_start3A_2847 : memref<128xi32, #tpu.memory_space<hbm>>) target(%arg7 : memref<128xi32, #tpu.memory_space<vmem>>) target_semaphore(%arg19 : memref<!tpu.dma_semaphore, #tpu.memory_space<semaphore_mem>>)
        %dma_start3A_2848 = arith.constant 0 : i32
        %dma_start3A_2849 = tpu.memref_slice %arg2[%add3A_2845, %dma_start3A_2848] : memref<131072x128xf32, #tpu.memory_space<hbm>> -> memref<128x128xf32, #tpu.memory_space<hbm>>
        %dma_start3A_2850 = arith.constant 0 : i32
        %dma_start3A_2851 = tpu.memref_slice %arg2[%add3A_2845, %dma_start3A_2850] : memref<131072x128xf32, #tpu.memory_space<hbm>> -> memref<128x128xf32, #tpu.memory_space<hbm>>
        tpu.enqueue_dma source(%dma_start3A_2851 : memref<128x128xf32, #tpu.memory_space<hbm>>) target(%arg9 : memref<128x128xf32, #tpu.memory_space<vmem>>) target_semaphore(%arg19 : memref<!tpu.dma_semaphore, #tpu.memory_space<semaphore_mem>>)
      } else {
      }
      scf.yield %add3A_1960, %add3A_2056, %add3A_2152, %add3A_2248, %add3A_2344, %add3A_2440, %add3A_2536, %add3A_2632, %add3A_2728, %add3A_2824 : vector<16xi32>, vector<16xi32>, vector<16xi32>, vector<16xi32>, vector<16xi32>, vector<16xi32>, vector<16xi32>, vector<16xi32>, vector<16xi32>, vector<16xi32>
    }
    %scan3A_17 = arith.constant 6 : i32
    %dma_wait3A = arith.constant 0 : i32
    %dma_wait3A_18 = arith.constant 0 : i32
    %dma_wait3A_19 = tpu.memref_slice %arg16[%dma_wait3A, %dma_wait3A_18] : memref<16x128xf32, #tpu.memory_space<vmem_shared>> -> memref<16x128xf32, #tpu.memory_space<vmem_shared>>
    tpu.wait_indirect_dma semaphore(%arg22 : memref<!tpu.dma_semaphore, #tpu.memory_space<semaphore_mem>>) src(%arg10 : memref<128x128xf32, #tpu.memory_space<vmem>>) dst(%dma_wait3A_19 : memref<16x128xf32, #tpu.memory_space<vmem_shared>>)
    %dma_wait3A_20 = arith.constant 0 : i32
    %dma_wait3A_21 = arith.constant 0 : i32
    %dma_wait3A_22 = tpu.memref_slice %arg17[%dma_wait3A_20, %dma_wait3A_21] : memref<16x128xf32, #tpu.memory_space<vmem_shared>> -> memref<16x128xf32, #tpu.memory_space<vmem_shared>>
    tpu.wait_indirect_dma semaphore(%arg22 : memref<!tpu.dma_semaphore, #tpu.memory_space<semaphore_mem>>) src(%arg12 : memref<128x128xf32, #tpu.memory_space<vmem>>) dst(%dma_wait3A_22 : memref<16x128xf32, #tpu.memory_space<vmem_shared>>)
    %broadcast_in_dim3A_23 = arith.constant 0.000000e+00 : f32
    %broadcast_in_dim3A_24 = vector.broadcast %broadcast_in_dim3A_23 : f32 to vector<16xf32>
    %convert_element_type3A_25 = arith.sitofp %scan3A_16#0 : vector<16xi32> to vector<16xf32>
    %mul3A_26 = arith.constant 1.600000e+01 : f32
    %mul3A_27 = vector.broadcast %mul3A_26 : f32 to vector<16xf32>
    %mul3A_28 = arith.mulf %convert_element_type3A_25, %mul3A_27 : vector<16xf32>
    %swap3A = arith.constant 0 : i32
    %swap3A_29 = arith.index_cast %swap3A : i32 to index
    %swap3A_30 = arith.constant 0 : index
    %swap3A_31 = tpu.vector_load %arg14[%swap3A_29, %swap3A_30] {strides = array<i32>} : memref<16x128xf32, #tpu.memory_space<vmem>>, vector<1x16xf32>,
    %swap3A_32 = vector.shape_cast %swap3A_31 : vector<1x16xf32> to vector<16xf32>
    %swap3A_33 = vector.shape_cast %mul3A_28 : vector<16xf32> to vector<1x16xf32>
    tpu.vector_store %arg14[%swap3A_29, %swap3A_30], %swap3A_33 {strides = array<i32>} : memref<16x128xf32, #tpu.memory_space<vmem>>, vector<1x16xf32>,
    %swap3A_34 = arith.constant 0 : i32
    %swap3A_35 = arith.index_cast %swap3A_34 : i32 to index
    %swap3A_36 = arith.constant 16 : index
    %swap3A_37 = tpu.vector_load %arg14[%swap3A_35, %swap3A_36] {strides = array<i32>} : memref<16x128xf32, #tpu.memory_space<vmem>>, vector<1x16xf32>,
    %swap3A_38 = vector.shape_cast %swap3A_37 : vector<1x16xf32> to vector<16xf32>
    %swap3A_39 = vector.shape_cast %mul3A_28 : vector<16xf32> to vector<1x16xf32>
    tpu.vector_store %arg14[%swap3A_35, %swap3A_36], %swap3A_39 {strides = array<i32>} : memref<16x128xf32, #tpu.memory_space<vmem>>, vector<1x16xf32>,
    %swap3A_40 = arith.constant 0 : i32
    %swap3A_41 = arith.index_cast %swap3A_40 : i32 to index
    %swap3A_42 = arith.constant 32 : index
    %swap3A_43 = tpu.vector_load %arg14[%swap3A_41, %swap3A_42] {strides = array<i32>} : memref<16x128xf32, #tpu.memory_space<vmem>>, vector<1x16xf32>,
    %swap3A_44 = vector.shape_cast %swap3A_43 : vector<1x16xf32> to vector<16xf32>
    %swap3A_45 = vector.shape_cast %mul3A_28 : vector<16xf32> to vector<1x16xf32>
    tpu.vector_store %arg14[%swap3A_41, %swap3A_42], %swap3A_45 {strides = array<i32>} : memref<16x128xf32, #tpu.memory_space<vmem>>, vector<1x16xf32>,
    %swap3A_46 = arith.constant 0 : i32
    %swap3A_47 = arith.index_cast %swap3A_46 : i32 to index
    %swap3A_48 = arith.constant 48 : index
    %swap3A_49 = tpu.vector_load %arg14[%swap3A_47, %swap3A_48] {strides = array<i32>} : memref<16x128xf32, #tpu.memory_space<vmem>>, vector<1x16xf32>,
    %swap3A_50 = vector.shape_cast %swap3A_49 : vector<1x16xf32> to vector<16xf32>
    %swap3A_51 = vector.shape_cast %mul3A_28 : vector<16xf32> to vector<1x16xf32>
    tpu.vector_store %arg14[%swap3A_47, %swap3A_48], %swap3A_51 {strides = array<i32>} : memref<16x128xf32, #tpu.memory_space<vmem>>, vector<1x16xf32>,
    %swap3A_52 = arith.constant 0 : i32
    %swap3A_53 = arith.index_cast %swap3A_52 : i32 to index
    %swap3A_54 = arith.constant 64 : index
    %swap3A_55 = tpu.vector_load %arg14[%swap3A_53, %swap3A_54] {strides = array<i32>} : memref<16x128xf32, #tpu.memory_space<vmem>>, vector<1x16xf32>,
    %swap3A_56 = vector.shape_cast %swap3A_55 : vector<1x16xf32> to vector<16xf32>
    %swap3A_57 = vector.shape_cast %mul3A_28 : vector<16xf32> to vector<1x16xf32>
    tpu.vector_store %arg14[%swap3A_53, %swap3A_54], %swap3A_57 {strides = array<i32>} : memref<16x128xf32, #tpu.memory_space<vmem>>, vector<1x16xf32>,
    %swap3A_58 = arith.constant 0 : i32
    %swap3A_59 = arith.index_cast %swap3A_58 : i32 to index
    %swap3A_60 = arith.constant 80 : index
    %swap3A_61 = tpu.vector_load %arg14[%swap3A_59, %swap3A_60] {strides = array<i32>} : memref<16x128xf32, #tpu.memory_space<vmem>>, vector<1x16xf32>,
    %swap3A_62 = vector.shape_cast %swap3A_61 : vector<1x16xf32> to vector<16xf32>
    %swap3A_63 = vector.shape_cast %mul3A_28 : vector<16xf32> to vector<1x16xf32>
    tpu.vector_store %arg14[%swap3A_59, %swap3A_60], %swap3A_63 {strides = array<i32>} : memref<16x128xf32, #tpu.memory_space<vmem>>, vector<1x16xf32>,
    %swap3A_64 = arith.constant 0 : i32
    %swap3A_65 = arith.index_cast %swap3A_64 : i32 to index
    %swap3A_66 = arith.constant 96 : index
    %swap3A_67 = tpu.vector_load %arg14[%swap3A_65, %swap3A_66] {strides = array<i32>} : memref<16x128xf32, #tpu.memory_space<vmem>>, vector<1x16xf32>,
    %swap3A_68 = vector.shape_cast %swap3A_67 : vector<1x16xf32> to vector<16xf32>
    %swap3A_69 = vector.shape_cast %mul3A_28 : vector<16xf32> to vector<1x16xf32>
    tpu.vector_store %arg14[%swap3A_65, %swap3A_66], %swap3A_69 {strides = array<i32>} : memref<16x128xf32, #tpu.memory_space<vmem>>, vector<1x16xf32>,
    %swap3A_70 = arith.constant 0 : i32
    %swap3A_71 = arith.index_cast %swap3A_70 : i32 to index
    %swap3A_72 = arith.constant 112 : index
    %swap3A_73 = tpu.vector_load %arg14[%swap3A_71, %swap3A_72] {strides = array<i32>} : memref<16x128xf32, #tpu.memory_space<vmem>>, vector<1x16xf32>,
    %swap3A_74 = vector.shape_cast %swap3A_73 : vector<1x16xf32> to vector<16xf32>
    %swap3A_75 = vector.shape_cast %mul3A_28 : vector<16xf32> to vector<1x16xf32>
    tpu.vector_store %arg14[%swap3A_71, %swap3A_72], %swap3A_75 {strides = array<i32>} : memref<16x128xf32, #tpu.memory_space<vmem>>, vector<1x16xf32>,
    %convert_element_type3A_76 = arith.sitofp %scan3A_16#1 : vector<16xi32> to vector<16xf32>
    %mul3A_77 = arith.constant 1.600000e+01 : f32
    %mul3A_78 = vector.broadcast %mul3A_77 : f32 to vector<16xf32>
    %mul3A_79 = arith.mulf %convert_element_type3A_76, %mul3A_78 : vector<16xf32>
    %swap3A_80 = arith.constant 1 : i32
    %swap3A_81 = arith.index_cast %swap3A_80 : i32 to index
    %swap3A_82 = arith.constant 0 : index
    %swap3A_83 = tpu.vector_load %arg14[%swap3A_81, %swap3A_82] {strides = array<i32>} : memref<16x128xf32, #tpu.memory_space<vmem>>, vector<1x16xf32>,
    %swap3A_84 = vector.shape_cast %swap3A_83 : vector<1x16xf32> to vector<16xf32>
    %swap3A_85 = vector.shape_cast %mul3A_79 : vector<16xf32> to vector<1x16xf32>
    tpu.vector_store %arg14[%swap3A_81, %swap3A_82], %swap3A_85 {strides = array<i32>} : memref<16x128xf32, #tpu.memory_space<vmem>>, vector<1x16xf32>,
    %swap3A_86 = arith.constant 1 : i32
    %swap3A_87 = arith.index_cast %swap3A_86 : i32 to index
    %swap3A_88 = arith.constant 16 : index
    %swap3A_89 = tpu.vector_load %arg14[%swap3A_87, %swap3A_88] {strides = array<i32>} : memref<16x128xf32, #tpu.memory_space<vmem>>, vector<1x16xf32>,
    %swap3A_90 = vector.shape_cast %swap3A_89 : vector<1x16xf32> to vector<16xf32>
    %swap3A_91 = vector.shape_cast %mul3A_79 : vector<16xf32> to vector<1x16xf32>
    tpu.vector_store %arg14[%swap3A_87, %swap3A_88], %swap3A_91 {strides = array<i32>} : memref<16x128xf32, #tpu.memory_space<vmem>>, vector<1x16xf32>,
    %swap3A_92 = arith.constant 1 : i32
    %swap3A_93 = arith.index_cast %swap3A_92 : i32 to index
    %swap3A_94 = arith.constant 32 : index
    %swap3A_95 = tpu.vector_load %arg14[%swap3A_93, %swap3A_94] {strides = array<i32>} : memref<16x128xf32, #tpu.memory_space<vmem>>, vector<1x16xf32>,
    %swap3A_96 = vector.shape_cast %swap3A_95 : vector<1x16xf32> to vector<16xf32>
    %swap3A_97 = vector.shape_cast %mul3A_79 : vector<16xf32> to vector<1x16xf32>
    tpu.vector_store %arg14[%swap3A_93, %swap3A_94], %swap3A_97 {strides = array<i32>} : memref<16x128xf32, #tpu.memory_space<vmem>>, vector<1x16xf32>,
    %swap3A_98 = arith.constant 1 : i32
    %swap3A_99 = arith.index_cast %swap3A_98 : i32 to index
    %swap3A_100 = arith.constant 48 : index
    %swap3A_101 = tpu.vector_load %arg14[%swap3A_99, %swap3A_100] {strides = array<i32>} : memref<16x128xf32, #tpu.memory_space<vmem>>, vector<1x16xf32>,
    %swap3A_102 = vector.shape_cast %swap3A_101 : vector<1x16xf32> to vector<16xf32>
    %swap3A_103 = vector.shape_cast %mul3A_79 : vector<16xf32> to vector<1x16xf32>
    tpu.vector_store %arg14[%swap3A_99, %swap3A_100], %swap3A_103 {strides = array<i32>} : memref<16x128xf32, #tpu.memory_space<vmem>>, vector<1x16xf32>,
    %swap3A_104 = arith.constant 1 : i32
    %swap3A_105 = arith.index_cast %swap3A_104 : i32 to index
    %swap3A_106 = arith.constant 64 : index
    %swap3A_107 = tpu.vector_load %arg14[%swap3A_105, %swap3A_106] {strides = array<i32>} : memref<16x128xf32, #tpu.memory_space<vmem>>, vector<1x16xf32>,
    %swap3A_108 = vector.shape_cast %swap3A_107 : vector<1x16xf32> to vector<16xf32>
    %swap3A_109 = vector.shape_cast %mul3A_79 : vector<16xf32> to vector<1x16xf32>
    tpu.vector_store %arg14[%swap3A_105, %swap3A_106], %swap3A_109 {strides = array<i32>} : memref<16x128xf32, #tpu.memory_space<vmem>>, vector<1x16xf32>,
    %swap3A_110 = arith.constant 1 : i32
    %swap3A_111 = arith.index_cast %swap3A_110 : i32 to index
    %swap3A_112 = arith.constant 80 : index
    %swap3A_113 = tpu.vector_load %arg14[%swap3A_111, %swap3A_112] {strides = array<i32>} : memref<16x128xf32, #tpu.memory_space<vmem>>, vector<1x16xf32>,
    %swap3A_114 = vector.shape_cast %swap3A_113 : vector<1x16xf32> to vector<16xf32>
    %swap3A_115 = vector.shape_cast %mul3A_79 : vector<16xf32> to vector<1x16xf32>
    tpu.vector_store %arg14[%swap3A_111, %swap3A_112], %swap3A_115 {strides = array<i32>} : memref<16x128xf32, #tpu.memory_space<vmem>>, vector<1x16xf32>,
    %swap3A_116 = arith.constant 1 : i32
    %swap3A_117 = arith.index_cast %swap3A_116 : i32 to index
    %swap3A_118 = arith.constant 96 : index
    %swap3A_119 = tpu.vector_load %arg14[%swap3A_117, %swap3A_118] {strides = array<i32>} : memref<16x128xf32, #tpu.memory_space<vmem>>, vector<1x16xf32>,
    %swap3A_120 = vector.shape_cast %swap3A_119 : vector<1x16xf32> to vector<16xf32>
    %swap3A_121 = vector.shape_cast %mul3A_79 : vector<16xf32> to vector<1x16xf32>
    tpu.vector_store %arg14[%swap3A_117, %swap3A_118], %swap3A_121 {strides = array<i32>} : memref<16x128xf32, #tpu.memory_space<vmem>>, vector<1x16xf32>,
    %swap3A_122 = arith.constant 1 : i32
    %swap3A_123 = arith.index_cast %swap3A_122 : i32 to index
    %swap3A_124 = arith.constant 112 : index
    %swap3A_125 = tpu.vector_load %arg14[%swap3A_123, %swap3A_124] {strides = array<i32>} : memref<16x128xf32, #tpu.memory_space<vmem>>, vector<1x16xf32>,
    %swap3A_126 = vector.shape_cast %swap3A_125 : vector<1x16xf32> to vector<16xf32>
    %swap3A_127 = vector.shape_cast %mul3A_79 : vector<16xf32> to vector<1x16xf32>
    tpu.vector_store %arg14[%swap3A_123, %swap3A_124], %swap3A_127 {strides = array<i32>} : memref<16x128xf32, #tpu.memory_space<vmem>>, vector<1x16xf32>,
    %convert_element_type3A_128 = arith.sitofp %scan3A_16#2 : vector<16xi32> to vector<16xf32>
    %mul3A_129 = arith.constant 1.600000e+01 : f32
    %mul3A_130 = vector.broadcast %mul3A_129 : f32 to vector<16xf32>
    %mul3A_131 = arith.mulf %convert_element_type3A_128, %mul3A_130 : vector<16xf32>
    %swap3A_132 = arith.constant 2 : i32
    %swap3A_133 = arith.index_cast %swap3A_132 : i32 to index
    %swap3A_134 = arith.constant 0 : index
    %swap3A_135 = tpu.vector_load %arg14[%swap3A_133, %swap3A_134] {strides = array<i32>} : memref<16x128xf32, #tpu.memory_space<vmem>>, vector<1x16xf32>,
    %swap3A_136 = vector.shape_cast %swap3A_135 : vector<1x16xf32> to vector<16xf32>
    %swap3A_137 = vector.shape_cast %mul3A_131 : vector<16xf32> to vector<1x16xf32>
    tpu.vector_store %arg14[%swap3A_133, %swap3A_134], %swap3A_137 {strides = array<i32>} : memref<16x128xf32, #tpu.memory_space<vmem>>, vector<1x16xf32>,
    %swap3A_138 = arith.constant 2 : i32
    %swap3A_139 = arith.index_cast %swap3A_138 : i32 to index
    %swap3A_140 = arith.constant 16 : index
    %swap3A_141 = tpu.vector_load %arg14[%swap3A_139, %swap3A_140] {strides = array<i32>} : memref<16x128xf32, #tpu.memory_space<vmem>>, vector<1x16xf32>,
    %swap3A_142 = vector.shape_cast %swap3A_141 : vector<1x16xf32> to vector<16xf32>
    %swap3A_143 = vector.shape_cast %mul3A_131 : vector<16xf32> to vector<1x16xf32>
    tpu.vector_store %arg14[%swap3A_139, %swap3A_140], %swap3A_143 {strides = array<i32>} : memref<16x128xf32, #tpu.memory_space<vmem>>, vector<1x16xf32>,
    %swap3A_144 = arith.constant 2 : i32
    %swap3A_145 = arith.index_cast %swap3A_144 : i32 to index
    %swap3A_146 = arith.constant 32 : index
    %swap3A_147 = tpu.vector_load %arg14[%swap3A_145, %swap3A_146] {strides = array<i32>} : memref<16x128xf32, #tpu.memory_space<vmem>>, vector<1x16xf32>,
    %swap3A_148 = vector.shape_cast %swap3A_147 : vector<1x16xf32> to vector<16xf32>
    %swap3A_149 = vector.shape_cast %mul3A_131 : vector<16xf32> to vector<1x16xf32>
    tpu.vector_store %arg14[%swap3A_145, %swap3A_146], %swap3A_149 {strides = array<i32>} : memref<16x128xf32, #tpu.memory_space<vmem>>, vector<1x16xf32>,
    %swap3A_150 = arith.constant 2 : i32
    %swap3A_151 = arith.index_cast %swap3A_150 : i32 to index
    %swap3A_152 = arith.constant 48 : index
    %swap3A_153 = tpu.vector_load %arg14[%swap3A_151, %swap3A_152] {strides = array<i32>} : memref<16x128xf32, #tpu.memory_space<vmem>>, vector<1x16xf32>,
    %swap3A_154 = vector.shape_cast %swap3A_153 : vector<1x16xf32> to vector<16xf32>
    %swap3A_155 = vector.shape_cast %mul3A_131 : vector<16xf32> to vector<1x16xf32>
    tpu.vector_store %arg14[%swap3A_151, %swap3A_152], %swap3A_155 {strides = array<i32>} : memref<16x128xf32, #tpu.memory_space<vmem>>, vector<1x16xf32>,
    %swap3A_156 = arith.constant 2 : i32
    %swap3A_157 = arith.index_cast %swap3A_156 : i32 to index
    %swap3A_158 = arith.constant 64 : index
    %swap3A_159 = tpu.vector_load %arg14[%swap3A_157, %swap3A_158] {strides = array<i32>} : memref<16x128xf32, #tpu.memory_space<vmem>>, vector<1x16xf32>,
    %swap3A_160 = vector.shape_cast %swap3A_159 : vector<1x16xf32> to vector<16xf32>
    %swap3A_161 = vector.shape_cast %mul3A_131 : vector<16xf32> to vector<1x16xf32>
    tpu.vector_store %arg14[%swap3A_157, %swap3A_158], %swap3A_161 {strides = array<i32>} : memref<16x128xf32, #tpu.memory_space<vmem>>, vector<1x16xf32>,
    %swap3A_162 = arith.constant 2 : i32
    %swap3A_163 = arith.index_cast %swap3A_162 : i32 to index
    %swap3A_164 = arith.constant 80 : index
    %swap3A_165 = tpu.vector_load %arg14[%swap3A_163, %swap3A_164] {strides = array<i32>} : memref<16x128xf32, #tpu.memory_space<vmem>>, vector<1x16xf32>,
    %swap3A_166 = vector.shape_cast %swap3A_165 : vector<1x16xf32> to vector<16xf32>
    %swap3A_167 = vector.shape_cast %mul3A_131 : vector<16xf32> to vector<1x16xf32>
    tpu.vector_store %arg14[%swap3A_163, %swap3A_164], %swap3A_167 {strides = array<i32>} : memref<16x128xf32, #tpu.memory_space<vmem>>, vector<1x16xf32>,
    %swap3A_168 = arith.constant 2 : i32
    %swap3A_169 = arith.index_cast %swap3A_168 : i32 to index
    %swap3A_170 = arith.constant 96 : index
    %swap3A_171 = tpu.vector_load %arg14[%swap3A_169, %swap3A_170] {strides = array<i32>} : memref<16x128xf32, #tpu.memory_space<vmem>>, vector<1x16xf32>,
    %swap3A_172 = vector.shape_cast %swap3A_171 : vector<1x16xf32> to vector<16xf32>
    %swap3A_173 = vector.shape_cast %mul3A_131 : vector<16xf32> to vector<1x16xf32>
    tpu.vector_store %arg14[%swap3A_169, %swap3A_170], %swap3A_173 {strides = array<i32>} : memref<16x128xf32, #tpu.memory_space<vmem>>, vector<1x16xf32>,
    %swap3A_174 = arith.constant 2 : i32
    %swap3A_175 = arith.index_cast %swap3A_174 : i32 to index
    %swap3A_176 = arith.constant 112 : index
    %swap3A_177 = tpu.vector_load %arg14[%swap3A_175, %swap3A_176] {strides = array<i32>} : memref<16x128xf32, #tpu.memory_space<vmem>>, vector<1x16xf32>,
    %swap3A_178 = vector.shape_cast %swap3A_177 : vector<1x16xf32> to vector<16xf32>
    %swap3A_179 = vector.shape_cast %mul3A_131 : vector<16xf32> to vector<1x16xf32>
    tpu.vector_store %arg14[%swap3A_175, %swap3A_176], %swap3A_179 {strides = array<i32>} : memref<16x128xf32, #tpu.memory_space<vmem>>, vector<1x16xf32>,
    %convert_element_type3A_180 = arith.sitofp %scan3A_16#3 : vector<16xi32> to vector<16xf32>
    %mul3A_181 = arith.constant 1.600000e+01 : f32
    %mul3A_182 = vector.broadcast %mul3A_181 : f32 to vector<16xf32>
    %mul3A_183 = arith.mulf %convert_element_type3A_180, %mul3A_182 : vector<16xf32>
    %swap3A_184 = arith.constant 3 : i32
    %swap3A_185 = arith.index_cast %swap3A_184 : i32 to index
    %swap3A_186 = arith.constant 0 : index
    %swap3A_187 = tpu.vector_load %arg14[%swap3A_185, %swap3A_186] {strides = array<i32>} : memref<16x128xf32, #tpu.memory_space<vmem>>, vector<1x16xf32>,
    %swap3A_188 = vector.shape_cast %swap3A_187 : vector<1x16xf32> to vector<16xf32>
    %swap3A_189 = vector.shape_cast %mul3A_183 : vector<16xf32> to vector<1x16xf32>
    tpu.vector_store %arg14[%swap3A_185, %swap3A_186], %swap3A_189 {strides = array<i32>} : memref<16x128xf32, #tpu.memory_space<vmem>>, vector<1x16xf32>,
    %swap3A_190 = arith.constant 3 : i32
    %swap3A_191 = arith.index_cast %swap3A_190 : i32 to index
    %swap3A_192 = arith.constant 16 : index
    %swap3A_193 = tpu.vector_load %arg14[%swap3A_191, %swap3A_192] {strides = array<i32>} : memref<16x128xf32, #tpu.memory_space<vmem>>, vector<1x16xf32>,
    %swap3A_194 = vector.shape_cast %swap3A_193 : vector<1x16xf32> to vector<16xf32>
    %swap3A_195 = vector.shape_cast %mul3A_183 : vector<16xf32> to vector<1x16xf32>
    tpu.vector_store %arg14[%swap3A_191, %swap3A_192], %swap3A_195 {strides = array<i32>} : memref<16x128xf32, #tpu.memory_space<vmem>>, vector<1x16xf32>,
    %swap3A_196 = arith.constant 3 : i32
    %swap3A_197 = arith.index_cast %swap3A_196 : i32 to index
    %swap3A_198 = arith.constant 32 : index
    %swap3A_199 = tpu.vector_load %arg14[%swap3A_197, %swap3A_198] {strides = array<i32>} : memref<16x128xf32, #tpu.memory_space<vmem>>, vector<1x16xf32>,
    %swap3A_200 = vector.shape_cast %swap3A_199 : vector<1x16xf32> to vector<16xf32>
    %swap3A_201 = vector.shape_cast %mul3A_183 : vector<16xf32> to vector<1x16xf32>
    tpu.vector_store %arg14[%swap3A_197, %swap3A_198], %swap3A_201 {strides = array<i32>} : memref<16x128xf32, #tpu.memory_space<vmem>>, vector<1x16xf32>,
    %swap3A_202 = arith.constant 3 : i32
    %swap3A_203 = arith.index_cast %swap3A_202 : i32 to index
    %swap3A_204 = arith.constant 48 : index
    %swap3A_205 = tpu.vector_load %arg14[%swap3A_203, %swap3A_204] {strides = array<i32>} : memref<16x128xf32, #tpu.memory_space<vmem>>, vector<1x16xf32>,
    %swap3A_206 = vector.shape_cast %swap3A_205 : vector<1x16xf32> to vector<16xf32>
    %swap3A_207 = vector.shape_cast %mul3A_183 : vector<16xf32> to vector<1x16xf32>
    tpu.vector_store %arg14[%swap3A_203, %swap3A_204], %swap3A_207 {strides = array<i32>} : memref<16x128xf32, #tpu.memory_space<vmem>>, vector<1x16xf32>,
    %swap3A_208 = arith.constant 3 : i32
    %swap3A_209 = arith.index_cast %swap3A_208 : i32 to index
    %swap3A_210 = arith.constant 64 : index
    %swap3A_211 = tpu.vector_load %arg14[%swap3A_209, %swap3A_210] {strides = array<i32>} : memref<16x128xf32, #tpu.memory_space<vmem>>, vector<1x16xf32>,
    %swap3A_212 = vector.shape_cast %swap3A_211 : vector<1x16xf32> to vector<16xf32>
    %swap3A_213 = vector.shape_cast %mul3A_183 : vector<16xf32> to vector<1x16xf32>
    tpu.vector_store %arg14[%swap3A_209, %swap3A_210], %swap3A_213 {strides = array<i32>} : memref<16x128xf32, #tpu.memory_space<vmem>>, vector<1x16xf32>,
    %swap3A_214 = arith.constant 3 : i32
    %swap3A_215 = arith.index_cast %swap3A_214 : i32 to index
    %swap3A_216 = arith.constant 80 : index
    %swap3A_217 = tpu.vector_load %arg14[%swap3A_215, %swap3A_216] {strides = array<i32>} : memref<16x128xf32, #tpu.memory_space<vmem>>, vector<1x16xf32>,
    %swap3A_218 = vector.shape_cast %swap3A_217 : vector<1x16xf32> to vector<16xf32>
    %swap3A_219 = vector.shape_cast %mul3A_183 : vector<16xf32> to vector<1x16xf32>
    tpu.vector_store %arg14[%swap3A_215, %swap3A_216], %swap3A_219 {strides = array<i32>} : memref<16x128xf32, #tpu.memory_space<vmem>>, vector<1x16xf32>,
    %swap3A_220 = arith.constant 3 : i32
    %swap3A_221 = arith.index_cast %swap3A_220 : i32 to index
    %swap3A_222 = arith.constant 96 : index
    %swap3A_223 = tpu.vector_load %arg14[%swap3A_221, %swap3A_222] {strides = array<i32>} : memref<16x128xf32, #tpu.memory_space<vmem>>, vector<1x16xf32>,
    %swap3A_224 = vector.shape_cast %swap3A_223 : vector<1x16xf32> to vector<16xf32>
    %swap3A_225 = vector.shape_cast %mul3A_183 : vector<16xf32> to vector<1x16xf32>
    tpu.vector_store %arg14[%swap3A_221, %swap3A_222], %swap3A_225 {strides = array<i32>} : memref<16x128xf32, #tpu.memory_space<vmem>>, vector<1x16xf32>,
    %swap3A_226 = arith.constant 3 : i32
    %swap3A_227 = arith.index_cast %swap3A_226 : i32 to index
    %swap3A_228 = arith.constant 112 : index
    %swap3A_229 = tpu.vector_load %arg14[%swap3A_227, %swap3A_228] {strides = array<i32>} : memref<16x128xf32, #tpu.memory_space<vmem>>, vector<1x16xf32>,
    %swap3A_230 = vector.shape_cast %swap3A_229 : vector<1x16xf32> to vector<16xf32>
    %swap3A_231 = vector.shape_cast %mul3A_183 : vector<16xf32> to vector<1x16xf32>
    tpu.vector_store %arg14[%swap3A_227, %swap3A_228], %swap3A_231 {strides = array<i32>} : memref<16x128xf32, #tpu.memory_space<vmem>>, vector<1x16xf32>,
    %convert_element_type3A_232 = arith.sitofp %scan3A_16#4 : vector<16xi32> to vector<16xf32>
    %mul3A_233 = arith.constant 1.600000e+01 : f32
    %mul3A_234 = vector.broadcast %mul3A_233 : f32 to vector<16xf32>
    %mul3A_235 = arith.mulf %convert_element_type3A_232, %mul3A_234 : vector<16xf32>
    %swap3A_236 = arith.constant 4 : i32
    %swap3A_237 = arith.index_cast %swap3A_236 : i32 to index
    %swap3A_238 = arith.constant 0 : index
    %swap3A_239 = tpu.vector_load %arg14[%swap3A_237, %swap3A_238] {strides = array<i32>} : memref<16x128xf32, #tpu.memory_space<vmem>>, vector<1x16xf32>,
    %swap3A_240 = vector.shape_cast %swap3A_239 : vector<1x16xf32> to vector<16xf32>
    %swap3A_241 = vector.shape_cast %mul3A_235 : vector<16xf32> to vector<1x16xf32>
    tpu.vector_store %arg14[%swap3A_237, %swap3A_238], %swap3A_241 {strides = array<i32>} : memref<16x128xf32, #tpu.memory_space<vmem>>, vector<1x16xf32>,
    %swap3A_242 = arith.constant 4 : i32
    %swap3A_243 = arith.index_cast %swap3A_242 : i32 to index
    %swap3A_244 = arith.constant 16 : index
    %swap3A_245 = tpu.vector_load %arg14[%swap3A_243, %swap3A_244] {strides = array<i32>} : memref<16x128xf32, #tpu.memory_space<vmem>>, vector<1x16xf32>,
    %swap3A_246 = vector.shape_cast %swap3A_245 : vector<1x16xf32> to vector<16xf32>
    %swap3A_247 = vector.shape_cast %mul3A_235 : vector<16xf32> to vector<1x16xf32>
    tpu.vector_store %arg14[%swap3A_243, %swap3A_244], %swap3A_247 {strides = array<i32>} : memref<16x128xf32, #tpu.memory_space<vmem>>, vector<1x16xf32>,
    %swap3A_248 = arith.constant 4 : i32
    %swap3A_249 = arith.index_cast %swap3A_248 : i32 to index
    %swap3A_250 = arith.constant 32 : index
    %swap3A_251 = tpu.vector_load %arg14[%swap3A_249, %swap3A_250] {strides = array<i32>} : memref<16x128xf32, #tpu.memory_space<vmem>>, vector<1x16xf32>,
    %swap3A_252 = vector.shape_cast %swap3A_251 : vector<1x16xf32> to vector<16xf32>
    %swap3A_253 = vector.shape_cast %mul3A_235 : vector<16xf32> to vector<1x16xf32>
    tpu.vector_store %arg14[%swap3A_249, %swap3A_250], %swap3A_253 {strides = array<i32>} : memref<16x128xf32, #tpu.memory_space<vmem>>, vector<1x16xf32>,
    %swap3A_254 = arith.constant 4 : i32
    %swap3A_255 = arith.index_cast %swap3A_254 : i32 to index
    %swap3A_256 = arith.constant 48 : index
    %swap3A_257 = tpu.vector_load %arg14[%swap3A_255, %swap3A_256] {strides = array<i32>} : memref<16x128xf32, #tpu.memory_space<vmem>>, vector<1x16xf32>,
    %swap3A_258 = vector.shape_cast %swap3A_257 : vector<1x16xf32> to vector<16xf32>
    %swap3A_259 = vector.shape_cast %mul3A_235 : vector<16xf32> to vector<1x16xf32>
    tpu.vector_store %arg14[%swap3A_255, %swap3A_256], %swap3A_259 {strides = array<i32>} : memref<16x128xf32, #tpu.memory_space<vmem>>, vector<1x16xf32>,
    %swap3A_260 = arith.constant 4 : i32
    %swap3A_261 = arith.index_cast %swap3A_260 : i32 to index
    %swap3A_262 = arith.constant 64 : index
    %swap3A_263 = tpu.vector_load %arg14[%swap3A_261, %swap3A_262] {strides = array<i32>} : memref<16x128xf32, #tpu.memory_space<vmem>>, vector<1x16xf32>,
    %swap3A_264 = vector.shape_cast %swap3A_263 : vector<1x16xf32> to vector<16xf32>
    %swap3A_265 = vector.shape_cast %mul3A_235 : vector<16xf32> to vector<1x16xf32>
    tpu.vector_store %arg14[%swap3A_261, %swap3A_262], %swap3A_265 {strides = array<i32>} : memref<16x128xf32, #tpu.memory_space<vmem>>, vector<1x16xf32>,
    %swap3A_266 = arith.constant 4 : i32
    %swap3A_267 = arith.index_cast %swap3A_266 : i32 to index
    %swap3A_268 = arith.constant 80 : index
    %swap3A_269 = tpu.vector_load %arg14[%swap3A_267, %swap3A_268] {strides = array<i32>} : memref<16x128xf32, #tpu.memory_space<vmem>>, vector<1x16xf32>,
    %swap3A_270 = vector.shape_cast %swap3A_269 : vector<1x16xf32> to vector<16xf32>
    %swap3A_271 = vector.shape_cast %mul3A_235 : vector<16xf32> to vector<1x16xf32>
    tpu.vector_store %arg14[%swap3A_267, %swap3A_268], %swap3A_271 {strides = array<i32>} : memref<16x128xf32, #tpu.memory_space<vmem>>, vector<1x16xf32>,
    %swap3A_272 = arith.constant 4 : i32
    %swap3A_273 = arith.index_cast %swap3A_272 : i32 to index
    %swap3A_274 = arith.constant 96 : index
    %swap3A_275 = tpu.vector_load %arg14[%swap3A_273, %swap3A_274] {strides = array<i32>} : memref<16x128xf32, #tpu.memory_space<vmem>>, vector<1x16xf32>,
    %swap3A_276 = vector.shape_cast %swap3A_275 : vector<1x16xf32> to vector<16xf32>
    %swap3A_277 = vector.shape_cast %mul3A_235 : vector<16xf32> to vector<1x16xf32>
    tpu.vector_store %arg14[%swap3A_273, %swap3A_274], %swap3A_277 {strides = array<i32>} : memref<16x128xf32, #tpu.memory_space<vmem>>, vector<1x16xf32>,
    %swap3A_278 = arith.constant 4 : i32
    %swap3A_279 = arith.index_cast %swap3A_278 : i32 to index
    %swap3A_280 = arith.constant 112 : index
    %swap3A_281 = tpu.vector_load %arg14[%swap3A_279, %swap3A_280] {strides = array<i32>} : memref<16x128xf32, #tpu.memory_space<vmem>>, vector<1x16xf32>,
    %swap3A_282 = vector.shape_cast %swap3A_281 : vector<1x16xf32> to vector<16xf32>
    %swap3A_283 = vector.shape_cast %mul3A_235 : vector<16xf32> to vector<1x16xf32>
    tpu.vector_store %arg14[%swap3A_279, %swap3A_280], %swap3A_283 {strides = array<i32>} : memref<16x128xf32, #tpu.memory_space<vmem>>, vector<1x16xf32>,
    %convert_element_type3A_284 = arith.sitofp %scan3A_16#5 : vector<16xi32> to vector<16xf32>
    %mul3A_285 = arith.constant 1.600000e+01 : f32
    %mul3A_286 = vector.broadcast %mul3A_285 : f32 to vector<16xf32>
    %mul3A_287 = arith.mulf %convert_element_type3A_284, %mul3A_286 : vector<16xf32>
    %swap3A_288 = arith.constant 5 : i32
    %swap3A_289 = arith.index_cast %swap3A_288 : i32 to index
    %swap3A_290 = arith.constant 0 : index
    %swap3A_291 = tpu.vector_load %arg14[%swap3A_289, %swap3A_290] {strides = array<i32>} : memref<16x128xf32, #tpu.memory_space<vmem>>, vector<1x16xf32>,
    %swap3A_292 = vector.shape_cast %swap3A_291 : vector<1x16xf32> to vector<16xf32>
    %swap3A_293 = vector.shape_cast %mul3A_287 : vector<16xf32> to vector<1x16xf32>
    tpu.vector_store %arg14[%swap3A_289, %swap3A_290], %swap3A_293 {strides = array<i32>} : memref<16x128xf32, #tpu.memory_space<vmem>>, vector<1x16xf32>,
    %swap3A_294 = arith.constant 5 : i32
    %swap3A_295 = arith.index_cast %swap3A_294 : i32 to index
    %swap3A_296 = arith.constant 16 : index
    %swap3A_297 = tpu.vector_load %arg14[%swap3A_295, %swap3A_296] {strides = array<i32>} : memref<16x128xf32, #tpu.memory_space<vmem>>, vector<1x16xf32>,
    %swap3A_298 = vector.shape_cast %swap3A_297 : vector<1x16xf32> to vector<16xf32>
    %swap3A_299 = vector.shape_cast %mul3A_287 : vector<16xf32> to vector<1x16xf32>
    tpu.vector_store %arg14[%swap3A_295, %swap3A_296], %swap3A_299 {strides = array<i32>} : memref<16x128xf32, #tpu.memory_space<vmem>>, vector<1x16xf32>,
    %swap3A_300 = arith.constant 5 : i32
    %swap3A_301 = arith.index_cast %swap3A_300 : i32 to index
    %swap3A_302 = arith.constant 32 : index
    %swap3A_303 = tpu.vector_load %arg14[%swap3A_301, %swap3A_302] {strides = array<i32>} : memref<16x128xf32, #tpu.memory_space<vmem>>, vector<1x16xf32>,
    %swap3A_304 = vector.shape_cast %swap3A_303 : vector<1x16xf32> to vector<16xf32>
    %swap3A_305 = vector.shape_cast %mul3A_287 : vector<16xf32> to vector<1x16xf32>
    tpu.vector_store %arg14[%swap3A_301, %swap3A_302], %swap3A_305 {strides = array<i32>} : memref<16x128xf32, #tpu.memory_space<vmem>>, vector<1x16xf32>,
    %swap3A_306 = arith.constant 5 : i32
    %swap3A_307 = arith.index_cast %swap3A_306 : i32 to index
    %swap3A_308 = arith.constant 48 : index
    %swap3A_309 = tpu.vector_load %arg14[%swap3A_307, %swap3A_308] {strides = array<i32>} : memref<16x128xf32, #tpu.memory_space<vmem>>, vector<1x16xf32>,
    %swap3A_310 = vector.shape_cast %swap3A_309 : vector<1x16xf32> to vector<16xf32>
    %swap3A_311 = vector.shape_cast %mul3A_287 : vector<16xf32> to vector<1x16xf32>
    tpu.vector_store %arg14[%swap3A_307, %swap3A_308], %swap3A_311 {strides = array<i32>} : memref<16x128xf32, #tpu.memory_space<vmem>>, vector<1x16xf32>,
    %swap3A_312 = arith.constant 5 : i32
    %swap3A_313 = arith.index_cast %swap3A_312 : i32 to index
    %swap3A_314 = arith.constant 64 : index
    %swap3A_315 = tpu.vector_load %arg14[%swap3A_313, %swap3A_314] {strides = array<i32>} : memref<16x128xf32, #tpu.memory_space<vmem>>, vector<1x16xf32>,
    %swap3A_316 = vector.shape_cast %swap3A_315 : vector<1x16xf32> to vector<16xf32>
    %swap3A_317 = vector.shape_cast %mul3A_287 : vector<16xf32> to vector<1x16xf32>
    tpu.vector_store %arg14[%swap3A_313, %swap3A_314], %swap3A_317 {strides = array<i32>} : memref<16x128xf32, #tpu.memory_space<vmem>>, vector<1x16xf32>,
    %swap3A_318 = arith.constant 5 : i32
    %swap3A_319 = arith.index_cast %swap3A_318 : i32 to index
    %swap3A_320 = arith.constant 80 : index
    %swap3A_321 = tpu.vector_load %arg14[%swap3A_319, %swap3A_320] {strides = array<i32>} : memref<16x128xf32, #tpu.memory_space<vmem>>, vector<1x16xf32>,
    %swap3A_322 = vector.shape_cast %swap3A_321 : vector<1x16xf32> to vector<16xf32>
    %swap3A_323 = vector.shape_cast %mul3A_287 : vector<16xf32> to vector<1x16xf32>
    tpu.vector_store %arg14[%swap3A_319, %swap3A_320], %swap3A_323 {strides = array<i32>} : memref<16x128xf32, #tpu.memory_space<vmem>>, vector<1x16xf32>,
    %swap3A_324 = arith.constant 5 : i32
    %swap3A_325 = arith.index_cast %swap3A_324 : i32 to index
    %swap3A_326 = arith.constant 96 : index
    %swap3A_327 = tpu.vector_load %arg14[%swap3A_325, %swap3A_326] {strides = array<i32>} : memref<16x128xf32, #tpu.memory_space<vmem>>, vector<1x16xf32>,
    %swap3A_328 = vector.shape_cast %swap3A_327 : vector<1x16xf32> to vector<16xf32>
    %swap3A_329 = vector.shape_cast %mul3A_287 : vector<16xf32> to vector<1x16xf32>
    tpu.vector_store %arg14[%swap3A_325, %swap3A_326], %swap3A_329 {strides = array<i32>} : memref<16x128xf32, #tpu.memory_space<vmem>>, vector<1x16xf32>,
    %swap3A_330 = arith.constant 5 : i32
    %swap3A_331 = arith.index_cast %swap3A_330 : i32 to index
    %swap3A_332 = arith.constant 112 : index
    %swap3A_333 = tpu.vector_load %arg14[%swap3A_331, %swap3A_332] {strides = array<i32>} : memref<16x128xf32, #tpu.memory_space<vmem>>, vector<1x16xf32>,
    %swap3A_334 = vector.shape_cast %swap3A_333 : vector<1x16xf32> to vector<16xf32>
    %swap3A_335 = vector.shape_cast %mul3A_287 : vector<16xf32> to vector<1x16xf32>
    tpu.vector_store %arg14[%swap3A_331, %swap3A_332], %swap3A_335 {strides = array<i32>} : memref<16x128xf32, #tpu.memory_space<vmem>>, vector<1x16xf32>,
    %convert_element_type3A_336 = arith.sitofp %scan3A_16#6 : vector<16xi32> to vector<16xf32>
    %mul3A_337 = arith.constant 1.600000e+01 : f32
    %mul3A_338 = vector.broadcast %mul3A_337 : f32 to vector<16xf32>
    %mul3A_339 = arith.mulf %convert_element_type3A_336, %mul3A_338 : vector<16xf32>
    %swap3A_340 = arith.constant 6 : i32
    %swap3A_341 = arith.index_cast %swap3A_340 : i32 to index
    %swap3A_342 = arith.constant 0 : index
    %swap3A_343 = tpu.vector_load %arg14[%swap3A_341, %swap3A_342] {strides = array<i32>} : memref<16x128xf32, #tpu.memory_space<vmem>>, vector<1x16xf32>,
    %swap3A_344 = vector.shape_cast %swap3A_343 : vector<1x16xf32> to vector<16xf32>
    %swap3A_345 = vector.shape_cast %mul3A_339 : vector<16xf32> to vector<1x16xf32>
    tpu.vector_store %arg14[%swap3A_341, %swap3A_342], %swap3A_345 {strides = array<i32>} : memref<16x128xf32, #tpu.memory_space<vmem>>, vector<1x16xf32>,
    %swap3A_346 = arith.constant 6 : i32
    %swap3A_347 = arith.index_cast %swap3A_346 : i32 to index
    %swap3A_348 = arith.constant 16 : index
    %swap3A_349 = tpu.vector_load %arg14[%swap3A_347, %swap3A_348] {strides = array<i32>} : memref<16x128xf32, #tpu.memory_space<vmem>>, vector<1x16xf32>,
    %swap3A_350 = vector.shape_cast %swap3A_349 : vector<1x16xf32> to vector<16xf32>
    %swap3A_351 = vector.shape_cast %mul3A_339 : vector<16xf32> to vector<1x16xf32>
    tpu.vector_store %arg14[%swap3A_347, %swap3A_348], %swap3A_351 {strides = array<i32>} : memref<16x128xf32, #tpu.memory_space<vmem>>, vector<1x16xf32>,
    %swap3A_352 = arith.constant 6 : i32
    %swap3A_353 = arith.index_cast %swap3A_352 : i32 to index
    %swap3A_354 = arith.constant 32 : index
    %swap3A_355 = tpu.vector_load %arg14[%swap3A_353, %swap3A_354] {strides = array<i32>} : memref<16x128xf32, #tpu.memory_space<vmem>>, vector<1x16xf32>,
    %swap3A_356 = vector.shape_cast %swap3A_355 : vector<1x16xf32> to vector<16xf32>
    %swap3A_357 = vector.shape_cast %mul3A_339 : vector<16xf32> to vector<1x16xf32>
    tpu.vector_store %arg14[%swap3A_353, %swap3A_354], %swap3A_357 {strides = array<i32>} : memref<16x128xf32, #tpu.memory_space<vmem>>, vector<1x16xf32>,
    %swap3A_358 = arith.constant 6 : i32
    %swap3A_359 = arith.index_cast %swap3A_358 : i32 to index
    %swap3A_360 = arith.constant 48 : index
    %swap3A_361 = tpu.vector_load %arg14[%swap3A_359, %swap3A_360] {strides = array<i32>} : memref<16x128xf32, #tpu.memory_space<vmem>>, vector<1x16xf32>,
    %swap3A_362 = vector.shape_cast %swap3A_361 : vector<1x16xf32> to vector<16xf32>
    %swap3A_363 = vector.shape_cast %mul3A_339 : vector<16xf32> to vector<1x16xf32>
    tpu.vector_store %arg14[%swap3A_359, %swap3A_360], %swap3A_363 {strides = array<i32>} : memref<16x128xf32, #tpu.memory_space<vmem>>, vector<1x16xf32>,
    %swap3A_364 = arith.constant 6 : i32
    %swap3A_365 = arith.index_cast %swap3A_364 : i32 to index
    %swap3A_366 = arith.constant 64 : index
    %swap3A_367 = tpu.vector_load %arg14[%swap3A_365, %swap3A_366] {strides = array<i32>} : memref<16x128xf32, #tpu.memory_space<vmem>>, vector<1x16xf32>,
    %swap3A_368 = vector.shape_cast %swap3A_367 : vector<1x16xf32> to vector<16xf32>
    %swap3A_369 = vector.shape_cast %mul3A_339 : vector<16xf32> to vector<1x16xf32>
    tpu.vector_store %arg14[%swap3A_365, %swap3A_366], %swap3A_369 {strides = array<i32>} : memref<16x128xf32, #tpu.memory_space<vmem>>, vector<1x16xf32>,
    %swap3A_370 = arith.constant 6 : i32
    %swap3A_371 = arith.index_cast %swap3A_370 : i32 to index
    %swap3A_372 = arith.constant 80 : index
    %swap3A_373 = tpu.vector_load %arg14[%swap3A_371, %swap3A_372] {strides = array<i32>} : memref<16x128xf32, #tpu.memory_space<vmem>>, vector<1x16xf32>,
    %swap3A_374 = vector.shape_cast %swap3A_373 : vector<1x16xf32> to vector<16xf32>
    %swap3A_375 = vector.shape_cast %mul3A_339 : vector<16xf32> to vector<1x16xf32>
    tpu.vector_store %arg14[%swap3A_371, %swap3A_372], %swap3A_375 {strides = array<i32>} : memref<16x128xf32, #tpu.memory_space<vmem>>, vector<1x16xf32>,
    %swap3A_376 = arith.constant 6 : i32
    %swap3A_377 = arith.index_cast %swap3A_376 : i32 to index
    %swap3A_378 = arith.constant 96 : index
    %swap3A_379 = tpu.vector_load %arg14[%swap3A_377, %swap3A_378] {strides = array<i32>} : memref<16x128xf32, #tpu.memory_space<vmem>>, vector<1x16xf32>,
    %swap3A_380 = vector.shape_cast %swap3A_379 : vector<1x16xf32> to vector<16xf32>
    %swap3A_381 = vector.shape_cast %mul3A_339 : vector<16xf32> to vector<1x16xf32>
    tpu.vector_store %arg14[%swap3A_377, %swap3A_378], %swap3A_381 {strides = array<i32>} : memref<16x128xf32, #tpu.memory_space<vmem>>, vector<1x16xf32>,
    %swap3A_382 = arith.constant 6 : i32
    %swap3A_383 = arith.index_cast %swap3A_382 : i32 to index
    %swap3A_384 = arith.constant 112 : index
    %swap3A_385 = tpu.vector_load %arg14[%swap3A_383, %swap3A_384] {strides = array<i32>} : memref<16x128xf32, #tpu.memory_space<vmem>>, vector<1x16xf32>,
    %swap3A_386 = vector.shape_cast %swap3A_385 : vector<1x16xf32> to vector<16xf32>
    %swap3A_387 = vector.shape_cast %mul3A_339 : vector<16xf32> to vector<1x16xf32>
    tpu.vector_store %arg14[%swap3A_383, %swap3A_384], %swap3A_387 {strides = array<i32>} : memref<16x128xf32, #tpu.memory_space<vmem>>, vector<1x16xf32>,
    %convert_element_type3A_388 = arith.sitofp %scan3A_16#7 : vector<16xi32> to vector<16xf32>
    %mul3A_389 = arith.constant 1.600000e+01 : f32
    %mul3A_390 = vector.broadcast %mul3A_389 : f32 to vector<16xf32>
    %mul3A_391 = arith.mulf %convert_element_type3A_388, %mul3A_390 : vector<16xf32>
    %swap3A_392 = arith.constant 7 : i32
    %swap3A_393 = arith.index_cast %swap3A_392 : i32 to index
    %swap3A_394 = arith.constant 0 : index
    %swap3A_395 = tpu.vector_load %arg14[%swap3A_393, %swap3A_394] {strides = array<i32>} : memref<16x128xf32, #tpu.memory_space<vmem>>, vector<1x16xf32>,
    %swap3A_396 = vector.shape_cast %swap3A_395 : vector<1x16xf32> to vector<16xf32>
    %swap3A_397 = vector.shape_cast %mul3A_391 : vector<16xf32> to vector<1x16xf32>
    tpu.vector_store %arg14[%swap3A_393, %swap3A_394], %swap3A_397 {strides = array<i32>} : memref<16x128xf32, #tpu.memory_space<vmem>>, vector<1x16xf32>,
    %swap3A_398 = arith.constant 7 : i32
    %swap3A_399 = arith.index_cast %swap3A_398 : i32 to index
    %swap3A_400 = arith.constant 16 : index
    %swap3A_401 = tpu.vector_load %arg14[%swap3A_399, %swap3A_400] {strides = array<i32>} : memref<16x128xf32, #tpu.memory_space<vmem>>, vector<1x16xf32>,
    %swap3A_402 = vector.shape_cast %swap3A_401 : vector<1x16xf32> to vector<16xf32>
    %swap3A_403 = vector.shape_cast %mul3A_391 : vector<16xf32> to vector<1x16xf32>
    tpu.vector_store %arg14[%swap3A_399, %swap3A_400], %swap3A_403 {strides = array<i32>} : memref<16x128xf32, #tpu.memory_space<vmem>>, vector<1x16xf32>,
    %swap3A_404 = arith.constant 7 : i32
    %swap3A_405 = arith.index_cast %swap3A_404 : i32 to index
    %swap3A_406 = arith.constant 32 : index
    %swap3A_407 = tpu.vector_load %arg14[%swap3A_405, %swap3A_406] {strides = array<i32>} : memref<16x128xf32, #tpu.memory_space<vmem>>, vector<1x16xf32>,
    %swap3A_408 = vector.shape_cast %swap3A_407 : vector<1x16xf32> to vector<16xf32>
    %swap3A_409 = vector.shape_cast %mul3A_391 : vector<16xf32> to vector<1x16xf32>
    tpu.vector_store %arg14[%swap3A_405, %swap3A_406], %swap3A_409 {strides = array<i32>} : memref<16x128xf32, #tpu.memory_space<vmem>>, vector<1x16xf32>,
    %swap3A_410 = arith.constant 7 : i32
    %swap3A_411 = arith.index_cast %swap3A_410 : i32 to index
    %swap3A_412 = arith.constant 48 : index
    %swap3A_413 = tpu.vector_load %arg14[%swap3A_411, %swap3A_412] {strides = array<i32>} : memref<16x128xf32, #tpu.memory_space<vmem>>, vector<1x16xf32>,
    %swap3A_414 = vector.shape_cast %swap3A_413 : vector<1x16xf32> to vector<16xf32>
    %swap3A_415 = vector.shape_cast %mul3A_391 : vector<16xf32> to vector<1x16xf32>
    tpu.vector_store %arg14[%swap3A_411, %swap3A_412], %swap3A_415 {strides = array<i32>} : memref<16x128xf32, #tpu.memory_space<vmem>>, vector<1x16xf32>,
    %swap3A_416 = arith.constant 7 : i32
    %swap3A_417 = arith.index_cast %swap3A_416 : i32 to index
    %swap3A_418 = arith.constant 64 : index
    %swap3A_419 = tpu.vector_load %arg14[%swap3A_417, %swap3A_418] {strides = array<i32>} : memref<16x128xf32, #tpu.memory_space<vmem>>, vector<1x16xf32>,
    %swap3A_420 = vector.shape_cast %swap3A_419 : vector<1x16xf32> to vector<16xf32>
    %swap3A_421 = vector.shape_cast %mul3A_391 : vector<16xf32> to vector<1x16xf32>
    tpu.vector_store %arg14[%swap3A_417, %swap3A_418], %swap3A_421 {strides = array<i32>} : memref<16x128xf32, #tpu.memory_space<vmem>>, vector<1x16xf32>,
    %swap3A_422 = arith.constant 7 : i32
    %swap3A_423 = arith.index_cast %swap3A_422 : i32 to index
    %swap3A_424 = arith.constant 80 : index
    %swap3A_425 = tpu.vector_load %arg14[%swap3A_423, %swap3A_424] {strides = array<i32>} : memref<16x128xf32, #tpu.memory_space<vmem>>, vector<1x16xf32>,
    %swap3A_426 = vector.shape_cast %swap3A_425 : vector<1x16xf32> to vector<16xf32>
    %swap3A_427 = vector.shape_cast %mul3A_391 : vector<16xf32> to vector<1x16xf32>
    tpu.vector_store %arg14[%swap3A_423, %swap3A_424], %swap3A_427 {strides = array<i32>} : memref<16x128xf32, #tpu.memory_space<vmem>>, vector<1x16xf32>,
    %swap3A_428 = arith.constant 7 : i32
    %swap3A_429 = arith.index_cast %swap3A_428 : i32 to index
    %swap3A_430 = arith.constant 96 : index
    %swap3A_431 = tpu.vector_load %arg14[%swap3A_429, %swap3A_430] {strides = array<i32>} : memref<16x128xf32, #tpu.memory_space<vmem>>, vector<1x16xf32>,
    %swap3A_432 = vector.shape_cast %swap3A_431 : vector<1x16xf32> to vector<16xf32>
    %swap3A_433 = vector.shape_cast %mul3A_391 : vector<16xf32> to vector<1x16xf32>
    tpu.vector_store %arg14[%swap3A_429, %swap3A_430], %swap3A_433 {strides = array<i32>} : memref<16x128xf32, #tpu.memory_space<vmem>>, vector<1x16xf32>,
    %swap3A_434 = arith.constant 7 : i32
    %swap3A_435 = arith.index_cast %swap3A_434 : i32 to index
    %swap3A_436 = arith.constant 112 : index
    %swap3A_437 = tpu.vector_load %arg14[%swap3A_435, %swap3A_436] {strides = array<i32>} : memref<16x128xf32, #tpu.memory_space<vmem>>, vector<1x16xf32>,
    %swap3A_438 = vector.shape_cast %swap3A_437 : vector<1x16xf32> to vector<16xf32>
    %swap3A_439 = vector.shape_cast %mul3A_391 : vector<16xf32> to vector<1x16xf32>
    tpu.vector_store %arg14[%swap3A_435, %swap3A_436], %swap3A_439 {strides = array<i32>} : memref<16x128xf32, #tpu.memory_space<vmem>>, vector<1x16xf32>,
    %convert_element_type3A_440 = arith.sitofp %scan3A_16#8 : vector<16xi32> to vector<16xf32>
    %mul3A_441 = arith.constant 1.600000e+01 : f32
    %mul3A_442 = vector.broadcast %mul3A_441 : f32 to vector<16xf32>
    %mul3A_443 = arith.mulf %convert_element_type3A_440, %mul3A_442 : vector<16xf32>
    %swap3A_444 = arith.constant 8 : i32
    %swap3A_445 = arith.index_cast %swap3A_444 : i32 to index
    %swap3A_446 = arith.constant 0 : index
    %swap3A_447 = tpu.vector_load %arg14[%swap3A_445, %swap3A_446] {strides = array<i32>} : memref<16x128xf32, #tpu.memory_space<vmem>>, vector<1x16xf32>,
    %swap3A_448 = vector.shape_cast %swap3A_447 : vector<1x16xf32> to vector<16xf32>
    %swap3A_449 = vector.shape_cast %mul3A_443 : vector<16xf32> to vector<1x16xf32>
    tpu.vector_store %arg14[%swap3A_445, %swap3A_446], %swap3A_449 {strides = array<i32>} : memref<16x128xf32, #tpu.memory_space<vmem>>, vector<1x16xf32>,
    %swap3A_450 = arith.constant 8 : i32
    %swap3A_451 = arith.index_cast %swap3A_450 : i32 to index
    %swap3A_452 = arith.constant 16 : index
    %swap3A_453 = tpu.vector_load %arg14[%swap3A_451, %swap3A_452] {strides = array<i32>} : memref<16x128xf32, #tpu.memory_space<vmem>>, vector<1x16xf32>,
    %swap3A_454 = vector.shape_cast %swap3A_453 : vector<1x16xf32> to vector<16xf32>
    %swap3A_455 = vector.shape_cast %mul3A_443 : vector<16xf32> to vector<1x16xf32>
    tpu.vector_store %arg14[%swap3A_451, %swap3A_452], %swap3A_455 {strides = array<i32>} : memref<16x128xf32, #tpu.memory_space<vmem>>, vector<1x16xf32>,
    %swap3A_456 = arith.constant 8 : i32
    %swap3A_457 = arith.index_cast %swap3A_456 : i32 to index
    %swap3A_458 = arith.constant 32 : index
    %swap3A_459 = tpu.vector_load %arg14[%swap3A_457, %swap3A_458] {strides = array<i32>} : memref<16x128xf32, #tpu.memory_space<vmem>>, vector<1x16xf32>,
    %swap3A_460 = vector.shape_cast %swap3A_459 : vector<1x16xf32> to vector<16xf32>
    %swap3A_461 = vector.shape_cast %mul3A_443 : vector<16xf32> to vector<1x16xf32>
    tpu.vector_store %arg14[%swap3A_457, %swap3A_458], %swap3A_461 {strides = array<i32>} : memref<16x128xf32, #tpu.memory_space<vmem>>, vector<1x16xf32>,
    %swap3A_462 = arith.constant 8 : i32
    %swap3A_463 = arith.index_cast %swap3A_462 : i32 to index
    %swap3A_464 = arith.constant 48 : index
    %swap3A_465 = tpu.vector_load %arg14[%swap3A_463, %swap3A_464] {strides = array<i32>} : memref<16x128xf32, #tpu.memory_space<vmem>>, vector<1x16xf32>,
    %swap3A_466 = vector.shape_cast %swap3A_465 : vector<1x16xf32> to vector<16xf32>
    %swap3A_467 = vector.shape_cast %mul3A_443 : vector<16xf32> to vector<1x16xf32>
    tpu.vector_store %arg14[%swap3A_463, %swap3A_464], %swap3A_467 {strides = array<i32>} : memref<16x128xf32, #tpu.memory_space<vmem>>, vector<1x16xf32>,
    %swap3A_468 = arith.constant 8 : i32
    %swap3A_469 = arith.index_cast %swap3A_468 : i32 to index
    %swap3A_470 = arith.constant 64 : index
    %swap3A_471 = tpu.vector_load %arg14[%swap3A_469, %swap3A_470] {strides = array<i32>} : memref<16x128xf32, #tpu.memory_space<vmem>>, vector<1x16xf32>,
    %swap3A_472 = vector.shape_cast %swap3A_471 : vector<1x16xf32> to vector<16xf32>
    %swap3A_473 = vector.shape_cast %mul3A_443 : vector<16xf32> to vector<1x16xf32>
    tpu.vector_store %arg14[%swap3A_469, %swap3A_470], %swap3A_473 {strides = array<i32>} : memref<16x128xf32, #tpu.memory_space<vmem>>, vector<1x16xf32>,
    %swap3A_474 = arith.constant 8 : i32
    %swap3A_475 = arith.index_cast %swap3A_474 : i32 to index
    %swap3A_476 = arith.constant 80 : index
    %swap3A_477 = tpu.vector_load %arg14[%swap3A_475, %swap3A_476] {strides = array<i32>} : memref<16x128xf32, #tpu.memory_space<vmem>>, vector<1x16xf32>,
    %swap3A_478 = vector.shape_cast %swap3A_477 : vector<1x16xf32> to vector<16xf32>
    %swap3A_479 = vector.shape_cast %mul3A_443 : vector<16xf32> to vector<1x16xf32>
    tpu.vector_store %arg14[%swap3A_475, %swap3A_476], %swap3A_479 {strides = array<i32>} : memref<16x128xf32, #tpu.memory_space<vmem>>, vector<1x16xf32>,
    %swap3A_480 = arith.constant 8 : i32
    %swap3A_481 = arith.index_cast %swap3A_480 : i32 to index
    %swap3A_482 = arith.constant 96 : index
    %swap3A_483 = tpu.vector_load %arg14[%swap3A_481, %swap3A_482] {strides = array<i32>} : memref<16x128xf32, #tpu.memory_space<vmem>>, vector<1x16xf32>,
    %swap3A_484 = vector.shape_cast %swap3A_483 : vector<1x16xf32> to vector<16xf32>
    %swap3A_485 = vector.shape_cast %mul3A_443 : vector<16xf32> to vector<1x16xf32>
    tpu.vector_store %arg14[%swap3A_481, %swap3A_482], %swap3A_485 {strides = array<i32>} : memref<16x128xf32, #tpu.memory_space<vmem>>, vector<1x16xf32>,
    %swap3A_486 = arith.constant 8 : i32
    %swap3A_487 = arith.index_cast %swap3A_486 : i32 to index
    %swap3A_488 = arith.constant 112 : index
    %swap3A_489 = tpu.vector_load %arg14[%swap3A_487, %swap3A_488] {strides = array<i32>} : memref<16x128xf32, #tpu.memory_space<vmem>>, vector<1x16xf32>,
    %swap3A_490 = vector.shape_cast %swap3A_489 : vector<1x16xf32> to vector<16xf32>
    %swap3A_491 = vector.shape_cast %mul3A_443 : vector<16xf32> to vector<1x16xf32>
    tpu.vector_store %arg14[%swap3A_487, %swap3A_488], %swap3A_491 {strides = array<i32>} : memref<16x128xf32, #tpu.memory_space<vmem>>, vector<1x16xf32>,
    %convert_element_type3A_492 = arith.sitofp %scan3A_16#9 : vector<16xi32> to vector<16xf32>
    %mul3A_493 = arith.constant 1.600000e+01 : f32
    %mul3A_494 = vector.broadcast %mul3A_493 : f32 to vector<16xf32>
    %mul3A_495 = arith.mulf %convert_element_type3A_492, %mul3A_494 : vector<16xf32>
    %swap3A_496 = arith.constant 9 : i32
    %swap3A_497 = arith.index_cast %swap3A_496 : i32 to index
    %swap3A_498 = arith.constant 0 : index
    %swap3A_499 = tpu.vector_load %arg14[%swap3A_497, %swap3A_498] {strides = array<i32>} : memref<16x128xf32, #tpu.memory_space<vmem>>, vector<1x16xf32>,
    %swap3A_500 = vector.shape_cast %swap3A_499 : vector<1x16xf32> to vector<16xf32>
    %swap3A_501 = vector.shape_cast %mul3A_495 : vector<16xf32> to vector<1x16xf32>
    tpu.vector_store %arg14[%swap3A_497, %swap3A_498], %swap3A_501 {strides = array<i32>} : memref<16x128xf32, #tpu.memory_space<vmem>>, vector<1x16xf32>,
    %swap3A_502 = arith.constant 9 : i32
    %swap3A_503 = arith.index_cast %swap3A_502 : i32 to index
    %swap3A_504 = arith.constant 16 : index
    %swap3A_505 = tpu.vector_load %arg14[%swap3A_503, %swap3A_504] {strides = array<i32>} : memref<16x128xf32, #tpu.memory_space<vmem>>, vector<1x16xf32>,
    %swap3A_506 = vector.shape_cast %swap3A_505 : vector<1x16xf32> to vector<16xf32>
    %swap3A_507 = vector.shape_cast %mul3A_495 : vector<16xf32> to vector<1x16xf32>
    tpu.vector_store %arg14[%swap3A_503, %swap3A_504], %swap3A_507 {strides = array<i32>} : memref<16x128xf32, #tpu.memory_space<vmem>>, vector<1x16xf32>,
    %swap3A_508 = arith.constant 9 : i32
    %swap3A_509 = arith.index_cast %swap3A_508 : i32 to index
    %swap3A_510 = arith.constant 32 : index
    %swap3A_511 = tpu.vector_load %arg14[%swap3A_509, %swap3A_510] {strides = array<i32>} : memref<16x128xf32, #tpu.memory_space<vmem>>, vector<1x16xf32>,
    %swap3A_512 = vector.shape_cast %swap3A_511 : vector<1x16xf32> to vector<16xf32>
    %swap3A_513 = vector.shape_cast %mul3A_495 : vector<16xf32> to vector<1x16xf32>
    tpu.vector_store %arg14[%swap3A_509, %swap3A_510], %swap3A_513 {strides = array<i32>} : memref<16x128xf32, #tpu.memory_space<vmem>>, vector<1x16xf32>,
    %swap3A_514 = arith.constant 9 : i32
    %swap3A_515 = arith.index_cast %swap3A_514 : i32 to index
    %swap3A_516 = arith.constant 48 : index
    %swap3A_517 = tpu.vector_load %arg14[%swap3A_515, %swap3A_516] {strides = array<i32>} : memref<16x128xf32, #tpu.memory_space<vmem>>, vector<1x16xf32>,
    %swap3A_518 = vector.shape_cast %swap3A_517 : vector<1x16xf32> to vector<16xf32>
    %swap3A_519 = vector.shape_cast %mul3A_495 : vector<16xf32> to vector<1x16xf32>
    tpu.vector_store %arg14[%swap3A_515, %swap3A_516], %swap3A_519 {strides = array<i32>} : memref<16x128xf32, #tpu.memory_space<vmem>>, vector<1x16xf32>,
    %swap3A_520 = arith.constant 9 : i32
    %swap3A_521 = arith.index_cast %swap3A_520 : i32 to index
    %swap3A_522 = arith.constant 64 : index
    %swap3A_523 = tpu.vector_load %arg14[%swap3A_521, %swap3A_522] {strides = array<i32>} : memref<16x128xf32, #tpu.memory_space<vmem>>, vector<1x16xf32>,
    %swap3A_524 = vector.shape_cast %swap3A_523 : vector<1x16xf32> to vector<16xf32>
    %swap3A_525 = vector.shape_cast %mul3A_495 : vector<16xf32> to vector<1x16xf32>
    tpu.vector_store %arg14[%swap3A_521, %swap3A_522], %swap3A_525 {strides = array<i32>} : memref<16x128xf32, #tpu.memory_space<vmem>>, vector<1x16xf32>,
    %swap3A_526 = arith.constant 9 : i32
    %swap3A_527 = arith.index_cast %swap3A_526 : i32 to index
    %swap3A_528 = arith.constant 80 : index
    %swap3A_529 = tpu.vector_load %arg14[%swap3A_527, %swap3A_528] {strides = array<i32>} : memref<16x128xf32, #tpu.memory_space<vmem>>, vector<1x16xf32>,
    %swap3A_530 = vector.shape_cast %swap3A_529 : vector<1x16xf32> to vector<16xf32>
    %swap3A_531 = vector.shape_cast %mul3A_495 : vector<16xf32> to vector<1x16xf32>
    tpu.vector_store %arg14[%swap3A_527, %swap3A_528], %swap3A_531 {strides = array<i32>} : memref<16x128xf32, #tpu.memory_space<vmem>>, vector<1x16xf32>,
    %swap3A_532 = arith.constant 9 : i32
    %swap3A_533 = arith.index_cast %swap3A_532 : i32 to index
    %swap3A_534 = arith.constant 96 : index
    %swap3A_535 = tpu.vector_load %arg14[%swap3A_533, %swap3A_534] {strides = array<i32>} : memref<16x128xf32, #tpu.memory_space<vmem>>, vector<1x16xf32>,
    %swap3A_536 = vector.shape_cast %swap3A_535 : vector<1x16xf32> to vector<16xf32>
    %swap3A_537 = vector.shape_cast %mul3A_495 : vector<16xf32> to vector<1x16xf32>
    tpu.vector_store %arg14[%swap3A_533, %swap3A_534], %swap3A_537 {strides = array<i32>} : memref<16x128xf32, #tpu.memory_space<vmem>>, vector<1x16xf32>,
    %swap3A_538 = arith.constant 9 : i32
    %swap3A_539 = arith.index_cast %swap3A_538 : i32 to index
    %swap3A_540 = arith.constant 112 : index
    %swap3A_541 = tpu.vector_load %arg14[%swap3A_539, %swap3A_540] {strides = array<i32>} : memref<16x128xf32, #tpu.memory_space<vmem>>, vector<1x16xf32>,
    %swap3A_542 = vector.shape_cast %swap3A_541 : vector<1x16xf32> to vector<16xf32>
    %swap3A_543 = vector.shape_cast %mul3A_495 : vector<16xf32> to vector<1x16xf32>
    tpu.vector_store %arg14[%swap3A_539, %swap3A_540], %swap3A_543 {strides = array<i32>} : memref<16x128xf32, #tpu.memory_space<vmem>>, vector<1x16xf32>,
    %swap3A_544 = arith.constant 10 : i32
    %swap3A_545 = arith.index_cast %swap3A_544 : i32 to index
    %swap3A_546 = arith.constant 0 : index
    %swap3A_547 = tpu.vector_load %arg14[%swap3A_545, %swap3A_546] {strides = array<i32>} : memref<16x128xf32, #tpu.memory_space<vmem>>, vector<1x16xf32>,
    %swap3A_548 = vector.shape_cast %swap3A_547 : vector<1x16xf32> to vector<16xf32>
    %swap3A_549 = vector.shape_cast %broadcast_in_dim3A_24 : vector<16xf32> to vector<1x16xf32>
    tpu.vector_store %arg14[%swap3A_545, %swap3A_546], %swap3A_549 {strides = array<i32>} : memref<16x128xf32, #tpu.memory_space<vmem>>, vector<1x16xf32>,
    %swap3A_550 = arith.constant 10 : i32
    %swap3A_551 = arith.index_cast %swap3A_550 : i32 to index
    %swap3A_552 = arith.constant 16 : index
    %swap3A_553 = tpu.vector_load %arg14[%swap3A_551, %swap3A_552] {strides = array<i32>} : memref<16x128xf32, #tpu.memory_space<vmem>>, vector<1x16xf32>,
    %swap3A_554 = vector.shape_cast %swap3A_553 : vector<1x16xf32> to vector<16xf32>
    %swap3A_555 = vector.shape_cast %broadcast_in_dim3A_24 : vector<16xf32> to vector<1x16xf32>
    tpu.vector_store %arg14[%swap3A_551, %swap3A_552], %swap3A_555 {strides = array<i32>} : memref<16x128xf32, #tpu.memory_space<vmem>>, vector<1x16xf32>,
    %swap3A_556 = arith.constant 10 : i32
    %swap3A_557 = arith.index_cast %swap3A_556 : i32 to index
    %swap3A_558 = arith.constant 32 : index
    %swap3A_559 = tpu.vector_load %arg14[%swap3A_557, %swap3A_558] {strides = array<i32>} : memref<16x128xf32, #tpu.memory_space<vmem>>, vector<1x16xf32>,
    %swap3A_560 = vector.shape_cast %swap3A_559 : vector<1x16xf32> to vector<16xf32>
    %swap3A_561 = vector.shape_cast %broadcast_in_dim3A_24 : vector<16xf32> to vector<1x16xf32>
    tpu.vector_store %arg14[%swap3A_557, %swap3A_558], %swap3A_561 {strides = array<i32>} : memref<16x128xf32, #tpu.memory_space<vmem>>, vector<1x16xf32>,
    %swap3A_562 = arith.constant 10 : i32
    %swap3A_563 = arith.index_cast %swap3A_562 : i32 to index
    %swap3A_564 = arith.constant 48 : index
    %swap3A_565 = tpu.vector_load %arg14[%swap3A_563, %swap3A_564] {strides = array<i32>} : memref<16x128xf32, #tpu.memory_space<vmem>>, vector<1x16xf32>,
    %swap3A_566 = vector.shape_cast %swap3A_565 : vector<1x16xf32> to vector<16xf32>
    %swap3A_567 = vector.shape_cast %broadcast_in_dim3A_24 : vector<16xf32> to vector<1x16xf32>
    tpu.vector_store %arg14[%swap3A_563, %swap3A_564], %swap3A_567 {strides = array<i32>} : memref<16x128xf32, #tpu.memory_space<vmem>>, vector<1x16xf32>,
    %swap3A_568 = arith.constant 10 : i32
    %swap3A_569 = arith.index_cast %swap3A_568 : i32 to index
    %swap3A_570 = arith.constant 64 : index
    %swap3A_571 = tpu.vector_load %arg14[%swap3A_569, %swap3A_570] {strides = array<i32>} : memref<16x128xf32, #tpu.memory_space<vmem>>, vector<1x16xf32>,
    %swap3A_572 = vector.shape_cast %swap3A_571 : vector<1x16xf32> to vector<16xf32>
    %swap3A_573 = vector.shape_cast %broadcast_in_dim3A_24 : vector<16xf32> to vector<1x16xf32>
    tpu.vector_store %arg14[%swap3A_569, %swap3A_570], %swap3A_573 {strides = array<i32>} : memref<16x128xf32, #tpu.memory_space<vmem>>, vector<1x16xf32>,
    %swap3A_574 = arith.constant 10 : i32
    %swap3A_575 = arith.index_cast %swap3A_574 : i32 to index
    %swap3A_576 = arith.constant 80 : index
    %swap3A_577 = tpu.vector_load %arg14[%swap3A_575, %swap3A_576] {strides = array<i32>} : memref<16x128xf32, #tpu.memory_space<vmem>>, vector<1x16xf32>,
    %swap3A_578 = vector.shape_cast %swap3A_577 : vector<1x16xf32> to vector<16xf32>
    %swap3A_579 = vector.shape_cast %broadcast_in_dim3A_24 : vector<16xf32> to vector<1x16xf32>
    tpu.vector_store %arg14[%swap3A_575, %swap3A_576], %swap3A_579 {strides = array<i32>} : memref<16x128xf32, #tpu.memory_space<vmem>>, vector<1x16xf32>,
    %swap3A_580 = arith.constant 10 : i32
    %swap3A_581 = arith.index_cast %swap3A_580 : i32 to index
    %swap3A_582 = arith.constant 96 : index
    %swap3A_583 = tpu.vector_load %arg14[%swap3A_581, %swap3A_582] {strides = array<i32>} : memref<16x128xf32, #tpu.memory_space<vmem>>, vector<1x16xf32>,
    %swap3A_584 = vector.shape_cast %swap3A_583 : vector<1x16xf32> to vector<16xf32>
    %swap3A_585 = vector.shape_cast %broadcast_in_dim3A_24 : vector<16xf32> to vector<1x16xf32>
    tpu.vector_store %arg14[%swap3A_581, %swap3A_582], %swap3A_585 {strides = array<i32>} : memref<16x128xf32, #tpu.memory_space<vmem>>, vector<1x16xf32>,
    %swap3A_586 = arith.constant 10 : i32
    %swap3A_587 = arith.index_cast %swap3A_586 : i32 to index
    %swap3A_588 = arith.constant 112 : index
    %swap3A_589 = tpu.vector_load %arg14[%swap3A_587, %swap3A_588] {strides = array<i32>} : memref<16x128xf32, #tpu.memory_space<vmem>>, vector<1x16xf32>,
    %swap3A_590 = vector.shape_cast %swap3A_589 : vector<1x16xf32> to vector<16xf32>
    %swap3A_591 = vector.shape_cast %broadcast_in_dim3A_24 : vector<16xf32> to vector<1x16xf32>
    tpu.vector_store %arg14[%swap3A_587, %swap3A_588], %swap3A_591 {strides = array<i32>} : memref<16x128xf32, #tpu.memory_space<vmem>>, vector<1x16xf32>,
    %swap3A_592 = arith.constant 11 : i32
    %swap3A_593 = arith.index_cast %swap3A_592 : i32 to index
    %swap3A_594 = arith.constant 0 : index
    %swap3A_595 = tpu.vector_load %arg14[%swap3A_593, %swap3A_594] {strides = array<i32>} : memref<16x128xf32, #tpu.memory_space<vmem>>, vector<1x16xf32>,
    %swap3A_596 = vector.shape_cast %swap3A_595 : vector<1x16xf32> to vector<16xf32>
    %swap3A_597 = vector.shape_cast %broadcast_in_dim3A_24 : vector<16xf32> to vector<1x16xf32>
    tpu.vector_store %arg14[%swap3A_593, %swap3A_594], %swap3A_597 {strides = array<i32>} : memref<16x128xf32, #tpu.memory_space<vmem>>, vector<1x16xf32>,
    %swap3A_598 = arith.constant 11 : i32
    %swap3A_599 = arith.index_cast %swap3A_598 : i32 to index
    %swap3A_600 = arith.constant 16 : index
    %swap3A_601 = tpu.vector_load %arg14[%swap3A_599, %swap3A_600] {strides = array<i32>} : memref<16x128xf32, #tpu.memory_space<vmem>>, vector<1x16xf32>,
    %swap3A_602 = vector.shape_cast %swap3A_601 : vector<1x16xf32> to vector<16xf32>
    %swap3A_603 = vector.shape_cast %broadcast_in_dim3A_24 : vector<16xf32> to vector<1x16xf32>
    tpu.vector_store %arg14[%swap3A_599, %swap3A_600], %swap3A_603 {strides = array<i32>} : memref<16x128xf32, #tpu.memory_space<vmem>>, vector<1x16xf32>,
    %swap3A_604 = arith.constant 11 : i32
    %swap3A_605 = arith.index_cast %swap3A_604 : i32 to index
    %swap3A_606 = arith.constant 32 : index
    %swap3A_607 = tpu.vector_load %arg14[%swap3A_605, %swap3A_606] {strides = array<i32>} : memref<16x128xf32, #tpu.memory_space<vmem>>, vector<1x16xf32>,
    %swap3A_608 = vector.shape_cast %swap3A_607 : vector<1x16xf32> to vector<16xf32>
    %swap3A_609 = vector.shape_cast %broadcast_in_dim3A_24 : vector<16xf32> to vector<1x16xf32>
    tpu.vector_store %arg14[%swap3A_605, %swap3A_606], %swap3A_609 {strides = array<i32>} : memref<16x128xf32, #tpu.memory_space<vmem>>, vector<1x16xf32>,
    %swap3A_610 = arith.constant 11 : i32
    %swap3A_611 = arith.index_cast %swap3A_610 : i32 to index
    %swap3A_612 = arith.constant 48 : index
    %swap3A_613 = tpu.vector_load %arg14[%swap3A_611, %swap3A_612] {strides = array<i32>} : memref<16x128xf32, #tpu.memory_space<vmem>>, vector<1x16xf32>,
    %swap3A_614 = vector.shape_cast %swap3A_613 : vector<1x16xf32> to vector<16xf32>
    %swap3A_615 = vector.shape_cast %broadcast_in_dim3A_24 : vector<16xf32> to vector<1x16xf32>
    tpu.vector_store %arg14[%swap3A_611, %swap3A_612], %swap3A_615 {strides = array<i32>} : memref<16x128xf32, #tpu.memory_space<vmem>>, vector<1x16xf32>,
    %swap3A_616 = arith.constant 11 : i32
    %swap3A_617 = arith.index_cast %swap3A_616 : i32 to index
    %swap3A_618 = arith.constant 64 : index
    %swap3A_619 = tpu.vector_load %arg14[%swap3A_617, %swap3A_618] {strides = array<i32>} : memref<16x128xf32, #tpu.memory_space<vmem>>, vector<1x16xf32>,
    %swap3A_620 = vector.shape_cast %swap3A_619 : vector<1x16xf32> to vector<16xf32>
    %swap3A_621 = vector.shape_cast %broadcast_in_dim3A_24 : vector<16xf32> to vector<1x16xf32>
    tpu.vector_store %arg14[%swap3A_617, %swap3A_618], %swap3A_621 {strides = array<i32>} : memref<16x128xf32, #tpu.memory_space<vmem>>, vector<1x16xf32>,
    %swap3A_622 = arith.constant 11 : i32
    %swap3A_623 = arith.index_cast %swap3A_622 : i32 to index
    %swap3A_624 = arith.constant 80 : index
    %swap3A_625 = tpu.vector_load %arg14[%swap3A_623, %swap3A_624] {strides = array<i32>} : memref<16x128xf32, #tpu.memory_space<vmem>>, vector<1x16xf32>,
    %swap3A_626 = vector.shape_cast %swap3A_625 : vector<1x16xf32> to vector<16xf32>
    %swap3A_627 = vector.shape_cast %broadcast_in_dim3A_24 : vector<16xf32> to vector<1x16xf32>
    tpu.vector_store %arg14[%swap3A_623, %swap3A_624], %swap3A_627 {strides = array<i32>} : memref<16x128xf32, #tpu.memory_space<vmem>>, vector<1x16xf32>,
    %swap3A_628 = arith.constant 11 : i32
    %swap3A_629 = arith.index_cast %swap3A_628 : i32 to index
    %swap3A_630 = arith.constant 96 : index
    %swap3A_631 = tpu.vector_load %arg14[%swap3A_629, %swap3A_630] {strides = array<i32>} : memref<16x128xf32, #tpu.memory_space<vmem>>, vector<1x16xf32>,
    %swap3A_632 = vector.shape_cast %swap3A_631 : vector<1x16xf32> to vector<16xf32>
    %swap3A_633 = vector.shape_cast %broadcast_in_dim3A_24 : vector<16xf32> to vector<1x16xf32>
    tpu.vector_store %arg14[%swap3A_629, %swap3A_630], %swap3A_633 {strides = array<i32>} : memref<16x128xf32, #tpu.memory_space<vmem>>, vector<1x16xf32>,
    %swap3A_634 = arith.constant 11 : i32
    %swap3A_635 = arith.index_cast %swap3A_634 : i32 to index
    %swap3A_636 = arith.constant 112 : index
    %swap3A_637 = tpu.vector_load %arg14[%swap3A_635, %swap3A_636] {strides = array<i32>} : memref<16x128xf32, #tpu.memory_space<vmem>>, vector<1x16xf32>,
    %swap3A_638 = vector.shape_cast %swap3A_637 : vector<1x16xf32> to vector<16xf32>
    %swap3A_639 = vector.shape_cast %broadcast_in_dim3A_24 : vector<16xf32> to vector<1x16xf32>
    tpu.vector_store %arg14[%swap3A_635, %swap3A_636], %swap3A_639 {strides = array<i32>} : memref<16x128xf32, #tpu.memory_space<vmem>>, vector<1x16xf32>,
    %swap3A_640 = arith.constant 12 : i32
    %swap3A_641 = arith.index_cast %swap3A_640 : i32 to index
    %swap3A_642 = arith.constant 0 : index
    %swap3A_643 = tpu.vector_load %arg14[%swap3A_641, %swap3A_642] {strides = array<i32>} : memref<16x128xf32, #tpu.memory_space<vmem>>, vector<1x16xf32>,
    %swap3A_644 = vector.shape_cast %swap3A_643 : vector<1x16xf32> to vector<16xf32>
    %swap3A_645 = vector.shape_cast %broadcast_in_dim3A_24 : vector<16xf32> to vector<1x16xf32>
    tpu.vector_store %arg14[%swap3A_641, %swap3A_642], %swap3A_645 {strides = array<i32>} : memref<16x128xf32, #tpu.memory_space<vmem>>, vector<1x16xf32>,
    %swap3A_646 = arith.constant 12 : i32
    %swap3A_647 = arith.index_cast %swap3A_646 : i32 to index
    %swap3A_648 = arith.constant 16 : index
    %swap3A_649 = tpu.vector_load %arg14[%swap3A_647, %swap3A_648] {strides = array<i32>} : memref<16x128xf32, #tpu.memory_space<vmem>>, vector<1x16xf32>,
    %swap3A_650 = vector.shape_cast %swap3A_649 : vector<1x16xf32> to vector<16xf32>
    %swap3A_651 = vector.shape_cast %broadcast_in_dim3A_24 : vector<16xf32> to vector<1x16xf32>
    tpu.vector_store %arg14[%swap3A_647, %swap3A_648], %swap3A_651 {strides = array<i32>} : memref<16x128xf32, #tpu.memory_space<vmem>>, vector<1x16xf32>,
    %swap3A_652 = arith.constant 12 : i32
    %swap3A_653 = arith.index_cast %swap3A_652 : i32 to index
    %swap3A_654 = arith.constant 32 : index
    %swap3A_655 = tpu.vector_load %arg14[%swap3A_653, %swap3A_654] {strides = array<i32>} : memref<16x128xf32, #tpu.memory_space<vmem>>, vector<1x16xf32>,
    %swap3A_656 = vector.shape_cast %swap3A_655 : vector<1x16xf32> to vector<16xf32>
    %swap3A_657 = vector.shape_cast %broadcast_in_dim3A_24 : vector<16xf32> to vector<1x16xf32>
    tpu.vector_store %arg14[%swap3A_653, %swap3A_654], %swap3A_657 {strides = array<i32>} : memref<16x128xf32, #tpu.memory_space<vmem>>, vector<1x16xf32>,
    %swap3A_658 = arith.constant 12 : i32
    %swap3A_659 = arith.index_cast %swap3A_658 : i32 to index
    %swap3A_660 = arith.constant 48 : index
    %swap3A_661 = tpu.vector_load %arg14[%swap3A_659, %swap3A_660] {strides = array<i32>} : memref<16x128xf32, #tpu.memory_space<vmem>>, vector<1x16xf32>,
    %swap3A_662 = vector.shape_cast %swap3A_661 : vector<1x16xf32> to vector<16xf32>
    %swap3A_663 = vector.shape_cast %broadcast_in_dim3A_24 : vector<16xf32> to vector<1x16xf32>
    tpu.vector_store %arg14[%swap3A_659, %swap3A_660], %swap3A_663 {strides = array<i32>} : memref<16x128xf32, #tpu.memory_space<vmem>>, vector<1x16xf32>,
    %swap3A_664 = arith.constant 12 : i32
    %swap3A_665 = arith.index_cast %swap3A_664 : i32 to index
    %swap3A_666 = arith.constant 64 : index
    %swap3A_667 = tpu.vector_load %arg14[%swap3A_665, %swap3A_666] {strides = array<i32>} : memref<16x128xf32, #tpu.memory_space<vmem>>, vector<1x16xf32>,
    %swap3A_668 = vector.shape_cast %swap3A_667 : vector<1x16xf32> to vector<16xf32>
    %swap3A_669 = vector.shape_cast %broadcast_in_dim3A_24 : vector<16xf32> to vector<1x16xf32>
    tpu.vector_store %arg14[%swap3A_665, %swap3A_666], %swap3A_669 {strides = array<i32>} : memref<16x128xf32, #tpu.memory_space<vmem>>, vector<1x16xf32>,
    %swap3A_670 = arith.constant 12 : i32
    %swap3A_671 = arith.index_cast %swap3A_670 : i32 to index
    %swap3A_672 = arith.constant 80 : index
    %swap3A_673 = tpu.vector_load %arg14[%swap3A_671, %swap3A_672] {strides = array<i32>} : memref<16x128xf32, #tpu.memory_space<vmem>>, vector<1x16xf32>,
    %swap3A_674 = vector.shape_cast %swap3A_673 : vector<1x16xf32> to vector<16xf32>
    %swap3A_675 = vector.shape_cast %broadcast_in_dim3A_24 : vector<16xf32> to vector<1x16xf32>
    tpu.vector_store %arg14[%swap3A_671, %swap3A_672], %swap3A_675 {strides = array<i32>} : memref<16x128xf32, #tpu.memory_space<vmem>>, vector<1x16xf32>,
    %swap3A_676 = arith.constant 12 : i32
    %swap3A_677 = arith.index_cast %swap3A_676 : i32 to index
    %swap3A_678 = arith.constant 96 : index
    %swap3A_679 = tpu.vector_load %arg14[%swap3A_677, %swap3A_678] {strides = array<i32>} : memref<16x128xf32, #tpu.memory_space<vmem>>, vector<1x16xf32>,
    %swap3A_680 = vector.shape_cast %swap3A_679 : vector<1x16xf32> to vector<16xf32>
    %swap3A_681 = vector.shape_cast %broadcast_in_dim3A_24 : vector<16xf32> to vector<1x16xf32>
    tpu.vector_store %arg14[%swap3A_677, %swap3A_678], %swap3A_681 {strides = array<i32>} : memref<16x128xf32, #tpu.memory_space<vmem>>, vector<1x16xf32>,
    %swap3A_682 = arith.constant 12 : i32
    %swap3A_683 = arith.index_cast %swap3A_682 : i32 to index
    %swap3A_684 = arith.constant 112 : index
    %swap3A_685 = tpu.vector_load %arg14[%swap3A_683, %swap3A_684] {strides = array<i32>} : memref<16x128xf32, #tpu.memory_space<vmem>>, vector<1x16xf32>,
    %swap3A_686 = vector.shape_cast %swap3A_685 : vector<1x16xf32> to vector<16xf32>
    %swap3A_687 = vector.shape_cast %broadcast_in_dim3A_24 : vector<16xf32> to vector<1x16xf32>
    tpu.vector_store %arg14[%swap3A_683, %swap3A_684], %swap3A_687 {strides = array<i32>} : memref<16x128xf32, #tpu.memory_space<vmem>>, vector<1x16xf32>,
    %swap3A_688 = arith.constant 13 : i32
    %swap3A_689 = arith.index_cast %swap3A_688 : i32 to index
    %swap3A_690 = arith.constant 0 : index
    %swap3A_691 = tpu.vector_load %arg14[%swap3A_689, %swap3A_690] {strides = array<i32>} : memref<16x128xf32, #tpu.memory_space<vmem>>, vector<1x16xf32>,
    %swap3A_692 = vector.shape_cast %swap3A_691 : vector<1x16xf32> to vector<16xf32>
    %swap3A_693 = vector.shape_cast %broadcast_in_dim3A_24 : vector<16xf32> to vector<1x16xf32>
    tpu.vector_store %arg14[%swap3A_689, %swap3A_690], %swap3A_693 {strides = array<i32>} : memref<16x128xf32, #tpu.memory_space<vmem>>, vector<1x16xf32>,
    %swap3A_694 = arith.constant 13 : i32
    %swap3A_695 = arith.index_cast %swap3A_694 : i32 to index
    %swap3A_696 = arith.constant 16 : index
    %swap3A_697 = tpu.vector_load %arg14[%swap3A_695, %swap3A_696] {strides = array<i32>} : memref<16x128xf32, #tpu.memory_space<vmem>>, vector<1x16xf32>,
    %swap3A_698 = vector.shape_cast %swap3A_697 : vector<1x16xf32> to vector<16xf32>
    %swap3A_699 = vector.shape_cast %broadcast_in_dim3A_24 : vector<16xf32> to vector<1x16xf32>
    tpu.vector_store %arg14[%swap3A_695, %swap3A_696], %swap3A_699 {strides = array<i32>} : memref<16x128xf32, #tpu.memory_space<vmem>>, vector<1x16xf32>,
    %swap3A_700 = arith.constant 13 : i32
    %swap3A_701 = arith.index_cast %swap3A_700 : i32 to index
    %swap3A_702 = arith.constant 32 : index
    %swap3A_703 = tpu.vector_load %arg14[%swap3A_701, %swap3A_702] {strides = array<i32>} : memref<16x128xf32, #tpu.memory_space<vmem>>, vector<1x16xf32>,
    %swap3A_704 = vector.shape_cast %swap3A_703 : vector<1x16xf32> to vector<16xf32>
    %swap3A_705 = vector.shape_cast %broadcast_in_dim3A_24 : vector<16xf32> to vector<1x16xf32>
    tpu.vector_store %arg14[%swap3A_701, %swap3A_702], %swap3A_705 {strides = array<i32>} : memref<16x128xf32, #tpu.memory_space<vmem>>, vector<1x16xf32>,
    %swap3A_706 = arith.constant 13 : i32
    %swap3A_707 = arith.index_cast %swap3A_706 : i32 to index
    %swap3A_708 = arith.constant 48 : index
    %swap3A_709 = tpu.vector_load %arg14[%swap3A_707, %swap3A_708] {strides = array<i32>} : memref<16x128xf32, #tpu.memory_space<vmem>>, vector<1x16xf32>,
    %swap3A_710 = vector.shape_cast %swap3A_709 : vector<1x16xf32> to vector<16xf32>
    %swap3A_711 = vector.shape_cast %broadcast_in_dim3A_24 : vector<16xf32> to vector<1x16xf32>
    tpu.vector_store %arg14[%swap3A_707, %swap3A_708], %swap3A_711 {strides = array<i32>} : memref<16x128xf32, #tpu.memory_space<vmem>>, vector<1x16xf32>,
    %swap3A_712 = arith.constant 13 : i32
    %swap3A_713 = arith.index_cast %swap3A_712 : i32 to index
    %swap3A_714 = arith.constant 64 : index
    %swap3A_715 = tpu.vector_load %arg14[%swap3A_713, %swap3A_714] {strides = array<i32>} : memref<16x128xf32, #tpu.memory_space<vmem>>, vector<1x16xf32>,
    %swap3A_716 = vector.shape_cast %swap3A_715 : vector<1x16xf32> to vector<16xf32>
    %swap3A_717 = vector.shape_cast %broadcast_in_dim3A_24 : vector<16xf32> to vector<1x16xf32>
    tpu.vector_store %arg14[%swap3A_713, %swap3A_714], %swap3A_717 {strides = array<i32>} : memref<16x128xf32, #tpu.memory_space<vmem>>, vector<1x16xf32>,
    %swap3A_718 = arith.constant 13 : i32
    %swap3A_719 = arith.index_cast %swap3A_718 : i32 to index
    %swap3A_720 = arith.constant 80 : index
    %swap3A_721 = tpu.vector_load %arg14[%swap3A_719, %swap3A_720] {strides = array<i32>} : memref<16x128xf32, #tpu.memory_space<vmem>>, vector<1x16xf32>,
    %swap3A_722 = vector.shape_cast %swap3A_721 : vector<1x16xf32> to vector<16xf32>
    %swap3A_723 = vector.shape_cast %broadcast_in_dim3A_24 : vector<16xf32> to vector<1x16xf32>
    tpu.vector_store %arg14[%swap3A_719, %swap3A_720], %swap3A_723 {strides = array<i32>} : memref<16x128xf32, #tpu.memory_space<vmem>>, vector<1x16xf32>,
    %swap3A_724 = arith.constant 13 : i32
    %swap3A_725 = arith.index_cast %swap3A_724 : i32 to index
    %swap3A_726 = arith.constant 96 : index
    %swap3A_727 = tpu.vector_load %arg14[%swap3A_725, %swap3A_726] {strides = array<i32>} : memref<16x128xf32, #tpu.memory_space<vmem>>, vector<1x16xf32>,
    %swap3A_728 = vector.shape_cast %swap3A_727 : vector<1x16xf32> to vector<16xf32>
    %swap3A_729 = vector.shape_cast %broadcast_in_dim3A_24 : vector<16xf32> to vector<1x16xf32>
    tpu.vector_store %arg14[%swap3A_725, %swap3A_726], %swap3A_729 {strides = array<i32>} : memref<16x128xf32, #tpu.memory_space<vmem>>, vector<1x16xf32>,
    %swap3A_730 = arith.constant 13 : i32
    %swap3A_731 = arith.index_cast %swap3A_730 : i32 to index
    %swap3A_732 = arith.constant 112 : index
    %swap3A_733 = tpu.vector_load %arg14[%swap3A_731, %swap3A_732] {strides = array<i32>} : memref<16x128xf32, #tpu.memory_space<vmem>>, vector<1x16xf32>,
    %swap3A_734 = vector.shape_cast %swap3A_733 : vector<1x16xf32> to vector<16xf32>
    %swap3A_735 = vector.shape_cast %broadcast_in_dim3A_24 : vector<16xf32> to vector<1x16xf32>
    tpu.vector_store %arg14[%swap3A_731, %swap3A_732], %swap3A_735 {strides = array<i32>} : memref<16x128xf32, #tpu.memory_space<vmem>>, vector<1x16xf32>,
    %swap3A_736 = arith.constant 14 : i32
    %swap3A_737 = arith.index_cast %swap3A_736 : i32 to index
    %swap3A_738 = arith.constant 0 : index
    %swap3A_739 = tpu.vector_load %arg14[%swap3A_737, %swap3A_738] {strides = array<i32>} : memref<16x128xf32, #tpu.memory_space<vmem>>, vector<1x16xf32>,
    %swap3A_740 = vector.shape_cast %swap3A_739 : vector<1x16xf32> to vector<16xf32>
    %swap3A_741 = vector.shape_cast %broadcast_in_dim3A_24 : vector<16xf32> to vector<1x16xf32>
    tpu.vector_store %arg14[%swap3A_737, %swap3A_738], %swap3A_741 {strides = array<i32>} : memref<16x128xf32, #tpu.memory_space<vmem>>, vector<1x16xf32>,
    %swap3A_742 = arith.constant 14 : i32
    %swap3A_743 = arith.index_cast %swap3A_742 : i32 to index
    %swap3A_744 = arith.constant 16 : index
    %swap3A_745 = tpu.vector_load %arg14[%swap3A_743, %swap3A_744] {strides = array<i32>} : memref<16x128xf32, #tpu.memory_space<vmem>>, vector<1x16xf32>,
    %swap3A_746 = vector.shape_cast %swap3A_745 : vector<1x16xf32> to vector<16xf32>
    %swap3A_747 = vector.shape_cast %broadcast_in_dim3A_24 : vector<16xf32> to vector<1x16xf32>
    tpu.vector_store %arg14[%swap3A_743, %swap3A_744], %swap3A_747 {strides = array<i32>} : memref<16x128xf32, #tpu.memory_space<vmem>>, vector<1x16xf32>,
    %swap3A_748 = arith.constant 14 : i32
    %swap3A_749 = arith.index_cast %swap3A_748 : i32 to index
    %swap3A_750 = arith.constant 32 : index
    %swap3A_751 = tpu.vector_load %arg14[%swap3A_749, %swap3A_750] {strides = array<i32>} : memref<16x128xf32, #tpu.memory_space<vmem>>, vector<1x16xf32>,
    %swap3A_752 = vector.shape_cast %swap3A_751 : vector<1x16xf32> to vector<16xf32>
    %swap3A_753 = vector.shape_cast %broadcast_in_dim3A_24 : vector<16xf32> to vector<1x16xf32>
    tpu.vector_store %arg14[%swap3A_749, %swap3A_750], %swap3A_753 {strides = array<i32>} : memref<16x128xf32, #tpu.memory_space<vmem>>, vector<1x16xf32>,
    %swap3A_754 = arith.constant 14 : i32
    %swap3A_755 = arith.index_cast %swap3A_754 : i32 to index
    %swap3A_756 = arith.constant 48 : index
    %swap3A_757 = tpu.vector_load %arg14[%swap3A_755, %swap3A_756] {strides = array<i32>} : memref<16x128xf32, #tpu.memory_space<vmem>>, vector<1x16xf32>,
    %swap3A_758 = vector.shape_cast %swap3A_757 : vector<1x16xf32> to vector<16xf32>
    %swap3A_759 = vector.shape_cast %broadcast_in_dim3A_24 : vector<16xf32> to vector<1x16xf32>
    tpu.vector_store %arg14[%swap3A_755, %swap3A_756], %swap3A_759 {strides = array<i32>} : memref<16x128xf32, #tpu.memory_space<vmem>>, vector<1x16xf32>,
    %swap3A_760 = arith.constant 14 : i32
    %swap3A_761 = arith.index_cast %swap3A_760 : i32 to index
    %swap3A_762 = arith.constant 64 : index
    %swap3A_763 = tpu.vector_load %arg14[%swap3A_761, %swap3A_762] {strides = array<i32>} : memref<16x128xf32, #tpu.memory_space<vmem>>, vector<1x16xf32>,
    %swap3A_764 = vector.shape_cast %swap3A_763 : vector<1x16xf32> to vector<16xf32>
    %swap3A_765 = vector.shape_cast %broadcast_in_dim3A_24 : vector<16xf32> to vector<1x16xf32>
    tpu.vector_store %arg14[%swap3A_761, %swap3A_762], %swap3A_765 {strides = array<i32>} : memref<16x128xf32, #tpu.memory_space<vmem>>, vector<1x16xf32>,
    %swap3A_766 = arith.constant 14 : i32
    %swap3A_767 = arith.index_cast %swap3A_766 : i32 to index
    %swap3A_768 = arith.constant 80 : index
    %swap3A_769 = tpu.vector_load %arg14[%swap3A_767, %swap3A_768] {strides = array<i32>} : memref<16x128xf32, #tpu.memory_space<vmem>>, vector<1x16xf32>,
    %swap3A_770 = vector.shape_cast %swap3A_769 : vector<1x16xf32> to vector<16xf32>
    %swap3A_771 = vector.shape_cast %broadcast_in_dim3A_24 : vector<16xf32> to vector<1x16xf32>
    tpu.vector_store %arg14[%swap3A_767, %swap3A_768], %swap3A_771 {strides = array<i32>} : memref<16x128xf32, #tpu.memory_space<vmem>>, vector<1x16xf32>,
    %swap3A_772 = arith.constant 14 : i32
    %swap3A_773 = arith.index_cast %swap3A_772 : i32 to index
    %swap3A_774 = arith.constant 96 : index
    %swap3A_775 = tpu.vector_load %arg14[%swap3A_773, %swap3A_774] {strides = array<i32>} : memref<16x128xf32, #tpu.memory_space<vmem>>, vector<1x16xf32>,
    %swap3A_776 = vector.shape_cast %swap3A_775 : vector<1x16xf32> to vector<16xf32>
    %swap3A_777 = vector.shape_cast %broadcast_in_dim3A_24 : vector<16xf32> to vector<1x16xf32>
    tpu.vector_store %arg14[%swap3A_773, %swap3A_774], %swap3A_777 {strides = array<i32>} : memref<16x128xf32, #tpu.memory_space<vmem>>, vector<1x16xf32>,
    %swap3A_778 = arith.constant 14 : i32
    %swap3A_779 = arith.index_cast %swap3A_778 : i32 to index
    %swap3A_780 = arith.constant 112 : index
    %swap3A_781 = tpu.vector_load %arg14[%swap3A_779, %swap3A_780] {strides = array<i32>} : memref<16x128xf32, #tpu.memory_space<vmem>>, vector<1x16xf32>,
    %swap3A_782 = vector.shape_cast %swap3A_781 : vector<1x16xf32> to vector<16xf32>
    %swap3A_783 = vector.shape_cast %broadcast_in_dim3A_24 : vector<16xf32> to vector<1x16xf32>
    tpu.vector_store %arg14[%swap3A_779, %swap3A_780], %swap3A_783 {strides = array<i32>} : memref<16x128xf32, #tpu.memory_space<vmem>>, vector<1x16xf32>,
    %swap3A_784 = arith.constant 15 : i32
    %swap3A_785 = arith.index_cast %swap3A_784 : i32 to index
    %swap3A_786 = arith.constant 0 : index
    %swap3A_787 = tpu.vector_load %arg14[%swap3A_785, %swap3A_786] {strides = array<i32>} : memref<16x128xf32, #tpu.memory_space<vmem>>, vector<1x16xf32>,
    %swap3A_788 = vector.shape_cast %swap3A_787 : vector<1x16xf32> to vector<16xf32>
    %swap3A_789 = vector.shape_cast %broadcast_in_dim3A_24 : vector<16xf32> to vector<1x16xf32>
    tpu.vector_store %arg14[%swap3A_785, %swap3A_786], %swap3A_789 {strides = array<i32>} : memref<16x128xf32, #tpu.memory_space<vmem>>, vector<1x16xf32>,
    %swap3A_790 = arith.constant 15 : i32
    %swap3A_791 = arith.index_cast %swap3A_790 : i32 to index
    %swap3A_792 = arith.constant 16 : index
    %swap3A_793 = tpu.vector_load %arg14[%swap3A_791, %swap3A_792] {strides = array<i32>} : memref<16x128xf32, #tpu.memory_space<vmem>>, vector<1x16xf32>,
    %swap3A_794 = vector.shape_cast %swap3A_793 : vector<1x16xf32> to vector<16xf32>
    %swap3A_795 = vector.shape_cast %broadcast_in_dim3A_24 : vector<16xf32> to vector<1x16xf32>
    tpu.vector_store %arg14[%swap3A_791, %swap3A_792], %swap3A_795 {strides = array<i32>} : memref<16x128xf32, #tpu.memory_space<vmem>>, vector<1x16xf32>,
    %swap3A_796 = arith.constant 15 : i32
    %swap3A_797 = arith.index_cast %swap3A_796 : i32 to index
    %swap3A_798 = arith.constant 32 : index
    %swap3A_799 = tpu.vector_load %arg14[%swap3A_797, %swap3A_798] {strides = array<i32>} : memref<16x128xf32, #tpu.memory_space<vmem>>, vector<1x16xf32>,
    %swap3A_800 = vector.shape_cast %swap3A_799 : vector<1x16xf32> to vector<16xf32>
    %swap3A_801 = vector.shape_cast %broadcast_in_dim3A_24 : vector<16xf32> to vector<1x16xf32>
    tpu.vector_store %arg14[%swap3A_797, %swap3A_798], %swap3A_801 {strides = array<i32>} : memref<16x128xf32, #tpu.memory_space<vmem>>, vector<1x16xf32>,
    %swap3A_802 = arith.constant 15 : i32
    %swap3A_803 = arith.index_cast %swap3A_802 : i32 to index
    %swap3A_804 = arith.constant 48 : index
    %swap3A_805 = tpu.vector_load %arg14[%swap3A_803, %swap3A_804] {strides = array<i32>} : memref<16x128xf32, #tpu.memory_space<vmem>>, vector<1x16xf32>,
    %swap3A_806 = vector.shape_cast %swap3A_805 : vector<1x16xf32> to vector<16xf32>
    %swap3A_807 = vector.shape_cast %broadcast_in_dim3A_24 : vector<16xf32> to vector<1x16xf32>
    tpu.vector_store %arg14[%swap3A_803, %swap3A_804], %swap3A_807 {strides = array<i32>} : memref<16x128xf32, #tpu.memory_space<vmem>>, vector<1x16xf32>,
    %swap3A_808 = arith.constant 15 : i32
    %swap3A_809 = arith.index_cast %swap3A_808 : i32 to index
    %swap3A_810 = arith.constant 64 : index
    %swap3A_811 = tpu.vector_load %arg14[%swap3A_809, %swap3A_810] {strides = array<i32>} : memref<16x128xf32, #tpu.memory_space<vmem>>, vector<1x16xf32>,
    %swap3A_812 = vector.shape_cast %swap3A_811 : vector<1x16xf32> to vector<16xf32>
    %swap3A_813 = vector.shape_cast %broadcast_in_dim3A_24 : vector<16xf32> to vector<1x16xf32>
    tpu.vector_store %arg14[%swap3A_809, %swap3A_810], %swap3A_813 {strides = array<i32>} : memref<16x128xf32, #tpu.memory_space<vmem>>, vector<1x16xf32>,
    %swap3A_814 = arith.constant 15 : i32
    %swap3A_815 = arith.index_cast %swap3A_814 : i32 to index
    %swap3A_816 = arith.constant 80 : index
    %swap3A_817 = tpu.vector_load %arg14[%swap3A_815, %swap3A_816] {strides = array<i32>} : memref<16x128xf32, #tpu.memory_space<vmem>>, vector<1x16xf32>,
    %swap3A_818 = vector.shape_cast %swap3A_817 : vector<1x16xf32> to vector<16xf32>
    %swap3A_819 = vector.shape_cast %broadcast_in_dim3A_24 : vector<16xf32> to vector<1x16xf32>
    tpu.vector_store %arg14[%swap3A_815, %swap3A_816], %swap3A_819 {strides = array<i32>} : memref<16x128xf32, #tpu.memory_space<vmem>>, vector<1x16xf32>,
    %swap3A_820 = arith.constant 15 : i32
    %swap3A_821 = arith.index_cast %swap3A_820 : i32 to index
    %swap3A_822 = arith.constant 96 : index
    %swap3A_823 = tpu.vector_load %arg14[%swap3A_821, %swap3A_822] {strides = array<i32>} : memref<16x128xf32, #tpu.memory_space<vmem>>, vector<1x16xf32>,
    %swap3A_824 = vector.shape_cast %swap3A_823 : vector<1x16xf32> to vector<16xf32>
    %swap3A_825 = vector.shape_cast %broadcast_in_dim3A_24 : vector<16xf32> to vector<1x16xf32>
    tpu.vector_store %arg14[%swap3A_821, %swap3A_822], %swap3A_825 {strides = array<i32>} : memref<16x128xf32, #tpu.memory_space<vmem>>, vector<1x16xf32>,
    %swap3A_826 = arith.constant 15 : i32
    %swap3A_827 = arith.index_cast %swap3A_826 : i32 to index
    %swap3A_828 = arith.constant 112 : index
    %swap3A_829 = tpu.vector_load %arg14[%swap3A_827, %swap3A_828] {strides = array<i32>} : memref<16x128xf32, #tpu.memory_space<vmem>>, vector<1x16xf32>,
    %swap3A_830 = vector.shape_cast %swap3A_829 : vector<1x16xf32> to vector<16xf32>
    %swap3A_831 = vector.shape_cast %broadcast_in_dim3A_24 : vector<16xf32> to vector<1x16xf32>
    tpu.vector_store %arg14[%swap3A_827, %swap3A_828], %swap3A_831 {strides = array<i32>} : memref<16x128xf32, #tpu.memory_space<vmem>>, vector<1x16xf32>,
    %iota3A = tpu.iota {dimensions = array<i32: 0>} : vector<16xi32>
    %swap3A_832 = arith.constant 0 : index
    %swap3A_833 = tpu.vector_load %arg15[%swap3A_832] {strides = array<i32>} : memref<16xi32, #tpu.memory_space<vmem>>, vector<16xi32>,
    %swap3A_834 = vector.shape_cast %swap3A_833 : vector<16xi32> to vector<16xi32>
    %swap3A_835 = vector.shape_cast %iota3A : vector<16xi32> to vector<16xi32>
    tpu.vector_store %arg15[%swap3A_832], %swap3A_835 {strides = array<i32>} : memref<16xi32, #tpu.memory_space<vmem>>, vector<16xi32>,
    %dma_start3A_836 = arith.constant 0 : i32
    %dma_start3A_837 = arith.constant 0 : i32
    %dma_start3A_838 = tpu.memref_slice %arg18[%dma_start3A_836, %dma_start3A_837] : memref<16x128xf32, #tpu.memory_space<vmem_shared>> -> memref<16x128xf32, #tpu.memory_space<vmem_shared>>
    tpu.enqueue_indirect_dma source(%arg14 : memref<16x128xf32, #tpu.memory_space<vmem>>) target(%dma_start3A_838 : memref<16x128xf32, #tpu.memory_space<vmem_shared>>) offsets(%arg15 : memref<16xi32, #tpu.memory_space<vmem>>) semaphore(%arg23 : memref<!tpu.dma_semaphore, #tpu.memory_space<semaphore_mem>>) {add = true}
    %dma_wait3A_839 = arith.constant 0 : i32
    %dma_wait3A_840 = arith.constant 0 : i32
    %dma_wait3A_841 = tpu.memref_slice %arg18[%dma_wait3A_839, %dma_wait3A_840] : memref<16x128xf32, #tpu.memory_space<vmem_shared>> -> memref<16x128xf32, #tpu.memory_space<vmem_shared>>
    tpu.wait_indirect_dma semaphore(%arg23 : memref<!tpu.dma_semaphore, #tpu.memory_space<semaphore_mem>>) src(%arg14 : memref<16x128xf32, #tpu.memory_space<vmem>>) dst(%dma_wait3A_841 : memref<16x128xf32, #tpu.memory_space<vmem_shared>>)
    %barrier3A_842 = arith.constant 0 : index
    tpu.barrier barrier_id(%barrier3A_842)
    %eq3A_843 = arith.constant 0 : i32
    %eq3A_844 = arith.cmpi eq, %arg1, %eq3A_843 : i32
    %convert_element_type3A_845 = arith.extui %eq3A_844 : i1 to i32
    %cond3A_846 = arith.constant 0 : i32
    %cond3A_847 = arith.cmpi ne, %convert_element_type3A_845, %cond3A_846 : i32
    scf.if %cond3A_847 {
      "tpu.region"() ({
        %run_scoped3A = tpu.sem_alloc : memref<!tpu.dma_semaphore, #tpu.memory_space<semaphore_mem>>
        tpu.enqueue_dma source(%arg16 : memref<16x128xf32, #tpu.memory_space<vmem_shared>>) target(%arg13 : memref<16x128xf32, #tpu.memory_space<vmem>>) target_semaphore(%run_scoped3A : memref<!tpu.dma_semaphore, #tpu.memory_space<semaphore_mem>>)
        tpu.wait_dma2 semaphore(%run_scoped3A : memref<!tpu.dma_semaphore, #tpu.memory_space<semaphore_mem>>) src(%arg16 : memref<16x128xf32, #tpu.memory_space<vmem_shared>>) dst(%arg13 : memref<16x128xf32, #tpu.memory_space<vmem>>)
        tpu.yield
      }) : () -> ()
      "tpu.region"() ({
        %run_scoped3A = tpu.sem_alloc : memref<!tpu.dma_semaphore, #tpu.memory_space<semaphore_mem>>
        %dma_start3A_848 = arith.constant 0 : i32
        %dma_start3A_849 = arith.constant 0 : i32
        %dma_start3A_850 = tpu.memref_slice %arg4[%arg0, %dma_start3A_848, %dma_start3A_849] : memref<2x16x128xf32, #tpu.memory_space<hbm>> -> memref<1x16x128xf32, #tpu.memory_space<hbm>>
        %dma_start3A_851 = tpu.memref_squeeze %dma_start3A_850 : memref<1x16x128xf32, #tpu.memory_space<hbm>> -> memref<16x128xf32, #tpu.memory_space<hbm>>
        %dma_start3A_852 = arith.constant 0 : i32
        %dma_start3A_853 = arith.constant 0 : i32
        %dma_start3A_854 = tpu.memref_slice %arg4[%arg0, %dma_start3A_852, %dma_start3A_853] : memref<2x16x128xf32, #tpu.memory_space<hbm>> -> memref<1x16x128xf32, #tpu.memory_space<hbm>>
        %dma_start3A_855 = tpu.memref_squeeze %dma_start3A_854 : memref<1x16x128xf32, #tpu.memory_space<hbm>> -> memref<16x128xf32, #tpu.memory_space<hbm>>
        tpu.enqueue_dma source(%arg13 : memref<16x128xf32, #tpu.memory_space<vmem>>) target(%dma_start3A_855 : memref<16x128xf32, #tpu.memory_space<hbm>>) target_semaphore(%run_scoped3A : memref<!tpu.dma_semaphore, #tpu.memory_space<semaphore_mem>>)
        %dma_wait3A_856 = arith.constant 0 : i32
        %dma_wait3A_857 = arith.constant 0 : i32
        %dma_wait3A_858 = tpu.memref_slice %arg4[%arg0, %dma_wait3A_856, %dma_wait3A_857] : memref<2x16x128xf32, #tpu.memory_space<hbm>> -> memref<1x16x128xf32, #tpu.memory_space<hbm>>
        %dma_wait3A_859 = tpu.memref_squeeze %dma_wait3A_858 : memref<1x16x128xf32, #tpu.memory_space<hbm>> -> memref<16x128xf32, #tpu.memory_space<hbm>>
        %dma_wait3A_860 = arith.constant 0 : i32
        %dma_wait3A_861 = arith.constant 0 : i32
        %dma_wait3A_862 = tpu.memref_slice %arg4[%arg0, %dma_wait3A_860, %dma_wait3A_861] : memref<2x16x128xf32, #tpu.memory_space<hbm>> -> memref<1x16x128xf32, #tpu.memory_space<hbm>>
        %dma_wait3A_863 = tpu.memref_squeeze %dma_wait3A_862 : memref<1x16x128xf32, #tpu.memory_space<hbm>> -> memref<16x128xf32, #tpu.memory_space<hbm>>
        tpu.wait_dma2 semaphore(%run_scoped3A : memref<!tpu.dma_semaphore, #tpu.memory_space<semaphore_mem>>) src(%arg13 : memref<16x128xf32, #tpu.memory_space<vmem>>) dst(%dma_wait3A_863 : memref<16x128xf32, #tpu.memory_space<hbm>>)
        tpu.yield
      }) : () -> ()
      "tpu.region"() ({
        %run_scoped3A = tpu.sem_alloc : memref<!tpu.dma_semaphore, #tpu.memory_space<semaphore_mem>>
        tpu.enqueue_dma source(%arg17 : memref<16x128xf32, #tpu.memory_space<vmem_shared>>) target(%arg13 : memref<16x128xf32, #tpu.memory_space<vmem>>) target_semaphore(%run_scoped3A : memref<!tpu.dma_semaphore, #tpu.memory_space<semaphore_mem>>)
        tpu.wait_dma2 semaphore(%run_scoped3A : memref<!tpu.dma_semaphore, #tpu.memory_space<semaphore_mem>>) src(%arg17 : memref<16x128xf32, #tpu.memory_space<vmem_shared>>) dst(%arg13 : memref<16x128xf32, #tpu.memory_space<vmem>>)
        tpu.yield
      }) : () -> ()
      "tpu.region"() ({
        %run_scoped3A = tpu.sem_alloc : memref<!tpu.dma_semaphore, #tpu.memory_space<semaphore_mem>>
        %dma_start3A_848 = arith.constant 0 : i32
        %dma_start3A_849 = arith.constant 0 : i32
        %dma_start3A_850 = tpu.memref_slice %arg5[%arg0, %dma_start3A_848, %dma_start3A_849] : memref<2x16x128xf32, #tpu.memory_space<hbm>> -> memref<1x16x128xf32, #tpu.memory_space<hbm>>
        %dma_start3A_851 = tpu.memref_squeeze %dma_start3A_850 : memref<1x16x128xf32, #tpu.memory_space<hbm>> -> memref<16x128xf32, #tpu.memory_space<hbm>>
        %dma_start3A_852 = arith.constant 0 : i32
        %dma_start3A_853 = arith.constant 0 : i32
        %dma_start3A_854 = tpu.memref_slice %arg5[%arg0, %dma_start3A_852, %dma_start3A_853] : memref<2x16x128xf32, #tpu.memory_space<hbm>> -> memref<1x16x128xf32, #tpu.memory_space<hbm>>
        %dma_start3A_855 = tpu.memref_squeeze %dma_start3A_854 : memref<1x16x128xf32, #tpu.memory_space<hbm>> -> memref<16x128xf32, #tpu.memory_space<hbm>>
        tpu.enqueue_dma source(%arg13 : memref<16x128xf32, #tpu.memory_space<vmem>>) target(%dma_start3A_855 : memref<16x128xf32, #tpu.memory_space<hbm>>) target_semaphore(%run_scoped3A : memref<!tpu.dma_semaphore, #tpu.memory_space<semaphore_mem>>)
        %dma_wait3A_856 = arith.constant 0 : i32
        %dma_wait3A_857 = arith.constant 0 : i32
        %dma_wait3A_858 = tpu.memref_slice %arg5[%arg0, %dma_wait3A_856, %dma_wait3A_857] : memref<2x16x128xf32, #tpu.memory_space<hbm>> -> memref<1x16x128xf32, #tpu.memory_space<hbm>>
        %dma_wait3A_859 = tpu.memref_squeeze %dma_wait3A_858 : memref<1x16x128xf32, #tpu.memory_space<hbm>> -> memref<16x128xf32, #tpu.memory_space<hbm>>
        %dma_wait3A_860 = arith.constant 0 : i32
        %dma_wait3A_861 = arith.constant 0 : i32
        %dma_wait3A_862 = tpu.memref_slice %arg5[%arg0, %dma_wait3A_860, %dma_wait3A_861] : memref<2x16x128xf32, #tpu.memory_space<hbm>> -> memref<1x16x128xf32, #tpu.memory_space<hbm>>
        %dma_wait3A_863 = tpu.memref_squeeze %dma_wait3A_862 : memref<1x16x128xf32, #tpu.memory_space<hbm>> -> memref<16x128xf32, #tpu.memory_space<hbm>>
        tpu.wait_dma2 semaphore(%run_scoped3A : memref<!tpu.dma_semaphore, #tpu.memory_space<semaphore_mem>>) src(%arg13 : memref<16x128xf32, #tpu.memory_space<vmem>>) dst(%dma_wait3A_863 : memref<16x128xf32, #tpu.memory_space<hbm>>)
        tpu.yield
      }) : () -> ()
      "tpu.region"() ({
        %run_scoped3A = tpu.sem_alloc : memref<!tpu.dma_semaphore, #tpu.memory_space<semaphore_mem>>
        tpu.enqueue_dma source(%arg18 : memref<16x128xf32, #tpu.memory_space<vmem_shared>>) target(%arg13 : memref<16x128xf32, #tpu.memory_space<vmem>>) target_semaphore(%run_scoped3A : memref<!tpu.dma_semaphore, #tpu.memory_space<semaphore_mem>>)
        tpu.wait_dma2 semaphore(%run_scoped3A : memref<!tpu.dma_semaphore, #tpu.memory_space<semaphore_mem>>) src(%arg18 : memref<16x128xf32, #tpu.memory_space<vmem_shared>>) dst(%arg13 : memref<16x128xf32, #tpu.memory_space<vmem>>)
        tpu.yield
      }) : () -> ()
      "tpu.region"() ({
        %run_scoped3A = tpu.sem_alloc : memref<!tpu.dma_semaphore, #tpu.memory_space<semaphore_mem>>
        %dma_start3A_848 = arith.constant 0 : i32
        %dma_start3A_849 = arith.constant 0 : i32
        %dma_start3A_850 = tpu.memref_slice %arg6[%arg0, %dma_start3A_848, %dma_start3A_849] : memref<2x16x128xf32, #tpu.memory_space<hbm>> -> memref<1x16x128xf32, #tpu.memory_space<hbm>>
        %dma_start3A_851 = tpu.memref_squeeze %dma_start3A_850 : memref<1x16x128xf32, #tpu.memory_space<hbm>> -> memref<16x128xf32, #tpu.memory_space<hbm>>
        %dma_start3A_852 = arith.constant 0 : i32
        %dma_start3A_853 = arith.constant 0 : i32
        %dma_start3A_854 = tpu.memref_slice %arg6[%arg0, %dma_start3A_852, %dma_start3A_853] : memref<2x16x128xf32, #tpu.memory_space<hbm>> -> memref<1x16x128xf32, #tpu.memory_space<hbm>>
        %dma_start3A_855 = tpu.memref_squeeze %dma_start3A_854 : memref<1x16x128xf32, #tpu.memory_space<hbm>> -> memref<16x128xf32, #tpu.memory_space<hbm>>
        tpu.enqueue_dma source(%arg13 : memref<16x128xf32, #tpu.memory_space<vmem>>) target(%dma_start3A_855 : memref<16x128xf32, #tpu.memory_space<hbm>>) target_semaphore(%run_scoped3A : memref<!tpu.dma_semaphore, #tpu.memory_space<semaphore_mem>>)
        %dma_wait3A_856 = arith.constant 0 : i32
        %dma_wait3A_857 = arith.constant 0 : i32
        %dma_wait3A_858 = tpu.memref_slice %arg6[%arg0, %dma_wait3A_856, %dma_wait3A_857] : memref<2x16x128xf32, #tpu.memory_space<hbm>> -> memref<1x16x128xf32, #tpu.memory_space<hbm>>
        %dma_wait3A_859 = tpu.memref_squeeze %dma_wait3A_858 : memref<1x16x128xf32, #tpu.memory_space<hbm>> -> memref<16x128xf32, #tpu.memory_space<hbm>>
        %dma_wait3A_860 = arith.constant 0 : i32
        %dma_wait3A_861 = arith.constant 0 : i32
        %dma_wait3A_862 = tpu.memref_slice %arg6[%arg0, %dma_wait3A_860, %dma_wait3A_861] : memref<2x16x128xf32, #tpu.memory_space<hbm>> -> memref<1x16x128xf32, #tpu.memory_space<hbm>>
        %dma_wait3A_863 = tpu.memref_squeeze %dma_wait3A_862 : memref<1x16x128xf32, #tpu.memory_space<hbm>> -> memref<16x128xf32, #tpu.memory_space<hbm>>
        tpu.wait_dma2 semaphore(%run_scoped3A : memref<!tpu.dma_semaphore, #tpu.memory_space<semaphore_mem>>) src(%arg13 : memref<16x128xf32, #tpu.memory_space<vmem>>) dst(%dma_wait3A_863 : memref<16x128xf32, #tpu.memory_space<hbm>>)
        tpu.yield
      }) : () -> ()
    } else {
    }
    return
  }
}

module attributes {stable_mosaic.version = 14 : i64} {
  func.func @_finalize_body(%arg0: memref<32x128xf32, #tpu.memory_space<vmem>>, %arg1: memref<32x128xf32, #tpu.memory_space<vmem>>, %arg2: memref<32x128xf32, #tpu.memory_space<vmem>>, %arg3: memref<16x128xf32, #tpu.memory_space<vmem>>, %arg4: memref<16x128xf32, #tpu.memory_space<vmem>>, %arg5: memref<16x128xf32, #tpu.memory_space<vmem>>, %arg6: memref<1x1xf32, #tpu.memory_space<vmem>>) attributes {dimension_semantics = [], scalar_prefetch = 0 : i64, scratch_operands = 0 : i64, tpu.core_type = #tpu.core_type<tc>} {
    %get3A = arith.constant 0 : index
    %get3A_0 = arith.constant 0 : index
    %get3A_1 = vector.load %arg0[%get3A, %get3A_0] : memref<32x128xf32, #tpu.memory_space<vmem>>, vector<32x128xf32>
    %slice3A = vector.extract_strided_slice %get3A_1 {offsets = [0, 0], sizes = [16, 128], strides = [1, 1]} : vector<32x128xf32> to vector<16x128xf32>
    %slice3A_2 = vector.extract_strided_slice %get3A_1 {offsets = [16, 0], sizes = [16, 128], strides = [1, 1]} : vector<32x128xf32> to vector<16x128xf32>
    %add3A = arith.addf %slice3A, %slice3A_2 : vector<16x128xf32>
    %get3A_3 = arith.constant 0 : index
    %get3A_4 = arith.constant 0 : index
    %get3A_5 = vector.load %arg3[%get3A_3, %get3A_4] : memref<16x128xf32, #tpu.memory_space<vmem>>, vector<16x128xf32>
    %add3A_6 = arith.addf %add3A, %get3A_5 : vector<16x128xf32>
    %get3A_7 = arith.constant 0 : index
    %get3A_8 = arith.constant 0 : index
    %get3A_9 = vector.load %arg1[%get3A_7, %get3A_8] : memref<32x128xf32, #tpu.memory_space<vmem>>, vector<32x128xf32>
    %slice3A_10 = vector.extract_strided_slice %get3A_9 {offsets = [0, 0], sizes = [16, 128], strides = [1, 1]} : vector<32x128xf32> to vector<16x128xf32>
    %slice3A_11 = vector.extract_strided_slice %get3A_9 {offsets = [16, 0], sizes = [16, 128], strides = [1, 1]} : vector<32x128xf32> to vector<16x128xf32>
    %add3A_12 = arith.addf %slice3A_10, %slice3A_11 : vector<16x128xf32>
    %get3A_13 = arith.constant 0 : index
    %get3A_14 = arith.constant 0 : index
    %get3A_15 = vector.load %arg4[%get3A_13, %get3A_14] : memref<16x128xf32, #tpu.memory_space<vmem>>, vector<16x128xf32>
    %add3A_16 = arith.addf %add3A_12, %get3A_15 : vector<16x128xf32>
    %get3A_17 = arith.constant 0 : index
    %get3A_18 = arith.constant 0 : index
    %get3A_19 = vector.load %arg2[%get3A_17, %get3A_18] : memref<32x128xf32, #tpu.memory_space<vmem>>, vector<32x128xf32>
    %slice3A_20 = vector.extract_strided_slice %get3A_19 {offsets = [0, 0], sizes = [16, 128], strides = [1, 1]} : vector<32x128xf32> to vector<16x128xf32>
    %slice3A_21 = vector.extract_strided_slice %get3A_19 {offsets = [16, 0], sizes = [16, 128], strides = [1, 1]} : vector<32x128xf32> to vector<16x128xf32>
    %add3A_22 = arith.addf %slice3A_20, %slice3A_21 : vector<16x128xf32>
    %get3A_23 = arith.constant 0 : index
    %get3A_24 = arith.constant 0 : index
    %get3A_25 = vector.load %arg5[%get3A_23, %get3A_24] : memref<16x128xf32, #tpu.memory_space<vmem>>, vector<16x128xf32>
    %add3A_26 = arith.addf %add3A_22, %get3A_25 : vector<16x128xf32>
    %broadcast_in_dim3A = arith.constant 1.000000e+00 : f32
    %broadcast_in_dim3A_27 = vector.broadcast %broadcast_in_dim3A : f32 to vector<1x128xf32>
    %dot_general3A = arith.constant dense<0.000000e+00> : vector<16x1xf32>
    %dot_general3A_28 = tpu.matmul %add3A_26, %broadcast_in_dim3A_27, %dot_general3A {dimension_numbers = #tpu.dot_dimension_numbers<[1], [1], [0], [0], [0, 0, 1, 0], [], []>, precision = #tpu.contract_precision<fp32>, transpose_lhs_hint = false} : vector<16x128xf32>, vector<1x128xf32>, vector<16x1xf32> -> vector<16x1xf32>
    %div3A = arith.constant 1.280000e+02 : f32
    %div3A_29 = vector.broadcast %div3A : f32 to vector<16x1xf32>
    %div3A_30 = arith.divf %dot_general3A_28, %div3A_29 : vector<16x1xf32>
    %max3A = arith.constant 1.000000e+00 : f32
    %max3A_31 = vector.broadcast %max3A : f32 to vector<16x1xf32>
    %max3A_32 = arith.maximumf %div3A_30, %max3A_31 : vector<16x1xf32>
    %div3A_33 = vector.broadcast %max3A_32 : vector<16x1xf32> to vector<16x128xf32>
    %div3A_34 = arith.divf %add3A_6, %div3A_33 : vector<16x128xf32>
    %div3A_35 = vector.broadcast %max3A_32 : vector<16x1xf32> to vector<16x128xf32>
    %div3A_36 = arith.divf %add3A_16, %div3A_35 : vector<16x128xf32>
    %mul3A = arith.mulf %div3A_34, %div3A_34 : vector<16x128xf32>
    %sub3A = arith.subf %div3A_36, %mul3A : vector<16x128xf32>
    %add3A_37 = arith.constant 1.000000e+00 : f32
    %add3A_38 = vector.broadcast %add3A_37 : f32 to vector<16x128xf32>
    %add3A_39 = arith.addf %sub3A, %add3A_38 : vector<16x128xf32>
    %max3A_40 = arith.constant 9.99999997E-7 : f32
    %max3A_41 = vector.broadcast %max3A_40 : f32 to vector<16x128xf32>
    %max3A_42 = arith.maximumf %add3A_39, %max3A_41 : vector<16x128xf32>
    %log3A = math.log %max3A_42 : vector<16x128xf32>
    %div3A_43 = arith.constant 1.000000e+00 : f32
    %div3A_44 = vector.broadcast %div3A_43 : f32 to vector<16x128xf32>
    %div3A_45 = arith.divf %div3A_44, %max3A_42 : vector<16x128xf32>
    %dot_general3A_46 = arith.constant dense<0.000000e+00> : vector<16x1xf32>
    %dot_general3A_47 = tpu.matmul %log3A, %broadcast_in_dim3A_27, %dot_general3A_46 {dimension_numbers = #tpu.dot_dimension_numbers<[1], [1], [0], [0], [0, 0, 1, 0], [], []>, precision = #tpu.contract_precision<fp32>, transpose_lhs_hint = false} : vector<16x128xf32>, vector<1x128xf32>, vector<16x1xf32> -> vector<16x1xf32>
    %dot_general3A_48 = arith.constant dense<0.000000e+00> : vector<1x16xf32>
    %dot_general3A_49 = tpu.matmul %broadcast_in_dim3A_27, %log3A, %dot_general3A_48 {dimension_numbers = #tpu.dot_dimension_numbers<[1], [1], [0], [0], [0, 0, 1, 0], [], []>, precision = #tpu.contract_precision<fp32>, transpose_lhs_hint = false} : vector<1x128xf32>, vector<16x128xf32>, vector<1x16xf32> -> vector<1x16xf32>
    %dot_general3A_50 = arith.constant dense<0.000000e+00> : vector<16x16xf32>
    %dot_general3A_51 = tpu.matmul %max3A_42, %div3A_45, %dot_general3A_50 {dimension_numbers = #tpu.dot_dimension_numbers<[1], [1], [0], [0], [0, 0, 1, 0], [], []>, precision = #tpu.contract_precision<fp32>, transpose_lhs_hint = false} : vector<16x128xf32>, vector<16x128xf32>, vector<16x16xf32> -> vector<16x16xf32>
    %mul3A_52 = arith.mulf %div3A_34, %div3A_34 : vector<16x128xf32>
    %dot_general3A_53 = arith.constant dense<0.000000e+00> : vector<16x16xf32>
    %dot_general3A_54 = tpu.matmul %mul3A_52, %div3A_45, %dot_general3A_53 {dimension_numbers = #tpu.dot_dimension_numbers<[1], [1], [0], [0], [0, 0, 1, 0], [], []>, precision = #tpu.contract_precision<fp32>, transpose_lhs_hint = false} : vector<16x128xf32>, vector<16x128xf32>, vector<16x16xf32> -> vector<16x16xf32>
    %mul3A_55 = arith.mulf %div3A_34, %div3A_45 : vector<16x128xf32>
    %dot_general3A_56 = arith.constant dense<0.000000e+00> : vector<16x16xf32>
    %dot_general3A_57 = tpu.matmul %div3A_34, %mul3A_55, %dot_general3A_56 {dimension_numbers = #tpu.dot_dimension_numbers<[1], [1], [0], [0], [0, 0, 1, 0], [], []>, precision = #tpu.contract_precision<fp32>, transpose_lhs_hint = false} : vector<16x128xf32>, vector<16x128xf32>, vector<16x16xf32> -> vector<16x16xf32>
    %mul3A_58 = arith.mulf %mul3A_52, %div3A_45 : vector<16x128xf32>
    %dot_general3A_59 = arith.constant dense<0.000000e+00> : vector<1x16xf32>
    %dot_general3A_60 = tpu.matmul %broadcast_in_dim3A_27, %mul3A_58, %dot_general3A_59 {dimension_numbers = #tpu.dot_dimension_numbers<[1], [1], [0], [0], [0, 0, 1, 0], [], []>, precision = #tpu.contract_precision<fp32>, transpose_lhs_hint = false} : vector<1x128xf32>, vector<16x128xf32>, vector<1x16xf32> -> vector<1x16xf32>
    %sub3A_61 = vector.broadcast %dot_general3A_49 : vector<1x16xf32> to vector<16x16xf32>
    %sub3A_62 = vector.broadcast %dot_general3A_47 : vector<16x1xf32> to vector<16x16xf32>
    %sub3A_63 = arith.subf %sub3A_61, %sub3A_62 : vector<16x16xf32>
    %add3A_64 = arith.addf %sub3A_63, %dot_general3A_51 : vector<16x16xf32>
    %add3A_65 = arith.addf %add3A_64, %dot_general3A_54 : vector<16x16xf32>
    %mul3A_66 = arith.constant 2.000000e+00 : f32
    %mul3A_67 = vector.broadcast %mul3A_66 : f32 to vector<16x16xf32>
    %mul3A_68 = arith.mulf %mul3A_67, %dot_general3A_57 : vector<16x16xf32>
    %sub3A_69 = arith.subf %add3A_65, %mul3A_68 : vector<16x16xf32>
    %add3A_70 = vector.broadcast %dot_general3A_60 : vector<1x16xf32> to vector<16x16xf32>
    %add3A_71 = arith.addf %sub3A_69, %add3A_70 : vector<16x16xf32>
    %sub3A_72 = arith.constant 1.280000e+02 : f32
    %sub3A_73 = vector.broadcast %sub3A_72 : f32 to vector<16x16xf32>
    %sub3A_74 = arith.subf %add3A_71, %sub3A_73 : vector<16x16xf32>
    %mul3A_75 = arith.constant 5.000000e-01 : f32
    %mul3A_76 = vector.broadcast %mul3A_75 : f32 to vector<16x16xf32>
    %mul3A_77 = arith.mulf %mul3A_76, %sub3A_74 : vector<16x16xf32>
    %gt3A = arith.constant 0.000000e+00 : f32
    %gt3A_78 = vector.broadcast %gt3A : f32 to vector<16x1xf32>
    %gt3A_79 = arith.cmpf ogt, %div3A_30, %gt3A_78 : vector<16x1xf32>
    %convert_element_type3A = arith.extui %gt3A_79 : vector<16x1xi1> to vector<16x1xi32>
    %convert_element_type3A_80 = arith.sitofp %convert_element_type3A : vector<16x1xi32> to vector<16x1xf32>
    %broadcast_in_dim3A_81 = arith.constant 1.000000e+00 : f32
    %broadcast_in_dim3A_82 = vector.broadcast %broadcast_in_dim3A_81 : f32 to vector<1x1xf32>
    %dot_general3A_83 = arith.constant dense<0.000000e+00> : vector<1x16xf32>
    %dot_general3A_84 = tpu.matmul %broadcast_in_dim3A_82, %convert_element_type3A_80, %dot_general3A_83 {dimension_numbers = #tpu.dot_dimension_numbers<[1], [1], [0], [0], [0, 0, 1, 0], [], []>, precision = #tpu.contract_precision<fp32>, transpose_lhs_hint = false} : vector<1x1xf32>, vector<16x1xf32>, vector<1x16xf32> -> vector<1x16xf32>
    %iota3A = tpu.iota {dimensions = array<i32: 0>} : vector<16x16xi32>
    %iota3A_85 = tpu.iota {dimensions = array<i32: 1>} : vector<16x16xi32>
    %ne3A = arith.cmpi ne, %iota3A, %iota3A_85 : vector<16x16xi32>
    %convert_element_type3A_86 = arith.extui %ne3A : vector<16x16xi1> to vector<16x16xi32>
    %convert_element_type3A_87 = arith.sitofp %convert_element_type3A_86 : vector<16x16xi32> to vector<16x16xf32>
    %mul3A_88 = vector.broadcast %convert_element_type3A_80 : vector<16x1xf32> to vector<16x16xf32>
    %mul3A_89 = vector.broadcast %dot_general3A_84 : vector<1x16xf32> to vector<16x16xf32>
    %mul3A_90 = arith.mulf %mul3A_88, %mul3A_89 : vector<16x16xf32>
    %mul3A_91 = arith.mulf %mul3A_90, %convert_element_type3A_87 : vector<16x16xf32>
    %reduce_sum3A = vector.shape_cast %convert_element_type3A_80 : vector<16x1xf32> to vector<1x16x1xf32>
    %reduce_sum3A_92 = arith.constant dense<0.000000e+00> : vector<1xf32>
    %reduce_sum3A_93 = vector.multi_reduction <add>, %reduce_sum3A, %reduce_sum3A_92 [1, 2] : vector<1x16x1xf32> to vector<1xf32>
    %reduce_sum3A_94 = vector.shape_cast %reduce_sum3A_93 : vector<1xf32> to vector<1x1x1xf32>
    %reduce_sum3A_95 = vector.extract %reduce_sum3A_94[0, 0, 0] : f32 from vector<1x1x1xf32>
    %sub3A_96 = arith.constant 1.000000e+00 : f32
    %sub3A_97 = arith.subf %reduce_sum3A_95, %sub3A_96 : f32
    %mul3A_98 = arith.mulf %reduce_sum3A_95, %sub3A_97 : f32
    %max3A_99 = arith.constant 1.000000e+00 : f32
    %max3A_100 = arith.maximumf %mul3A_98, %max3A_99 : f32
    %mul3A_101 = arith.mulf %mul3A_77, %mul3A_91 : vector<16x16xf32>
    %reduce_sum3A_102 = vector.shape_cast %mul3A_101 : vector<16x16xf32> to vector<1x16x16xf32>
    %reduce_sum3A_103 = arith.constant dense<0.000000e+00> : vector<1xf32>
    %reduce_sum3A_104 = vector.multi_reduction <add>, %reduce_sum3A_102, %reduce_sum3A_103 [1, 2] : vector<1x16x16xf32> to vector<1xf32>
    %reduce_sum3A_105 = vector.shape_cast %reduce_sum3A_104 : vector<1xf32> to vector<1x1x1xf32>
    %reduce_sum3A_106 = vector.extract %reduce_sum3A_105[0, 0, 0] : f32 from vector<1x1x1xf32>
    %div3A_107 = arith.divf %reduce_sum3A_106, %max3A_100 : f32
    %broadcast_in_dim3A_108 = vector.broadcast %div3A_107 : f32 to vector<1x1xf32>
    %swap3A = arith.constant 0 : index
    %swap3A_109 = arith.constant 0 : index
    %swap3A_110 = vector.load %arg6[%swap3A, %swap3A_109] : memref<1x1xf32, #tpu.memory_space<vmem>>, vector<1x1xf32>
    tpu.vector_store %arg6[%swap3A, %swap3A_109], %broadcast_in_dim3A_108 {strides = array<i32>} : memref<1x1xf32, #tpu.memory_space<vmem>>, vector<1x1xf32>,
    return
  }
}

module attributes {stable_mosaic.version = 14 : i64} {
  func.func @_tc_stats_body(%arg0: i32, %arg1: memref<1x1x2048xi32, #tpu.memory_space<vmem>>, %arg2: memref<2048x128xf32, #tpu.memory_space<vmem>>, %arg3: memref<16x128xf32, #tpu.memory_space<vmem>>, %arg4: memref<16x128xf32, #tpu.memory_space<vmem>>, %arg5: memref<16x128xf32, #tpu.memory_space<vmem>>) attributes {dimension_semantics = [#tpu.dimension_semantics<arbitrary>], iteration_bounds = array<i64: 40>, scalar_prefetch = 0 : i64, scratch_operands = 0 : i64, tpu.core_type = #tpu.core_type<tc>, window_params = [{transform_indices = @transform_0, window_bounds = array<i64: 1, 1, 2048>}, {transform_indices = @transform_1, window_bounds = array<i64: 2048, 128>}, {pipeline_mode = #tpu.pipeline_mode<synchronous>, transform_indices = @transform_2, window_bounds = array<i64: 16, 128>}, {pipeline_mode = #tpu.pipeline_mode<synchronous>, transform_indices = @transform_3, window_bounds = array<i64: 16, 128>}, {pipeline_mode = #tpu.pipeline_mode<synchronous>, transform_indices = @transform_4, window_bounds = array<i64: 16, 128>}]} {
    %get3A = arith.constant 0 : index
    %get3A_0 = arith.constant 0 : index
    %get3A_1 = arith.constant 0 : index
    %get3A_2 = vector.load %arg1[%get3A, %get3A_0, %get3A_1] : memref<1x1x2048xi32, #tpu.memory_space<vmem>>, vector<1x1x2048xi32>
    %get3A_3 = vector.shape_cast %get3A_2 : vector<1x1x2048xi32> to vector<1x2048xi32>
    %broadcast_in_dim3A = vector.shape_cast %get3A_3 : vector<1x2048xi32> to vector<1x2048xi32>
    %broadcast_in_dim3A_4 = vector.broadcast %broadcast_in_dim3A : vector<1x2048xi32> to vector<16x2048xi32>
    %iota3A = tpu.iota {dimensions = array<i32: 0>} : vector<16x2048xi32>
    %eq3A = arith.cmpi eq, %broadcast_in_dim3A_4, %iota3A : vector<16x2048xi32>
    %convert_element_type3A = arith.extui %eq3A : vector<16x2048xi1> to vector<16x2048xi32>
    %convert_element_type3A_5 = arith.sitofp %convert_element_type3A : vector<16x2048xi32> to vector<16x2048xf32>
    %get3A_6 = arith.constant 0 : index
    %get3A_7 = arith.constant 0 : index
    %get3A_8 = vector.load %arg2[%get3A_6, %get3A_7] : memref<2048x128xf32, #tpu.memory_space<vmem>>, vector<2048x128xf32>
    %convert_element_type3A_9 = arith.truncf %convert_element_type3A_5 : vector<16x2048xf32> to vector<16x2048xbf16>
    %convert_element_type3A_10 = arith.truncf %get3A_8 : vector<2048x128xf32> to vector<2048x128xbf16>
    %convert_element_type3A_11 = arith.extf %convert_element_type3A_10 : vector<2048x128xbf16> to vector<2048x128xf32>
    %sub3A = arith.subf %get3A_8, %convert_element_type3A_11 : vector<2048x128xf32>
    %convert_element_type3A_12 = arith.truncf %sub3A : vector<2048x128xf32> to vector<2048x128xbf16>
    %dot_general3A = arith.constant dense<0.000000e+00> : vector<16x128xf32>
    %dot_general3A_13 = tpu.matmul %convert_element_type3A_9, %convert_element_type3A_10, %dot_general3A {dimension_numbers = #tpu.dot_dimension_numbers<[1], [0], [0], [1], [0, 0, 1, 1], [], []>, transpose_lhs_hint = false} : vector<16x2048xbf16>, vector<2048x128xbf16>, vector<16x128xf32> -> vector<16x128xf32>
    %dot_general3A_14 = arith.constant dense<0.000000e+00> : vector<16x128xf32>
    %dot_general3A_15 = tpu.matmul %convert_element_type3A_9, %convert_element_type3A_12, %dot_general3A_14 {dimension_numbers = #tpu.dot_dimension_numbers<[1], [0], [0], [1], [0, 0, 1, 1], [], []>, transpose_lhs_hint = false} : vector<16x2048xbf16>, vector<2048x128xbf16>, vector<16x128xf32> -> vector<16x128xf32>
    %add3A = arith.addf %dot_general3A_13, %dot_general3A_15 : vector<16x128xf32>
    %mul3A = arith.mulf %get3A_8, %get3A_8 : vector<2048x128xf32>
    %convert_element_type3A_16 = arith.truncf %mul3A : vector<2048x128xf32> to vector<2048x128xbf16>
    %convert_element_type3A_17 = arith.extf %convert_element_type3A_16 : vector<2048x128xbf16> to vector<2048x128xf32>
    %sub3A_18 = arith.subf %mul3A, %convert_element_type3A_17 : vector<2048x128xf32>
    %convert_element_type3A_19 = arith.truncf %sub3A_18 : vector<2048x128xf32> to vector<2048x128xbf16>
    %dot_general3A_20 = arith.constant dense<0.000000e+00> : vector<16x128xf32>
    %dot_general3A_21 = tpu.matmul %convert_element_type3A_9, %convert_element_type3A_16, %dot_general3A_20 {dimension_numbers = #tpu.dot_dimension_numbers<[1], [0], [0], [1], [0, 0, 1, 1], [], []>, transpose_lhs_hint = false} : vector<16x2048xbf16>, vector<2048x128xbf16>, vector<16x128xf32> -> vector<16x128xf32>
    %dot_general3A_22 = arith.constant dense<0.000000e+00> : vector<16x128xf32>
    %dot_general3A_23 = tpu.matmul %convert_element_type3A_9, %convert_element_type3A_19, %dot_general3A_22 {dimension_numbers = #tpu.dot_dimension_numbers<[1], [0], [0], [1], [0, 0, 1, 1], [], []>, transpose_lhs_hint = false} : vector<16x2048xbf16>, vector<2048x128xbf16>, vector<16x128xf32> -> vector<16x128xf32>
    %add3A_24 = arith.addf %dot_general3A_21, %dot_general3A_23 : vector<16x128xf32>
    %reduce_sum3A = arith.constant dense<0.000000e+00> : vector<16xf32>
    %reduce_sum3A_25 = vector.multi_reduction <add>, %convert_element_type3A_5, %reduce_sum3A [1] : vector<16x2048xf32> to vector<16xf32>
    %broadcast_in_dim3A_26 = vector.shape_cast %reduce_sum3A_25 : vector<16xf32> to vector<16x1xf32>
    %broadcast_in_dim3A_27 = vector.shape_cast %broadcast_in_dim3A_26 : vector<16x1xf32> to vector<16x1xf32>
    %broadcast_in_dim3A_28 = vector.broadcast %broadcast_in_dim3A_27 : vector<16x1xf32> to vector<16x128xf32>
    %eq3A_29 = arith.constant 0 : i32
    %eq3A_30 = arith.cmpi eq, %arg0, %eq3A_29 : i32
    %convert_element_type3A_31 = arith.extui %eq3A_30 : i1 to i32
    %cond3A = arith.constant 0 : i32
    %cond3A_32 = arith.cmpi ne, %convert_element_type3A_31, %cond3A : i32
    scf.if %cond3A_32 {
      %swap3A = arith.constant 0 : index
      %swap3A_37 = arith.constant 0 : index
      %swap3A_38 = vector.load %arg3[%swap3A, %swap3A_37] : memref<16x128xf32, #tpu.memory_space<vmem>>, vector<16x128xf32>
      tpu.vector_store %arg3[%swap3A, %swap3A_37], %add3A {strides = array<i32>} : memref<16x128xf32, #tpu.memory_space<vmem>>, vector<16x128xf32>,
      %swap3A_39 = arith.constant 0 : index
      %swap3A_40 = arith.constant 0 : index
      %swap3A_41 = vector.load %arg4[%swap3A_39, %swap3A_40] : memref<16x128xf32, #tpu.memory_space<vmem>>, vector<16x128xf32>
      tpu.vector_store %arg4[%swap3A_39, %swap3A_40], %add3A_24 {strides = array<i32>} : memref<16x128xf32, #tpu.memory_space<vmem>>, vector<16x128xf32>,
      %swap3A_42 = arith.constant 0 : index
      %swap3A_43 = arith.constant 0 : index
      %swap3A_44 = vector.load %arg5[%swap3A_42, %swap3A_43] : memref<16x128xf32, #tpu.memory_space<vmem>>, vector<16x128xf32>
      tpu.vector_store %arg5[%swap3A_42, %swap3A_43], %broadcast_in_dim3A_28 {strides = array<i32>} : memref<16x128xf32, #tpu.memory_space<vmem>>, vector<16x128xf32>,
    } else {
    }
    %ne3A = arith.constant 0 : i32
    %ne3A_33 = arith.cmpi ne, %arg0, %ne3A : i32
    %convert_element_type3A_34 = arith.extui %ne3A_33 : i1 to i32
    %cond3A_35 = arith.constant 0 : i32
    %cond3A_36 = arith.cmpi ne, %convert_element_type3A_34, %cond3A_35 : i32
    scf.if %cond3A_36 {
      %get3A_37 = arith.constant 0 : index
      %get3A_38 = arith.constant 0 : index
      %get3A_39 = vector.load %arg3[%get3A_37, %get3A_38] : memref<16x128xf32, #tpu.memory_space<vmem>>, vector<16x128xf32>
      %add3A_40 = arith.addf %get3A_39, %add3A : vector<16x128xf32>
      %swap3A = arith.constant 0 : index
      %swap3A_41 = arith.constant 0 : index
      %swap3A_42 = vector.load %arg3[%swap3A, %swap3A_41] : memref<16x128xf32, #tpu.memory_space<vmem>>, vector<16x128xf32>
      tpu.vector_store %arg3[%swap3A, %swap3A_41], %add3A_40 {strides = array<i32>} : memref<16x128xf32, #tpu.memory_space<vmem>>, vector<16x128xf32>,
      %get3A_43 = arith.constant 0 : index
      %get3A_44 = arith.constant 0 : index
      %get3A_45 = vector.load %arg4[%get3A_43, %get3A_44] : memref<16x128xf32, #tpu.memory_space<vmem>>, vector<16x128xf32>
      %add3A_46 = arith.addf %get3A_45, %add3A_24 : vector<16x128xf32>
      %swap3A_47 = arith.constant 0 : index
      %swap3A_48 = arith.constant 0 : index
      %swap3A_49 = vector.load %arg4[%swap3A_47, %swap3A_48] : memref<16x128xf32, #tpu.memory_space<vmem>>, vector<16x128xf32>
      tpu.vector_store %arg4[%swap3A_47, %swap3A_48], %add3A_46 {strides = array<i32>} : memref<16x128xf32, #tpu.memory_space<vmem>>, vector<16x128xf32>,
      %get3A_50 = arith.constant 0 : index
      %get3A_51 = arith.constant 0 : index
      %get3A_52 = vector.load %arg5[%get3A_50, %get3A_51] : memref<16x128xf32, #tpu.memory_space<vmem>>, vector<16x128xf32>
      %add3A_53 = arith.addf %get3A_52, %broadcast_in_dim3A_28 : vector<16x128xf32>
      %swap3A_54 = arith.constant 0 : index
      %swap3A_55 = arith.constant 0 : index
      %swap3A_56 = vector.load %arg5[%swap3A_54, %swap3A_55] : memref<16x128xf32, #tpu.memory_space<vmem>>, vector<16x128xf32>
      tpu.vector_store %arg5[%swap3A_54, %swap3A_55], %add3A_53 {strides = array<i32>} : memref<16x128xf32, #tpu.memory_space<vmem>>, vector<16x128xf32>,
    } else {
    }
    return
  }
  func.func @transform_0(%arg0: i32) -> (i32, i32, i32) {
    %add3A = arith.constant 24 : i32
    %add3A_0 = arith.addi %arg0, %add3A : i32
    %c0_i32 = arith.constant 0 : i32
    %c0_i32_1 = arith.constant 0 : i32
    %c0_i32_2 = arith.constant 0 : i32
    return %add3A_0, %c0_i32, %c0_i32_1 : i32, i32, i32
  }
  func.func @transform_1(%arg0: i32) -> (i32, i32) {
    %add3A = arith.constant 24 : i32
    %add3A_0 = arith.addi %arg0, %add3A : i32
    %c0_i32 = arith.constant 0 : i32
    %c0_i32_1 = arith.constant 0 : i32
    return %add3A_0, %c0_i32 : i32, i32
  }
  func.func @transform_2(%arg0: i32) -> (i32, i32) {
    %c0_i32 = arith.constant 0 : i32
    %c0_i32_0 = arith.constant 0 : i32
    %c0_i32_1 = arith.constant 0 : i32
    return %c0_i32, %c0_i32_0 : i32, i32
  }
  func.func @transform_3(%arg0: i32) -> (i32, i32) {
    %c0_i32 = arith.constant 0 : i32
    %c0_i32_0 = arith.constant 0 : i32
    %c0_i32_1 = arith.constant 0 : i32
    return %c0_i32, %c0_i32_0 : i32, i32
  }
  func.func @transform_4(%arg0: i32) -> (i32, i32) {
    %c0_i32 = arith.constant 0 : i32
    %c0_i32_0 = arith.constant 0 : i32
    %c0_i32_1 = arith.constant 0 : i32
    return %c0_i32, %c0_i32_0 : i32, i32
  }
}

</mosaic_0001>

<sc_bundles>
// kernel: kernel.5.cloned.1.call-start
scs
__scs_entry_jumppad:
0x0: {  	(pc) =	sbr.rel $0x88, $3  }
0x1: {  	(tag) =	ssettag $0x0;
	lr =	simm.s32 $0x1  }
0x2: {  	[smem:$0x3F9F] =	sst lr;
	_ =	strace $0xD0000000  }
0x3: {  	_ = 	snop  }
0x4: {  	_ = 	snop  }
0x5: {  	_ = 	snop  }
0x6: {  	_ = 	snop  }
0x7: {  	_ = 	snop  }
__scs_overlays_trampoline_lowered:
0x8: {  	[smem:$0x3FAE] =	sst s0  }
0x9: {  	[smem:$0x3FAF] =	sst s1  }
0xa: {  	[smem:$0x3FB0] =	sst s2  }
0xb: {  	[smem:$0x3FB1] =	sst s3  }
0xc: {  	[smem:$0x3FB2] =	sst s4  }
0xd: {  	[smem:$0x3FB3] =	sst s5  }
0xe: {  	[smem:$0x3FB4] =	sst s6  }
0xf: {  	[smem:$0x3FB5] =	sst s7  }
0x10: {  	[smem:$0x3FB6] =	sst s8  }
0x11: {  	[smem:$0x3FB7] =	sst s9;
	s0 =	simm.s32 @!p0 $0x0  }
0x12: {  	s1 =	sld [smem:$0x3F9D];
	s0 =	simm.s32 @p0 $0x1  }
0x13: {  	[smem:$0x3FB8] =	sst s0;
	s0 =	simm.s32 @!p1 $0x0  }
0x14: {  	s2 =	sld [smem:$0x3F9C];
	s0 =	simm.s32 @p1 $0x1  }
0x15: {  	[smem:$0x3FB9] =	sst s0;
	s0 =	simm.s32 @!p2 $0x0  }
0x16: {  	s3 =	sld [smem:$0x3FDB];
	s0 =	simm.s32 @p2 $0x1  }
0x17: {  	s4 =	simm.s32 $0x1BF5;
	[smem:$0x3FBB] =	sst s0  }
0x18: {  	s0 =	sld [smem:$0x3F9E];
	_ =	swait.ge [sflag:s4], $0x0  }
0x19: {  	s7 =	sld [smem:$0x3F9F]  }
0x1a: {  	s8 =	sadd.s32 $0xFFFFE003, lr  }
0x1b: {  	s9 =	sadd.s32 $0xFFFFFEF7, lr;
	s5 =	simm.s32 $0xFFFFFFFF;
	p2 =	slt.u32 s8, $0xFFFFF086  }
0x1c: {  	p1 =	slt.u32 s9, $0xF7A;
	s5 =	simm.s32 @!p2 $0x0  }
0x1d: {  	s5 =	simm.s32 @p1 $0x1;
	p0 =	seq.s32 s7, s2  }
0x1e: {  	s7 =	smul.u32 @!p0 $0xF7A, s2;
	p2 =	seq.s32 @!p0 s5, $0x0  }
0x1f: {  	s9 =	smul.u32 $0xF7A, s1;
	s8 =	simm.s32 @!p0 $0x1BF5;
	p2 =	por !p2, p0  }
0x20: {  	[sflag:s8] =	ssyncset.s32 @!p0 $0xFFFFF086;
	s6 =	sadd.s32 @!p0 s3, s7;
	s7 =	simm.s32 @!p0 $0x108  }
0x21: {  	s3 =	sadd.s32 s3, s9;
	s6 =	sadd.s32 @!p0 $0x88, s6;
	s7 =	simm.s32 @p2 $0x1082  }
0x22: {  	[simem:s7], [sflag:s8] =	dma.local @!p0 [hbm:s6], $0xF7A  }
0x23: {  	s9 =	sor.u32 $0xD0000000, s2;
	s6 =	simm.s32 $0x108;
	_ =	swait.ge @!p0 [sflag:s8], $0x0  }
0x24: {  	s3 =	sadd.s32 $0x88, s3;
	s6 =	simm.s32 @!p1 $0x1082;
	[sflag:s4] =	ssyncset.s32 $0xFFFFF086  }
0x25: {  	[simem:s6], [sflag:s4] =	dma.local [hbm:s3], $0xF7A  }
0x26: {  	[smem:$0x3F9F] =	sst s1;
	(tag) =	ssettag s2;
	_ =	strace s9  }
0x27: {  	s1 =	sld [smem:$0x3FAF]  }
0x28: {  	s2 =	sld [smem:$0x3FB0]  }
0x29: {  	s4 =	sld [smem:$0x3FB2]  }
0x2a: {  	p0 =	seq.s32 s5, $0x0;
	s5 =	sld [smem:$0x3FB3]  }
0x2b: {  	s6 =	sld [smem:$0x3FB4]  }
0x2c: {  	s7 =	sld [smem:$0x3FB5]  }
0x2d: {  	s3 =	simm.s32 $0x108;
	s8 =	sld [smem:$0x3FB6]  }
0x2e: {  	s3 =	simm.s32 @!p0 $0x1082;
	s9 =	sld [smem:$0x3FB7]  }
0x2f: {  	lr =	sadd.s32 s0, s3;
	s0 =	sld [smem:$0x3FAE]  }
0x30: {  	s3 =	sld [smem:$0x3FB1]  }
0x31: {  	[smem:$0x3FBA] =	sst s10  }
0x32: {  	s10 =	sld [smem:$0x3FB8];
	_ =	sdelay $0x3  }
0x33: {  	p0 =	seq.s32 s10, $0x1;
	s10 =	sld [smem:$0x3FBA];
	_ =	sdelay $0x3  }
0x34: {  	[smem:$0x3FBA] =	sst s10  }
0x35: {  	s10 =	sld [smem:$0x3FB9];
	_ =	sdelay $0x3  }
0x36: {  	p1 =	seq.s32 s10, $0x1;
	s10 =	sld [smem:$0x3FBA];
	_ =	sdelay $0x3  }
0x37: {  	[smem:$0x3FBA] =	sst s10  }
0x38: {  	s10 =	sld [smem:$0x3FBB]  }
0x39: {  	_ = 	snop;
	(pc) =	sbr.ind lr, $3  }
0x3a: {  	_ = 	snop  }
0x3b: {  	_ = 	snop  }
0x3c: {  	p2 =	seq.s32 s10, $0x1;
	s10 =	sld [smem:$0x3FBA]  }
0x3d: {  	_ =	shalt  }
0x3e: {  	_ =	shalt  }
0x3f: {  	_ =	shalt  }
0x40: {  	_ =	shalt  }
0x41: {  	_ =	shalt  }
0x42: {  	_ =	shalt  }
0x43: {  	_ =	shalt  }
0x44: {  	_ =	shalt  }
0x45: {  	_ =	shalt  }
0x46: {  	_ =	shalt  }
0x47: {  	_ =	shalt  }
0x48: {  	_ =	shalt  }
0x49: {  	_ =	shalt  }
0x4a: {  	_ =	shalt  }
0x4b: {  	_ =	shalt  }
0x4c: {  	_ =	shalt  }
0x4d: {  	_ =	shalt  }
0x4e: {  	_ =	shalt  }
0x4f: {  	_ =	shalt  }
0x50: {  	_ =	shalt  }
0x51: {  	_ =	shalt  }
0x52: {  	_ =	shalt  }
0x53: {  	_ =	shalt  }
0x54: {  	_ =	shalt  }
0x55: {  	_ =	shalt  }
0x56: {  	_ =	shalt  }
0x57: {  	_ =	shalt  }
0x58: {  	_ =	shalt  }
0x59: {  	_ =	shalt  }
0x5a: {  	_ =	shalt  }
0x5b: {  	_ =	shalt  }
0x5c: {  	_ =	shalt  }
0x5d: {  	_ =	shalt  }
0x5e: {  	_ =	shalt  }
0x5f: {  	_ =	shalt  }
0x60: {  	_ =	shalt  }
0x61: {  	_ =	shalt  }
0x62: {  	_ =	shalt  }
0x63: {  	_ =	shalt  }
0x64: {  	_ =	shalt  }
0x65: {  	_ =	shalt  }
0x66: {  	_ =	shalt  }
0x67: {  	_ =	shalt  }
0x68: {  	_ =	shalt  }
0x69: {  	_ =	shalt  }
0x6a: {  	_ =	shalt  }
0x6b: {  	_ =	shalt  }
0x6c: {  	_ =	shalt  }
0x6d: {  	_ =	shalt  }
0x6e: {  	_ =	shalt  }
0x6f: {  	_ =	shalt  }
0x70: {  	_ =	shalt  }
0x71: {  	_ =	shalt  }
0x72: {  	_ =	shalt  }
0x73: {  	_ =	shalt  }
0x74: {  	_ =	shalt  }
0x75: {  	_ =	shalt  }
0x76: {  	_ =	shalt  }
0x77: {  	_ =	shalt  }
0x78: {  	_ =	shalt  }
0x79: {  	_ =	shalt  }
0x7a: {  	_ =	shalt  }
0x7b: {  	_ =	shalt  }
0x7c: {  	_ =	shalt  }
0x7d: {  	_ =	shalt  }
0x7e: {  	_ =	shalt  }
0x7f: {  	_ =	shalt  }
0x80: {  	_ =	shalt  }
0x81: {  	_ =	shalt  }
0x82: {  	_ =	shalt  }
0x83: {  	_ =	shalt  }
0x84: {  	_ =	shalt  }
0x85: {  	_ =	shalt  }
0x86: {  	_ =	shalt  }
0x87: {  	_ =	shalt  }
.Lfunc_end0:
.L_simem_size_0:
called_computation_lowered:
.L_overlay_start_0:
0x88: {  	s2 =	sld [smem:$0x3FD9]  }
0x89: {  	s3 =	sld [smem:$0x3FFE];
	_ =	sdelay $0x1  }
0x8a: {  	s1 =	srdreg.scid  }
0x8b: {  	s0 =	sand.u32 $0x1, s1  }
0x8c: {  	s17 =	sshll.u32 s0, $0xA;
	s2 =	sadd.s32 s3, s2  }
0x8d: {  	s2 =	sadd.s32 s2, s17  }
0x8e: {  	[smem:$0x3FC6] =	sst s2  }
0x8f: {  	_ = 	snop  }
0x90: {  	s2 =	sld [smem:$0x3FC9]  }
0x91: {  	s18 =	sld [smem:$0x3FC8];
	(tm) =	ssettm $0x1  }
0x92: {  	s4 =	sld [smem:$0x3FFB];
	_ =	sdelay $0x3  }
0x93: {  	_ =	strace s4  }
0x94: {  	s4 =	sld [smem:$0x3FFC];
	_ =	sdelay $0x3  }
0x95: {  	_ =	strace s4  }
0x96: {  	s4 =	sld [smem:$0x3FFD];
	_ =	sdelay $0x3  }
0x97: {  	_ =	strace s4  }
0x98: {  	_ =	strace $0x8FFFFFFF  }
0x99: {  	s19 =	sld [smem:$0x3FDB];
	_ =	sdelay $0x1  }
0x9a: {  	s5 =	simm.s32 $_scs_section_size  }
0x9b: {  	s6 =	simm.s32 $_size__tile_overlayer_lowered;
	s7 =	simm.s32 $_tile_overlayer_lowered  }
0x9c: {  	s22 =	simm.s32 $0x1BFF;
	s21 =	sshll.u32 s7, $0x1;
	s4 =	sadd.s32 s5, s19  }
0x9d: {  	s8 =	simm.s32 $0x0;
	s20 =	sshll.u32 s6, $0x1;
	s6 =	sadd.s32 s21, s4  }
0x9e: {  	[timem:s8], [sflag:s22] =	dma.local [hbm:s6], s20  }
0x9f: {  	_ =	swait.ge [sflag:s22], s20  }
0xa0: {  	s5 =	ssub.s32 $0x0, s20;
	[sflag:s22] =	ssyncset.done $0x0  }
0xa1: {  	[sflag:s22] =	ssyncadd.s32 s5;
	_ =	sdelay $0x1  }
0xa2: {  	s23 =	simm.s32 $0x1B8B  }
0xa3: {  	_ =	swait.ge [sflag:s23], $0x1  }
0xa4: {  	[sflag:s23] =	ssyncset.done $0x0  }
0xa5: {  	s25 =	simm.s32 $0x1B8E;
	s24 =	sld [smem:$0x3FFE];
	[sflag:s23] =	ssyncadd.s32 $0xFFFFFFFF  }
0xa6: {  	s26 =	simm.s32 $execute0_lowered;
	[smem:$0x3FD2] =	sst s25  }
0xa7: {  	s6 =	sshll.u32 s26, $0x1;
	_ =	strace $0x80000046;
	[dreg:$0x1] =	wrdreg $0xFFFFFFFF  }
0xa8: {  	s28 =	simm.s32 $_size_execute0_lowered;
	s4 =	sadd.s32 s4, s6;
	[dreg:$0x0] =	wrdreg $0x0  }
0xa9: {  	s6 =	sshll.u32 s28, $0x1;
	[dreg:$0x2] =	wrdreg s4  }
0xaa: {  	[dreg:$0x3] =	wrdreg s6  }
0xab: {  	[dreg:$0x4] =	wrdreg $0xC0  }
0xac: {  	_ =	task [dreg:s8], $0x5FFFF  }
0xad: {  	[dreg:$0x1] =	wrdreg $0xFFFFFFFF  }
0xae: {  	[dreg:$0x0] =	wrdreg $0x60  }
0xaf: {  	[dreg:$0x2] =	wrdreg s2  }
0xb0: {  	[dreg:$0x3] =	wrdreg s18  }
0xb1: {  	[dreg:$0x4] =	wrdreg s24  }
0xb2: {  	[dreg:$0x5] =	wrdreg $0x111800  }
0xb3: {  	[dreg:$0x6] =	wrdreg $0x112000  }
0xb4: {  	[dreg:$0x7] =	wrdreg $0x112800  }
0xb5: {  	[dreg:$0x8] =	wrdreg $0x9  }
0xb6: {  	_ =	task.clear_ibuf [dreg:s8], $0x9FFFF;
	_ =	strace $0x90000046  }
0xb7: {  	s29 =	simm.s32 $0x9;
	_ =	strace $0x80000048  }
0xb8: {  	_ =	swait.ge [sflag:s29], $0x1  }
0xb9: {  	[sflag:s29] =	ssyncadd.s32 $0xFFFFFFFF  }
0xba: {  	_ =	strace $0x90000048  }
0xbb: {  	_ =	sfence  }
0xbc: {  	s30 =	sld [smem:$0x0];
	_ =	sdelay $0x2  }
0xbd: {  	s31 =	sshll.u32 s1, $0xD;
	s1 =	sshrl.u32 s1, $0x2  }
0xbe: {  	s3 =	sand.u32 $0x4000, s31;
	s1 =	sadd.s32 s1, s30  }
0xbf: {  	s0 =	sor.u32 s3, s0;
	s1 =	sshll.u32 s1, $0x11  }
0xc0: {  	s0 =	sor.u32 s1, s0  }
0xc1: {  	s0 =	sadd.s32 $0x8F2B, s0  }
0xc2: {  	[sflag:s0] =	ssyncadd.remote.s32 $0x1  }
0xc3: {  	_ =	sfence.sel $0xFFFF  }
0xc4: {  	[dreg:$0x0] =	wrdreg $0xFFFFFFFF;
	(pc) =	sbr.abs _section_cstart, $3  }
0xc5: {  	[dreg:$0x1] =	wrdreg $0xFFFFFFFF  }
0xc6: {  	_ =	task.clear_ibuf [dreg:s8], $0x2FFFF;
	_ =	strace $0x9FFFFFFF  }
0xc7: {  	(tm) =	ssettm $0x7FFFFFFF  }
tec
execute0_lowered:
.L_overlay_start_1:
0x0: {  	(tag) =	ssettag $0x1  }
0x1: {  	s0 =	rddreg [dreg:$0x0]  }
0x2: {  	s1 =	rddreg [dreg:$0x1]  }
0x3: {  	s2 =	rddreg [dreg:$0x2]  }
0x4: {  	s3 =	rddreg [dreg:$0x3]  }
0x5: {  	s4 =	rddreg [dreg:$0x4]  }
0x6: {  	s5 =	rddreg [dreg:$0x5];
	s6 =	srdreg.scid  }
0x7: {  	s15 =	stileid.u32;
	s16 =	simm.s32 $0x6;
	s17 =	simm.s32 $0x100  }
0x8: {  	s18 =	simm.s32 $0x1;
	s19 =	simm.s32 $0x80;
	s20 =	simm.s32 $0x8100  }
0x9: {  	s21 =	simm.s32 $0x4100;
	s22 =	simm.s32 $0x2;
	s23 =	simm.s32 $0xC100  }
0xa: {  	s24 =	simm.s32 $0x3;
	s25 =	simm.s32 $0x4;
	s8 =	sand.u32 $0x1, s6  }
0xb: {  	s30 =	simm.s32 $0x5;
	s31 =	simm.s32 $0x0;
	s7 =	sshll.u32 s8, $0x4  }
0xc: {  	s6 =	simm.s32 $0x0;
	p0 =	sne.s32 s15, $0x0;
	s9 =	sor.u32 s15, s7  }
0xd: {  	[smem:$0x7FF] =	sst s6;
	s10 =	ssub.s32 $0x2, s8;
	s7 =	smul.u32 $0x600, s9  }
.Ltmp0:
0xe: {  	s8 =	sshll.u32 s8, $0x8;
	_ =	strace $0x80000047;
	(pc) =	sbr.rel .LBB2_1-.Ltmp0, $4  }
0xf: {  	s11 =	sshrl.u32 s10, $0x1;
	s2 =	sadd.s32 s8, s2;
	s9 =	smul.u32 $0x6000, s9  }
0x10: {  	s14 =	ssub.s32 s10, s11;
	s11 =	sadd.s32 $0x1200, s2;
	s12 =	sadd.s32 $0x1400, s2  }
0x11: {  	s13 =	sadd.s32 $0x1600, s2;
	s14 =	smax.u32 s14, $0x1;
	s29 =	sshrl.u32 s7, $0x3  }
0x12: {  	v0 =	vimm.f32 $0.0e+00;
	v1 =	vimm.s32 $0x0;
	v2 =	vlaneseq.u32;
	s9 =	sadd.s32 s0, s9;
	s10 =	sor.u32 $0x100, s7;
	s8 =	sadd.s32 s1, s29  }
.LBB2_12:
0x13: {  	_ =	swait.ge [sflag:s25], $0x4000  }
0x14: {  	[sflag:s25] =	ssyncset.done $0x0  }
0x15: {  	v12 =	vcvt.s32.f32 v12;
	[sflag:s25] =	ssyncadd.s32 $0xFFFFC000  }
0x16: {  	_ =	swait.ge [sflag:s25], $0x4000  }
0x17: {  	v12 =	vmul.f32 $1.600000000e+01, v12;
	[sflag:s25] =	ssyncset.done $0x0  }
0x18: {  	[sflag:s25] =	ssyncadd.s32 $0xFFFFC000  }
0x19: {  	[tilespmem:$0x10900] =	vst v12  }
0x1a: {  	[tilespmem:$0x10910] =	vst v12  }
0x1b: {  	[tilespmem:$0x10920] =	vst v12  }
0x1c: {  	[tilespmem:$0x10930] =	vst v12  }
0x1d: {  	v11 =	vcvt.s32.f32 v11;
	[tilespmem:$0x10940] =	vst v12  }
0x1e: {  	[tilespmem:$0x10950] =	vst v12  }
0x1f: {  	v11 =	vmul.f32 $1.600000000e+01, v11;
	[tilespmem:$0x10960] =	vst v12  }
0x20: {  	[tilespmem:$0x10970] =	vst v12  }
0x21: {  	[tilespmem:$0x10980] =	vst v11  }
0x22: {  	[tilespmem:$0x10990] =	vst v11  }
0x23: {  	[tilespmem:$0x109A0] =	vst v11  }
0x24: {  	[tilespmem:$0x109B0] =	vst v11  }
0x25: {  	v10 =	vcvt.s32.f32 v10;
	[tilespmem:$0x109C0] =	vst v11  }
0x26: {  	[tilespmem:$0x109D0] =	vst v11  }
0x27: {  	v10 =	vmul.f32 $1.600000000e+01, v10;
	[tilespmem:$0x109E0] =	vst v11  }
0x28: {  	[tilespmem:$0x109F0] =	vst v11  }
0x29: {  	[tilespmem:$0x10A00] =	vst v10  }
0x2a: {  	[tilespmem:$0x10A10] =	vst v10  }
0x2b: {  	[tilespmem:$0x10A20] =	vst v10  }
0x2c: {  	[tilespmem:$0x10A30] =	vst v10  }
0x2d: {  	v9 =	vcvt.s32.f32 v9;
	[tilespmem:$0x10A40] =	vst v10  }
0x2e: {  	[tilespmem:$0x10A50] =	vst v10  }
0x2f: {  	v9 =	vmul.f32 $1.600000000e+01, v9;
	[tilespmem:$0x10A60] =	vst v10  }
0x30: {  	[tilespmem:$0x10A70] =	vst v10  }
0x31: {  	[tilespmem:$0x10A80] =	vst v9  }
0x32: {  	[tilespmem:$0x10A90] =	vst v9  }
0x33: {  	[tilespmem:$0x10AA0] =	vst v9  }
0x34: {  	[tilespmem:$0x10AB0] =	vst v9  }
0x35: {  	v7 =	vcvt.s32.f32 v7;
	[tilespmem:$0x10AC0] =	vst v9  }
0x36: {  	[tilespmem:$0x10AD0] =	vst v9  }
0x37: {  	v7 =	vmul.f32 $1.600000000e+01, v7;
	[tilespmem:$0x10AE0] =	vst v9  }
0x38: {  	[tilespmem:$0x10AF0] =	vst v9  }
0x39: {  	[tilespmem:$0x10B00] =	vst v7  }
0x3a: {  	[tilespmem:$0x10B10] =	vst v7  }
0x3b: {  	[tilespmem:$0x10B20] =	vst v7  }
0x3c: {  	[tilespmem:$0x10B30] =	vst v7  }
0x3d: {  	v6 =	vcvt.s32.f32 v6;
	[tilespmem:$0x10B40] =	vst v7  }
0x3e: {  	[tilespmem:$0x10B50] =	vst v7  }
0x3f: {  	v6 =	vmul.f32 $1.600000000e+01, v6;
	[tilespmem:$0x10B60] =	vst v7  }
0x40: {  	[tilespmem:$0x10B70] =	vst v7  }
0x41: {  	[tilespmem:$0x10B80] =	vst v6  }
0x42: {  	[tilespmem:$0x10B90] =	vst v6  }
0x43: {  	[tilespmem:$0x10BA0] =	vst v6  }
0x44: {  	[tilespmem:$0x10BB0] =	vst v6  }
0x45: {  	v5 =	vcvt.s32.f32 v5;
	[tilespmem:$0x10BC0] =	vst v6  }
0x46: {  	[tilespmem:$0x10BD0] =	vst v6  }
0x47: {  	v5 =	vmul.f32 $1.600000000e+01, v5;
	[tilespmem:$0x10BE0] =	vst v6  }
0x48: {  	[tilespmem:$0x10BF0] =	vst v6  }
0x49: {  	[tilespmem:$0x10C00] =	vst v5  }
0x4a: {  	[tilespmem:$0x10C10] =	vst v5  }
0x4b: {  	[tilespmem:$0x10C20] =	vst v5  }
0x4c: {  	[tilespmem:$0x10C30] =	vst v5  }
0x4d: {  	v4 =	vcvt.s32.f32 v4;
	[tilespmem:$0x10C40] =	vst v5  }
0x4e: {  	[tilespmem:$0x10C50] =	vst v5  }
0x4f: {  	v4 =	vmul.f32 $1.600000000e+01, v4;
	[tilespmem:$0x10C60] =	vst v5  }
0x50: {  	[tilespmem:$0x10C70] =	vst v5  }
0x51: {  	[tilespmem:$0x10D00] =	vst v4  }
0x52: {  	[tilespmem:$0x10D10] =	vst v4  }
0x53: {  	[tilespmem:$0x10D20] =	vst v4  }
0x54: {  	[tilespmem:$0x10D30] =	vst v4  }
0x55: {  	v3 =	vcvt.s32.f32 v3;
	[tilespmem:$0x10D40] =	vst v4  }
0x56: {  	[tilespmem:$0x10D50] =	vst v4  }
0x57: {  	v3 =	vmul.f32 $1.600000000e+01, v3;
	[tilespmem:$0x10D60] =	vst v4  }
0x58: {  	[tilespmem:$0x10D70] =	vst v4  }
0x59: {  	[tilespmem:$0x10D80] =	vst v3  }
0x5a: {  	[tilespmem:$0x10D90] =	vst v3  }
0x5b: {  	[tilespmem:$0x10DA0] =	vst v3  }
0x5c: {  	[tilespmem:$0x10DB0] =	vst v3  }
0x5d: {  	[tilespmem:$0x10DC0] =	vst v3  }
0x5e: {  	[tilespmem:$0x10DD0] =	vst v3  }
0x5f: {  	[tilespmem:$0x10DE0] =	vst v3  }
0x60: {  	[tilespmem:$0x10DF0] =	vst v3  }
0x61: {  	[tilespmem:$0x10E00] =	vst v0  }
0x62: {  	[tilespmem:$0x10E10] =	vst v0  }
0x63: {  	[tilespmem:$0x10E20] =	vst v0  }
0x64: {  	[tilespmem:$0x10E30] =	vst v0  }
0x65: {  	[tilespmem:$0x10E40] =	vst v0  }
0x66: {  	[tilespmem:$0x10E50] =	vst v0  }
0x67: {  	[tilespmem:$0x10E60] =	vst v0  }
0x68: {  	[tilespmem:$0x10E70] =	vst v0  }
0x69: {  	[tilespmem:$0x10E80] =	vst v0  }
0x6a: {  	[tilespmem:$0x10E90] =	vst v0  }
0x6b: {  	[tilespmem:$0x10EA0] =	vst v0  }
0x6c: {  	[tilespmem:$0x10EB0] =	vst v0  }
0x6d: {  	[tilespmem:$0x10EC0] =	vst v0  }
0x6e: {  	[tilespmem:$0x10ED0] =	vst v0  }
0x6f: {  	[tilespmem:$0x10EE0] =	vst v0  }
0x70: {  	[tilespmem:$0x10EF0] =	vst v0  }
0x71: {  	[tilespmem:$0x10F00] =	vst v0  }
0x72: {  	[tilespmem:$0x10F10] =	vst v0  }
0x73: {  	[tilespmem:$0x10F20] =	vst v0  }
0x74: {  	[tilespmem:$0x10F30] =	vst v0  }
0x75: {  	[tilespmem:$0x10F40] =	vst v0  }
0x76: {  	[tilespmem:$0x10F50] =	vst v0  }
0x77: {  	[tilespmem:$0x10F60] =	vst v0  }
0x78: {  	[tilespmem:$0x10F70] =	vst v0  }
0x79: {  	[tilespmem:$0x10F80] =	vst v0  }
0x7a: {  	[tilespmem:$0x10F90] =	vst v0  }
0x7b: {  	[tilespmem:$0x10FA0] =	vst v0  }
0x7c: {  	[tilespmem:$0x10FB0] =	vst v0  }
0x7d: {  	[tilespmem:$0x10FC0] =	vst v0  }
0x7e: {  	[tilespmem:$0x10FD0] =	vst v0  }
0x7f: {  	[tilespmem:$0x10FE0] =	vst v0  }
0x80: {  	[tilespmem:$0x10FF0] =	vst v0  }
0x81: {  	[tilespmem:$0x11000] =	vst v0  }
0x82: {  	[tilespmem:$0x11010] =	vst v0  }
0x83: {  	[tilespmem:$0x11020] =	vst v0  }
0x84: {  	[tilespmem:$0x11030] =	vst v0  }
0x85: {  	[tilespmem:$0x11040] =	vst v0  }
0x86: {  	[tilespmem:$0x11050] =	vst v0  }
0x87: {  	[tilespmem:$0x11060] =	vst v0  }
0x88: {  	[tilespmem:$0x11070] =	vst v0  }
0x89: {  	[tilespmem:$0x11080] =	vst v0  }
0x8a: {  	[tilespmem:$0x11090] =	vst v0  }
0x8b: {  	[tilespmem:$0x110A0] =	vst v0  }
0x8c: {  	[tilespmem:$0x110B0] =	vst v0  }
0x8d: {  	[tilespmem:$0x110C0] =	vst v0  }
0x8e: {  	v63 =	vcvt.s32.f32 v8;
	[tilespmem:$0x110D0] =	vst v0  }
0x8f: {  	[tilespmem:$0x110E0] =	vst v0  }
0x90: {  	v6 =	vmul.f32 $1.600000000e+01, v63;
	[tilespmem:$0x110F0] =	vst v0  }
0x91: {  	[tilespmem:$0x11100] =	vst v2  }
0x92: {  	[tilespmem:$0x10C80] =	vst v6  }
0x93: {  	[tilespmem:$0x10C90] =	vst v6  }
0x94: {  	[tilespmem:$0x10CA0] =	vst v6  }
0x95: {  	[tilespmem:$0x10CB0] =	vst v6  }
0x96: {  	[tilespmem:$0x10CC0] =	vst v6  }
0x97: {  	[tilespmem:$0x10CD0] =	vst v6  }
0x98: {  	[tilespmem:$0x10CE0] =	vst v6  }
0x99: {  	s2 =	simm.s32 $0x10;
	s15 =	simm.s32 $0x11100;
	s26 =	simm.s32 $0x10900;
	[tilespmem:$0x10CF0] =	vst v6  }
0x9a: {  	[spmem:s5] =	stream.indirect.scatter.add.f32 [tilespmem:s26], [sflag:$0x5], $0x80, s15, s2, $0xb8;
	[tilespmem:$0x11300] =	vst v63  }
0x9b: {  	_ =	swait.ge [sflag:s30], $0x800  }
0x9c: {  	[sflag:s30] =	ssyncset.done $0x0  }
0x9d: {  	[sflag:s30] =	ssyncadd.s32 $0xFFFFF800  }
0x9e: {  	s2 =	simm.s32 @!p0 $0x10100;
	s15 =	simm.s32 @!p0 $0x6;
	[bflag:$0x0] =	sbarrier.arrive $0xFFFF  }
0x9f: {  	[tilespmem:s2], [sflag:$0x6] =	stream.linear.gather @!p0 [spmem:s3], $0x800, $0x38;
	[tilespmem:$0x11300] =	vst v63  }
0xa0: {  	_ =	swait.ge @!p0 [sflag:s15], $0x800  }
0xa1: {  	[sflag:s15] =	ssyncset.done @!p0 $0x0  }
0xa2: {  	s26 =	simm.s32 @!p0 $0x0;
	[sflag:s15] =	ssyncadd.s32 @!p0 $0xFFFFF800  }
0xa3: {  	[hbm4b:s11+s26] =	stream.linear.scatter @!p0 [tilespmem:s2], [sflag:$0x6], $0x800, $0x38;
	[tilespmem:$0x11300] =	vst v63  }
0xa4: {  	_ =	swait.ge @!p0 [sflag:s15], $0x800  }
0xa5: {  	[sflag:s15] =	ssyncset.done @!p0 $0x0  }
0xa6: {  	[sflag:s15] =	ssyncadd.s32 @!p0 $0xFFFFF800  }
0xa7: {  	[tilespmem:s2], [sflag:$0x6] =	stream.linear.gather @!p0 [spmem:s4], $0x800, $0x38;
	[tilespmem:$0x11300] =	vst v63  }
0xa8: {  	_ =	swait.ge @!p0 [sflag:s15], $0x800  }
0xa9: {  	[sflag:s15] =	ssyncset.done @!p0 $0x0  }
0xaa: {  	[sflag:s15] =	ssyncadd.s32 @!p0 $0xFFFFF800  }
0xab: {  	[hbm4b:s12+s26] =	stream.linear.scatter @!p0 [tilespmem:s2], [sflag:$0x6], $0x800, $0x38;
	[tilespmem:$0x11300] =	vst v63  }
0xac: {  	_ =	swait.ge @!p0 [sflag:s15], $0x800  }
0xad: {  	[sflag:s15] =	ssyncset.done @!p0 $0x0  }
0xae: {  	[sflag:s15] =	ssyncadd.s32 @!p0 $0xFFFFF800  }
0xaf: {  	[tilespmem:s2], [sflag:$0x6] =	stream.linear.gather @!p0 [spmem:s5], $0x800, $0x38;
	[tilespmem:$0x11300] =	vst v63  }
0xb0: {  	s31 =	sadd.s32 $0x1, s31;
	_ =	swait.ge @!p0 [sflag:s15], $0x800  }
0xb1: {  	p1 =	sne.s32 s31, s14;
	[sflag:s15] =	ssyncset.done @!p0 $0x0  }
.Ltmp1:
0xb2: {  	[sflag:s15] =	ssyncadd.s32 @!p0 $0xFFFFF800;
	(pc) =	sbr.rel @!p1 .LBB2_13-.Ltmp1, $4  }
0xb3: {  	[hbm4b:s13+s26] =	stream.linear.scatter @!p0 [tilespmem:s2], [sflag:$0x6], $0x800, $0x38;
	[tilespmem:$0x11300] =	vst v63  }
0xb4: {  	_ =	swait.ge @!p0 [sflag:s15], $0x800  }
0xb5: {  	[sflag:s15] =	ssyncset.done @!p0 $0x0  }
0xb6: {  	[sflag:s15] =	ssyncadd.s32 @!p0 $0xFFFFF800  }
.LBB2_1:
.Ltmp2:
0xb7: {  	(pc) =	sbr.rel @p0 .LBB2_5-.Ltmp2, $1  }
0xb8: {  	_ =	sdelay $0x3  }
0xb9: {  	s2 =	sshra.s32 s6, $0x2;
	s15 =	sadd.s32 $0x200, s6  }
.LBB2_3:
0xba: {  	p1 =	sne.s32 s15, $0x1E00;
	[tilespmem:s2+$0x10170] =	vst v0  }
0xbb: {  	[tilespmem:s2+$0x10100] =	vst v0  }
0xbc: {  	[tilespmem:s2+$0x10110] =	vst v0  }
.Ltmp3:
0xbd: {  	[tilespmem:s2+$0x10120] =	vst v0;
	(pc) =	sbr.rel @p1 .LBB2_3-.Ltmp3, $4  }
0xbe: {  	[tilespmem:s2+$0x10130] =	vst v0  }
0xbf: {  	[tilespmem:s2+$0x10140] =	vst v0  }
0xc0: {  	[tilespmem:s2+$0x10150] =	vst v0  }
0xc1: {  	[tilespmem:s2+$0x10160] =	vst v0;
	s2 =	sshra.s32 s15, $0x2;
	s15 =	sadd.s32 $0x200, s15  }
0xc2: {  	[tilespmem:s2+$0x10170] =	vst v0  }
0xc3: {  	[tilespmem:s2+$0x10100] =	vst v0  }
0xc4: {  	[tilespmem:s2+$0x10110] =	vst v0  }
0xc5: {  	[tilespmem:s2+$0x10120] =	vst v0  }
0xc6: {  	[tilespmem:s2+$0x10130] =	vst v0  }
0xc7: {  	[tilespmem:s2+$0x10140] =	vst v0  }
0xc8: {  	[tilespmem:s2+$0x10150] =	vst v0  }
0xc9: {  	[tilespmem:s2+$0x10160] =	vst v0;
	s29 =	simm.s32 $0x10100  }
0xca: {  	[spmem:s3] =	stream.linear.scatter [tilespmem:s29], [sflag:$0x6], $0x800, $0x38;
	[tilespmem:$0x11300] =	vst v63  }
0xcb: {  	_ =	swait.ge [sflag:s16], $0x800  }
0xcc: {  	[sflag:s16] =	ssyncset.done $0x0  }
0xcd: {  	[sflag:s16] =	ssyncadd.s32 $0xFFFFF800  }
0xce: {  	[spmem:s4] =	stream.linear.scatter [tilespmem:s29], [sflag:$0x6], $0x800, $0x38;
	[tilespmem:$0x11300] =	vst v63  }
0xcf: {  	_ =	swait.ge [sflag:s16], $0x800  }
0xd0: {  	[sflag:s16] =	ssyncset.done $0x0  }
0xd1: {  	[sflag:s16] =	ssyncadd.s32 $0xFFFFF800  }
0xd2: {  	[spmem:s5] =	stream.linear.scatter [tilespmem:s29], [sflag:$0x6], $0x800, $0x38;
	[tilespmem:$0x11300] =	vst v63  }
0xd3: {  	_ =	swait.ge [sflag:s16], $0x800  }
0xd4: {  	[sflag:s16] =	ssyncset.done $0x0  }
0xd5: {  	[sflag:s16] =	ssyncadd.s32 $0xFFFFF800  }
.LBB2_5:
0xd6: {  	[bflag:$0x0] =	sbarrier.arrive $0xFFFF;
	s2 =	simm.s32 $0x0;
	v3 =	vimm.s32 $0x0  }
0xd7: {  	v4 =	vimm.s32 $0x0;
	v8 =	vimm.s32 $0x0;
	v5 =	vimm.s32 $0x0;
	[tilespmem:s2], [sflag:$0x1] =	stream.linear.gather [hbm4b:s8+s2], $0x80, $0x38;
	[tilespmem:$0x11300] =	vst v63  }
0xd8: {  	v6 =	vimm.s32 $0x0;
	v7 =	vimm.s32 $0x0;
	v9 =	vimm.s32 $0x0  }
0xd9: {  	v10 =	vimm.s32 $0x0;
	v11 =	vimm.s32 $0x0;
	v12 =	vimm.s32 $0x0;
	[tilespmem:s17], [sflag:$0x1] =	stream.linear.gather [hbm4b:s9+s2], $0x4000, $0x38;
	[tilespmem:$0x11300] =	vst v63  }
.LBB2_6:
0xda: {  	_ =	swait.ge [sflag:s18], $0x80  }
0xdb: {  	[sflag:s18] =	ssyncset.done $0x0  }
0xdc: {  	[sflag:s18] =	ssyncadd.s32 $0xFFFFFF80  }
0xdd: {  	_ =	swait.ge [sflag:s18], $0x4000  }
0xde: {  	[sflag:s18] =	ssyncset.done $0x0  }
0xdf: {  	s28 =	simm.s32 $0x0;
	[sflag:s18] =	ssyncadd.s32 $0xFFFFC000  }
0xe0: {  	v14 =	vld [tilespmem:s28+$0x170]  }
0xe1: {  	v18 =	vld [tilespmem:s28+$0x100]  }
0xe2: {  	v19 =	vld [tilespmem:s28+$0x110]  }
0xe3: {  	v17 =	vld [tilespmem:s28+$0x120]  }
0xe4: {  	v16 =	vld [tilespmem:s28+$0x130]  }
0xe5: {  	v13 =	vld [tilespmem:s28+$0x140];
	v20 =	vmul.f32 v14, v14  }
0xe6: {  	v14 =	vld [tilespmem:s28+$0x150];
	v18 =	vmul.f32 v18, v18  }
0xe7: {  	s26 =	simm.s32 $0x80;
	s29 =	simm.s32 $0x400;
	v15 =	vld [tilespmem:s28+$0x160];
	v19 =	vmul.f32 v19, v19;
	[tilespmem:s28+$0x8170] =	vst v20  }
.LBB2_7:
0xe8: {  	p1 =	sne.s32 s29, $0xFE00;
	v20 =	vld [tilespmem:s26+$0x170];
	[tilespmem:s28+$0x8100] =	vst v18;
	v17 =	vmul.f32 v17, v17  }
0xe9: {  	v18 =	vld [tilespmem:s26+$0x100];
	[tilespmem:s28+$0x8110] =	vst v19;
	v16 =	vmul.f32 v16, v16  }
0xea: {  	v19 =	vld [tilespmem:s26+$0x110];
	[tilespmem:s28+$0x8120] =	vst v17;
	v13 =	vmul.f32 v13, v13  }
.Ltmp4:
0xeb: {  	v17 =	vld [tilespmem:s26+$0x120];
	[tilespmem:s28+$0x8130] =	vst v16;
	v14 =	vmul.f32 v14, v14;
	(pc) =	sbr.rel @p1 .LBB2_7-.Ltmp4, $4  }
0xec: {  	v16 =	vld [tilespmem:s26+$0x130];
	[tilespmem:s28+$0x8140] =	vst v13;
	v15 =	vmul.f32 v15, v15  }
0xed: {  	v13 =	vld [tilespmem:s26+$0x140];
	v20 =	vmul.f32 v20, v20;
	[tilespmem:s28+$0x8150] =	vst v14  }
0xee: {  	v18 =	vmul.f32 v18, v18;
	v14 =	vld [tilespmem:s26+$0x150];
	[tilespmem:s28+$0x8160] =	vst v15;
	s28 =	smov.u32 s26  }
0xef: {  	s26 =	sshra.s32 s29, $0x2;
	s29 =	sadd.s32 $0x200, s29;
	v19 =	vmul.f32 v19, v19;
	v15 =	vld [tilespmem:s28+$0x160];
	[tilespmem:s28+$0x8170] =	vst v20  }
0xf0: {  	v20 =	vld [tilespmem:s26+$0x170];
	[tilespmem:s28+$0x8100] =	vst v18;
	v17 =	vmul.f32 v17, v17  }
0xf1: {  	v18 =	vld [tilespmem:s26+$0x100];
	[tilespmem:s28+$0x8110] =	vst v19;
	v16 =	vmul.f32 v16, v16  }
0xf2: {  	v19 =	vld [tilespmem:s26+$0x110];
	[tilespmem:s28+$0x8120] =	vst v17;
	v13 =	vmul.f32 v13, v13  }
0xf3: {  	v17 =	vld [tilespmem:s26+$0x120];
	[tilespmem:s28+$0x8130] =	vst v16;
	v14 =	vmul.f32 v14, v14  }
0xf4: {  	v16 =	vld [tilespmem:s26+$0x130];
	[tilespmem:s28+$0x8140] =	vst v13;
	v15 =	vmul.f32 v15, v15  }
0xf5: {  	v13 =	vld [tilespmem:s26+$0x140];
	[tilespmem:s28+$0x8150] =	vst v14;
	v20 =	vmul.f32 v20, v20  }
0xf6: {  	v14 =	vld [tilespmem:s26+$0x150];
	[tilespmem:s28+$0x8160] =	vst v15;
	v15 =	vmul.f32 v18, v18  }
0xf7: {  	v18 =	vld [tilespmem:s26+$0x160];
	v19 =	vmul.f32 v19, v19;
	[tilespmem:s26+$0x8170] =	vst v20  }
0xf8: {  	[tilespmem:s26+$0x8100] =	vst v15;
	v15 =	vmul.f32 v17, v17  }
0xf9: {  	[tilespmem:s26+$0x8110] =	vst v19;
	v16 =	vmul.f32 v16, v16  }
0xfa: {  	[tilespmem:s26+$0x8120] =	vst v15;
	v13 =	vmul.f32 v13, v13  }
0xfb: {  	[tilespmem:s26+$0x8130] =	vst v16;
	v14 =	vmul.f32 v14, v14  }
0xfc: {  	[tilespmem:s26+$0x8140] =	vst v13;
	v13 =	vmul.f32 v18, v18  }
0xfd: {  	[tilespmem:s26+$0x8150] =	vst v14  }
0xfe: {  	[tilespmem:s26+$0x8160] =	vst v13  }
0xff: {  	v20 =	vld [tilespmem:$0x0]  }
0x100: {  	v19 =	vld [tilespmem:$0x10]  }
0x101: {  	v18 =	vld [tilespmem:$0x20]  }
0x102: {  	v17 =	vld [tilespmem:$0x30]  }
0x103: {  	v16 =	vld [tilespmem:$0x40]  }
0x104: {  	v15 =	vld [tilespmem:$0x50]  }
0x105: {  	v13 =	vld [tilespmem:$0x60];
	_ =	sdelay $0x2  }
0x106: {  	vm0 =	veq.s32 v20, $0x0;
	vm9 =	veq.s32 v19, $0x0;
	vm10 =	veq.s32 v18, $0x0  }
0x107: {  	vm11 =	veq.s32 v17, $0x0;
	vm12 =	veq.s32 v16, $0x0;
	vm13 =	veq.s32 v15, $0x0  }
0x108: {  	vm14 =	veq.s32 v13, $0x0;
	vm4 =	veq.s32 v20, $0x1;
	vm5 =	veq.s32 v19, $0x1  }
0x109: {  	vm6 =	veq.s32 v18, $0x1;
	vm7 =	veq.s32 v17, $0x1;
	vm8 =	veq.s32 v16, $0x1  }
0x10a: {  	v14 =	vsel vm0, $0x1, v1;
	v21 =	vsel vm9, $0x1, v1;
	v34 =	vsel vm10, $0x1, v1  }
0x10b: {  	v35 =	vsel vm11, $0x1, v1;
	v36 =	vsel vm12, $0x1, v1;
	v37 =	vsel vm13, $0x1, v1  }
0x10c: {  	v38 =	vsel vm14, $0x1, v1;
	v40 =	vsel vm4, $0x1, v1;
	v41 =	vsel vm5, $0x1, v1  }
0x10d: {  	v42 =	vsel vm6, $0x1, v1;
	v43 =	vsel vm7, $0x1, v1;
	v44 =	vsel vm8, $0x1, v1  }
0x10e: {  	vm9 =	veq.s32 v15, $0x1;
	vm10 =	veq.s32 v13, $0x1;
	vm12 =	veq.s32 v20, $0x2  }
0x10f: {  	vm13 =	veq.s32 v19, $0x2;
	vm14 =	veq.s32 v18, $0x2;
	vm4 =	veq.s32 v16, $0x2  }
0x110: {  	vm5 =	veq.s32 v15, $0x2;
	vm6 =	veq.s32 v13, $0x2;
	vm8 =	veq.s32 v20, $0x3  }
0x111: {  	v12 =	vadd.s32 v14, v12;
	v11 =	vadd.s32 v40, v11;
	v45 =	vsel vm9, $0x1, v1  }
0x112: {  	v46 =	vsel vm10, $0x1, v1;
	v48 =	vsel vm12, $0x1, v1;
	v49 =	vsel vm13, $0x1, v1  }
0x113: {  	v50 =	vsel vm14, $0x1, v1;
	v52 =	vsel vm4, $0x1, v1;
	v53 =	vsel vm5, $0x1, v1  }
0x114: {  	v54 =	vsel vm6, $0x1, v1;
	v56 =	vsel vm8, $0x1, v1;
	vm9 =	veq.s32 v19, $0x3  }
0x115: {  	vm10 =	veq.s32 v18, $0x3;
	vm12 =	veq.s32 v16, $0x3;
	vm13 =	veq.s32 v15, $0x3  }
0x116: {  	vm14 =	veq.s32 v13, $0x3;
	vm4 =	veq.s32 v20, $0x4;
	vm5 =	veq.s32 v19, $0x4  }
0x117: {  	vm6 =	veq.s32 v18, $0x4;
	vm8 =	veq.s32 v16, $0x4;
	v12 =	vadd.s32 v21, v12  }
0x118: {  	v11 =	vadd.s32 v41, v11;
	v10 =	vadd.s32 v48, v10;
	v9 =	vadd.s32 v56, v9  }
0x119: {  	v57 =	vsel vm9, $0x1, v1;
	v58 =	vsel vm10, $0x1, v1;
	v60 =	vsel vm12, $0x1, v1  }
0x11a: {  	v61 =	vsel vm13, $0x1, v1;
	v62 =	vsel vm14, $0x1, v1;
	v24 =	vsel vm4, $0x1, v1  }
0x11b: {  	v25 =	vsel vm5, $0x1, v1;
	v26 =	vsel vm6, $0x1, v1;
	v28 =	vsel vm8, $0x1, v1  }
0x11c: {  	vm9 =	veq.s32 v15, $0x4;
	vm10 =	veq.s32 v13, $0x4;
	vm12 =	veq.s32 v20, $0x5  }
0x11d: {  	vm13 =	veq.s32 v19, $0x5;
	vm14 =	veq.s32 v18, $0x5;
	vm4 =	veq.s32 v16, $0x5  }
0x11e: {  	vm5 =	veq.s32 v15, $0x5;
	vm6 =	veq.s32 v13, $0x5;
	vm8 =	veq.s32 v20, $0x6  }
0x11f: {  	v12 =	vadd.s32 v34, v12;
	v11 =	vadd.s32 v42, v11;
	v10 =	vadd.s32 v49, v10  }
0x120: {  	v9 =	vadd.s32 v57, v9;
	v7 =	vadd.s32 v24, v7;
	v29 =	vsel vm9, $0x1, v1  }
0x121: {  	v30 =	vsel vm10, $0x1, v1;
	v32 =	vsel vm12, $0x1, v1;
	v33 =	vsel vm13, $0x1, v1  }
0x122: {  	v34 =	vsel vm14, $0x1, v1;
	v40 =	vsel vm8, $0x1, v1;
	vm9 =	veq.s32 v19, $0x6  }
0x123: {  	vm10 =	veq.s32 v18, $0x6;
	vm12 =	veq.s32 v16, $0x6;
	vm13 =	veq.s32 v15, $0x6  }
0x124: {  	vm14 =	veq.s32 v13, $0x6;
	vm8 =	veq.s32 v16, $0x7;
	v12 =	vadd.s32 v35, v12  }
0x125: {  	v11 =	vadd.s32 v43, v11;
	v10 =	vadd.s32 v50, v10;
	v9 =	vadd.s32 v58, v9  }
0x126: {  	v14 =	vld [tilespmem:$0x70];
	v7 =	vadd.s32 v25, v7;
	v6 =	vadd.s32 v32, v6;
	v5 =	vadd.s32 v40, v5  }
0x127: {  	v41 =	vsel vm9, $0x1, v1;
	v42 =	vsel vm10, $0x1, v1;
	vm9 =	veq.s32 v15, $0x7  }
0x128: {  	vm10 =	veq.s32 v13, $0x7;
	v12 =	vadd.s32 v36, v12;
	v11 =	vadd.s32 v44, v11  }
0x129: {  	v7 =	vadd.s32 v26, v7;
	v6 =	vadd.s32 v33, v6;
	v36 =	vsel vm4, $0x1, v1  }
0x12a: {  	v5 =	vadd.s32 v41, v5;
	v44 =	vsel vm12, $0x1, v1;
	vm4 =	veq.s32 v20, $0x7  }
0x12b: {  	vm12 =	veq.s32 v20, $0x8;
	v12 =	vadd.s32 v37, v12;
	vm15 =	veq.s32 v14, $0x0  }
0x12c: {  	v11 =	vadd.s32 v45, v11;
	vm11 =	veq.s32 v14, $0x1;
	vm7 =	veq.s32 v14, $0x2  }
0x12d: {  	v6 =	vadd.s32 v34, v6;
	v37 =	vsel vm5, $0x1, v1;
	v5 =	vadd.s32 v42, v5  }
0x12e: {  	v45 =	vsel vm13, $0x1, v1;
	v48 =	vsel vm4, $0x1, v1;
	vm5 =	veq.s32 v19, $0x7  }
0x12f: {  	v56 =	vsel vm12, $0x1, v1;
	vm13 =	veq.s32 v19, $0x8;
	vm4 =	veq.s32 v16, $0x8  }
0x130: {  	vm12 =	veq.s32 v15, $0x9;
	v12 =	vadd.s32 v38, v12;
	v39 =	vsel vm15, $0x1, v1  }
0x131: {  	v11 =	vadd.s32 v46, v11;
	v47 =	vsel vm11, $0x1, v1;
	vm15 =	veq.s32 v17, $0x2  }
0x132: {  	v55 =	vsel vm7, $0x1, v1;
	vm11 =	veq.s32 v17, $0x3;
	vm7 =	veq.s32 v17, $0x4  }
0x133: {  	v38 =	vsel vm6, $0x1, v1;
	v46 =	vsel vm14, $0x1, v1;
	v8 =	vadd.s32 v48, v8  }
0x134: {  	v49 =	vsel vm5, $0x1, v1;
	vm6 =	veq.s32 v18, $0x7;
	v4 =	vadd.s32 v56, v4  }
0x135: {  	v57 =	vsel vm13, $0x1, v1;
	vm14 =	veq.s32 v18, $0x8;
	vm5 =	veq.s32 v15, $0x8  }
0x136: {  	vm13 =	veq.s32 v14, $0x8;
	v12 =	vadd.s32 v39, v12;
	v11 =	vadd.s32 v47, v11  }
0x137: {  	v51 =	vsel vm15, $0x1, v1;
	v59 =	vsel vm11, $0x1, v1;
	vm15 =	veq.s32 v14, $0x3  }
0x138: {  	v27 =	vsel vm7, $0x1, v1;
	vm11 =	veq.s32 v14, $0x4;
	vm7 =	veq.s32 v14, $0x5  }
0x139: {  	v8 =	vadd.s32 v49, v8;
	v50 =	vsel vm6, $0x1, v1;
	v4 =	vadd.s32 v57, v4  }
0x13a: {  	p1 =	seq.s32 s2, $0x0;
	v58 =	vsel vm14, $0x1, v1;
	vm6 =	veq.s32 v13, $0x8;
	vm14 =	veq.s32 v13, $0x9  }
0x13b: {  	s15 =	simm.s32 @!p1 $0x4;
	v10 =	vadd.s32 v51, v10;
	v9 =	vadd.s32 v59, v9;
	v63 =	vsel vm15, $0x1, v1  }
0x13c: {  	_ =	swait.ge @!p1 [sflag:s15], $0x4000;
	v7 =	vadd.s32 v27, v7;
	v31 =	vsel vm11, $0x1, v1;
	vm15 =	veq.s32 v17, $0x5  }
0x13d: {  	[sflag:s15] =	ssyncset.done @!p1 $0x0;
	v39 =	vsel vm7, $0x1, v1;
	vm11 =	veq.s32 v17, $0x6;
	vm7 =	veq.s32 v17, $0x7  }
0x13e: {  	[sflag:s15] =	ssyncadd.s32 @!p1 $0xFFFFC000;
	v8 =	vadd.s32 v50, v8;
	v4 =	vadd.s32 v58, v4;
	v10 =	vadd.s32 v52, v10  }
0x13f: {  	s26 =	sshll.u32 s2, $0x8;
	_ =	swait.ge @!p1 [sflag:s15], $0x4000;
	v9 =	vadd.s32 v60, v9;
	v7 =	vadd.s32 v28, v7;
	v35 =	vsel vm15, $0x1, v1  }
0x140: {  	s28 =	sadd.s32 s26, s7;
	[sflag:s15] =	ssyncset.done @!p1 $0x0;
	v43 =	vsel vm11, $0x1, v1;
	vm15 =	veq.s32 v14, $0x6;
	v51 =	vsel vm7, $0x1, v1  }
0x141: {  	s28 =	sadd.s32 $0x80, s28;
	[sflag:s15] =	ssyncadd.s32 @!p1 $0xFFFFC000;
	s15 =	simm.s32 $0x0;
	v52 =	vsel vm8, $0x1, v1;
	vm11 =	veq.s32 v14, $0x7;
	v60 =	vsel vm4, $0x1, v1  }
0x142: {  	[spmem:s3] =	stream.indirect.scatter.add.f32 [tilespmem:s17], [sflag:$0x3], $0x80, s15, s19, $0xb8;
	vm7 =	veq.s32 v20, $0x9;
	vm8 =	veq.s32 v19, $0x9;
	v10 =	vadd.s32 v53, v10;
	[tilespmem:$0x11300] =	vst v63  }
0x143: {  	s29 =	sshrl.u32 s28, $0x3;
	v9 =	vadd.s32 v61, v9;
	v7 =	vadd.s32 v29, v7;
	v6 =	vadd.s32 v35, v6  }
0x144: {  	[spmem:s4] =	stream.indirect.scatter.add.f32 [tilespmem:s20], [sflag:$0x3], $0x80, s15, s19, $0xb8;
	v5 =	vadd.s32 v43, v5;
	v47 =	vsel vm15, $0x1, v1;
	v8 =	vadd.s32 v51, v8;
	[tilespmem:$0x11300] =	vst v63  }
0x145: {  	s28 =	sshll.u32 s28, $0x4;
	s29 =	sadd.s32 s1, s29;
	v53 =	vsel vm9, $0x1, v1;
	vm15 =	veq.s32 v17, $0x8;
	v61 =	vsel vm5, $0x1, v1  }
0x146: {  	[tilespmem:s19], [sflag:$0x2] =	stream.linear.gather [hbm4b:s29+s15], $0x80, $0x38;
	v20 =	vsel vm7, $0x1, v1;
	v19 =	vsel vm8, $0x1, v1;
	vm9 =	veq.s32 v18, $0x9;
	[tilespmem:$0x11300] =	vst v63  }
0x147: {  	s28 =	sadd.s32 s0, s28;
	v10 =	vadd.s32 v54, v10;
	v9 =	vadd.s32 v62, v9;
	v7 =	vadd.s32 v30, v7  }
0x148: {  	v6 =	vadd.s32 v36, v6;
	v5 =	vadd.s32 v44, v5;
	v8 =	vadd.s32 v52, v8;
	[tilespmem:s21], [sflag:$0x2] =	stream.linear.gather [hbm4b:s28+s15], $0x4000, $0x38;
	[tilespmem:$0x11300] =	vst v63  }
0x149: {  	v54 =	vsel vm10, $0x1, v1;
	v59 =	vsel vm15, $0x1, v1;
	v62 =	vsel vm6, $0x1, v1;
	_ =	swait.ge [sflag:s22], $0x80  }
0x14a: {  	v3 =	vadd.s32 v20, v3;
	vm10 =	veq.s32 v17, $0x9;
	vm15 =	veq.s32 v14, $0x9;
	[sflag:s22] =	ssyncset.done $0x0  }
0x14b: {  	v10 =	vadd.s32 v55, v10;
	v9 =	vadd.s32 v63, v9;
	v7 =	vadd.s32 v31, v7;
	[sflag:s22] =	ssyncadd.s32 $0xFFFFFF80  }
0x14c: {  	v6 =	vadd.s32 v37, v6;
	v5 =	vadd.s32 v45, v5;
	v8 =	vadd.s32 v53, v8;
	_ =	swait.ge [sflag:s22], $0x4000  }
0x14d: {  	v55 =	vsel vm11, $0x1, v1;
	v4 =	vadd.s32 v59, v4;
	v3 =	vadd.s32 v19, v3;
	[sflag:s22] =	ssyncset.done $0x0  }
0x14e: {  	s28 =	simm.s32 $0x0;
	v19 =	vsel vm9, $0x1, v1;
	v17 =	vsel vm10, $0x1, v1;
	vm11 =	veq.s32 v16, $0x9;
	[sflag:s22] =	ssyncadd.s32 $0xFFFFC000  }
0x14f: {  	v63 =	vsel vm13, $0x1, v1;
	v6 =	vadd.s32 v38, v6;
	v5 =	vadd.s32 v46, v5;
	v18 =	vld [tilespmem:s28+$0x4170]  }
0x150: {  	v8 =	vadd.s32 v54, v8;
	v4 =	vadd.s32 v60, v4;
	v3 =	vadd.s32 v19, v3;
	v20 =	vld [tilespmem:s28+$0x4100]  }
0x151: {  	v16 =	vsel vm11, $0x1, v1;
	v6 =	vadd.s32 v39, v6;
	v3 =	vadd.s32 v17, v3;
	v19 =	vld [tilespmem:s28+$0x4110]  }
0x152: {  	v5 =	vadd.s32 v47, v5;
	v17 =	vsel vm12, $0x1, v1;
	v3 =	vadd.s32 v16, v3;
	v15 =	vld [tilespmem:s28+$0x4120]  }
0x153: {  	v4 =	vadd.s32 v61, v4;
	v3 =	vadd.s32 v17, v3;
	v17 =	vsel vm14, $0x1, v1;
	v16 =	vld [tilespmem:s28+$0x4130]  }
0x154: {  	v3 =	vadd.s32 v17, v3;
	v13 =	vld [tilespmem:s28+$0x4140];
	v22 =	vmul.f32 v18, v18;
	v18 =	vsel vm15, $0x1, v1  }
0x155: {  	v4 =	vadd.s32 v62, v4;
	v14 =	vld [tilespmem:s28+$0x4150];
	v3 =	vadd.s32 v18, v3;
	v18 =	vmul.f32 v20, v20  }
0x156: {  	s29 =	simm.s32 $0x80;
	s15 =	simm.s32 $0x400;
	v8 =	vadd.s32 v55, v8;
	v4 =	vadd.s32 v63, v4;
	v17 =	vld [tilespmem:s28+$0x4160];
	v19 =	vmul.f32 v19, v19;
	[tilespmem:s28+$0xC170] =	vst v22  }
.LBB2_9:
0x157: {  	p1 =	sne.s32 s15, $0xFE00;
	v20 =	vld [tilespmem:s29+$0x4170];
	[tilespmem:s28+$0xC100] =	vst v18;
	v15 =	vmul.f32 v15, v15  }
0x158: {  	v18 =	vld [tilespmem:s29+$0x4100];
	[tilespmem:s28+$0xC110] =	vst v19;
	v16 =	vmul.f32 v16, v16  }
0x159: {  	v19 =	vld [tilespmem:s29+$0x4110];
	[tilespmem:s28+$0xC120] =	vst v15;
	v13 =	vmul.f32 v13, v13  }
.Ltmp5:
0x15a: {  	v15 =	vld [tilespmem:s29+$0x4120];
	[tilespmem:s28+$0xC130] =	vst v16;
	v14 =	vmul.f32 v14, v14;
	(pc) =	sbr.rel @p1 .LBB2_9-.Ltmp5, $4  }
0x15b: {  	v16 =	vld [tilespmem:s29+$0x4130];
	[tilespmem:s28+$0xC140] =	vst v13;
	v17 =	vmul.f32 v17, v17  }
0x15c: {  	v13 =	vld [tilespmem:s29+$0x4140];
	v20 =	vmul.f32 v20, v20;
	[tilespmem:s28+$0xC150] =	vst v14  }
0x15d: {  	v18 =	vmul.f32 v18, v18;
	v14 =	vld [tilespmem:s29+$0x4150];
	[tilespmem:s28+$0xC160] =	vst v17;
	s28 =	smov.u32 s29  }
0x15e: {  	s29 =	sshra.s32 s15, $0x2;
	s15 =	sadd.s32 $0x200, s15;
	v19 =	vmul.f32 v19, v19;
	v17 =	vld [tilespmem:s28+$0x4160];
	[tilespmem:s28+$0xC170] =	vst v20  }
0x15f: {  	v20 =	vld [tilespmem:s29+$0x4170];
	[tilespmem:s28+$0xC100] =	vst v18;
	v15 =	vmul.f32 v15, v15  }
0x160: {  	v18 =	vld [tilespmem:s29+$0x4100];
	[tilespmem:s28+$0xC110] =	vst v19;
	v16 =	vmul.f32 v16, v16  }
0x161: {  	v19 =	vld [tilespmem:s29+$0x4110];
	[tilespmem:s28+$0xC120] =	vst v15;
	v13 =	vmul.f32 v13, v13  }
0x162: {  	v15 =	vld [tilespmem:s29+$0x4120];
	[tilespmem:s28+$0xC130] =	vst v16;
	v14 =	vmul.f32 v14, v14  }
0x163: {  	v16 =	vld [tilespmem:s29+$0x4130];
	[tilespmem:s28+$0xC140] =	vst v13;
	v17 =	vmul.f32 v17, v17  }
0x164: {  	v13 =	vld [tilespmem:s29+$0x4140];
	[tilespmem:s28+$0xC150] =	vst v14;
	v20 =	vmul.f32 v20, v20  }
0x165: {  	v14 =	vld [tilespmem:s29+$0x4150];
	[tilespmem:s28+$0xC160] =	vst v17;
	v30 =	vmul.f32 v18, v18  }
0x166: {  	v31 =	vld [tilespmem:s29+$0x4160];
	v19 =	vmul.f32 v19, v19;
	[tilespmem:s29+$0xC170] =	vst v20  }
0x167: {  	[tilespmem:s29+$0xC100] =	vst v30;
	v15 =	vmul.f32 v15, v15  }
0x168: {  	[tilespmem:s29+$0xC110] =	vst v19;
	v16 =	vmul.f32 v16, v16  }
0x169: {  	[tilespmem:s29+$0xC120] =	vst v15;
	v13 =	vmul.f32 v13, v13  }
0x16a: {  	[tilespmem:s29+$0xC130] =	vst v16;
	v14 =	vmul.f32 v14, v14  }
0x16b: {  	[tilespmem:s29+$0xC140] =	vst v13;
	v13 =	vmul.f32 v31, v31  }
0x16c: {  	[tilespmem:s29+$0xC150] =	vst v14  }
0x16d: {  	[tilespmem:s29+$0xC160] =	vst v13  }
0x16e: {  	v20 =	vld [tilespmem:$0x80]  }
0x16f: {  	v19 =	vld [tilespmem:$0x90]  }
0x170: {  	v18 =	vld [tilespmem:$0xA0]  }
0x171: {  	v17 =	vld [tilespmem:$0xB0]  }
0x172: {  	v16 =	vld [tilespmem:$0xC0]  }
0x173: {  	v15 =	vld [tilespmem:$0xD0]  }
0x174: {  	v14 =	vld [tilespmem:$0xE0]  }
0x175: {  	v13 =	vld [tilespmem:$0xF0];
	_ =	sdelay $0x2  }
0x176: {  	vm0 =	veq.s32 v20, $0x0;
	vm10 =	veq.s32 v19, $0x0;
	vm11 =	veq.s32 v18, $0x0  }
0x177: {  	vm1 =	veq.s32 v17, $0x0;
	vm12 =	veq.s32 v16, $0x0;
	vm13 =	veq.s32 v15, $0x0  }
0x178: {  	vm14 =	veq.s32 v14, $0x0;
	vm15 =	veq.s32 v13, $0x0;
	vm4 =	veq.s32 v20, $0x1  }
0x179: {  	vm5 =	veq.s32 v19, $0x1;
	vm6 =	veq.s32 v18, $0x1;
	vm7 =	veq.s32 v17, $0x1  }
0x17a: {  	vm8 =	veq.s32 v16, $0x1;
	vm9 =	veq.s32 v15, $0x1;
	v21 =	vsel vm0, $0x1, v1  }
0x17b: {  	v22 =	vsel vm10, $0x1, v1;
	v23 =	vsel vm11, $0x1, v1;
	v24 =	vsel vm1, $0x1, v1  }
0x17c: {  	v32 =	vsel vm12, $0x1, v1;
	v33 =	vsel vm13, $0x1, v1;
	v34 =	vsel vm14, $0x1, v1  }
0x17d: {  	v35 =	vsel vm15, $0x1, v1;
	v36 =	vsel vm4, $0x1, v1;
	v37 =	vsel vm5, $0x1, v1  }
0x17e: {  	v38 =	vsel vm6, $0x1, v1;
	v39 =	vsel vm7, $0x1, v1;
	v40 =	vsel vm8, $0x1, v1  }
0x17f: {  	v41 =	vsel vm9, $0x1, v1;
	vm10 =	veq.s32 v14, $0x1;
	vm11 =	veq.s32 v13, $0x1  }
0x180: {  	vm12 =	veq.s32 v20, $0x2;
	vm13 =	veq.s32 v19, $0x2;
	vm14 =	veq.s32 v18, $0x2  }
0x181: {  	vm15 =	veq.s32 v17, $0x2;
	vm4 =	veq.s32 v16, $0x2;
	vm5 =	veq.s32 v15, $0x2  }
0x182: {  	vm6 =	veq.s32 v14, $0x2;
	vm7 =	veq.s32 v13, $0x2;
	vm8 =	veq.s32 v20, $0x3  }
0x183: {  	vm9 =	veq.s32 v19, $0x3;
	v12 =	vadd.s32 v21, v12;
	v11 =	vadd.s32 v36, v11  }
0x184: {  	v42 =	vsel vm10, $0x1, v1;
	v43 =	vsel vm11, $0x1, v1;
	v44 =	vsel vm12, $0x1, v1  }
0x185: {  	v45 =	vsel vm13, $0x1, v1;
	v46 =	vsel vm14, $0x1, v1;
	v47 =	vsel vm15, $0x1, v1  }
0x186: {  	v48 =	vsel vm4, $0x1, v1;
	v49 =	vsel vm5, $0x1, v1;
	v50 =	vsel vm6, $0x1, v1  }
0x187: {  	v51 =	vsel vm7, $0x1, v1;
	v52 =	vsel vm8, $0x1, v1;
	v53 =	vsel vm9, $0x1, v1  }
0x188: {  	vm10 =	veq.s32 v18, $0x3;
	vm11 =	veq.s32 v17, $0x3;
	vm12 =	veq.s32 v16, $0x3  }
0x189: {  	vm13 =	veq.s32 v15, $0x3;
	vm14 =	veq.s32 v14, $0x3;
	vm15 =	veq.s32 v13, $0x3  }
0x18a: {  	vm4 =	veq.s32 v20, $0x4;
	vm5 =	veq.s32 v19, $0x4;
	vm6 =	veq.s32 v18, $0x4  }
0x18b: {  	vm7 =	veq.s32 v17, $0x4;
	vm8 =	veq.s32 v16, $0x4;
	vm9 =	veq.s32 v15, $0x4  }
0x18c: {  	v12 =	vadd.s32 v22, v12;
	v11 =	vadd.s32 v37, v11;
	v10 =	vadd.s32 v44, v10  }
0x18d: {  	v54 =	vsel vm10, $0x1, v1;
	v55 =	vsel vm11, $0x1, v1;
	v9 =	vadd.s32 v52, v9  }
0x18e: {  	v56 =	vsel vm12, $0x1, v1;
	v57 =	vsel vm13, $0x1, v1;
	v58 =	vsel vm14, $0x1, v1  }
0x18f: {  	v59 =	vsel vm15, $0x1, v1;
	v60 =	vsel vm4, $0x1, v1;
	v61 =	vsel vm5, $0x1, v1  }
0x190: {  	v62 =	vsel vm6, $0x1, v1;
	v63 =	vsel vm7, $0x1, v1;
	v28 =	vsel vm8, $0x1, v1  }
0x191: {  	v29 =	vsel vm9, $0x1, v1;
	vm10 =	veq.s32 v14, $0x4;
	vm11 =	veq.s32 v13, $0x4  }
0x192: {  	vm12 =	veq.s32 v20, $0x5;
	vm13 =	veq.s32 v19, $0x5;
	vm14 =	veq.s32 v18, $0x5  }
0x193: {  	vm15 =	veq.s32 v17, $0x5;
	vm4 =	veq.s32 v16, $0x5;
	vm5 =	veq.s32 v15, $0x5  }
0x194: {  	vm6 =	veq.s32 v14, $0x5;
	vm7 =	veq.s32 v13, $0x5;
	vm8 =	veq.s32 v20, $0x6  }
0x195: {  	vm9 =	veq.s32 v19, $0x6;
	v12 =	vadd.s32 v23, v12;
	v11 =	vadd.s32 v38, v11  }
0x196: {  	v10 =	vadd.s32 v45, v10;
	v9 =	vadd.s32 v53, v9;
	v7 =	vadd.s32 v60, v7  }
0x197: {  	v30 =	vsel vm10, $0x1, v1;
	v31 =	vsel vm11, $0x1, v1;
	v36 =	vsel vm4, $0x1, v1  }
0x198: {  	v37 =	vsel vm5, $0x1, v1;
	v38 =	vsel vm6, $0x1, v1;
	vm10 =	veq.s32 v18, $0x6  }
0x199: {  	vm11 =	veq.s32 v17, $0x6;
	vm4 =	veq.s32 v20, $0x7;
	vm5 =	veq.s32 v19, $0x7  }
0x19a: {  	vm6 =	veq.s32 v18, $0x7;
	v12 =	vadd.s32 v24, v12;
	v11 =	vadd.s32 v39, v11  }
0x19b: {  	v10 =	vadd.s32 v46, v10;
	v9 =	vadd.s32 v54, v9;
	v7 =	vadd.s32 v61, v7  }
0x19c: {  	v39 =	vsel vm7, $0x1, v1;
	vm7 =	veq.s32 v17, $0x7;
	v12 =	vadd.s32 v32, v12  }
0x19d: {  	v11 =	vadd.s32 v40, v11;
	v10 =	vadd.s32 v47, v10;
	v9 =	vadd.s32 v55, v9  }
0x19e: {  	v7 =	vadd.s32 v62, v7;
	v32 =	vsel vm12, $0x1, v1;
	v40 =	vsel vm8, $0x1, v1  }
0x19f: {  	vm12 =	veq.s32 v16, $0x6;
	vm8 =	veq.s32 v16, $0x7;
	v12 =	vadd.s32 v33, v12  }
0x1a0: {  	v11 =	vadd.s32 v41, v11;
	v10 =	vadd.s32 v48, v10;
	v9 =	vadd.s32 v56, v9  }
0x1a1: {  	v7 =	vadd.s32 v63, v7;
	v33 =	vsel vm13, $0x1, v1;
	v6 =	vadd.s32 v32, v6  }
0x1a2: {  	v41 =	vsel vm9, $0x1, v1;
	v5 =	vadd.s32 v40, v5;
	v44 =	vsel vm12, $0x1, v1  }
0x1a3: {  	vm13 =	veq.s32 v15, $0x6;
	v48 =	vsel vm4, $0x1, v1;
	v52 =	vsel vm8, $0x1, v1  }
0x1a4: {  	vm9 =	veq.s32 v15, $0x7;
	vm12 =	veq.s32 v20, $0x8;
	vm4 =	veq.s32 v16, $0x8  }
0x1a5: {  	vm8 =	veq.s32 v20, $0x9;
	v12 =	vadd.s32 v34, v12;
	v11 =	vadd.s32 v42, v11  }
0x1a6: {  	v10 =	vadd.s32 v49, v10;
	v9 =	vadd.s32 v57, v9;
	v7 =	vadd.s32 v28, v7  }
0x1a7: {  	v34 =	vsel vm14, $0x1, v1;
	v6 =	vadd.s32 v33, v6;
	v42 =	vsel vm10, $0x1, v1  }
0x1a8: {  	v5 =	vadd.s32 v41, v5;
	v45 =	vsel vm13, $0x1, v1;
	vm14 =	veq.s32 v14, $0x6  }
0x1a9: {  	v49 =	vsel vm5, $0x1, v1;
	v8 =	vadd.s32 v48, v8;
	v53 =	vsel vm9, $0x1, v1  }
0x1aa: {  	vm10 =	veq.s32 v14, $0x7;
	v56 =	vsel vm12, $0x1, v1;
	vm13 =	veq.s32 v19, $0x8  }
0x1ab: {  	v60 =	vsel vm4, $0x1, v1;
	vm5 =	veq.s32 v15, $0x8;
	v20 =	vsel vm8, $0x1, v1  }
0x1ac: {  	vm9 =	veq.s32 v19, $0x9;
	vm12 =	veq.s32 v16, $0x9;
	v12 =	vadd.s32 v35, v12  }
0x1ad: {  	v11 =	vadd.s32 v43, v11;
	v10 =	vadd.s32 v50, v10;
	v9 =	vadd.s32 v58, v9  }
0x1ae: {  	v7 =	vadd.s32 v29, v7;
	v35 =	vsel vm15, $0x1, v1;
	v6 =	vadd.s32 v34, v6  }
0x1af: {  	v43 =	vsel vm11, $0x1, v1;
	v5 =	vadd.s32 v42, v5;
	v46 =	vsel vm14, $0x1, v1  }
0x1b0: {  	vm15 =	veq.s32 v13, $0x6;
	v50 =	vsel vm6, $0x1, v1;
	v8 =	vadd.s32 v49, v8  }
0x1b1: {  	v54 =	vsel vm10, $0x1, v1;
	vm11 =	veq.s32 v13, $0x7;
	v57 =	vsel vm13, $0x1, v1  }
0x1b2: {  	vm14 =	veq.s32 v18, $0x8;
	v4 =	vadd.s32 v56, v4;
	v61 =	vsel vm5, $0x1, v1  }
0x1b3: {  	vm6 =	veq.s32 v14, $0x8;
	v3 =	vadd.s32 v20, v3;
	v19 =	vsel vm9, $0x1, v1  }
0x1b4: {  	vm10 =	veq.s32 v18, $0x9;
	v16 =	vsel vm12, $0x1, v1;
	vm13 =	veq.s32 v15, $0x9  }
0x1b5: {  	v10 =	vadd.s32 v51, v10;
	v9 =	vadd.s32 v59, v9;
	v7 =	vadd.s32 v30, v7  }
0x1b6: {  	v6 =	vadd.s32 v35, v6;
	v5 =	vadd.s32 v43, v5;
	v47 =	vsel vm15, $0x1, v1  }
0x1b7: {  	v51 =	vsel vm7, $0x1, v1;
	v8 =	vadd.s32 v50, v8;
	v55 =	vsel vm11, $0x1, v1  }
0x1b8: {  	v58 =	vsel vm14, $0x1, v1;
	vm15 =	veq.s32 v17, $0x8;
	v4 =	vadd.s32 v57, v4  }
0x1b9: {  	v62 =	vsel vm6, $0x1, v1;
	vm7 =	veq.s32 v13, $0x8;
	v3 =	vadd.s32 v19, v3  }
0x1ba: {  	v18 =	vsel vm10, $0x1, v1;
	vm11 =	veq.s32 v17, $0x9;
	v15 =	vsel vm13, $0x1, v1  }
0x1bb: {  	vm14 =	veq.s32 v14, $0x9;
	v7 =	vadd.s32 v31, v7;
	v6 =	vadd.s32 v36, v6  }
0x1bc: {  	v5 =	vadd.s32 v44, v5;
	v8 =	vadd.s32 v51, v8;
	v59 =	vsel vm15, $0x1, v1  }
0x1bd: {  	[spmem:s3] =	stream.indirect.scatter.add.f32 [tilespmem:s21], [sflag:$0x4], $0x80, s19, s19, $0xb8;
	v4 =	vadd.s32 v58, v4;
	v63 =	vsel vm7, $0x1, v1;
	v3 =	vadd.s32 v18, v3;
	[tilespmem:$0x11300] =	vst v63  }
0x1be: {  	v17 =	vsel vm11, $0x1, v1;
	v14 =	vsel vm14, $0x1, v1;
	vm15 =	veq.s32 v13, $0x9  }
0x1bf: {  	[spmem:s4] =	stream.indirect.scatter.add.f32 [tilespmem:s23], [sflag:$0x4], $0x80, s19, s19, $0xb8;
	v6 =	vadd.s32 v37, v6;
	v5 =	vadd.s32 v45, v5;
	v8 =	vadd.s32 v52, v8;
	[tilespmem:$0x11300] =	vst v63  }
0x1c0: {  	p1 =	seq.s32 s2, $0x5;
	_ =	swait.ge [sflag:s24], $0x4000;
	v4 =	vadd.s32 v59, v4;
	v3 =	vadd.s32 v17, v3;
	v13 =	vsel vm15, $0x1, v1  }
.Ltmp6:
0x1c1: {  	[sflag:s24] =	ssyncset.done $0x0;
	v6 =	vadd.s32 v38, v6;
	v5 =	vadd.s32 v46, v5;
	v8 =	vadd.s32 v53, v8;
	(pc) =	sbr.rel @p1 .LBB2_12-.Ltmp6, $4  }
0x1c2: {  	[sflag:s24] =	ssyncadd.s32 $0xFFFFC000;
	v4 =	vadd.s32 v60, v4;
	v3 =	vadd.s32 v16, v3;
	v6 =	vadd.s32 v39, v6  }
0x1c3: {  	_ =	swait.ge [sflag:s24], $0x4000;
	v5 =	vadd.s32 v47, v5;
	v4 =	vadd.s32 v61, v4;
	v3 =	vadd.s32 v15, v3  }
0x1c4: {  	[sflag:s24] =	ssyncset.done $0x0;
	v8 =	vadd.s32 v54, v8;
	v4 =	vadd.s32 v62, v4;
	v3 =	vadd.s32 v14, v3  }
0x1c5: {  	[sflag:s24] =	ssyncadd.s32 $0xFFFFC000;
	v8 =	vadd.s32 v55, v8;
	v4 =	vadd.s32 v63, v4;
	v3 =	vadd.s32 v13, v3  }
0x1c6: {  	s15 =	sadd.s32 s26, s10  }
.Ltmp7:
0x1c7: {  	s26 =	sshrl.u32 s15, $0x3;
	(pc) =	sbr.rel .LBB2_6-.Ltmp7, $4  }
0x1c8: {  	s15 =	sshll.u32 s15, $0x4;
	s26 =	sadd.s32 s1, s26  }
0x1c9: {  	[tilespmem:s6], [sflag:$0x1] =	stream.linear.gather [hbm4b:s26+s6], $0x80, $0x38;
	[tilespmem:$0x11300] =	vst v63  }
0x1ca: {  	s2 =	sadd.s32 $0x1, s2;
	s15 =	sadd.s32 s0, s15  }
0x1cb: {  	[tilespmem:s17], [sflag:$0x1] =	stream.linear.gather [hbm4b:s15+s6], $0x4000, $0x38;
	[tilespmem:$0x11300] =	vst v63  }
.LBB2_13:
0x1cc: {  	_ =	sfence.sel $0x180000  }
0x1cd: {  	[bflag:$0x0] =	sbarrier.arrive $0xFFFF  }
0x1ce: {  	_ =	strace $0x90000047  }
0x1cf: {  	[bflag:$0x2] =	sbarrier.arrive $0xFFFF  }
0x1d0: {  	s0 =	rddreg [dreg:$0x6]  }
0x1d1: {  	s0 =	sadd.s32 @!p0 $0x100000, s0  }
0x1d2: {  	[sflag:s0] =	ssyncadd.tile.s32 @!p0 $0x1;
	_ =	shalt  }
.Lfunc_end2:
_tile_overlayer_lowered:
.L_overlay_start_2:
0x1d3: {  	(tag) =	ssettag $0x2  }
0x1d4: {  	s0 =	rddreg [dreg:$0x0];
	s2 =	stileid.u32  }
0x1d5: {  	s1 =	rddreg [dreg:$0x1];
	p0 =	sne.s32 s2, $0x0  }
0x1d6: {  	s3 =	rddreg [dreg:$0x2];
	[bflag:$0x3] =	sbarrier.arrive $0xFFFF;
	s2 =	simm.s32 @!p0 $0x1C06  }
0x1d7: {  	[timem:s3], [sflag:s2] =	dma.local @!p0 [hbm:s0], s1  }
0x1d8: {  	s0 =	simm.s32 @!p0 $0x6  }
0x1d9: {  	_ =	swait.ge @!p0 [sflag:s0], s1  }
0x1da: {  	s1 =	ssub.s32 @!p0 $0x0, s1;
	[sflag:s0] =	ssyncset.done @!p0 $0x0  }
0x1db: {  	[sflag:s0] =	ssyncadd.s32 @!p0 s1  }
0x1dc: {  	[bflag:$0x3] =	sbarrier.arrive $0xFFFF  }
0x1dd: {  	_ =	shalt  }

</sc_bundles>
